<compile_context>
chip_gen: v7x
topology: tpu7x:2x2x1
jax: 0.10.2.dev20260603
libtpu: 0.0.44.dev20260713+nightly
codegen_flags: <defaults>
</compile_context>

<pallas_src>
import functools

import jax
import jax.numpy as jnp
from jax import lax
from jax.experimental import pallas as pl
from jax.experimental.pallas import tpu as pltpu
from jax.experimental.pallas import tpu_sc as plsc

_B, _L, _V, _D = 16384, 50, 1000000, 64
_M, _MD, _O = 100, 64, 128

_NC, _NS = 2, 16
_NW = _NC * _NS
_RPW = _B // _NW
_RC = 8
_CROWS = _RC * _L
_NCHUNK = _RPW // _RC


def _gather_max_body(idx_hbm, table_hbm, out_hbm,
                     idx_v, rows0, rows1, out_v, sem0, sem1):
    wid = lax.axis_index("s") * _NC + lax.axis_index("c")
    rule0 = wid * _RPW

    pltpu.sync_copy(idx_hbm.at[pl.ds(rule0, _RPW)], idx_v)

    def fire(c, rows, sem):
        for r in range(_RC):
            pltpu.async_copy(
                table_hbm.at[idx_v.at[c * _RC + r]],
                rows.at[pl.ds(r * _L, _L)],
                sem,
            )

    def compute(c, rows):
        def rule_body(r, carry):
            base = r * _L
            accs = [rows[base, pl.ds(cg * 16, 16)] for cg in range(_D // 16)]
            for l in range(1, _L):
                for cg in range(_D // 16):
                    accs[cg] = jnp.maximum(
                        accs[cg], rows[base + l, pl.ds(cg * 16, 16)]
                    )
            for cg in range(_D // 16):
                out_v[c * _RC + r, pl.ds(cg * 16, 16)] = accs[cg]
            return carry

        lax.fori_loop(0, _RC, rule_body, 0, unroll=False)

    def half(c, rows_cur, sem_cur, rows_nxt, sem_nxt):
        @pl.when(c + 1 < _NCHUNK)
        def _():
            fire(c + 1, rows_nxt, sem_nxt)

        pltpu.make_async_copy(
            table_hbm.at[pl.ds(0, _CROWS)], rows_cur, sem_cur
        ).wait()
        compute(c, rows_cur)

    fire(0, rows0, sem0)

    def pair(k, carry):
        half(2 * k, rows0, sem0, rows1, sem1)
        half(2 * k + 1, rows1, sem1, rows0, sem0)
        return carry

    lax.fori_loop(0, _NCHUNK // 2, pair, 0, unroll=False)

    pltpu.sync_copy(out_v, out_hbm.at[pl.ds(rule0, _RPW)])


@jax.jit
def _gather_max(idx, table):
    mesh = plsc.VectorSubcoreMesh(core_axis_name="c", subcore_axis_name="s")
    return pl.kernel(
        _gather_max_body,
        out_type=jax.ShapeDtypeStruct((_B, _D), jnp.float32),
        mesh=mesh,
        scratch_types=[
            pltpu.VMEM((_RPW, _L), jnp.int32),
            pltpu.VMEM((_CROWS, _D), jnp.float32),
            pltpu.VMEM((_CROWS, _D), jnp.float32),
            pltpu.VMEM((_RPW, _D), jnp.float32),
            pltpu.SemaphoreType.DMA,
            pltpu.SemaphoreType.DMA,
        ],
        compiler_params=pltpu.CompilerParams(use_tc_tiling_on_sc=False),
    )(idx, table)


def _mlp_body(pred_ref, motif_ref, w1_ref, b1_ref, w2_ref, b2_ref,
              w3a_ref, w3b_ref, b3_ref, out_ref):
    h = jnp.dot(motif_ref[...], w1_ref[...], preferred_element_type=jnp.float32)
    h = jnp.maximum(h + b1_ref[...], 0.0)
    m = jnp.dot(h, w2_ref[...], preferred_element_type=jnp.float32)
    m = jnp.maximum(m + b2_ref[...], 0.0)
    o = jnp.dot(pred_ref[...], w3a_ref[...], preferred_element_type=jnp.float32)
    o = o + jnp.dot(m, w3b_ref[...], preferred_element_type=jnp.float32)
    out_ref[...] = jnp.maximum(o + b3_ref[...], 0.0)


@jax.jit
def _mlp(pred, motif, W1, b1, W2, b2, W3a, W3b, b3):
    bb = 2048
    grid = (_B // bb,)
    rep = lambda shape: pl.BlockSpec(shape, lambda i: (0,) * len(shape))
    return pl.pallas_call(
        _mlp_body,
        grid=grid,
        in_specs=[
            pl.BlockSpec((bb, _D), lambda i: (i, 0)),
            pl.BlockSpec((bb, _M), lambda i: (i, 0)),
            rep((_M, _MD)), rep((1, _MD)),
            rep((_MD, _MD)), rep((1, _MD)),
            rep((_D, _O)), rep((_MD, _O)), rep((1, _O)),
        ],
        out_specs=pl.BlockSpec((bb, _O), lambda i: (i, 0)),
        out_shape=jax.ShapeDtypeStruct((_B, _O), jnp.float32),
    )(pred, motif, W1, b1, W2, b2, W3a, W3b, b3)


def kernel(predicate_indices_list, motif_counts_batch, table, W1, b1, W2, b2, W3, b3):
    pred = _gather_max(predicate_indices_list, table)
    return _mlp(
        pred, motif_counts_batch,
        W1, b1.reshape(1, _MD),
        W2, b2.reshape(1, _MD),
        W3[:_D], W3[_D:], b3.reshape(1, _O),
    )

# --- scband reference (transcript-rebuilt; emitter-appended) ---
"""Pipeline reference for scband-rule-encoder-88673894793796 (READ-ONLY COPY).

The authoritative reference and input builder live on the scoring server;
editing this copy changes nothing except your own understanding.
"""

import jax, jax.numpy as jnp
import numpy as np

B, L, V, D = 16384, 50, 1000000, 64
M, MD, O = 100, 64, 128


def setup_inputs(seed: int = 0) -> dict:
    key = jax.random.key(seed)
    ks = jax.random.split(key, 10)
    predicate_indices_list = jax.random.randint(ks[0], (B, L), 0, V, dtype=jnp.int64 if jax.config.jax_enable_x64 else jnp.int32).astype(jnp.int32)
    motif_counts_batch = jax.random.uniform(ks[1], (B, M), dtype=jnp.float32)
    table = jax.random.normal(ks[2], (V, D), dtype=jnp.float32) * 0.02
    W1 = jax.random.normal(ks[3], (M, MD), dtype=jnp.float32) * 0.1
    b1 = jnp.zeros((MD,), dtype=jnp.float32)
    W2 = jax.random.normal(ks[4], (MD, MD), dtype=jnp.float32) * 0.1
    b2 = jnp.zeros((MD,), dtype=jnp.float32)
    W3 = jax.random.normal(ks[5], (D + MD, O), dtype=jnp.float32) * 0.1
    b3 = jnp.zeros((O,), dtype=jnp.float32)
    return {
        "predicate_indices_list": predicate_indices_list,
        "motif_counts_batch": motif_counts_batch,
        "table": table,
        "W1": W1, "b1": b1,
        "W2": W2, "b2": b2,
        "W3": W3, "b3": b3,
    }


def reference(predicate_indices_list, motif_counts_batch, table, W1, b1, W2, b2, W3, b3):
    # PredicateEmbedding: gather rows for each predicate index -> [B, L, D]
    embeds = jnp.take(table, predicate_indices_list, axis=0)
    # aggregate_max over the predicates of each rule (loop in torch == max over axis=1)
    predicate_batch = jnp.max(embeds, axis=1)  # [B, D]
    # motif_encoder: Linear -> ReLU -> Linear -> ReLU
    h = jax.nn.relu(motif_counts_batch @ W1 + b1)
    motif_embeds = jax.nn.relu(h @ W2 + b2)  # [B, MD]
    # fusion: concat -> Linear -> ReLU
    fused = jnp.concatenate([predicate_batch, motif_embeds], axis=-1)  # [B, D+MD]
    out = jax.nn.relu(fused @ W3 + b3)  # [B, O]
    return out

if __name__ == "__main__":
    import jax
    _d = setup_inputs()
    print(jax.jit(kernel)(*tuple(_d.values())))

</pallas_src>

<mosaic_0001>
#map = affine_map<(d0, d1) -> (0, 0)>
module attributes {stable_mosaic.version = 14 : i64} {
  func.func @_gather_max_body(%arg0: i32, %arg1: i32, %arg2: memref<16384x50xi32, #tpu.memory_space<hbm>>, %arg3: memref<1000000x64xf32, #tpu.memory_space<hbm>>, %arg4: memref<16384x64xf32, #tpu.memory_space<hbm>>, %arg5: memref<512x50xi32, #tpu.memory_space<vmem>>, %arg6: memref<400x64xf32, #tpu.memory_space<vmem>>, %arg7: memref<400x64xf32, #tpu.memory_space<vmem>>, %arg8: memref<512x64xf32, #tpu.memory_space<vmem>>, %arg9: memref<!tpu.dma_semaphore, #tpu.memory_space<semaphore_mem>>, %arg10: memref<!tpu.dma_semaphore, #tpu.memory_space<semaphore_mem>>) attributes {dimension_semantics = [#tpu.dimension_semantics<core_parallel>, #tpu.dimension_semantics<subcore_parallel>], iteration_bounds = array<i64: 2, 16>, scalar_prefetch = 0 : i64, scratch_operands = 6 : i64, tpu.core_type = #tpu.core_type<sc_vector_subcore>, window_params = [{transform_indices = #map}, {transform_indices = #map}, {transform_indices = #map}]} {
    %mul3A = arith.constant 2 : i32
    %mul3A_0 = arith.muli %arg1, %mul3A : i32
    %add3A = arith.addi %mul3A_0, %arg0 : i32
    %mul3A_1 = arith.constant 512 : i32
    %mul3A_2 = arith.muli %add3A, %mul3A_1 : i32
    "tpu.region"() ({
      %run_scoped3A = tpu.sem_alloc : memref<!tpu.dma_semaphore, #tpu.memory_space<semaphore_mem>>
      %dma_start3A_87 = arith.constant 0 : i32
      %dma_start3A_88 = tpu.memref_slice %arg2[%mul3A_2, %dma_start3A_87] : memref<16384x50xi32, #tpu.memory_space<hbm>> -> memref<512x50xi32, #tpu.memory_space<hbm>>
      %dma_start3A_89 = arith.constant 0 : i32
      %dma_start3A_90 = tpu.memref_slice %arg2[%mul3A_2, %dma_start3A_89] : memref<16384x50xi32, #tpu.memory_space<hbm>> -> memref<512x50xi32, #tpu.memory_space<hbm>>
      tpu.enqueue_dma source(%dma_start3A_90 : memref<512x50xi32, #tpu.memory_space<hbm>>) target(%arg5 : memref<512x50xi32, #tpu.memory_space<vmem>>) target_semaphore(%run_scoped3A : memref<!tpu.dma_semaphore, #tpu.memory_space<semaphore_mem>>)
      %dma_wait3A = arith.constant 0 : i32
      %dma_wait3A_91 = tpu.memref_slice %arg2[%mul3A_2, %dma_wait3A] : memref<16384x50xi32, #tpu.memory_space<hbm>> -> memref<512x50xi32, #tpu.memory_space<hbm>>
      %dma_wait3A_92 = arith.constant 0 : i32
      %dma_wait3A_93 = tpu.memref_slice %arg2[%mul3A_2, %dma_wait3A_92] : memref<16384x50xi32, #tpu.memory_space<hbm>> -> memref<512x50xi32, #tpu.memory_space<hbm>>
      tpu.wait_dma2 semaphore(%run_scoped3A : memref<!tpu.dma_semaphore, #tpu.memory_space<semaphore_mem>>) src(%dma_wait3A_93 : memref<512x50xi32, #tpu.memory_space<hbm>>) dst(%arg5 : memref<512x50xi32, #tpu.memory_space<vmem>>)
      tpu.yield
    }) : () -> ()
    %dma_start3A = arith.constant 0 : i32
    %dma_start3A_3 = arith.constant 0 : i32
    %dma_start3A_4 = arith.constant 0 : i32
    %dma_start3A_5 = tpu.memref_slice %arg6[%dma_start3A_3, %dma_start3A_4] : memref<400x64xf32, #tpu.memory_space<vmem>> -> memref<50x64xf32, #tpu.memory_space<vmem>>
    %dma_start3A_6 = arith.constant 0 : i32
    %dma_start3A_7 = tpu.memref_slice %arg5[%dma_start3A, %dma_start3A_6] : memref<512x50xi32, #tpu.memory_space<vmem>> -> memref<1x50xi32, #tpu.memory_space<vmem>>
    %dma_start3A_8 = tpu.memref_squeeze %dma_start3A_7 : memref<1x50xi32, #tpu.memory_space<vmem>> -> memref<50xi32, #tpu.memory_space<vmem>>
    %dma_start3A_9 = arith.constant 0 : i32
    %dma_start3A_10 = arith.constant 0 : i32
    %dma_start3A_11 = tpu.memref_slice %arg3[%dma_start3A_9, %dma_start3A_10] : memref<1000000x64xf32, #tpu.memory_space<hbm>> -> memref<1000000x64xf32, #tpu.memory_space<hbm>>
    tpu.enqueue_indirect_dma source(%dma_start3A_11 : memref<1000000x64xf32, #tpu.memory_space<hbm>>) target(%dma_start3A_5 : memref<50x64xf32, #tpu.memory_space<vmem>>) offsets(%dma_start3A_8 : memref<50xi32, #tpu.memory_space<vmem>>) semaphore(%arg9 : memref<!tpu.dma_semaphore, #tpu.memory_space<semaphore_mem>>)
    %dma_start3A_12 = arith.constant 1 : i32
    %dma_start3A_13 = arith.constant 50 : i32
    %dma_start3A_14 = arith.constant 0 : i32
    %dma_start3A_15 = tpu.memref_slice %arg6[%dma_start3A_13, %dma_start3A_14] : memref<400x64xf32, #tpu.memory_space<vmem>> -> memref<50x64xf32, #tpu.memory_space<vmem>>
    %dma_start3A_16 = arith.constant 0 : i32
    %dma_start3A_17 = tpu.memref_slice %arg5[%dma_start3A_12, %dma_start3A_16] : memref<512x50xi32, #tpu.memory_space<vmem>> -> memref<1x50xi32, #tpu.memory_space<vmem>>
    %dma_start3A_18 = tpu.memref_squeeze %dma_start3A_17 : memref<1x50xi32, #tpu.memory_space<vmem>> -> memref<50xi32, #tpu.memory_space<vmem>>
    %dma_start3A_19 = arith.constant 0 : i32
    %dma_start3A_20 = arith.constant 0 : i32
    %dma_start3A_21 = tpu.memref_slice %arg3[%dma_start3A_19, %dma_start3A_20] : memref<1000000x64xf32, #tpu.memory_space<hbm>> -> memref<1000000x64xf32, #tpu.memory_space<hbm>>
    tpu.enqueue_indirect_dma source(%dma_start3A_21 : memref<1000000x64xf32, #tpu.memory_space<hbm>>) target(%dma_start3A_15 : memref<50x64xf32, #tpu.memory_space<vmem>>) offsets(%dma_start3A_18 : memref<50xi32, #tpu.memory_space<vmem>>) semaphore(%arg9 : memref<!tpu.dma_semaphore, #tpu.memory_space<semaphore_mem>>)
    %dma_start3A_22 = arith.constant 2 : i32
    %dma_start3A_23 = arith.constant 100 : i32
    %dma_start3A_24 = arith.constant 0 : i32
    %dma_start3A_25 = tpu.memref_slice %arg6[%dma_start3A_23, %dma_start3A_24] : memref<400x64xf32, #tpu.memory_space<vmem>> -> memref<50x64xf32, #tpu.memory_space<vmem>>
    %dma_start3A_26 = arith.constant 0 : i32
    %dma_start3A_27 = tpu.memref_slice %arg5[%dma_start3A_22, %dma_start3A_26] : memref<512x50xi32, #tpu.memory_space<vmem>> -> memref<1x50xi32, #tpu.memory_space<vmem>>
    %dma_start3A_28 = tpu.memref_squeeze %dma_start3A_27 : memref<1x50xi32, #tpu.memory_space<vmem>> -> memref<50xi32, #tpu.memory_space<vmem>>
    %dma_start3A_29 = arith.constant 0 : i32
    %dma_start3A_30 = arith.constant 0 : i32
    %dma_start3A_31 = tpu.memref_slice %arg3[%dma_start3A_29, %dma_start3A_30] : memref<1000000x64xf32, #tpu.memory_space<hbm>> -> memref<1000000x64xf32, #tpu.memory_space<hbm>>
    tpu.enqueue_indirect_dma source(%dma_start3A_31 : memref<1000000x64xf32, #tpu.memory_space<hbm>>) target(%dma_start3A_25 : memref<50x64xf32, #tpu.memory_space<vmem>>) offsets(%dma_start3A_28 : memref<50xi32, #tpu.memory_space<vmem>>) semaphore(%arg9 : memref<!tpu.dma_semaphore, #tpu.memory_space<semaphore_mem>>)
    %dma_start3A_32 = arith.constant 3 : i32
    %dma_start3A_33 = arith.constant 150 : i32
    %dma_start3A_34 = arith.constant 0 : i32
    %dma_start3A_35 = tpu.memref_slice %arg6[%dma_start3A_33, %dma_start3A_34] : memref<400x64xf32, #tpu.memory_space<vmem>> -> memref<50x64xf32, #tpu.memory_space<vmem>>
    %dma_start3A_36 = arith.constant 0 : i32
    %dma_start3A_37 = tpu.memref_slice %arg5[%dma_start3A_32, %dma_start3A_36] : memref<512x50xi32, #tpu.memory_space<vmem>> -> memref<1x50xi32, #tpu.memory_space<vmem>>
    %dma_start3A_38 = tpu.memref_squeeze %dma_start3A_37 : memref<1x50xi32, #tpu.memory_space<vmem>> -> memref<50xi32, #tpu.memory_space<vmem>>
    %dma_start3A_39 = arith.constant 0 : i32
    %dma_start3A_40 = arith.constant 0 : i32
    %dma_start3A_41 = tpu.memref_slice %arg3[%dma_start3A_39, %dma_start3A_40] : memref<1000000x64xf32, #tpu.memory_space<hbm>> -> memref<1000000x64xf32, #tpu.memory_space<hbm>>
    tpu.enqueue_indirect_dma source(%dma_start3A_41 : memref<1000000x64xf32, #tpu.memory_space<hbm>>) target(%dma_start3A_35 : memref<50x64xf32, #tpu.memory_space<vmem>>) offsets(%dma_start3A_38 : memref<50xi32, #tpu.memory_space<vmem>>) semaphore(%arg9 : memref<!tpu.dma_semaphore, #tpu.memory_space<semaphore_mem>>)
    %dma_start3A_42 = arith.constant 4 : i32
    %dma_start3A_43 = arith.constant 200 : i32
    %dma_start3A_44 = arith.constant 0 : i32
    %dma_start3A_45 = tpu.memref_slice %arg6[%dma_start3A_43, %dma_start3A_44] : memref<400x64xf32, #tpu.memory_space<vmem>> -> memref<50x64xf32, #tpu.memory_space<vmem>>
    %dma_start3A_46 = arith.constant 0 : i32
    %dma_start3A_47 = tpu.memref_slice %arg5[%dma_start3A_42, %dma_start3A_46] : memref<512x50xi32, #tpu.memory_space<vmem>> -> memref<1x50xi32, #tpu.memory_space<vmem>>
    %dma_start3A_48 = tpu.memref_squeeze %dma_start3A_47 : memref<1x50xi32, #tpu.memory_space<vmem>> -> memref<50xi32, #tpu.memory_space<vmem>>
    %dma_start3A_49 = arith.constant 0 : i32
    %dma_start3A_50 = arith.constant 0 : i32
    %dma_start3A_51 = tpu.memref_slice %arg3[%dma_start3A_49, %dma_start3A_50] : memref<1000000x64xf32, #tpu.memory_space<hbm>> -> memref<1000000x64xf32, #tpu.memory_space<hbm>>
    tpu.enqueue_indirect_dma source(%dma_start3A_51 : memref<1000000x64xf32, #tpu.memory_space<hbm>>) target(%dma_start3A_45 : memref<50x64xf32, #tpu.memory_space<vmem>>) offsets(%dma_start3A_48 : memref<50xi32, #tpu.memory_space<vmem>>) semaphore(%arg9 : memref<!tpu.dma_semaphore, #tpu.memory_space<semaphore_mem>>)
    %dma_start3A_52 = arith.constant 5 : i32
    %dma_start3A_53 = arith.constant 250 : i32
    %dma_start3A_54 = arith.constant 0 : i32
    %dma_start3A_55 = tpu.memref_slice %arg6[%dma_start3A_53, %dma_start3A_54] : memref<400x64xf32, #tpu.memory_space<vmem>> -> memref<50x64xf32, #tpu.memory_space<vmem>>
    %dma_start3A_56 = arith.constant 0 : i32
    %dma_start3A_57 = tpu.memref_slice %arg5[%dma_start3A_52, %dma_start3A_56] : memref<512x50xi32, #tpu.memory_space<vmem>> -> memref<1x50xi32, #tpu.memory_space<vmem>>
    %dma_start3A_58 = tpu.memref_squeeze %dma_start3A_57 : memref<1x50xi32, #tpu.memory_space<vmem>> -> memref<50xi32, #tpu.memory_space<vmem>>
    %dma_start3A_59 = arith.constant 0 : i32
    %dma_start3A_60 = arith.constant 0 : i32
    %dma_start3A_61 = tpu.memref_slice %arg3[%dma_start3A_59, %dma_start3A_60] : memref<1000000x64xf32, #tpu.memory_space<hbm>> -> memref<1000000x64xf32, #tpu.memory_space<hbm>>
    tpu.enqueue_indirect_dma source(%dma_start3A_61 : memref<1000000x64xf32, #tpu.memory_space<hbm>>) target(%dma_start3A_55 : memref<50x64xf32, #tpu.memory_space<vmem>>) offsets(%dma_start3A_58 : memref<50xi32, #tpu.memory_space<vmem>>) semaphore(%arg9 : memref<!tpu.dma_semaphore, #tpu.memory_space<semaphore_mem>>)
    %dma_start3A_62 = arith.constant 6 : i32
    %dma_start3A_63 = arith.constant 300 : i32
    %dma_start3A_64 = arith.constant 0 : i32
    %dma_start3A_65 = tpu.memref_slice %arg6[%dma_start3A_63, %dma_start3A_64] : memref<400x64xf32, #tpu.memory_space<vmem>> -> memref<50x64xf32, #tpu.memory_space<vmem>>
    %dma_start3A_66 = arith.constant 0 : i32
    %dma_start3A_67 = tpu.memref_slice %arg5[%dma_start3A_62, %dma_start3A_66] : memref<512x50xi32, #tpu.memory_space<vmem>> -> memref<1x50xi32, #tpu.memory_space<vmem>>
    %dma_start3A_68 = tpu.memref_squeeze %dma_start3A_67 : memref<1x50xi32, #tpu.memory_space<vmem>> -> memref<50xi32, #tpu.memory_space<vmem>>
    %dma_start3A_69 = arith.constant 0 : i32
    %dma_start3A_70 = arith.constant 0 : i32
    %dma_start3A_71 = tpu.memref_slice %arg3[%dma_start3A_69, %dma_start3A_70] : memref<1000000x64xf32, #tpu.memory_space<hbm>> -> memref<1000000x64xf32, #tpu.memory_space<hbm>>
    tpu.enqueue_indirect_dma source(%dma_start3A_71 : memref<1000000x64xf32, #tpu.memory_space<hbm>>) target(%dma_start3A_65 : memref<50x64xf32, #tpu.memory_space<vmem>>) offsets(%dma_start3A_68 : memref<50xi32, #tpu.memory_space<vmem>>) semaphore(%arg9 : memref<!tpu.dma_semaphore, #tpu.memory_space<semaphore_mem>>)
    %dma_start3A_72 = arith.constant 7 : i32
    %dma_start3A_73 = arith.constant 350 : i32
    %dma_start3A_74 = arith.constant 0 : i32
    %dma_start3A_75 = tpu.memref_slice %arg6[%dma_start3A_73, %dma_start3A_74] : memref<400x64xf32, #tpu.memory_space<vmem>> -> memref<50x64xf32, #tpu.memory_space<vmem>>
    %dma_start3A_76 = arith.constant 0 : i32
    %dma_start3A_77 = tpu.memref_slice %arg5[%dma_start3A_72, %dma_start3A_76] : memref<512x50xi32, #tpu.memory_space<vmem>> -> memref<1x50xi32, #tpu.memory_space<vmem>>
    %dma_start3A_78 = tpu.memref_squeeze %dma_start3A_77 : memref<1x50xi32, #tpu.memory_space<vmem>> -> memref<50xi32, #tpu.memory_space<vmem>>
    %dma_start3A_79 = arith.constant 0 : i32
    %dma_start3A_80 = arith.constant 0 : i32
    %dma_start3A_81 = tpu.memref_slice %arg3[%dma_start3A_79, %dma_start3A_80] : memref<1000000x64xf32, #tpu.memory_space<hbm>> -> memref<1000000x64xf32, #tpu.memory_space<hbm>>
    tpu.enqueue_indirect_dma source(%dma_start3A_81 : memref<1000000x64xf32, #tpu.memory_space<hbm>>) target(%dma_start3A_75 : memref<50x64xf32, #tpu.memory_space<vmem>>) offsets(%dma_start3A_78 : memref<50xi32, #tpu.memory_space<vmem>>) semaphore(%arg9 : memref<!tpu.dma_semaphore, #tpu.memory_space<semaphore_mem>>)
    %scan3A = arith.constant 0 : i32
    %scan3A_82 = arith.constant 0 : i32
    %scan3A_83 = arith.constant 32 : i32
    %scan3A_84 = arith.addi %scan3A_82, %scan3A_83 : i32
    %scan3A_85 = arith.constant 1 : i32
    scf.for %scan3A_87 = %scan3A_82 to %scan3A_84 step %scan3A_85  : i32 {
      %mul3A_88 = arith.constant 2 : i32
      %mul3A_89 = arith.muli %mul3A_88, %scan3A_87 : i32
      %add3A_90 = arith.constant 1 : i32
      %add3A_91 = arith.addi %mul3A_89, %add3A_90 : i32
      %lt3A = arith.constant 64 : i32
      %lt3A_92 = arith.cmpi slt, %add3A_91, %lt3A : i32
      %convert_element_type3A = arith.extui %lt3A_92 : i1 to i32
      %cond3A = arith.constant 0 : i32
      %cond3A_93 = arith.cmpi ne, %convert_element_type3A, %cond3A : i32
      scf.if %cond3A_93 {
        %add3A_128 = arith.constant 1 : i32
        %add3A_129 = arith.addi %mul3A_89, %add3A_128 : i32
        %mul3A_130 = arith.constant 8 : i32
        %mul3A_131 = arith.muli %add3A_129, %mul3A_130 : i32
        %add3A_132 = arith.constant 0 : i32
        %add3A_133 = arith.addi %mul3A_131, %add3A_132 : i32
        %dma_start3A_134 = arith.constant 0 : i32
        %dma_start3A_135 = arith.constant 0 : i32
        %dma_start3A_136 = tpu.memref_slice %arg7[%dma_start3A_134, %dma_start3A_135] : memref<400x64xf32, #tpu.memory_space<vmem>> -> memref<50x64xf32, #tpu.memory_space<vmem>>
        %dma_start3A_137 = arith.constant 0 : i32
        %dma_start3A_138 = tpu.memref_slice %arg5[%add3A_133, %dma_start3A_137] : memref<512x50xi32, #tpu.memory_space<vmem>> -> memref<1x50xi32, #tpu.memory_space<vmem>>
        %dma_start3A_139 = tpu.memref_squeeze %dma_start3A_138 : memref<1x50xi32, #tpu.memory_space<vmem>> -> memref<50xi32, #tpu.memory_space<vmem>>
        %dma_start3A_140 = arith.constant 0 : i32
        %dma_start3A_141 = arith.constant 0 : i32
        %dma_start3A_142 = tpu.memref_slice %arg3[%dma_start3A_140, %dma_start3A_141] : memref<1000000x64xf32, #tpu.memory_space<hbm>> -> memref<1000000x64xf32, #tpu.memory_space<hbm>>
        tpu.enqueue_indirect_dma source(%dma_start3A_142 : memref<1000000x64xf32, #tpu.memory_space<hbm>>) target(%dma_start3A_136 : memref<50x64xf32, #tpu.memory_space<vmem>>) offsets(%dma_start3A_139 : memref<50xi32, #tpu.memory_space<vmem>>) semaphore(%arg10 : memref<!tpu.dma_semaphore, #tpu.memory_space<semaphore_mem>>)
        %mul3A_143 = arith.constant 8 : i32
        %mul3A_144 = arith.muli %add3A_129, %mul3A_143 : i32
        %add3A_145 = arith.constant 1 : i32
        %add3A_146 = arith.addi %mul3A_144, %add3A_145 : i32
        %dma_start3A_147 = arith.constant 50 : i32
        %dma_start3A_148 = arith.constant 0 : i32
        %dma_start3A_149 = tpu.memref_slice %arg7[%dma_start3A_147, %dma_start3A_148] : memref<400x64xf32, #tpu.memory_space<vmem>> -> memref<50x64xf32, #tpu.memory_space<vmem>>
        %dma_start3A_150 = arith.constant 0 : i32
        %dma_start3A_151 = tpu.memref_slice %arg5[%add3A_146, %dma_start3A_150] : memref<512x50xi32, #tpu.memory_space<vmem>> -> memref<1x50xi32, #tpu.memory_space<vmem>>
        %dma_start3A_152 = tpu.memref_squeeze %dma_start3A_151 : memref<1x50xi32, #tpu.memory_space<vmem>> -> memref<50xi32, #tpu.memory_space<vmem>>
        %dma_start3A_153 = arith.constant 0 : i32
        %dma_start3A_154 = arith.constant 0 : i32
        %dma_start3A_155 = tpu.memref_slice %arg3[%dma_start3A_153, %dma_start3A_154] : memref<1000000x64xf32, #tpu.memory_space<hbm>> -> memref<1000000x64xf32, #tpu.memory_space<hbm>>
        tpu.enqueue_indirect_dma source(%dma_start3A_155 : memref<1000000x64xf32, #tpu.memory_space<hbm>>) target(%dma_start3A_149 : memref<50x64xf32, #tpu.memory_space<vmem>>) offsets(%dma_start3A_152 : memref<50xi32, #tpu.memory_space<vmem>>) semaphore(%arg10 : memref<!tpu.dma_semaphore, #tpu.memory_space<semaphore_mem>>)
        %mul3A_156 = arith.constant 8 : i32
        %mul3A_157 = arith.muli %add3A_129, %mul3A_156 : i32
        %add3A_158 = arith.constant 2 : i32
        %add3A_159 = arith.addi %mul3A_157, %add3A_158 : i32
        %dma_start3A_160 = arith.constant 100 : i32
        %dma_start3A_161 = arith.constant 0 : i32
        %dma_start3A_162 = tpu.memref_slice %arg7[%dma_start3A_160, %dma_start3A_161] : memref<400x64xf32, #tpu.memory_space<vmem>> -> memref<50x64xf32, #tpu.memory_space<vmem>>
        %dma_start3A_163 = arith.constant 0 : i32
        %dma_start3A_164 = tpu.memref_slice %arg5[%add3A_159, %dma_start3A_163] : memref<512x50xi32, #tpu.memory_space<vmem>> -> memref<1x50xi32, #tpu.memory_space<vmem>>
        %dma_start3A_165 = tpu.memref_squeeze %dma_start3A_164 : memref<1x50xi32, #tpu.memory_space<vmem>> -> memref<50xi32, #tpu.memory_space<vmem>>
        %dma_start3A_166 = arith.constant 0 : i32
        %dma_start3A_167 = arith.constant 0 : i32
        %dma_start3A_168 = tpu.memref_slice %arg3[%dma_start3A_166, %dma_start3A_167] : memref<1000000x64xf32, #tpu.memory_space<hbm>> -> memref<1000000x64xf32, #tpu.memory_space<hbm>>
        tpu.enqueue_indirect_dma source(%dma_start3A_168 : memref<1000000x64xf32, #tpu.memory_space<hbm>>) target(%dma_start3A_162 : memref<50x64xf32, #tpu.memory_space<vmem>>) offsets(%dma_start3A_165 : memref<50xi32, #tpu.memory_space<vmem>>) semaphore(%arg10 : memref<!tpu.dma_semaphore, #tpu.memory_space<semaphore_mem>>)
        %mul3A_169 = arith.constant 8 : i32
        %mul3A_170 = arith.muli %add3A_129, %mul3A_169 : i32
        %add3A_171 = arith.constant 3 : i32
        %add3A_172 = arith.addi %mul3A_170, %add3A_171 : i32
        %dma_start3A_173 = arith.constant 150 : i32
        %dma_start3A_174 = arith.constant 0 : i32
        %dma_start3A_175 = tpu.memref_slice %arg7[%dma_start3A_173, %dma_start3A_174] : memref<400x64xf32, #tpu.memory_space<vmem>> -> memref<50x64xf32, #tpu.memory_space<vmem>>
        %dma_start3A_176 = arith.constant 0 : i32
        %dma_start3A_177 = tpu.memref_slice %arg5[%add3A_172, %dma_start3A_176] : memref<512x50xi32, #tpu.memory_space<vmem>> -> memref<1x50xi32, #tpu.memory_space<vmem>>
        %dma_start3A_178 = tpu.memref_squeeze %dma_start3A_177 : memref<1x50xi32, #tpu.memory_space<vmem>> -> memref<50xi32, #tpu.memory_space<vmem>>
        %dma_start3A_179 = arith.constant 0 : i32
        %dma_start3A_180 = arith.constant 0 : i32
        %dma_start3A_181 = tpu.memref_slice %arg3[%dma_start3A_179, %dma_start3A_180] : memref<1000000x64xf32, #tpu.memory_space<hbm>> -> memref<1000000x64xf32, #tpu.memory_space<hbm>>
        tpu.enqueue_indirect_dma source(%dma_start3A_181 : memref<1000000x64xf32, #tpu.memory_space<hbm>>) target(%dma_start3A_175 : memref<50x64xf32, #tpu.memory_space<vmem>>) offsets(%dma_start3A_178 : memref<50xi32, #tpu.memory_space<vmem>>) semaphore(%arg10 : memref<!tpu.dma_semaphore, #tpu.memory_space<semaphore_mem>>)
        %mul3A_182 = arith.constant 8 : i32
        %mul3A_183 = arith.muli %add3A_129, %mul3A_182 : i32
        %add3A_184 = arith.constant 4 : i32
        %add3A_185 = arith.addi %mul3A_183, %add3A_184 : i32
        %dma_start3A_186 = arith.constant 200 : i32
        %dma_start3A_187 = arith.constant 0 : i32
        %dma_start3A_188 = tpu.memref_slice %arg7[%dma_start3A_186, %dma_start3A_187] : memref<400x64xf32, #tpu.memory_space<vmem>> -> memref<50x64xf32, #tpu.memory_space<vmem>>
        %dma_start3A_189 = arith.constant 0 : i32
        %dma_start3A_190 = tpu.memref_slice %arg5[%add3A_185, %dma_start3A_189] : memref<512x50xi32, #tpu.memory_space<vmem>> -> memref<1x50xi32, #tpu.memory_space<vmem>>
        %dma_start3A_191 = tpu.memref_squeeze %dma_start3A_190 : memref<1x50xi32, #tpu.memory_space<vmem>> -> memref<50xi32, #tpu.memory_space<vmem>>
        %dma_start3A_192 = arith.constant 0 : i32
        %dma_start3A_193 = arith.constant 0 : i32
        %dma_start3A_194 = tpu.memref_slice %arg3[%dma_start3A_192, %dma_start3A_193] : memref<1000000x64xf32, #tpu.memory_space<hbm>> -> memref<1000000x64xf32, #tpu.memory_space<hbm>>
        tpu.enqueue_indirect_dma source(%dma_start3A_194 : memref<1000000x64xf32, #tpu.memory_space<hbm>>) target(%dma_start3A_188 : memref<50x64xf32, #tpu.memory_space<vmem>>) offsets(%dma_start3A_191 : memref<50xi32, #tpu.memory_space<vmem>>) semaphore(%arg10 : memref<!tpu.dma_semaphore, #tpu.memory_space<semaphore_mem>>)
        %mul3A_195 = arith.constant 8 : i32
        %mul3A_196 = arith.muli %add3A_129, %mul3A_195 : i32
        %add3A_197 = arith.constant 5 : i32
        %add3A_198 = arith.addi %mul3A_196, %add3A_197 : i32
        %dma_start3A_199 = arith.constant 250 : i32
        %dma_start3A_200 = arith.constant 0 : i32
        %dma_start3A_201 = tpu.memref_slice %arg7[%dma_start3A_199, %dma_start3A_200] : memref<400x64xf32, #tpu.memory_space<vmem>> -> memref<50x64xf32, #tpu.memory_space<vmem>>
        %dma_start3A_202 = arith.constant 0 : i32
        %dma_start3A_203 = tpu.memref_slice %arg5[%add3A_198, %dma_start3A_202] : memref<512x50xi32, #tpu.memory_space<vmem>> -> memref<1x50xi32, #tpu.memory_space<vmem>>
        %dma_start3A_204 = tpu.memref_squeeze %dma_start3A_203 : memref<1x50xi32, #tpu.memory_space<vmem>> -> memref<50xi32, #tpu.memory_space<vmem>>
        %dma_start3A_205 = arith.constant 0 : i32
        %dma_start3A_206 = arith.constant 0 : i32
        %dma_start3A_207 = tpu.memref_slice %arg3[%dma_start3A_205, %dma_start3A_206] : memref<1000000x64xf32, #tpu.memory_space<hbm>> -> memref<1000000x64xf32, #tpu.memory_space<hbm>>
        tpu.enqueue_indirect_dma source(%dma_start3A_207 : memref<1000000x64xf32, #tpu.memory_space<hbm>>) target(%dma_start3A_201 : memref<50x64xf32, #tpu.memory_space<vmem>>) offsets(%dma_start3A_204 : memref<50xi32, #tpu.memory_space<vmem>>) semaphore(%arg10 : memref<!tpu.dma_semaphore, #tpu.memory_space<semaphore_mem>>)
        %mul3A_208 = arith.constant 8 : i32
        %mul3A_209 = arith.muli %add3A_129, %mul3A_208 : i32
        %add3A_210 = arith.constant 6 : i32
        %add3A_211 = arith.addi %mul3A_209, %add3A_210 : i32
        %dma_start3A_212 = arith.constant 300 : i32
        %dma_start3A_213 = arith.constant 0 : i32
        %dma_start3A_214 = tpu.memref_slice %arg7[%dma_start3A_212, %dma_start3A_213] : memref<400x64xf32, #tpu.memory_space<vmem>> -> memref<50x64xf32, #tpu.memory_space<vmem>>
        %dma_start3A_215 = arith.constant 0 : i32
        %dma_start3A_216 = tpu.memref_slice %arg5[%add3A_211, %dma_start3A_215] : memref<512x50xi32, #tpu.memory_space<vmem>> -> memref<1x50xi32, #tpu.memory_space<vmem>>
        %dma_start3A_217 = tpu.memref_squeeze %dma_start3A_216 : memref<1x50xi32, #tpu.memory_space<vmem>> -> memref<50xi32, #tpu.memory_space<vmem>>
        %dma_start3A_218 = arith.constant 0 : i32
        %dma_start3A_219 = arith.constant 0 : i32
        %dma_start3A_220 = tpu.memref_slice %arg3[%dma_start3A_218, %dma_start3A_219] : memref<1000000x64xf32, #tpu.memory_space<hbm>> -> memref<1000000x64xf32, #tpu.memory_space<hbm>>
        tpu.enqueue_indirect_dma source(%dma_start3A_220 : memref<1000000x64xf32, #tpu.memory_space<hbm>>) target(%dma_start3A_214 : memref<50x64xf32, #tpu.memory_space<vmem>>) offsets(%dma_start3A_217 : memref<50xi32, #tpu.memory_space<vmem>>) semaphore(%arg10 : memref<!tpu.dma_semaphore, #tpu.memory_space<semaphore_mem>>)
        %mul3A_221 = arith.constant 8 : i32
        %mul3A_222 = arith.muli %add3A_129, %mul3A_221 : i32
        %add3A_223 = arith.constant 7 : i32
        %add3A_224 = arith.addi %mul3A_222, %add3A_223 : i32
        %dma_start3A_225 = arith.constant 350 : i32
        %dma_start3A_226 = arith.constant 0 : i32
        %dma_start3A_227 = tpu.memref_slice %arg7[%dma_start3A_225, %dma_start3A_226] : memref<400x64xf32, #tpu.memory_space<vmem>> -> memref<50x64xf32, #tpu.memory_space<vmem>>
        %dma_start3A_228 = arith.constant 0 : i32
        %dma_start3A_229 = tpu.memref_slice %arg5[%add3A_224, %dma_start3A_228] : memref<512x50xi32, #tpu.memory_space<vmem>> -> memref<1x50xi32, #tpu.memory_space<vmem>>
        %dma_start3A_230 = tpu.memref_squeeze %dma_start3A_229 : memref<1x50xi32, #tpu.memory_space<vmem>> -> memref<50xi32, #tpu.memory_space<vmem>>
        %dma_start3A_231 = arith.constant 0 : i32
        %dma_start3A_232 = arith.constant 0 : i32
        %dma_start3A_233 = tpu.memref_slice %arg3[%dma_start3A_231, %dma_start3A_232] : memref<1000000x64xf32, #tpu.memory_space<hbm>> -> memref<1000000x64xf32, #tpu.memory_space<hbm>>
        tpu.enqueue_indirect_dma source(%dma_start3A_233 : memref<1000000x64xf32, #tpu.memory_space<hbm>>) target(%dma_start3A_227 : memref<50x64xf32, #tpu.memory_space<vmem>>) offsets(%dma_start3A_230 : memref<50xi32, #tpu.memory_space<vmem>>) semaphore(%arg10 : memref<!tpu.dma_semaphore, #tpu.memory_space<semaphore_mem>>)
      } else {
      }
      %dma_wait3A = arith.constant 0 : i32
      %dma_wait3A_94 = arith.constant 0 : i32
      %dma_wait3A_95 = tpu.memref_slice %arg3[%dma_wait3A, %dma_wait3A_94] : memref<1000000x64xf32, #tpu.memory_space<hbm>> -> memref<400x64xf32, #tpu.memory_space<hbm>>
      %dma_wait3A_96 = arith.constant 0 : i32
      %dma_wait3A_97 = arith.constant 0 : i32
      %dma_wait3A_98 = tpu.memref_slice %arg3[%dma_wait3A_96, %dma_wait3A_97] : memref<1000000x64xf32, #tpu.memory_space<hbm>> -> memref<400x64xf32, #tpu.memory_space<hbm>>
      tpu.wait_dma2 semaphore(%arg9 : memref<!tpu.dma_semaphore, #tpu.memory_space<semaphore_mem>>) src(%dma_wait3A_98 : memref<400x64xf32, #tpu.memory_space<hbm>>) dst(%arg6 : memref<400x64xf32, #tpu.memory_space<vmem>>)
      %scan3A_99 = arith.constant 0 : i32
      %scan3A_100 = arith.constant 0 : i32
      %scan3A_101 = arith.constant 8 : i32
      %scan3A_102 = arith.addi %scan3A_100, %scan3A_101 : i32
      %scan3A_103 = arith.constant 1 : i32
      scf.for %scan3A_128 = %scan3A_100 to %scan3A_102 step %scan3A_103  : i32 {
        %mul3A_129 = arith.constant 50 : i32
        %mul3A_130 = arith.muli %scan3A_128, %mul3A_129 : i32
        %get3A = arith.index_cast %mul3A_130 : i32 to index
        %get3A_131 = arith.constant 0 : index
        %get3A_132 = tpu.vector_load %arg6[%get3A, %get3A_131] {strides = array<i32>} : memref<400x64xf32, #tpu.memory_space<vmem>>, vector<1x16xf32>,
        %get3A_133 = vector.shape_cast %get3A_132 : vector<1x16xf32> to vector<16xf32>
        %get3A_134 = arith.index_cast %mul3A_130 : i32 to index
        %get3A_135 = arith.constant 16 : index
        %get3A_136 = tpu.vector_load %arg6[%get3A_134, %get3A_135] {strides = array<i32>} : memref<400x64xf32, #tpu.memory_space<vmem>>, vector<1x16xf32>,
        %get3A_137 = vector.shape_cast %get3A_136 : vector<1x16xf32> to vector<16xf32>
        %get3A_138 = arith.index_cast %mul3A_130 : i32 to index
        %get3A_139 = arith.constant 32 : index
        %get3A_140 = tpu.vector_load %arg6[%get3A_138, %get3A_139] {strides = array<i32>} : memref<400x64xf32, #tpu.memory_space<vmem>>, vector<1x16xf32>,
        %get3A_141 = vector.shape_cast %get3A_140 : vector<1x16xf32> to vector<16xf32>
        %get3A_142 = arith.index_cast %mul3A_130 : i32 to index
        %get3A_143 = arith.constant 48 : index
        %get3A_144 = tpu.vector_load %arg6[%get3A_142, %get3A_143] {strides = array<i32>} : memref<400x64xf32, #tpu.memory_space<vmem>>, vector<1x16xf32>,
        %get3A_145 = vector.shape_cast %get3A_144 : vector<1x16xf32> to vector<16xf32>
        %add3A_146 = arith.constant 1 : i32
        %add3A_147 = arith.addi %mul3A_130, %add3A_146 : i32
        %get3A_148 = arith.index_cast %add3A_147 : i32 to index
        %get3A_149 = arith.constant 0 : index
        %get3A_150 = tpu.vector_load %arg6[%get3A_148, %get3A_149] {strides = array<i32>} : memref<400x64xf32, #tpu.memory_space<vmem>>, vector<1x16xf32>,
        %get3A_151 = vector.shape_cast %get3A_150 : vector<1x16xf32> to vector<16xf32>
        %max3A = arith.maximumf %get3A_133, %get3A_151 : vector<16xf32>
        %add3A_152 = arith.constant 1 : i32
        %add3A_153 = arith.addi %mul3A_130, %add3A_152 : i32
        %get3A_154 = arith.index_cast %add3A_153 : i32 to index
        %get3A_155 = arith.constant 16 : index
        %get3A_156 = tpu.vector_load %arg6[%get3A_154, %get3A_155] {strides = array<i32>} : memref<400x64xf32, #tpu.memory_space<vmem>>, vector<1x16xf32>,
        %get3A_157 = vector.shape_cast %get3A_156 : vector<1x16xf32> to vector<16xf32>
        %max3A_158 = arith.maximumf %get3A_137, %get3A_157 : vector<16xf32>
        %add3A_159 = arith.constant 1 : i32
        %add3A_160 = arith.addi %mul3A_130, %add3A_159 : i32
        %get3A_161 = arith.index_cast %add3A_160 : i32 to index
        %get3A_162 = arith.constant 32 : index
        %get3A_163 = tpu.vector_load %arg6[%get3A_161, %get3A_162] {strides = array<i32>} : memref<400x64xf32, #tpu.memory_space<vmem>>, vector<1x16xf32>,
        %get3A_164 = vector.shape_cast %get3A_163 : vector<1x16xf32> to vector<16xf32>
        %max3A_165 = arith.maximumf %get3A_141, %get3A_164 : vector<16xf32>
        %add3A_166 = arith.constant 1 : i32
        %add3A_167 = arith.addi %mul3A_130, %add3A_166 : i32
        %get3A_168 = arith.index_cast %add3A_167 : i32 to index
        %get3A_169 = arith.constant 48 : index
        %get3A_170 = tpu.vector_load %arg6[%get3A_168, %get3A_169] {strides = array<i32>} : memref<400x64xf32, #tpu.memory_space<vmem>>, vector<1x16xf32>,
        %get3A_171 = vector.shape_cast %get3A_170 : vector<1x16xf32> to vector<16xf32>
        %max3A_172 = arith.maximumf %get3A_145, %get3A_171 : vector<16xf32>
        %add3A_173 = arith.constant 2 : i32
        %add3A_174 = arith.addi %mul3A_130, %add3A_173 : i32
        %get3A_175 = arith.index_cast %add3A_174 : i32 to index
        %get3A_176 = arith.constant 0 : index
        %get3A_177 = tpu.vector_load %arg6[%get3A_175, %get3A_176] {strides = array<i32>} : memref<400x64xf32, #tpu.memory_space<vmem>>, vector<1x16xf32>,
        %get3A_178 = vector.shape_cast %get3A_177 : vector<1x16xf32> to vector<16xf32>
        %max3A_179 = arith.maximumf %max3A, %get3A_178 : vector<16xf32>
        %add3A_180 = arith.constant 2 : i32
        %add3A_181 = arith.addi %mul3A_130, %add3A_180 : i32
        %get3A_182 = arith.index_cast %add3A_181 : i32 to index
        %get3A_183 = arith.constant 16 : index
        %get3A_184 = tpu.vector_load %arg6[%get3A_182, %get3A_183] {strides = array<i32>} : memref<400x64xf32, #tpu.memory_space<vmem>>, vector<1x16xf32>,
        %get3A_185 = vector.shape_cast %get3A_184 : vector<1x16xf32> to vector<16xf32>
        %max3A_186 = arith.maximumf %max3A_158, %get3A_185 : vector<16xf32>
        %add3A_187 = arith.constant 2 : i32
        %add3A_188 = arith.addi %mul3A_130, %add3A_187 : i32
        %get3A_189 = arith.index_cast %add3A_188 : i32 to index
        %get3A_190 = arith.constant 32 : index
        %get3A_191 = tpu.vector_load %arg6[%get3A_189, %get3A_190] {strides = array<i32>} : memref<400x64xf32, #tpu.memory_space<vmem>>, vector<1x16xf32>,
        %get3A_192 = vector.shape_cast %get3A_191 : vector<1x16xf32> to vector<16xf32>
        %max3A_193 = arith.maximumf %max3A_165, %get3A_192 : vector<16xf32>
        %add3A_194 = arith.constant 2 : i32
        %add3A_195 = arith.addi %mul3A_130, %add3A_194 : i32
        %get3A_196 = arith.index_cast %add3A_195 : i32 to index
        %get3A_197 = arith.constant 48 : index
        %get3A_198 = tpu.vector_load %arg6[%get3A_196, %get3A_197] {strides = array<i32>} : memref<400x64xf32, #tpu.memory_space<vmem>>, vector<1x16xf32>,
        %get3A_199 = vector.shape_cast %get3A_198 : vector<1x16xf32> to vector<16xf32>
        %max3A_200 = arith.maximumf %max3A_172, %get3A_199 : vector<16xf32>
        %add3A_201 = arith.constant 3 : i32
        %add3A_202 = arith.addi %mul3A_130, %add3A_201 : i32
        %get3A_203 = arith.index_cast %add3A_202 : i32 to index
        %get3A_204 = arith.constant 0 : index
        %get3A_205 = tpu.vector_load %arg6[%get3A_203, %get3A_204] {strides = array<i32>} : memref<400x64xf32, #tpu.memory_space<vmem>>, vector<1x16xf32>,
        %get3A_206 = vector.shape_cast %get3A_205 : vector<1x16xf32> to vector<16xf32>
        %max3A_207 = arith.maximumf %max3A_179, %get3A_206 : vector<16xf32>
        %add3A_208 = arith.constant 3 : i32
        %add3A_209 = arith.addi %mul3A_130, %add3A_208 : i32
        %get3A_210 = arith.index_cast %add3A_209 : i32 to index
        %get3A_211 = arith.constant 16 : index
        %get3A_212 = tpu.vector_load %arg6[%get3A_210, %get3A_211] {strides = array<i32>} : memref<400x64xf32, #tpu.memory_space<vmem>>, vector<1x16xf32>,
        %get3A_213 = vector.shape_cast %get3A_212 : vector<1x16xf32> to vector<16xf32>
        %max3A_214 = arith.maximumf %max3A_186, %get3A_213 : vector<16xf32>
        %add3A_215 = arith.constant 3 : i32
        %add3A_216 = arith.addi %mul3A_130, %add3A_215 : i32
        %get3A_217 = arith.index_cast %add3A_216 : i32 to index
        %get3A_218 = arith.constant 32 : index
        %get3A_219 = tpu.vector_load %arg6[%get3A_217, %get3A_218] {strides = array<i32>} : memref<400x64xf32, #tpu.memory_space<vmem>>, vector<1x16xf32>,
        %get3A_220 = vector.shape_cast %get3A_219 : vector<1x16xf32> to vector<16xf32>
        %max3A_221 = arith.maximumf %max3A_193, %get3A_220 : vector<16xf32>
        %add3A_222 = arith.constant 3 : i32
        %add3A_223 = arith.addi %mul3A_130, %add3A_222 : i32
        %get3A_224 = arith.index_cast %add3A_223 : i32 to index
        %get3A_225 = arith.constant 48 : index
        %get3A_226 = tpu.vector_load %arg6[%get3A_224, %get3A_225] {strides = array<i32>} : memref<400x64xf32, #tpu.memory_space<vmem>>, vector<1x16xf32>,
        %get3A_227 = vector.shape_cast %get3A_226 : vector<1x16xf32> to vector<16xf32>
        %max3A_228 = arith.maximumf %max3A_200, %get3A_227 : vector<16xf32>
        %add3A_229 = arith.constant 4 : i32
        %add3A_230 = arith.addi %mul3A_130, %add3A_229 : i32
        %get3A_231 = arith.index_cast %add3A_230 : i32 to index
        %get3A_232 = arith.constant 0 : index
        %get3A_233 = tpu.vector_load %arg6[%get3A_231, %get3A_232] {strides = array<i32>} : memref<400x64xf32, #tpu.memory_space<vmem>>, vector<1x16xf32>,
        %get3A_234 = vector.shape_cast %get3A_233 : vector<1x16xf32> to vector<16xf32>
        %max3A_235 = arith.maximumf %max3A_207, %get3A_234 : vector<16xf32>
        %add3A_236 = arith.constant 4 : i32
        %add3A_237 = arith.addi %mul3A_130, %add3A_236 : i32
        %get3A_238 = arith.index_cast %add3A_237 : i32 to index
        %get3A_239 = arith.constant 16 : index
        %get3A_240 = tpu.vector_load %arg6[%get3A_238, %get3A_239] {strides = array<i32>} : memref<400x64xf32, #tpu.memory_space<vmem>>, vector<1x16xf32>,
        %get3A_241 = vector.shape_cast %get3A_240 : vector<1x16xf32> to vector<16xf32>
        %max3A_242 = arith.maximumf %max3A_214, %get3A_241 : vector<16xf32>
        %add3A_243 = arith.constant 4 : i32
        %add3A_244 = arith.addi %mul3A_130, %add3A_243 : i32
        %get3A_245 = arith.index_cast %add3A_244 : i32 to index
        %get3A_246 = arith.constant 32 : index
        %get3A_247 = tpu.vector_load %arg6[%get3A_245, %get3A_246] {strides = array<i32>} : memref<400x64xf32, #tpu.memory_space<vmem>>, vector<1x16xf32>,
        %get3A_248 = vector.shape_cast %get3A_247 : vector<1x16xf32> to vector<16xf32>
        %max3A_249 = arith.maximumf %max3A_221, %get3A_248 : vector<16xf32>
        %add3A_250 = arith.constant 4 : i32
        %add3A_251 = arith.addi %mul3A_130, %add3A_250 : i32
        %get3A_252 = arith.index_cast %add3A_251 : i32 to index
        %get3A_253 = arith.constant 48 : index
        %get3A_254 = tpu.vector_load %arg6[%get3A_252, %get3A_253] {strides = array<i32>} : memref<400x64xf32, #tpu.memory_space<vmem>>, vector<1x16xf32>,
        %get3A_255 = vector.shape_cast %get3A_254 : vector<1x16xf32> to vector<16xf32>
        %max3A_256 = arith.maximumf %max3A_228, %get3A_255 : vector<16xf32>
        %add3A_257 = arith.constant 5 : i32
        %add3A_258 = arith.addi %mul3A_130, %add3A_257 : i32
        %get3A_259 = arith.index_cast %add3A_258 : i32 to index
        %get3A_260 = arith.constant 0 : index
        %get3A_261 = tpu.vector_load %arg6[%get3A_259, %get3A_260] {strides = array<i32>} : memref<400x64xf32, #tpu.memory_space<vmem>>, vector<1x16xf32>,
        %get3A_262 = vector.shape_cast %get3A_261 : vector<1x16xf32> to vector<16xf32>
        %max3A_263 = arith.maximumf %max3A_235, %get3A_262 : vector<16xf32>
        %add3A_264 = arith.constant 5 : i32
        %add3A_265 = arith.addi %mul3A_130, %add3A_264 : i32
        %get3A_266 = arith.index_cast %add3A_265 : i32 to index
        %get3A_267 = arith.constant 16 : index
        %get3A_268 = tpu.vector_load %arg6[%get3A_266, %get3A_267] {strides = array<i32>} : memref<400x64xf32, #tpu.memory_space<vmem>>, vector<1x16xf32>,
        %get3A_269 = vector.shape_cast %get3A_268 : vector<1x16xf32> to vector<16xf32>
        %max3A_270 = arith.maximumf %max3A_242, %get3A_269 : vector<16xf32>
        %add3A_271 = arith.constant 5 : i32
        %add3A_272 = arith.addi %mul3A_130, %add3A_271 : i32
        %get3A_273 = arith.index_cast %add3A_272 : i32 to index
        %get3A_274 = arith.constant 32 : index
        %get3A_275 = tpu.vector_load %arg6[%get3A_273, %get3A_274] {strides = array<i32>} : memref<400x64xf32, #tpu.memory_space<vmem>>, vector<1x16xf32>,
        %get3A_276 = vector.shape_cast %get3A_275 : vector<1x16xf32> to vector<16xf32>
        %max3A_277 = arith.maximumf %max3A_249, %get3A_276 : vector<16xf32>
        %add3A_278 = arith.constant 5 : i32
        %add3A_279 = arith.addi %mul3A_130, %add3A_278 : i32
        %get3A_280 = arith.index_cast %add3A_279 : i32 to index
        %get3A_281 = arith.constant 48 : index
        %get3A_282 = tpu.vector_load %arg6[%get3A_280, %get3A_281] {strides = array<i32>} : memref<400x64xf32, #tpu.memory_space<vmem>>, vector<1x16xf32>,
        %get3A_283 = vector.shape_cast %get3A_282 : vector<1x16xf32> to vector<16xf32>
        %max3A_284 = arith.maximumf %max3A_256, %get3A_283 : vector<16xf32>
        %add3A_285 = arith.constant 6 : i32
        %add3A_286 = arith.addi %mul3A_130, %add3A_285 : i32
        %get3A_287 = arith.index_cast %add3A_286 : i32 to index
        %get3A_288 = arith.constant 0 : index
        %get3A_289 = tpu.vector_load %arg6[%get3A_287, %get3A_288] {strides = array<i32>} : memref<400x64xf32, #tpu.memory_space<vmem>>, vector<1x16xf32>,
        %get3A_290 = vector.shape_cast %get3A_289 : vector<1x16xf32> to vector<16xf32>
        %max3A_291 = arith.maximumf %max3A_263, %get3A_290 : vector<16xf32>
        %add3A_292 = arith.constant 6 : i32
        %add3A_293 = arith.addi %mul3A_130, %add3A_292 : i32
        %get3A_294 = arith.index_cast %add3A_293 : i32 to index
        %get3A_295 = arith.constant 16 : index
        %get3A_296 = tpu.vector_load %arg6[%get3A_294, %get3A_295] {strides = array<i32>} : memref<400x64xf32, #tpu.memory_space<vmem>>, vector<1x16xf32>,
        %get3A_297 = vector.shape_cast %get3A_296 : vector<1x16xf32> to vector<16xf32>
        %max3A_298 = arith.maximumf %max3A_270, %get3A_297 : vector<16xf32>
        %add3A_299 = arith.constant 6 : i32
        %add3A_300 = arith.addi %mul3A_130, %add3A_299 : i32
        %get3A_301 = arith.index_cast %add3A_300 : i32 to index
        %get3A_302 = arith.constant 32 : index
        %get3A_303 = tpu.vector_load %arg6[%get3A_301, %get3A_302] {strides = array<i32>} : memref<400x64xf32, #tpu.memory_space<vmem>>, vector<1x16xf32>,
        %get3A_304 = vector.shape_cast %get3A_303 : vector<1x16xf32> to vector<16xf32>
        %max3A_305 = arith.maximumf %max3A_277, %get3A_304 : vector<16xf32>
        %add3A_306 = arith.constant 6 : i32
        %add3A_307 = arith.addi %mul3A_130, %add3A_306 : i32
        %get3A_308 = arith.index_cast %add3A_307 : i32 to index
        %get3A_309 = arith.constant 48 : index
        %get3A_310 = tpu.vector_load %arg6[%get3A_308, %get3A_309] {strides = array<i32>} : memref<400x64xf32, #tpu.memory_space<vmem>>, vector<1x16xf32>,
        %get3A_311 = vector.shape_cast %get3A_310 : vector<1x16xf32> to vector<16xf32>
        %max3A_312 = arith.maximumf %max3A_284, %get3A_311 : vector<16xf32>
        %add3A_313 = arith.constant 7 : i32
        %add3A_314 = arith.addi %mul3A_130, %add3A_313 : i32
        %get3A_315 = arith.index_cast %add3A_314 : i32 to index
        %get3A_316 = arith.constant 0 : index
        %get3A_317 = tpu.vector_load %arg6[%get3A_315, %get3A_316] {strides = array<i32>} : memref<400x64xf32, #tpu.memory_space<vmem>>, vector<1x16xf32>,
        %get3A_318 = vector.shape_cast %get3A_317 : vector<1x16xf32> to vector<16xf32>
        %max3A_319 = arith.maximumf %max3A_291, %get3A_318 : vector<16xf32>
        %add3A_320 = arith.constant 7 : i32
        %add3A_321 = arith.addi %mul3A_130, %add3A_320 : i32
        %get3A_322 = arith.index_cast %add3A_321 : i32 to index
        %get3A_323 = arith.constant 16 : index
        %get3A_324 = tpu.vector_load %arg6[%get3A_322, %get3A_323] {strides = array<i32>} : memref<400x64xf32, #tpu.memory_space<vmem>>, vector<1x16xf32>,
        %get3A_325 = vector.shape_cast %get3A_324 : vector<1x16xf32> to vector<16xf32>
        %max3A_326 = arith.maximumf %max3A_298, %get3A_325 : vector<16xf32>
        %add3A_327 = arith.constant 7 : i32
        %add3A_328 = arith.addi %mul3A_130, %add3A_327 : i32
        %get3A_329 = arith.index_cast %add3A_328 : i32 to index
        %get3A_330 = arith.constant 32 : index
        %get3A_331 = tpu.vector_load %arg6[%get3A_329, %get3A_330] {strides = array<i32>} : memref<400x64xf32, #tpu.memory_space<vmem>>, vector<1x16xf32>,
        %get3A_332 = vector.shape_cast %get3A_331 : vector<1x16xf32> to vector<16xf32>
        %max3A_333 = arith.maximumf %max3A_305, %get3A_332 : vector<16xf32>
        %add3A_334 = arith.constant 7 : i32
        %add3A_335 = arith.addi %mul3A_130, %add3A_334 : i32
        %get3A_336 = arith.index_cast %add3A_335 : i32 to index
        %get3A_337 = arith.constant 48 : index
        %get3A_338 = tpu.vector_load %arg6[%get3A_336, %get3A_337] {strides = array<i32>} : memref<400x64xf32, #tpu.memory_space<vmem>>, vector<1x16xf32>,
        %get3A_339 = vector.shape_cast %get3A_338 : vector<1x16xf32> to vector<16xf32>
        %max3A_340 = arith.maximumf %max3A_312, %get3A_339 : vector<16xf32>
        %add3A_341 = arith.constant 8 : i32
        %add3A_342 = arith.addi %mul3A_130, %add3A_341 : i32
        %get3A_343 = arith.index_cast %add3A_342 : i32 to index
        %get3A_344 = arith.constant 0 : index
        %get3A_345 = tpu.vector_load %arg6[%get3A_343, %get3A_344] {strides = array<i32>} : memref<400x64xf32, #tpu.memory_space<vmem>>, vector<1x16xf32>,
        %get3A_346 = vector.shape_cast %get3A_345 : vector<1x16xf32> to vector<16xf32>
        %max3A_347 = arith.maximumf %max3A_319, %get3A_346 : vector<16xf32>
        %add3A_348 = arith.constant 8 : i32
        %add3A_349 = arith.addi %mul3A_130, %add3A_348 : i32
        %get3A_350 = arith.index_cast %add3A_349 : i32 to index
        %get3A_351 = arith.constant 16 : index
        %get3A_352 = tpu.vector_load %arg6[%get3A_350, %get3A_351] {strides = array<i32>} : memref<400x64xf32, #tpu.memory_space<vmem>>, vector<1x16xf32>,
        %get3A_353 = vector.shape_cast %get3A_352 : vector<1x16xf32> to vector<16xf32>
        %max3A_354 = arith.maximumf %max3A_326, %get3A_353 : vector<16xf32>
        %add3A_355 = arith.constant 8 : i32
        %add3A_356 = arith.addi %mul3A_130, %add3A_355 : i32
        %get3A_357 = arith.index_cast %add3A_356 : i32 to index
        %get3A_358 = arith.constant 32 : index
        %get3A_359 = tpu.vector_load %arg6[%get3A_357, %get3A_358] {strides = array<i32>} : memref<400x64xf32, #tpu.memory_space<vmem>>, vector<1x16xf32>,
        %get3A_360 = vector.shape_cast %get3A_359 : vector<1x16xf32> to vector<16xf32>
        %max3A_361 = arith.maximumf %max3A_333, %get3A_360 : vector<16xf32>
        %add3A_362 = arith.constant 8 : i32
        %add3A_363 = arith.addi %mul3A_130, %add3A_362 : i32
        %get3A_364 = arith.index_cast %add3A_363 : i32 to index
        %get3A_365 = arith.constant 48 : index
        %get3A_366 = tpu.vector_load %arg6[%get3A_364, %get3A_365] {strides = array<i32>} : memref<400x64xf32, #tpu.memory_space<vmem>>, vector<1x16xf32>,
        %get3A_367 = vector.shape_cast %get3A_366 : vector<1x16xf32> to vector<16xf32>
        %max3A_368 = arith.maximumf %max3A_340, %get3A_367 : vector<16xf32>
        %add3A_369 = arith.constant 9 : i32
        %add3A_370 = arith.addi %mul3A_130, %add3A_369 : i32
        %get3A_371 = arith.index_cast %add3A_370 : i32 to index
        %get3A_372 = arith.constant 0 : index
        %get3A_373 = tpu.vector_load %arg6[%get3A_371, %get3A_372] {strides = array<i32>} : memref<400x64xf32, #tpu.memory_space<vmem>>, vector<1x16xf32>,
        %get3A_374 = vector.shape_cast %get3A_373 : vector<1x16xf32> to vector<16xf32>
        %max3A_375 = arith.maximumf %max3A_347, %get3A_374 : vector<16xf32>
        %add3A_376 = arith.constant 9 : i32
        %add3A_377 = arith.addi %mul3A_130, %add3A_376 : i32
        %get3A_378 = arith.index_cast %add3A_377 : i32 to index
        %get3A_379 = arith.constant 16 : index
        %get3A_380 = tpu.vector_load %arg6[%get3A_378, %get3A_379] {strides = array<i32>} : memref<400x64xf32, #tpu.memory_space<vmem>>, vector<1x16xf32>,
        %get3A_381 = vector.shape_cast %get3A_380 : vector<1x16xf32> to vector<16xf32>
        %max3A_382 = arith.maximumf %max3A_354, %get3A_381 : vector<16xf32>
        %add3A_383 = arith.constant 9 : i32
        %add3A_384 = arith.addi %mul3A_130, %add3A_383 : i32
        %get3A_385 = arith.index_cast %add3A_384 : i32 to index
        %get3A_386 = arith.constant 32 : index
        %get3A_387 = tpu.vector_load %arg6[%get3A_385, %get3A_386] {strides = array<i32>} : memref<400x64xf32, #tpu.memory_space<vmem>>, vector<1x16xf32>,
        %get3A_388 = vector.shape_cast %get3A_387 : vector<1x16xf32> to vector<16xf32>
        %max3A_389 = arith.maximumf %max3A_361, %get3A_388 : vector<16xf32>
        %add3A_390 = arith.constant 9 : i32
        %add3A_391 = arith.addi %mul3A_130, %add3A_390 : i32
        %get3A_392 = arith.index_cast %add3A_391 : i32 to index
        %get3A_393 = arith.constant 48 : index
        %get3A_394 = tpu.vector_load %arg6[%get3A_392, %get3A_393] {strides = array<i32>} : memref<400x64xf32, #tpu.memory_space<vmem>>, vector<1x16xf32>,
        %get3A_395 = vector.shape_cast %get3A_394 : vector<1x16xf32> to vector<16xf32>
        %max3A_396 = arith.maximumf %max3A_368, %get3A_395 : vector<16xf32>
        %add3A_397 = arith.constant 10 : i32
        %add3A_398 = arith.addi %mul3A_130, %add3A_397 : i32
        %get3A_399 = arith.index_cast %add3A_398 : i32 to index
        %get3A_400 = arith.constant 0 : index
        %get3A_401 = tpu.vector_load %arg6[%get3A_399, %get3A_400] {strides = array<i32>} : memref<400x64xf32, #tpu.memory_space<vmem>>, vector<1x16xf32>,
        %get3A_402 = vector.shape_cast %get3A_401 : vector<1x16xf32> to vector<16xf32>
        %max3A_403 = arith.maximumf %max3A_375, %get3A_402 : vector<16xf32>
        %add3A_404 = arith.constant 10 : i32
        %add3A_405 = arith.addi %mul3A_130, %add3A_404 : i32
        %get3A_406 = arith.index_cast %add3A_405 : i32 to index
        %get3A_407 = arith.constant 16 : index
        %get3A_408 = tpu.vector_load %arg6[%get3A_406, %get3A_407] {strides = array<i32>} : memref<400x64xf32, #tpu.memory_space<vmem>>, vector<1x16xf32>,
        %get3A_409 = vector.shape_cast %get3A_408 : vector<1x16xf32> to vector<16xf32>
        %max3A_410 = arith.maximumf %max3A_382, %get3A_409 : vector<16xf32>
        %add3A_411 = arith.constant 10 : i32
        %add3A_412 = arith.addi %mul3A_130, %add3A_411 : i32
        %get3A_413 = arith.index_cast %add3A_412 : i32 to index
        %get3A_414 = arith.constant 32 : index
        %get3A_415 = tpu.vector_load %arg6[%get3A_413, %get3A_414] {strides = array<i32>} : memref<400x64xf32, #tpu.memory_space<vmem>>, vector<1x16xf32>,
        %get3A_416 = vector.shape_cast %get3A_415 : vector<1x16xf32> to vector<16xf32>
        %max3A_417 = arith.maximumf %max3A_389, %get3A_416 : vector<16xf32>
        %add3A_418 = arith.constant 10 : i32
        %add3A_419 = arith.addi %mul3A_130, %add3A_418 : i32
        %get3A_420 = arith.index_cast %add3A_419 : i32 to index
        %get3A_421 = arith.constant 48 : index
        %get3A_422 = tpu.vector_load %arg6[%get3A_420, %get3A_421] {strides = array<i32>} : memref<400x64xf32, #tpu.memory_space<vmem>>, vector<1x16xf32>,
        %get3A_423 = vector.shape_cast %get3A_422 : vector<1x16xf32> to vector<16xf32>
        %max3A_424 = arith.maximumf %max3A_396, %get3A_423 : vector<16xf32>
        %add3A_425 = arith.constant 11 : i32
        %add3A_426 = arith.addi %mul3A_130, %add3A_425 : i32
        %get3A_427 = arith.index_cast %add3A_426 : i32 to index
        %get3A_428 = arith.constant 0 : index
        %get3A_429 = tpu.vector_load %arg6[%get3A_427, %get3A_428] {strides = array<i32>} : memref<400x64xf32, #tpu.memory_space<vmem>>, vector<1x16xf32>,
        %get3A_430 = vector.shape_cast %get3A_429 : vector<1x16xf32> to vector<16xf32>
        %max3A_431 = arith.maximumf %max3A_403, %get3A_430 : vector<16xf32>
        %add3A_432 = arith.constant 11 : i32
        %add3A_433 = arith.addi %mul3A_130, %add3A_432 : i32
        %get3A_434 = arith.index_cast %add3A_433 : i32 to index
        %get3A_435 = arith.constant 16 : index
        %get3A_436 = tpu.vector_load %arg6[%get3A_434, %get3A_435] {strides = array<i32>} : memref<400x64xf32, #tpu.memory_space<vmem>>, vector<1x16xf32>,
        %get3A_437 = vector.shape_cast %get3A_436 : vector<1x16xf32> to vector<16xf32>
        %max3A_438 = arith.maximumf %max3A_410, %get3A_437 : vector<16xf32>
        %add3A_439 = arith.constant 11 : i32
        %add3A_440 = arith.addi %mul3A_130, %add3A_439 : i32
        %get3A_441 = arith.index_cast %add3A_440 : i32 to index
        %get3A_442 = arith.constant 32 : index
        %get3A_443 = tpu.vector_load %arg6[%get3A_441, %get3A_442] {strides = array<i32>} : memref<400x64xf32, #tpu.memory_space<vmem>>, vector<1x16xf32>,
        %get3A_444 = vector.shape_cast %get3A_443 : vector<1x16xf32> to vector<16xf32>
        %max3A_445 = arith.maximumf %max3A_417, %get3A_444 : vector<16xf32>
        %add3A_446 = arith.constant 11 : i32
        %add3A_447 = arith.addi %mul3A_130, %add3A_446 : i32
        %get3A_448 = arith.index_cast %add3A_447 : i32 to index
        %get3A_449 = arith.constant 48 : index
        %get3A_450 = tpu.vector_load %arg6[%get3A_448, %get3A_449] {strides = array<i32>} : memref<400x64xf32, #tpu.memory_space<vmem>>, vector<1x16xf32>,
        %get3A_451 = vector.shape_cast %get3A_450 : vector<1x16xf32> to vector<16xf32>
        %max3A_452 = arith.maximumf %max3A_424, %get3A_451 : vector<16xf32>
        %add3A_453 = arith.constant 12 : i32
        %add3A_454 = arith.addi %mul3A_130, %add3A_453 : i32
        %get3A_455 = arith.index_cast %add3A_454 : i32 to index
        %get3A_456 = arith.constant 0 : index
        %get3A_457 = tpu.vector_load %arg6[%get3A_455, %get3A_456] {strides = array<i32>} : memref<400x64xf32, #tpu.memory_space<vmem>>, vector<1x16xf32>,
        %get3A_458 = vector.shape_cast %get3A_457 : vector<1x16xf32> to vector<16xf32>
        %max3A_459 = arith.maximumf %max3A_431, %get3A_458 : vector<16xf32>
        %add3A_460 = arith.constant 12 : i32
        %add3A_461 = arith.addi %mul3A_130, %add3A_460 : i32
        %get3A_462 = arith.index_cast %add3A_461 : i32 to index
        %get3A_463 = arith.constant 16 : index
        %get3A_464 = tpu.vector_load %arg6[%get3A_462, %get3A_463] {strides = array<i32>} : memref<400x64xf32, #tpu.memory_space<vmem>>, vector<1x16xf32>,
        %get3A_465 = vector.shape_cast %get3A_464 : vector<1x16xf32> to vector<16xf32>
        %max3A_466 = arith.maximumf %max3A_438, %get3A_465 : vector<16xf32>
        %add3A_467 = arith.constant 12 : i32
        %add3A_468 = arith.addi %mul3A_130, %add3A_467 : i32
        %get3A_469 = arith.index_cast %add3A_468 : i32 to index
        %get3A_470 = arith.constant 32 : index
        %get3A_471 = tpu.vector_load %arg6[%get3A_469, %get3A_470] {strides = array<i32>} : memref<400x64xf32, #tpu.memory_space<vmem>>, vector<1x16xf32>,
        %get3A_472 = vector.shape_cast %get3A_471 : vector<1x16xf32> to vector<16xf32>
        %max3A_473 = arith.maximumf %max3A_445, %get3A_472 : vector<16xf32>
        %add3A_474 = arith.constant 12 : i32
        %add3A_475 = arith.addi %mul3A_130, %add3A_474 : i32
        %get3A_476 = arith.index_cast %add3A_475 : i32 to index
        %get3A_477 = arith.constant 48 : index
        %get3A_478 = tpu.vector_load %arg6[%get3A_476, %get3A_477] {strides = array<i32>} : memref<400x64xf32, #tpu.memory_space<vmem>>, vector<1x16xf32>,
        %get3A_479 = vector.shape_cast %get3A_478 : vector<1x16xf32> to vector<16xf32>
        %max3A_480 = arith.maximumf %max3A_452, %get3A_479 : vector<16xf32>
        %add3A_481 = arith.constant 13 : i32
        %add3A_482 = arith.addi %mul3A_130, %add3A_481 : i32
        %get3A_483 = arith.index_cast %add3A_482 : i32 to index
        %get3A_484 = arith.constant 0 : index
        %get3A_485 = tpu.vector_load %arg6[%get3A_483, %get3A_484] {strides = array<i32>} : memref<400x64xf32, #tpu.memory_space<vmem>>, vector<1x16xf32>,
        %get3A_486 = vector.shape_cast %get3A_485 : vector<1x16xf32> to vector<16xf32>
        %max3A_487 = arith.maximumf %max3A_459, %get3A_486 : vector<16xf32>
        %add3A_488 = arith.constant 13 : i32
        %add3A_489 = arith.addi %mul3A_130, %add3A_488 : i32
        %get3A_490 = arith.index_cast %add3A_489 : i32 to index
        %get3A_491 = arith.constant 16 : index
        %get3A_492 = tpu.vector_load %arg6[%get3A_490, %get3A_491] {strides = array<i32>} : memref<400x64xf32, #tpu.memory_space<vmem>>, vector<1x16xf32>,
        %get3A_493 = vector.shape_cast %get3A_492 : vector<1x16xf32> to vector<16xf32>
        %max3A_494 = arith.maximumf %max3A_466, %get3A_493 : vector<16xf32>
        %add3A_495 = arith.constant 13 : i32
        %add3A_496 = arith.addi %mul3A_130, %add3A_495 : i32
        %get3A_497 = arith.index_cast %add3A_496 : i32 to index
        %get3A_498 = arith.constant 32 : index
        %get3A_499 = tpu.vector_load %arg6[%get3A_497, %get3A_498] {strides = array<i32>} : memref<400x64xf32, #tpu.memory_space<vmem>>, vector<1x16xf32>,
        %get3A_500 = vector.shape_cast %get3A_499 : vector<1x16xf32> to vector<16xf32>
        %max3A_501 = arith.maximumf %max3A_473, %get3A_500 : vector<16xf32>
        %add3A_502 = arith.constant 13 : i32
        %add3A_503 = arith.addi %mul3A_130, %add3A_502 : i32
        %get3A_504 = arith.index_cast %add3A_503 : i32 to index
        %get3A_505 = arith.constant 48 : index
        %get3A_506 = tpu.vector_load %arg6[%get3A_504, %get3A_505] {strides = array<i32>} : memref<400x64xf32, #tpu.memory_space<vmem>>, vector<1x16xf32>,
        %get3A_507 = vector.shape_cast %get3A_506 : vector<1x16xf32> to vector<16xf32>
        %max3A_508 = arith.maximumf %max3A_480, %get3A_507 : vector<16xf32>
        %add3A_509 = arith.constant 14 : i32
        %add3A_510 = arith.addi %mul3A_130, %add3A_509 : i32
        %get3A_511 = arith.index_cast %add3A_510 : i32 to index
        %get3A_512 = arith.constant 0 : index
        %get3A_513 = tpu.vector_load %arg6[%get3A_511, %get3A_512] {strides = array<i32>} : memref<400x64xf32, #tpu.memory_space<vmem>>, vector<1x16xf32>,
        %get3A_514 = vector.shape_cast %get3A_513 : vector<1x16xf32> to vector<16xf32>
        %max3A_515 = arith.maximumf %max3A_487, %get3A_514 : vector<16xf32>
        %add3A_516 = arith.constant 14 : i32
        %add3A_517 = arith.addi %mul3A_130, %add3A_516 : i32
        %get3A_518 = arith.index_cast %add3A_517 : i32 to index
        %get3A_519 = arith.constant 16 : index
        %get3A_520 = tpu.vector_load %arg6[%get3A_518, %get3A_519] {strides = array<i32>} : memref<400x64xf32, #tpu.memory_space<vmem>>, vector<1x16xf32>,
        %get3A_521 = vector.shape_cast %get3A_520 : vector<1x16xf32> to vector<16xf32>
        %max3A_522 = arith.maximumf %max3A_494, %get3A_521 : vector<16xf32>
        %add3A_523 = arith.constant 14 : i32
        %add3A_524 = arith.addi %mul3A_130, %add3A_523 : i32
        %get3A_525 = arith.index_cast %add3A_524 : i32 to index
        %get3A_526 = arith.constant 32 : index
        %get3A_527 = tpu.vector_load %arg6[%get3A_525, %get3A_526] {strides = array<i32>} : memref<400x64xf32, #tpu.memory_space<vmem>>, vector<1x16xf32>,
        %get3A_528 = vector.shape_cast %get3A_527 : vector<1x16xf32> to vector<16xf32>
        %max3A_529 = arith.maximumf %max3A_501, %get3A_528 : vector<16xf32>
        %add3A_530 = arith.constant 14 : i32
        %add3A_531 = arith.addi %mul3A_130, %add3A_530 : i32
        %get3A_532 = arith.index_cast %add3A_531 : i32 to index
        %get3A_533 = arith.constant 48 : index
        %get3A_534 = tpu.vector_load %arg6[%get3A_532, %get3A_533] {strides = array<i32>} : memref<400x64xf32, #tpu.memory_space<vmem>>, vector<1x16xf32>,
        %get3A_535 = vector.shape_cast %get3A_534 : vector<1x16xf32> to vector<16xf32>
        %max3A_536 = arith.maximumf %max3A_508, %get3A_535 : vector<16xf32>
        %add3A_537 = arith.constant 15 : i32
        %add3A_538 = arith.addi %mul3A_130, %add3A_537 : i32
        %get3A_539 = arith.index_cast %add3A_538 : i32 to index
        %get3A_540 = arith.constant 0 : index
        %get3A_541 = tpu.vector_load %arg6[%get3A_539, %get3A_540] {strides = array<i32>} : memref<400x64xf32, #tpu.memory_space<vmem>>, vector<1x16xf32>,
        %get3A_542 = vector.shape_cast %get3A_541 : vector<1x16xf32> to vector<16xf32>
        %max3A_543 = arith.maximumf %max3A_515, %get3A_542 : vector<16xf32>
        %add3A_544 = arith.constant 15 : i32
        %add3A_545 = arith.addi %mul3A_130, %add3A_544 : i32
        %get3A_546 = arith.index_cast %add3A_545 : i32 to index
        %get3A_547 = arith.constant 16 : index
        %get3A_548 = tpu.vector_load %arg6[%get3A_546, %get3A_547] {strides = array<i32>} : memref<400x64xf32, #tpu.memory_space<vmem>>, vector<1x16xf32>,
        %get3A_549 = vector.shape_cast %get3A_548 : vector<1x16xf32> to vector<16xf32>
        %max3A_550 = arith.maximumf %max3A_522, %get3A_549 : vector<16xf32>
        %add3A_551 = arith.constant 15 : i32
        %add3A_552 = arith.addi %mul3A_130, %add3A_551 : i32
        %get3A_553 = arith.index_cast %add3A_552 : i32 to index
        %get3A_554 = arith.constant 32 : index
        %get3A_555 = tpu.vector_load %arg6[%get3A_553, %get3A_554] {strides = array<i32>} : memref<400x64xf32, #tpu.memory_space<vmem>>, vector<1x16xf32>,
        %get3A_556 = vector.shape_cast %get3A_555 : vector<1x16xf32> to vector<16xf32>
        %max3A_557 = arith.maximumf %max3A_529, %get3A_556 : vector<16xf32>
        %add3A_558 = arith.constant 15 : i32
        %add3A_559 = arith.addi %mul3A_130, %add3A_558 : i32
        %get3A_560 = arith.index_cast %add3A_559 : i32 to index
        %get3A_561 = arith.constant 48 : index
        %get3A_562 = tpu.vector_load %arg6[%get3A_560, %get3A_561] {strides = array<i32>} : memref<400x64xf32, #tpu.memory_space<vmem>>, vector<1x16xf32>,
        %get3A_563 = vector.shape_cast %get3A_562 : vector<1x16xf32> to vector<16xf32>
        %max3A_564 = arith.maximumf %max3A_536, %get3A_563 : vector<16xf32>
        %add3A_565 = arith.constant 16 : i32
        %add3A_566 = arith.addi %mul3A_130, %add3A_565 : i32
        %get3A_567 = arith.index_cast %add3A_566 : i32 to index
        %get3A_568 = arith.constant 0 : index
        %get3A_569 = tpu.vector_load %arg6[%get3A_567, %get3A_568] {strides = array<i32>} : memref<400x64xf32, #tpu.memory_space<vmem>>, vector<1x16xf32>,
        %get3A_570 = vector.shape_cast %get3A_569 : vector<1x16xf32> to vector<16xf32>
        %max3A_571 = arith.maximumf %max3A_543, %get3A_570 : vector<16xf32>
        %add3A_572 = arith.constant 16 : i32
        %add3A_573 = arith.addi %mul3A_130, %add3A_572 : i32
        %get3A_574 = arith.index_cast %add3A_573 : i32 to index
        %get3A_575 = arith.constant 16 : index
        %get3A_576 = tpu.vector_load %arg6[%get3A_574, %get3A_575] {strides = array<i32>} : memref<400x64xf32, #tpu.memory_space<vmem>>, vector<1x16xf32>,
        %get3A_577 = vector.shape_cast %get3A_576 : vector<1x16xf32> to vector<16xf32>
        %max3A_578 = arith.maximumf %max3A_550, %get3A_577 : vector<16xf32>
        %add3A_579 = arith.constant 16 : i32
        %add3A_580 = arith.addi %mul3A_130, %add3A_579 : i32
        %get3A_581 = arith.index_cast %add3A_580 : i32 to index
        %get3A_582 = arith.constant 32 : index
        %get3A_583 = tpu.vector_load %arg6[%get3A_581, %get3A_582] {strides = array<i32>} : memref<400x64xf32, #tpu.memory_space<vmem>>, vector<1x16xf32>,
        %get3A_584 = vector.shape_cast %get3A_583 : vector<1x16xf32> to vector<16xf32>
        %max3A_585 = arith.maximumf %max3A_557, %get3A_584 : vector<16xf32>
        %add3A_586 = arith.constant 16 : i32
        %add3A_587 = arith.addi %mul3A_130, %add3A_586 : i32
        %get3A_588 = arith.index_cast %add3A_587 : i32 to index
        %get3A_589 = arith.constant 48 : index
        %get3A_590 = tpu.vector_load %arg6[%get3A_588, %get3A_589] {strides = array<i32>} : memref<400x64xf32, #tpu.memory_space<vmem>>, vector<1x16xf32>,
        %get3A_591 = vector.shape_cast %get3A_590 : vector<1x16xf32> to vector<16xf32>
        %max3A_592 = arith.maximumf %max3A_564, %get3A_591 : vector<16xf32>
        %add3A_593 = arith.constant 17 : i32
        %add3A_594 = arith.addi %mul3A_130, %add3A_593 : i32
        %get3A_595 = arith.index_cast %add3A_594 : i32 to index
        %get3A_596 = arith.constant 0 : index
        %get3A_597 = tpu.vector_load %arg6[%get3A_595, %get3A_596] {strides = array<i32>} : memref<400x64xf32, #tpu.memory_space<vmem>>, vector<1x16xf32>,
        %get3A_598 = vector.shape_cast %get3A_597 : vector<1x16xf32> to vector<16xf32>
        %max3A_599 = arith.maximumf %max3A_571, %get3A_598 : vector<16xf32>
        %add3A_600 = arith.constant 17 : i32
        %add3A_601 = arith.addi %mul3A_130, %add3A_600 : i32
        %get3A_602 = arith.index_cast %add3A_601 : i32 to index
        %get3A_603 = arith.constant 16 : index
        %get3A_604 = tpu.vector_load %arg6[%get3A_602, %get3A_603] {strides = array<i32>} : memref<400x64xf32, #tpu.memory_space<vmem>>, vector<1x16xf32>,
        %get3A_605 = vector.shape_cast %get3A_604 : vector<1x16xf32> to vector<16xf32>
        %max3A_606 = arith.maximumf %max3A_578, %get3A_605 : vector<16xf32>
        %add3A_607 = arith.constant 17 : i32
        %add3A_608 = arith.addi %mul3A_130, %add3A_607 : i32
        %get3A_609 = arith.index_cast %add3A_608 : i32 to index
        %get3A_610 = arith.constant 32 : index
        %get3A_611 = tpu.vector_load %arg6[%get3A_609, %get3A_610] {strides = array<i32>} : memref<400x64xf32, #tpu.memory_space<vmem>>, vector<1x16xf32>,
        %get3A_612 = vector.shape_cast %get3A_611 : vector<1x16xf32> to vector<16xf32>
        %max3A_613 = arith.maximumf %max3A_585, %get3A_612 : vector<16xf32>
        %add3A_614 = arith.constant 17 : i32
        %add3A_615 = arith.addi %mul3A_130, %add3A_614 : i32
        %get3A_616 = arith.index_cast %add3A_615 : i32 to index
        %get3A_617 = arith.constant 48 : index
        %get3A_618 = tpu.vector_load %arg6[%get3A_616, %get3A_617] {strides = array<i32>} : memref<400x64xf32, #tpu.memory_space<vmem>>, vector<1x16xf32>,
        %get3A_619 = vector.shape_cast %get3A_618 : vector<1x16xf32> to vector<16xf32>
        %max3A_620 = arith.maximumf %max3A_592, %get3A_619 : vector<16xf32>
        %add3A_621 = arith.constant 18 : i32
        %add3A_622 = arith.addi %mul3A_130, %add3A_621 : i32
        %get3A_623 = arith.index_cast %add3A_622 : i32 to index
        %get3A_624 = arith.constant 0 : index
        %get3A_625 = tpu.vector_load %arg6[%get3A_623, %get3A_624] {strides = array<i32>} : memref<400x64xf32, #tpu.memory_space<vmem>>, vector<1x16xf32>,
        %get3A_626 = vector.shape_cast %get3A_625 : vector<1x16xf32> to vector<16xf32>
        %max3A_627 = arith.maximumf %max3A_599, %get3A_626 : vector<16xf32>
        %add3A_628 = arith.constant 18 : i32
        %add3A_629 = arith.addi %mul3A_130, %add3A_628 : i32
        %get3A_630 = arith.index_cast %add3A_629 : i32 to index
        %get3A_631 = arith.constant 16 : index
        %get3A_632 = tpu.vector_load %arg6[%get3A_630, %get3A_631] {strides = array<i32>} : memref<400x64xf32, #tpu.memory_space<vmem>>, vector<1x16xf32>,
        %get3A_633 = vector.shape_cast %get3A_632 : vector<1x16xf32> to vector<16xf32>
        %max3A_634 = arith.maximumf %max3A_606, %get3A_633 : vector<16xf32>
        %add3A_635 = arith.constant 18 : i32
        %add3A_636 = arith.addi %mul3A_130, %add3A_635 : i32
        %get3A_637 = arith.index_cast %add3A_636 : i32 to index
        %get3A_638 = arith.constant 32 : index
        %get3A_639 = tpu.vector_load %arg6[%get3A_637, %get3A_638] {strides = array<i32>} : memref<400x64xf32, #tpu.memory_space<vmem>>, vector<1x16xf32>,
        %get3A_640 = vector.shape_cast %get3A_639 : vector<1x16xf32> to vector<16xf32>
        %max3A_641 = arith.maximumf %max3A_613, %get3A_640 : vector<16xf32>
        %add3A_642 = arith.constant 18 : i32
        %add3A_643 = arith.addi %mul3A_130, %add3A_642 : i32
        %get3A_644 = arith.index_cast %add3A_643 : i32 to index
        %get3A_645 = arith.constant 48 : index
        %get3A_646 = tpu.vector_load %arg6[%get3A_644, %get3A_645] {strides = array<i32>} : memref<400x64xf32, #tpu.memory_space<vmem>>, vector<1x16xf32>,
        %get3A_647 = vector.shape_cast %get3A_646 : vector<1x16xf32> to vector<16xf32>
        %max3A_648 = arith.maximumf %max3A_620, %get3A_647 : vector<16xf32>
        %add3A_649 = arith.constant 19 : i32
        %add3A_650 = arith.addi %mul3A_130, %add3A_649 : i32
        %get3A_651 = arith.index_cast %add3A_650 : i32 to index
        %get3A_652 = arith.constant 0 : index
        %get3A_653 = tpu.vector_load %arg6[%get3A_651, %get3A_652] {strides = array<i32>} : memref<400x64xf32, #tpu.memory_space<vmem>>, vector<1x16xf32>,
        %get3A_654 = vector.shape_cast %get3A_653 : vector<1x16xf32> to vector<16xf32>
        %max3A_655 = arith.maximumf %max3A_627, %get3A_654 : vector<16xf32>
        %add3A_656 = arith.constant 19 : i32
        %add3A_657 = arith.addi %mul3A_130, %add3A_656 : i32
        %get3A_658 = arith.index_cast %add3A_657 : i32 to index
        %get3A_659 = arith.constant 16 : index
        %get3A_660 = tpu.vector_load %arg6[%get3A_658, %get3A_659] {strides = array<i32>} : memref<400x64xf32, #tpu.memory_space<vmem>>, vector<1x16xf32>,
        %get3A_661 = vector.shape_cast %get3A_660 : vector<1x16xf32> to vector<16xf32>
        %max3A_662 = arith.maximumf %max3A_634, %get3A_661 : vector<16xf32>
        %add3A_663 = arith.constant 19 : i32
        %add3A_664 = arith.addi %mul3A_130, %add3A_663 : i32
        %get3A_665 = arith.index_cast %add3A_664 : i32 to index
        %get3A_666 = arith.constant 32 : index
        %get3A_667 = tpu.vector_load %arg6[%get3A_665, %get3A_666] {strides = array<i32>} : memref<400x64xf32, #tpu.memory_space<vmem>>, vector<1x16xf32>,
        %get3A_668 = vector.shape_cast %get3A_667 : vector<1x16xf32> to vector<16xf32>
        %max3A_669 = arith.maximumf %max3A_641, %get3A_668 : vector<16xf32>
        %add3A_670 = arith.constant 19 : i32
        %add3A_671 = arith.addi %mul3A_130, %add3A_670 : i32
        %get3A_672 = arith.index_cast %add3A_671 : i32 to index
        %get3A_673 = arith.constant 48 : index
        %get3A_674 = tpu.vector_load %arg6[%get3A_672, %get3A_673] {strides = array<i32>} : memref<400x64xf32, #tpu.memory_space<vmem>>, vector<1x16xf32>,
        %get3A_675 = vector.shape_cast %get3A_674 : vector<1x16xf32> to vector<16xf32>
        %max3A_676 = arith.maximumf %max3A_648, %get3A_675 : vector<16xf32>
        %add3A_677 = arith.constant 20 : i32
        %add3A_678 = arith.addi %mul3A_130, %add3A_677 : i32
        %get3A_679 = arith.index_cast %add3A_678 : i32 to index
        %get3A_680 = arith.constant 0 : index
        %get3A_681 = tpu.vector_load %arg6[%get3A_679, %get3A_680] {strides = array<i32>} : memref<400x64xf32, #tpu.memory_space<vmem>>, vector<1x16xf32>,
        %get3A_682 = vector.shape_cast %get3A_681 : vector<1x16xf32> to vector<16xf32>
        %max3A_683 = arith.maximumf %max3A_655, %get3A_682 : vector<16xf32>
        %add3A_684 = arith.constant 20 : i32
        %add3A_685 = arith.addi %mul3A_130, %add3A_684 : i32
        %get3A_686 = arith.index_cast %add3A_685 : i32 to index
        %get3A_687 = arith.constant 16 : index
        %get3A_688 = tpu.vector_load %arg6[%get3A_686, %get3A_687] {strides = array<i32>} : memref<400x64xf32, #tpu.memory_space<vmem>>, vector<1x16xf32>,
        %get3A_689 = vector.shape_cast %get3A_688 : vector<1x16xf32> to vector<16xf32>
        %max3A_690 = arith.maximumf %max3A_662, %get3A_689 : vector<16xf32>
        %add3A_691 = arith.constant 20 : i32
        %add3A_692 = arith.addi %mul3A_130, %add3A_691 : i32
        %get3A_693 = arith.index_cast %add3A_692 : i32 to index
        %get3A_694 = arith.constant 32 : index
        %get3A_695 = tpu.vector_load %arg6[%get3A_693, %get3A_694] {strides = array<i32>} : memref<400x64xf32, #tpu.memory_space<vmem>>, vector<1x16xf32>,
        %get3A_696 = vector.shape_cast %get3A_695 : vector<1x16xf32> to vector<16xf32>
        %max3A_697 = arith.maximumf %max3A_669, %get3A_696 : vector<16xf32>
        %add3A_698 = arith.constant 20 : i32
        %add3A_699 = arith.addi %mul3A_130, %add3A_698 : i32
        %get3A_700 = arith.index_cast %add3A_699 : i32 to index
        %get3A_701 = arith.constant 48 : index
        %get3A_702 = tpu.vector_load %arg6[%get3A_700, %get3A_701] {strides = array<i32>} : memref<400x64xf32, #tpu.memory_space<vmem>>, vector<1x16xf32>,
        %get3A_703 = vector.shape_cast %get3A_702 : vector<1x16xf32> to vector<16xf32>
        %max3A_704 = arith.maximumf %max3A_676, %get3A_703 : vector<16xf32>
        %add3A_705 = arith.constant 21 : i32
        %add3A_706 = arith.addi %mul3A_130, %add3A_705 : i32
        %get3A_707 = arith.index_cast %add3A_706 : i32 to index
        %get3A_708 = arith.constant 0 : index
        %get3A_709 = tpu.vector_load %arg6[%get3A_707, %get3A_708] {strides = array<i32>} : memref<400x64xf32, #tpu.memory_space<vmem>>, vector<1x16xf32>,
        %get3A_710 = vector.shape_cast %get3A_709 : vector<1x16xf32> to vector<16xf32>
        %max3A_711 = arith.maximumf %max3A_683, %get3A_710 : vector<16xf32>
        %add3A_712 = arith.constant 21 : i32
        %add3A_713 = arith.addi %mul3A_130, %add3A_712 : i32
        %get3A_714 = arith.index_cast %add3A_713 : i32 to index
        %get3A_715 = arith.constant 16 : index
        %get3A_716 = tpu.vector_load %arg6[%get3A_714, %get3A_715] {strides = array<i32>} : memref<400x64xf32, #tpu.memory_space<vmem>>, vector<1x16xf32>,
        %get3A_717 = vector.shape_cast %get3A_716 : vector<1x16xf32> to vector<16xf32>
        %max3A_718 = arith.maximumf %max3A_690, %get3A_717 : vector<16xf32>
        %add3A_719 = arith.constant 21 : i32
        %add3A_720 = arith.addi %mul3A_130, %add3A_719 : i32
        %get3A_721 = arith.index_cast %add3A_720 : i32 to index
        %get3A_722 = arith.constant 32 : index
        %get3A_723 = tpu.vector_load %arg6[%get3A_721, %get3A_722] {strides = array<i32>} : memref<400x64xf32, #tpu.memory_space<vmem>>, vector<1x16xf32>,
        %get3A_724 = vector.shape_cast %get3A_723 : vector<1x16xf32> to vector<16xf32>
        %max3A_725 = arith.maximumf %max3A_697, %get3A_724 : vector<16xf32>
        %add3A_726 = arith.constant 21 : i32
        %add3A_727 = arith.addi %mul3A_130, %add3A_726 : i32
        %get3A_728 = arith.index_cast %add3A_727 : i32 to index
        %get3A_729 = arith.constant 48 : index
        %get3A_730 = tpu.vector_load %arg6[%get3A_728, %get3A_729] {strides = array<i32>} : memref<400x64xf32, #tpu.memory_space<vmem>>, vector<1x16xf32>,
        %get3A_731 = vector.shape_cast %get3A_730 : vector<1x16xf32> to vector<16xf32>
        %max3A_732 = arith.maximumf %max3A_704, %get3A_731 : vector<16xf32>
        %add3A_733 = arith.constant 22 : i32
        %add3A_734 = arith.addi %mul3A_130, %add3A_733 : i32
        %get3A_735 = arith.index_cast %add3A_734 : i32 to index
        %get3A_736 = arith.constant 0 : index
        %get3A_737 = tpu.vector_load %arg6[%get3A_735, %get3A_736] {strides = array<i32>} : memref<400x64xf32, #tpu.memory_space<vmem>>, vector<1x16xf32>,
        %get3A_738 = vector.shape_cast %get3A_737 : vector<1x16xf32> to vector<16xf32>
        %max3A_739 = arith.maximumf %max3A_711, %get3A_738 : vector<16xf32>
        %add3A_740 = arith.constant 22 : i32
        %add3A_741 = arith.addi %mul3A_130, %add3A_740 : i32
        %get3A_742 = arith.index_cast %add3A_741 : i32 to index
        %get3A_743 = arith.constant 16 : index
        %get3A_744 = tpu.vector_load %arg6[%get3A_742, %get3A_743] {strides = array<i32>} : memref<400x64xf32, #tpu.memory_space<vmem>>, vector<1x16xf32>,
        %get3A_745 = vector.shape_cast %get3A_744 : vector<1x16xf32> to vector<16xf32>
        %max3A_746 = arith.maximumf %max3A_718, %get3A_745 : vector<16xf32>
        %add3A_747 = arith.constant 22 : i32
        %add3A_748 = arith.addi %mul3A_130, %add3A_747 : i32
        %get3A_749 = arith.index_cast %add3A_748 : i32 to index
        %get3A_750 = arith.constant 32 : index
        %get3A_751 = tpu.vector_load %arg6[%get3A_749, %get3A_750] {strides = array<i32>} : memref<400x64xf32, #tpu.memory_space<vmem>>, vector<1x16xf32>,
        %get3A_752 = vector.shape_cast %get3A_751 : vector<1x16xf32> to vector<16xf32>
        %max3A_753 = arith.maximumf %max3A_725, %get3A_752 : vector<16xf32>
        %add3A_754 = arith.constant 22 : i32
        %add3A_755 = arith.addi %mul3A_130, %add3A_754 : i32
        %get3A_756 = arith.index_cast %add3A_755 : i32 to index
        %get3A_757 = arith.constant 48 : index
        %get3A_758 = tpu.vector_load %arg6[%get3A_756, %get3A_757] {strides = array<i32>} : memref<400x64xf32, #tpu.memory_space<vmem>>, vector<1x16xf32>,
        %get3A_759 = vector.shape_cast %get3A_758 : vector<1x16xf32> to vector<16xf32>
        %max3A_760 = arith.maximumf %max3A_732, %get3A_759 : vector<16xf32>
        %add3A_761 = arith.constant 23 : i32
        %add3A_762 = arith.addi %mul3A_130, %add3A_761 : i32
        %get3A_763 = arith.index_cast %add3A_762 : i32 to index
        %get3A_764 = arith.constant 0 : index
        %get3A_765 = tpu.vector_load %arg6[%get3A_763, %get3A_764] {strides = array<i32>} : memref<400x64xf32, #tpu.memory_space<vmem>>, vector<1x16xf32>,
        %get3A_766 = vector.shape_cast %get3A_765 : vector<1x16xf32> to vector<16xf32>
        %max3A_767 = arith.maximumf %max3A_739, %get3A_766 : vector<16xf32>
        %add3A_768 = arith.constant 23 : i32
        %add3A_769 = arith.addi %mul3A_130, %add3A_768 : i32
        %get3A_770 = arith.index_cast %add3A_769 : i32 to index
        %get3A_771 = arith.constant 16 : index
        %get3A_772 = tpu.vector_load %arg6[%get3A_770, %get3A_771] {strides = array<i32>} : memref<400x64xf32, #tpu.memory_space<vmem>>, vector<1x16xf32>,
        %get3A_773 = vector.shape_cast %get3A_772 : vector<1x16xf32> to vector<16xf32>
        %max3A_774 = arith.maximumf %max3A_746, %get3A_773 : vector<16xf32>
        %add3A_775 = arith.constant 23 : i32
        %add3A_776 = arith.addi %mul3A_130, %add3A_775 : i32
        %get3A_777 = arith.index_cast %add3A_776 : i32 to index
        %get3A_778 = arith.constant 32 : index
        %get3A_779 = tpu.vector_load %arg6[%get3A_777, %get3A_778] {strides = array<i32>} : memref<400x64xf32, #tpu.memory_space<vmem>>, vector<1x16xf32>,
        %get3A_780 = vector.shape_cast %get3A_779 : vector<1x16xf32> to vector<16xf32>
        %max3A_781 = arith.maximumf %max3A_753, %get3A_780 : vector<16xf32>
        %add3A_782 = arith.constant 23 : i32
        %add3A_783 = arith.addi %mul3A_130, %add3A_782 : i32
        %get3A_784 = arith.index_cast %add3A_783 : i32 to index
        %get3A_785 = arith.constant 48 : index
        %get3A_786 = tpu.vector_load %arg6[%get3A_784, %get3A_785] {strides = array<i32>} : memref<400x64xf32, #tpu.memory_space<vmem>>, vector<1x16xf32>,
        %get3A_787 = vector.shape_cast %get3A_786 : vector<1x16xf32> to vector<16xf32>
        %max3A_788 = arith.maximumf %max3A_760, %get3A_787 : vector<16xf32>
        %add3A_789 = arith.constant 24 : i32
        %add3A_790 = arith.addi %mul3A_130, %add3A_789 : i32
        %get3A_791 = arith.index_cast %add3A_790 : i32 to index
        %get3A_792 = arith.constant 0 : index
        %get3A_793 = tpu.vector_load %arg6[%get3A_791, %get3A_792] {strides = array<i32>} : memref<400x64xf32, #tpu.memory_space<vmem>>, vector<1x16xf32>,
        %get3A_794 = vector.shape_cast %get3A_793 : vector<1x16xf32> to vector<16xf32>
        %max3A_795 = arith.maximumf %max3A_767, %get3A_794 : vector<16xf32>
        %add3A_796 = arith.constant 24 : i32
        %add3A_797 = arith.addi %mul3A_130, %add3A_796 : i32
        %get3A_798 = arith.index_cast %add3A_797 : i32 to index
        %get3A_799 = arith.constant 16 : index
        %get3A_800 = tpu.vector_load %arg6[%get3A_798, %get3A_799] {strides = array<i32>} : memref<400x64xf32, #tpu.memory_space<vmem>>, vector<1x16xf32>,
        %get3A_801 = vector.shape_cast %get3A_800 : vector<1x16xf32> to vector<16xf32>
        %max3A_802 = arith.maximumf %max3A_774, %get3A_801 : vector<16xf32>
        %add3A_803 = arith.constant 24 : i32
        %add3A_804 = arith.addi %mul3A_130, %add3A_803 : i32
        %get3A_805 = arith.index_cast %add3A_804 : i32 to index
        %get3A_806 = arith.constant 32 : index
        %get3A_807 = tpu.vector_load %arg6[%get3A_805, %get3A_806] {strides = array<i32>} : memref<400x64xf32, #tpu.memory_space<vmem>>, vector<1x16xf32>,
        %get3A_808 = vector.shape_cast %get3A_807 : vector<1x16xf32> to vector<16xf32>
        %max3A_809 = arith.maximumf %max3A_781, %get3A_808 : vector<16xf32>
        %add3A_810 = arith.constant 24 : i32
        %add3A_811 = arith.addi %mul3A_130, %add3A_810 : i32
        %get3A_812 = arith.index_cast %add3A_811 : i32 to index
        %get3A_813 = arith.constant 48 : index
        %get3A_814 = tpu.vector_load %arg6[%get3A_812, %get3A_813] {strides = array<i32>} : memref<400x64xf32, #tpu.memory_space<vmem>>, vector<1x16xf32>,
        %get3A_815 = vector.shape_cast %get3A_814 : vector<1x16xf32> to vector<16xf32>
        %max3A_816 = arith.maximumf %max3A_788, %get3A_815 : vector<16xf32>
        %add3A_817 = arith.constant 25 : i32
        %add3A_818 = arith.addi %mul3A_130, %add3A_817 : i32
        %get3A_819 = arith.index_cast %add3A_818 : i32 to index
        %get3A_820 = arith.constant 0 : index
        %get3A_821 = tpu.vector_load %arg6[%get3A_819, %get3A_820] {strides = array<i32>} : memref<400x64xf32, #tpu.memory_space<vmem>>, vector<1x16xf32>,
        %get3A_822 = vector.shape_cast %get3A_821 : vector<1x16xf32> to vector<16xf32>
        %max3A_823 = arith.maximumf %max3A_795, %get3A_822 : vector<16xf32>
        %add3A_824 = arith.constant 25 : i32
        %add3A_825 = arith.addi %mul3A_130, %add3A_824 : i32
        %get3A_826 = arith.index_cast %add3A_825 : i32 to index
        %get3A_827 = arith.constant 16 : index
        %get3A_828 = tpu.vector_load %arg6[%get3A_826, %get3A_827] {strides = array<i32>} : memref<400x64xf32, #tpu.memory_space<vmem>>, vector<1x16xf32>,
        %get3A_829 = vector.shape_cast %get3A_828 : vector<1x16xf32> to vector<16xf32>
        %max3A_830 = arith.maximumf %max3A_802, %get3A_829 : vector<16xf32>
        %add3A_831 = arith.constant 25 : i32
        %add3A_832 = arith.addi %mul3A_130, %add3A_831 : i32
        %get3A_833 = arith.index_cast %add3A_832 : i32 to index
        %get3A_834 = arith.constant 32 : index
        %get3A_835 = tpu.vector_load %arg6[%get3A_833, %get3A_834] {strides = array<i32>} : memref<400x64xf32, #tpu.memory_space<vmem>>, vector<1x16xf32>,
        %get3A_836 = vector.shape_cast %get3A_835 : vector<1x16xf32> to vector<16xf32>
        %max3A_837 = arith.maximumf %max3A_809, %get3A_836 : vector<16xf32>
        %add3A_838 = arith.constant 25 : i32
        %add3A_839 = arith.addi %mul3A_130, %add3A_838 : i32
        %get3A_840 = arith.index_cast %add3A_839 : i32 to index
        %get3A_841 = arith.constant 48 : index
        %get3A_842 = tpu.vector_load %arg6[%get3A_840, %get3A_841] {strides = array<i32>} : memref<400x64xf32, #tpu.memory_space<vmem>>, vector<1x16xf32>,
        %get3A_843 = vector.shape_cast %get3A_842 : vector<1x16xf32> to vector<16xf32>
        %max3A_844 = arith.maximumf %max3A_816, %get3A_843 : vector<16xf32>
        %add3A_845 = arith.constant 26 : i32
        %add3A_846 = arith.addi %mul3A_130, %add3A_845 : i32
        %get3A_847 = arith.index_cast %add3A_846 : i32 to index
        %get3A_848 = arith.constant 0 : index
        %get3A_849 = tpu.vector_load %arg6[%get3A_847, %get3A_848] {strides = array<i32>} : memref<400x64xf32, #tpu.memory_space<vmem>>, vector<1x16xf32>,
        %get3A_850 = vector.shape_cast %get3A_849 : vector<1x16xf32> to vector<16xf32>
        %max3A_851 = arith.maximumf %max3A_823, %get3A_850 : vector<16xf32>
        %add3A_852 = arith.constant 26 : i32
        %add3A_853 = arith.addi %mul3A_130, %add3A_852 : i32
        %get3A_854 = arith.index_cast %add3A_853 : i32 to index
        %get3A_855 = arith.constant 16 : index
        %get3A_856 = tpu.vector_load %arg6[%get3A_854, %get3A_855] {strides = array<i32>} : memref<400x64xf32, #tpu.memory_space<vmem>>, vector<1x16xf32>,
        %get3A_857 = vector.shape_cast %get3A_856 : vector<1x16xf32> to vector<16xf32>
        %max3A_858 = arith.maximumf %max3A_830, %get3A_857 : vector<16xf32>
        %add3A_859 = arith.constant 26 : i32
        %add3A_860 = arith.addi %mul3A_130, %add3A_859 : i32
        %get3A_861 = arith.index_cast %add3A_860 : i32 to index
        %get3A_862 = arith.constant 32 : index
        %get3A_863 = tpu.vector_load %arg6[%get3A_861, %get3A_862] {strides = array<i32>} : memref<400x64xf32, #tpu.memory_space<vmem>>, vector<1x16xf32>,
        %get3A_864 = vector.shape_cast %get3A_863 : vector<1x16xf32> to vector<16xf32>
        %max3A_865 = arith.maximumf %max3A_837, %get3A_864 : vector<16xf32>
        %add3A_866 = arith.constant 26 : i32
        %add3A_867 = arith.addi %mul3A_130, %add3A_866 : i32
        %get3A_868 = arith.index_cast %add3A_867 : i32 to index
        %get3A_869 = arith.constant 48 : index
        %get3A_870 = tpu.vector_load %arg6[%get3A_868, %get3A_869] {strides = array<i32>} : memref<400x64xf32, #tpu.memory_space<vmem>>, vector<1x16xf32>,
        %get3A_871 = vector.shape_cast %get3A_870 : vector<1x16xf32> to vector<16xf32>
        %max3A_872 = arith.maximumf %max3A_844, %get3A_871 : vector<16xf32>
        %add3A_873 = arith.constant 27 : i32
        %add3A_874 = arith.addi %mul3A_130, %add3A_873 : i32
        %get3A_875 = arith.index_cast %add3A_874 : i32 to index
        %get3A_876 = arith.constant 0 : index
        %get3A_877 = tpu.vector_load %arg6[%get3A_875, %get3A_876] {strides = array<i32>} : memref<400x64xf32, #tpu.memory_space<vmem>>, vector<1x16xf32>,
        %get3A_878 = vector.shape_cast %get3A_877 : vector<1x16xf32> to vector<16xf32>
        %max3A_879 = arith.maximumf %max3A_851, %get3A_878 : vector<16xf32>
        %add3A_880 = arith.constant 27 : i32
        %add3A_881 = arith.addi %mul3A_130, %add3A_880 : i32
        %get3A_882 = arith.index_cast %add3A_881 : i32 to index
        %get3A_883 = arith.constant 16 : index
        %get3A_884 = tpu.vector_load %arg6[%get3A_882, %get3A_883] {strides = array<i32>} : memref<400x64xf32, #tpu.memory_space<vmem>>, vector<1x16xf32>,
        %get3A_885 = vector.shape_cast %get3A_884 : vector<1x16xf32> to vector<16xf32>
        %max3A_886 = arith.maximumf %max3A_858, %get3A_885 : vector<16xf32>
        %add3A_887 = arith.constant 27 : i32
        %add3A_888 = arith.addi %mul3A_130, %add3A_887 : i32
        %get3A_889 = arith.index_cast %add3A_888 : i32 to index
        %get3A_890 = arith.constant 32 : index
        %get3A_891 = tpu.vector_load %arg6[%get3A_889, %get3A_890] {strides = array<i32>} : memref<400x64xf32, #tpu.memory_space<vmem>>, vector<1x16xf32>,
        %get3A_892 = vector.shape_cast %get3A_891 : vector<1x16xf32> to vector<16xf32>
        %max3A_893 = arith.maximumf %max3A_865, %get3A_892 : vector<16xf32>
        %add3A_894 = arith.constant 27 : i32
        %add3A_895 = arith.addi %mul3A_130, %add3A_894 : i32
        %get3A_896 = arith.index_cast %add3A_895 : i32 to index
        %get3A_897 = arith.constant 48 : index
        %get3A_898 = tpu.vector_load %arg6[%get3A_896, %get3A_897] {strides = array<i32>} : memref<400x64xf32, #tpu.memory_space<vmem>>, vector<1x16xf32>,
        %get3A_899 = vector.shape_cast %get3A_898 : vector<1x16xf32> to vector<16xf32>
        %max3A_900 = arith.maximumf %max3A_872, %get3A_899 : vector<16xf32>
        %add3A_901 = arith.constant 28 : i32
        %add3A_902 = arith.addi %mul3A_130, %add3A_901 : i32
        %get3A_903 = arith.index_cast %add3A_902 : i32 to index
        %get3A_904 = arith.constant 0 : index
        %get3A_905 = tpu.vector_load %arg6[%get3A_903, %get3A_904] {strides = array<i32>} : memref<400x64xf32, #tpu.memory_space<vmem>>, vector<1x16xf32>,
        %get3A_906 = vector.shape_cast %get3A_905 : vector<1x16xf32> to vector<16xf32>
        %max3A_907 = arith.maximumf %max3A_879, %get3A_906 : vector<16xf32>
        %add3A_908 = arith.constant 28 : i32
        %add3A_909 = arith.addi %mul3A_130, %add3A_908 : i32
        %get3A_910 = arith.index_cast %add3A_909 : i32 to index
        %get3A_911 = arith.constant 16 : index
        %get3A_912 = tpu.vector_load %arg6[%get3A_910, %get3A_911] {strides = array<i32>} : memref<400x64xf32, #tpu.memory_space<vmem>>, vector<1x16xf32>,
        %get3A_913 = vector.shape_cast %get3A_912 : vector<1x16xf32> to vector<16xf32>
        %max3A_914 = arith.maximumf %max3A_886, %get3A_913 : vector<16xf32>
        %add3A_915 = arith.constant 28 : i32
        %add3A_916 = arith.addi %mul3A_130, %add3A_915 : i32
        %get3A_917 = arith.index_cast %add3A_916 : i32 to index
        %get3A_918 = arith.constant 32 : index
        %get3A_919 = tpu.vector_load %arg6[%get3A_917, %get3A_918] {strides = array<i32>} : memref<400x64xf32, #tpu.memory_space<vmem>>, vector<1x16xf32>,
        %get3A_920 = vector.shape_cast %get3A_919 : vector<1x16xf32> to vector<16xf32>
        %max3A_921 = arith.maximumf %max3A_893, %get3A_920 : vector<16xf32>
        %add3A_922 = arith.constant 28 : i32
        %add3A_923 = arith.addi %mul3A_130, %add3A_922 : i32
        %get3A_924 = arith.index_cast %add3A_923 : i32 to index
        %get3A_925 = arith.constant 48 : index
        %get3A_926 = tpu.vector_load %arg6[%get3A_924, %get3A_925] {strides = array<i32>} : memref<400x64xf32, #tpu.memory_space<vmem>>, vector<1x16xf32>,
        %get3A_927 = vector.shape_cast %get3A_926 : vector<1x16xf32> to vector<16xf32>
        %max3A_928 = arith.maximumf %max3A_900, %get3A_927 : vector<16xf32>
        %add3A_929 = arith.constant 29 : i32
        %add3A_930 = arith.addi %mul3A_130, %add3A_929 : i32
        %get3A_931 = arith.index_cast %add3A_930 : i32 to index
        %get3A_932 = arith.constant 0 : index
        %get3A_933 = tpu.vector_load %arg6[%get3A_931, %get3A_932] {strides = array<i32>} : memref<400x64xf32, #tpu.memory_space<vmem>>, vector<1x16xf32>,
        %get3A_934 = vector.shape_cast %get3A_933 : vector<1x16xf32> to vector<16xf32>
        %max3A_935 = arith.maximumf %max3A_907, %get3A_934 : vector<16xf32>
        %add3A_936 = arith.constant 29 : i32
        %add3A_937 = arith.addi %mul3A_130, %add3A_936 : i32
        %get3A_938 = arith.index_cast %add3A_937 : i32 to index
        %get3A_939 = arith.constant 16 : index
        %get3A_940 = tpu.vector_load %arg6[%get3A_938, %get3A_939] {strides = array<i32>} : memref<400x64xf32, #tpu.memory_space<vmem>>, vector<1x16xf32>,
        %get3A_941 = vector.shape_cast %get3A_940 : vector<1x16xf32> to vector<16xf32>
        %max3A_942 = arith.maximumf %max3A_914, %get3A_941 : vector<16xf32>
        %add3A_943 = arith.constant 29 : i32
        %add3A_944 = arith.addi %mul3A_130, %add3A_943 : i32
        %get3A_945 = arith.index_cast %add3A_944 : i32 to index
        %get3A_946 = arith.constant 32 : index
        %get3A_947 = tpu.vector_load %arg6[%get3A_945, %get3A_946] {strides = array<i32>} : memref<400x64xf32, #tpu.memory_space<vmem>>, vector<1x16xf32>,
        %get3A_948 = vector.shape_cast %get3A_947 : vector<1x16xf32> to vector<16xf32>
        %max3A_949 = arith.maximumf %max3A_921, %get3A_948 : vector<16xf32>
        %add3A_950 = arith.constant 29 : i32
        %add3A_951 = arith.addi %mul3A_130, %add3A_950 : i32
        %get3A_952 = arith.index_cast %add3A_951 : i32 to index
        %get3A_953 = arith.constant 48 : index
        %get3A_954 = tpu.vector_load %arg6[%get3A_952, %get3A_953] {strides = array<i32>} : memref<400x64xf32, #tpu.memory_space<vmem>>, vector<1x16xf32>,
        %get3A_955 = vector.shape_cast %get3A_954 : vector<1x16xf32> to vector<16xf32>
        %max3A_956 = arith.maximumf %max3A_928, %get3A_955 : vector<16xf32>
        %add3A_957 = arith.constant 30 : i32
        %add3A_958 = arith.addi %mul3A_130, %add3A_957 : i32
        %get3A_959 = arith.index_cast %add3A_958 : i32 to index
        %get3A_960 = arith.constant 0 : index
        %get3A_961 = tpu.vector_load %arg6[%get3A_959, %get3A_960] {strides = array<i32>} : memref<400x64xf32, #tpu.memory_space<vmem>>, vector<1x16xf32>,
        %get3A_962 = vector.shape_cast %get3A_961 : vector<1x16xf32> to vector<16xf32>
        %max3A_963 = arith.maximumf %max3A_935, %get3A_962 : vector<16xf32>
        %add3A_964 = arith.constant 30 : i32
        %add3A_965 = arith.addi %mul3A_130, %add3A_964 : i32
        %get3A_966 = arith.index_cast %add3A_965 : i32 to index
        %get3A_967 = arith.constant 16 : index
        %get3A_968 = tpu.vector_load %arg6[%get3A_966, %get3A_967] {strides = array<i32>} : memref<400x64xf32, #tpu.memory_space<vmem>>, vector<1x16xf32>,
        %get3A_969 = vector.shape_cast %get3A_968 : vector<1x16xf32> to vector<16xf32>
        %max3A_970 = arith.maximumf %max3A_942, %get3A_969 : vector<16xf32>
        %add3A_971 = arith.constant 30 : i32
        %add3A_972 = arith.addi %mul3A_130, %add3A_971 : i32
        %get3A_973 = arith.index_cast %add3A_972 : i32 to index
        %get3A_974 = arith.constant 32 : index
        %get3A_975 = tpu.vector_load %arg6[%get3A_973, %get3A_974] {strides = array<i32>} : memref<400x64xf32, #tpu.memory_space<vmem>>, vector<1x16xf32>,
        %get3A_976 = vector.shape_cast %get3A_975 : vector<1x16xf32> to vector<16xf32>
        %max3A_977 = arith.maximumf %max3A_949, %get3A_976 : vector<16xf32>
        %add3A_978 = arith.constant 30 : i32
        %add3A_979 = arith.addi %mul3A_130, %add3A_978 : i32
        %get3A_980 = arith.index_cast %add3A_979 : i32 to index
        %get3A_981 = arith.constant 48 : index
        %get3A_982 = tpu.vector_load %arg6[%get3A_980, %get3A_981] {strides = array<i32>} : memref<400x64xf32, #tpu.memory_space<vmem>>, vector<1x16xf32>,
        %get3A_983 = vector.shape_cast %get3A_982 : vector<1x16xf32> to vector<16xf32>
        %max3A_984 = arith.maximumf %max3A_956, %get3A_983 : vector<16xf32>
        %add3A_985 = arith.constant 31 : i32
        %add3A_986 = arith.addi %mul3A_130, %add3A_985 : i32
        %get3A_987 = arith.index_cast %add3A_986 : i32 to index
        %get3A_988 = arith.constant 0 : index
        %get3A_989 = tpu.vector_load %arg6[%get3A_987, %get3A_988] {strides = array<i32>} : memref<400x64xf32, #tpu.memory_space<vmem>>, vector<1x16xf32>,
        %get3A_990 = vector.shape_cast %get3A_989 : vector<1x16xf32> to vector<16xf32>
        %max3A_991 = arith.maximumf %max3A_963, %get3A_990 : vector<16xf32>
        %add3A_992 = arith.constant 31 : i32
        %add3A_993 = arith.addi %mul3A_130, %add3A_992 : i32
        %get3A_994 = arith.index_cast %add3A_993 : i32 to index
        %get3A_995 = arith.constant 16 : index
        %get3A_996 = tpu.vector_load %arg6[%get3A_994, %get3A_995] {strides = array<i32>} : memref<400x64xf32, #tpu.memory_space<vmem>>, vector<1x16xf32>,
        %get3A_997 = vector.shape_cast %get3A_996 : vector<1x16xf32> to vector<16xf32>
        %max3A_998 = arith.maximumf %max3A_970, %get3A_997 : vector<16xf32>
        %add3A_999 = arith.constant 31 : i32
        %add3A_1000 = arith.addi %mul3A_130, %add3A_999 : i32
        %get3A_1001 = arith.index_cast %add3A_1000 : i32 to index
        %get3A_1002 = arith.constant 32 : index
        %get3A_1003 = tpu.vector_load %arg6[%get3A_1001, %get3A_1002] {strides = array<i32>} : memref<400x64xf32, #tpu.memory_space<vmem>>, vector<1x16xf32>,
        %get3A_1004 = vector.shape_cast %get3A_1003 : vector<1x16xf32> to vector<16xf32>
        %max3A_1005 = arith.maximumf %max3A_977, %get3A_1004 : vector<16xf32>
        %add3A_1006 = arith.constant 31 : i32
        %add3A_1007 = arith.addi %mul3A_130, %add3A_1006 : i32
        %get3A_1008 = arith.index_cast %add3A_1007 : i32 to index
        %get3A_1009 = arith.constant 48 : index
        %get3A_1010 = tpu.vector_load %arg6[%get3A_1008, %get3A_1009] {strides = array<i32>} : memref<400x64xf32, #tpu.memory_space<vmem>>, vector<1x16xf32>,
        %get3A_1011 = vector.shape_cast %get3A_1010 : vector<1x16xf32> to vector<16xf32>
        %max3A_1012 = arith.maximumf %max3A_984, %get3A_1011 : vector<16xf32>
        %add3A_1013 = arith.constant 32 : i32
        %add3A_1014 = arith.addi %mul3A_130, %add3A_1013 : i32
        %get3A_1015 = arith.index_cast %add3A_1014 : i32 to index
        %get3A_1016 = arith.constant 0 : index
        %get3A_1017 = tpu.vector_load %arg6[%get3A_1015, %get3A_1016] {strides = array<i32>} : memref<400x64xf32, #tpu.memory_space<vmem>>, vector<1x16xf32>,
        %get3A_1018 = vector.shape_cast %get3A_1017 : vector<1x16xf32> to vector<16xf32>
        %max3A_1019 = arith.maximumf %max3A_991, %get3A_1018 : vector<16xf32>
        %add3A_1020 = arith.constant 32 : i32
        %add3A_1021 = arith.addi %mul3A_130, %add3A_1020 : i32
        %get3A_1022 = arith.index_cast %add3A_1021 : i32 to index
        %get3A_1023 = arith.constant 16 : index
        %get3A_1024 = tpu.vector_load %arg6[%get3A_1022, %get3A_1023] {strides = array<i32>} : memref<400x64xf32, #tpu.memory_space<vmem>>, vector<1x16xf32>,
        %get3A_1025 = vector.shape_cast %get3A_1024 : vector<1x16xf32> to vector<16xf32>
        %max3A_1026 = arith.maximumf %max3A_998, %get3A_1025 : vector<16xf32>
        %add3A_1027 = arith.constant 32 : i32
        %add3A_1028 = arith.addi %mul3A_130, %add3A_1027 : i32
        %get3A_1029 = arith.index_cast %add3A_1028 : i32 to index
        %get3A_1030 = arith.constant 32 : index
        %get3A_1031 = tpu.vector_load %arg6[%get3A_1029, %get3A_1030] {strides = array<i32>} : memref<400x64xf32, #tpu.memory_space<vmem>>, vector<1x16xf32>,
        %get3A_1032 = vector.shape_cast %get3A_1031 : vector<1x16xf32> to vector<16xf32>
        %max3A_1033 = arith.maximumf %max3A_1005, %get3A_1032 : vector<16xf32>
        %add3A_1034 = arith.constant 32 : i32
        %add3A_1035 = arith.addi %mul3A_130, %add3A_1034 : i32
        %get3A_1036 = arith.index_cast %add3A_1035 : i32 to index
        %get3A_1037 = arith.constant 48 : index
        %get3A_1038 = tpu.vector_load %arg6[%get3A_1036, %get3A_1037] {strides = array<i32>} : memref<400x64xf32, #tpu.memory_space<vmem>>, vector<1x16xf32>,
        %get3A_1039 = vector.shape_cast %get3A_1038 : vector<1x16xf32> to vector<16xf32>
        %max3A_1040 = arith.maximumf %max3A_1012, %get3A_1039 : vector<16xf32>
        %add3A_1041 = arith.constant 33 : i32
        %add3A_1042 = arith.addi %mul3A_130, %add3A_1041 : i32
        %get3A_1043 = arith.index_cast %add3A_1042 : i32 to index
        %get3A_1044 = arith.constant 0 : index
        %get3A_1045 = tpu.vector_load %arg6[%get3A_1043, %get3A_1044] {strides = array<i32>} : memref<400x64xf32, #tpu.memory_space<vmem>>, vector<1x16xf32>,
        %get3A_1046 = vector.shape_cast %get3A_1045 : vector<1x16xf32> to vector<16xf32>
        %max3A_1047 = arith.maximumf %max3A_1019, %get3A_1046 : vector<16xf32>
        %add3A_1048 = arith.constant 33 : i32
        %add3A_1049 = arith.addi %mul3A_130, %add3A_1048 : i32
        %get3A_1050 = arith.index_cast %add3A_1049 : i32 to index
        %get3A_1051 = arith.constant 16 : index
        %get3A_1052 = tpu.vector_load %arg6[%get3A_1050, %get3A_1051] {strides = array<i32>} : memref<400x64xf32, #tpu.memory_space<vmem>>, vector<1x16xf32>,
        %get3A_1053 = vector.shape_cast %get3A_1052 : vector<1x16xf32> to vector<16xf32>
        %max3A_1054 = arith.maximumf %max3A_1026, %get3A_1053 : vector<16xf32>
        %add3A_1055 = arith.constant 33 : i32
        %add3A_1056 = arith.addi %mul3A_130, %add3A_1055 : i32
        %get3A_1057 = arith.index_cast %add3A_1056 : i32 to index
        %get3A_1058 = arith.constant 32 : index
        %get3A_1059 = tpu.vector_load %arg6[%get3A_1057, %get3A_1058] {strides = array<i32>} : memref<400x64xf32, #tpu.memory_space<vmem>>, vector<1x16xf32>,
        %get3A_1060 = vector.shape_cast %get3A_1059 : vector<1x16xf32> to vector<16xf32>
        %max3A_1061 = arith.maximumf %max3A_1033, %get3A_1060 : vector<16xf32>
        %add3A_1062 = arith.constant 33 : i32
        %add3A_1063 = arith.addi %mul3A_130, %add3A_1062 : i32
        %get3A_1064 = arith.index_cast %add3A_1063 : i32 to index
        %get3A_1065 = arith.constant 48 : index
        %get3A_1066 = tpu.vector_load %arg6[%get3A_1064, %get3A_1065] {strides = array<i32>} : memref<400x64xf32, #tpu.memory_space<vmem>>, vector<1x16xf32>,
        %get3A_1067 = vector.shape_cast %get3A_1066 : vector<1x16xf32> to vector<16xf32>
        %max3A_1068 = arith.maximumf %max3A_1040, %get3A_1067 : vector<16xf32>
        %add3A_1069 = arith.constant 34 : i32
        %add3A_1070 = arith.addi %mul3A_130, %add3A_1069 : i32
        %get3A_1071 = arith.index_cast %add3A_1070 : i32 to index
        %get3A_1072 = arith.constant 0 : index
        %get3A_1073 = tpu.vector_load %arg6[%get3A_1071, %get3A_1072] {strides = array<i32>} : memref<400x64xf32, #tpu.memory_space<vmem>>, vector<1x16xf32>,
        %get3A_1074 = vector.shape_cast %get3A_1073 : vector<1x16xf32> to vector<16xf32>
        %max3A_1075 = arith.maximumf %max3A_1047, %get3A_1074 : vector<16xf32>
        %add3A_1076 = arith.constant 34 : i32
        %add3A_1077 = arith.addi %mul3A_130, %add3A_1076 : i32
        %get3A_1078 = arith.index_cast %add3A_1077 : i32 to index
        %get3A_1079 = arith.constant 16 : index
        %get3A_1080 = tpu.vector_load %arg6[%get3A_1078, %get3A_1079] {strides = array<i32>} : memref<400x64xf32, #tpu.memory_space<vmem>>, vector<1x16xf32>,
        %get3A_1081 = vector.shape_cast %get3A_1080 : vector<1x16xf32> to vector<16xf32>
        %max3A_1082 = arith.maximumf %max3A_1054, %get3A_1081 : vector<16xf32>
        %add3A_1083 = arith.constant 34 : i32
        %add3A_1084 = arith.addi %mul3A_130, %add3A_1083 : i32
        %get3A_1085 = arith.index_cast %add3A_1084 : i32 to index
        %get3A_1086 = arith.constant 32 : index
        %get3A_1087 = tpu.vector_load %arg6[%get3A_1085, %get3A_1086] {strides = array<i32>} : memref<400x64xf32, #tpu.memory_space<vmem>>, vector<1x16xf32>,
        %get3A_1088 = vector.shape_cast %get3A_1087 : vector<1x16xf32> to vector<16xf32>
        %max3A_1089 = arith.maximumf %max3A_1061, %get3A_1088 : vector<16xf32>
        %add3A_1090 = arith.constant 34 : i32
        %add3A_1091 = arith.addi %mul3A_130, %add3A_1090 : i32
        %get3A_1092 = arith.index_cast %add3A_1091 : i32 to index
        %get3A_1093 = arith.constant 48 : index
        %get3A_1094 = tpu.vector_load %arg6[%get3A_1092, %get3A_1093] {strides = array<i32>} : memref<400x64xf32, #tpu.memory_space<vmem>>, vector<1x16xf32>,
        %get3A_1095 = vector.shape_cast %get3A_1094 : vector<1x16xf32> to vector<16xf32>
        %max3A_1096 = arith.maximumf %max3A_1068, %get3A_1095 : vector<16xf32>
        %add3A_1097 = arith.constant 35 : i32
        %add3A_1098 = arith.addi %mul3A_130, %add3A_1097 : i32
        %get3A_1099 = arith.index_cast %add3A_1098 : i32 to index
        %get3A_1100 = arith.constant 0 : index
        %get3A_1101 = tpu.vector_load %arg6[%get3A_1099, %get3A_1100] {strides = array<i32>} : memref<400x64xf32, #tpu.memory_space<vmem>>, vector<1x16xf32>,
        %get3A_1102 = vector.shape_cast %get3A_1101 : vector<1x16xf32> to vector<16xf32>
        %max3A_1103 = arith.maximumf %max3A_1075, %get3A_1102 : vector<16xf32>
        %add3A_1104 = arith.constant 35 : i32
        %add3A_1105 = arith.addi %mul3A_130, %add3A_1104 : i32
        %get3A_1106 = arith.index_cast %add3A_1105 : i32 to index
        %get3A_1107 = arith.constant 16 : index
        %get3A_1108 = tpu.vector_load %arg6[%get3A_1106, %get3A_1107] {strides = array<i32>} : memref<400x64xf32, #tpu.memory_space<vmem>>, vector<1x16xf32>,
        %get3A_1109 = vector.shape_cast %get3A_1108 : vector<1x16xf32> to vector<16xf32>
        %max3A_1110 = arith.maximumf %max3A_1082, %get3A_1109 : vector<16xf32>
        %add3A_1111 = arith.constant 35 : i32
        %add3A_1112 = arith.addi %mul3A_130, %add3A_1111 : i32
        %get3A_1113 = arith.index_cast %add3A_1112 : i32 to index
        %get3A_1114 = arith.constant 32 : index
        %get3A_1115 = tpu.vector_load %arg6[%get3A_1113, %get3A_1114] {strides = array<i32>} : memref<400x64xf32, #tpu.memory_space<vmem>>, vector<1x16xf32>,
        %get3A_1116 = vector.shape_cast %get3A_1115 : vector<1x16xf32> to vector<16xf32>
        %max3A_1117 = arith.maximumf %max3A_1089, %get3A_1116 : vector<16xf32>
        %add3A_1118 = arith.constant 35 : i32
        %add3A_1119 = arith.addi %mul3A_130, %add3A_1118 : i32
        %get3A_1120 = arith.index_cast %add3A_1119 : i32 to index
        %get3A_1121 = arith.constant 48 : index
        %get3A_1122 = tpu.vector_load %arg6[%get3A_1120, %get3A_1121] {strides = array<i32>} : memref<400x64xf32, #tpu.memory_space<vmem>>, vector<1x16xf32>,
        %get3A_1123 = vector.shape_cast %get3A_1122 : vector<1x16xf32> to vector<16xf32>
        %max3A_1124 = arith.maximumf %max3A_1096, %get3A_1123 : vector<16xf32>
        %add3A_1125 = arith.constant 36 : i32
        %add3A_1126 = arith.addi %mul3A_130, %add3A_1125 : i32
        %get3A_1127 = arith.index_cast %add3A_1126 : i32 to index
        %get3A_1128 = arith.constant 0 : index
        %get3A_1129 = tpu.vector_load %arg6[%get3A_1127, %get3A_1128] {strides = array<i32>} : memref<400x64xf32, #tpu.memory_space<vmem>>, vector<1x16xf32>,
        %get3A_1130 = vector.shape_cast %get3A_1129 : vector<1x16xf32> to vector<16xf32>
        %max3A_1131 = arith.maximumf %max3A_1103, %get3A_1130 : vector<16xf32>
        %add3A_1132 = arith.constant 36 : i32
        %add3A_1133 = arith.addi %mul3A_130, %add3A_1132 : i32
        %get3A_1134 = arith.index_cast %add3A_1133 : i32 to index
        %get3A_1135 = arith.constant 16 : index
        %get3A_1136 = tpu.vector_load %arg6[%get3A_1134, %get3A_1135] {strides = array<i32>} : memref<400x64xf32, #tpu.memory_space<vmem>>, vector<1x16xf32>,
        %get3A_1137 = vector.shape_cast %get3A_1136 : vector<1x16xf32> to vector<16xf32>
        %max3A_1138 = arith.maximumf %max3A_1110, %get3A_1137 : vector<16xf32>
        %add3A_1139 = arith.constant 36 : i32
        %add3A_1140 = arith.addi %mul3A_130, %add3A_1139 : i32
        %get3A_1141 = arith.index_cast %add3A_1140 : i32 to index
        %get3A_1142 = arith.constant 32 : index
        %get3A_1143 = tpu.vector_load %arg6[%get3A_1141, %get3A_1142] {strides = array<i32>} : memref<400x64xf32, #tpu.memory_space<vmem>>, vector<1x16xf32>,
        %get3A_1144 = vector.shape_cast %get3A_1143 : vector<1x16xf32> to vector<16xf32>
        %max3A_1145 = arith.maximumf %max3A_1117, %get3A_1144 : vector<16xf32>
        %add3A_1146 = arith.constant 36 : i32
        %add3A_1147 = arith.addi %mul3A_130, %add3A_1146 : i32
        %get3A_1148 = arith.index_cast %add3A_1147 : i32 to index
        %get3A_1149 = arith.constant 48 : index
        %get3A_1150 = tpu.vector_load %arg6[%get3A_1148, %get3A_1149] {strides = array<i32>} : memref<400x64xf32, #tpu.memory_space<vmem>>, vector<1x16xf32>,
        %get3A_1151 = vector.shape_cast %get3A_1150 : vector<1x16xf32> to vector<16xf32>
        %max3A_1152 = arith.maximumf %max3A_1124, %get3A_1151 : vector<16xf32>
        %add3A_1153 = arith.constant 37 : i32
        %add3A_1154 = arith.addi %mul3A_130, %add3A_1153 : i32
        %get3A_1155 = arith.index_cast %add3A_1154 : i32 to index
        %get3A_1156 = arith.constant 0 : index
        %get3A_1157 = tpu.vector_load %arg6[%get3A_1155, %get3A_1156] {strides = array<i32>} : memref<400x64xf32, #tpu.memory_space<vmem>>, vector<1x16xf32>,
        %get3A_1158 = vector.shape_cast %get3A_1157 : vector<1x16xf32> to vector<16xf32>
        %max3A_1159 = arith.maximumf %max3A_1131, %get3A_1158 : vector<16xf32>
        %add3A_1160 = arith.constant 37 : i32
        %add3A_1161 = arith.addi %mul3A_130, %add3A_1160 : i32
        %get3A_1162 = arith.index_cast %add3A_1161 : i32 to index
        %get3A_1163 = arith.constant 16 : index
        %get3A_1164 = tpu.vector_load %arg6[%get3A_1162, %get3A_1163] {strides = array<i32>} : memref<400x64xf32, #tpu.memory_space<vmem>>, vector<1x16xf32>,
        %get3A_1165 = vector.shape_cast %get3A_1164 : vector<1x16xf32> to vector<16xf32>
        %max3A_1166 = arith.maximumf %max3A_1138, %get3A_1165 : vector<16xf32>
        %add3A_1167 = arith.constant 37 : i32
        %add3A_1168 = arith.addi %mul3A_130, %add3A_1167 : i32
        %get3A_1169 = arith.index_cast %add3A_1168 : i32 to index
        %get3A_1170 = arith.constant 32 : index
        %get3A_1171 = tpu.vector_load %arg6[%get3A_1169, %get3A_1170] {strides = array<i32>} : memref<400x64xf32, #tpu.memory_space<vmem>>, vector<1x16xf32>,
        %get3A_1172 = vector.shape_cast %get3A_1171 : vector<1x16xf32> to vector<16xf32>
        %max3A_1173 = arith.maximumf %max3A_1145, %get3A_1172 : vector<16xf32>
        %add3A_1174 = arith.constant 37 : i32
        %add3A_1175 = arith.addi %mul3A_130, %add3A_1174 : i32
        %get3A_1176 = arith.index_cast %add3A_1175 : i32 to index
        %get3A_1177 = arith.constant 48 : index
        %get3A_1178 = tpu.vector_load %arg6[%get3A_1176, %get3A_1177] {strides = array<i32>} : memref<400x64xf32, #tpu.memory_space<vmem>>, vector<1x16xf32>,
        %get3A_1179 = vector.shape_cast %get3A_1178 : vector<1x16xf32> to vector<16xf32>
        %max3A_1180 = arith.maximumf %max3A_1152, %get3A_1179 : vector<16xf32>
        %add3A_1181 = arith.constant 38 : i32
        %add3A_1182 = arith.addi %mul3A_130, %add3A_1181 : i32
        %get3A_1183 = arith.index_cast %add3A_1182 : i32 to index
        %get3A_1184 = arith.constant 0 : index
        %get3A_1185 = tpu.vector_load %arg6[%get3A_1183, %get3A_1184] {strides = array<i32>} : memref<400x64xf32, #tpu.memory_space<vmem>>, vector<1x16xf32>,
        %get3A_1186 = vector.shape_cast %get3A_1185 : vector<1x16xf32> to vector<16xf32>
        %max3A_1187 = arith.maximumf %max3A_1159, %get3A_1186 : vector<16xf32>
        %add3A_1188 = arith.constant 38 : i32
        %add3A_1189 = arith.addi %mul3A_130, %add3A_1188 : i32
        %get3A_1190 = arith.index_cast %add3A_1189 : i32 to index
        %get3A_1191 = arith.constant 16 : index
        %get3A_1192 = tpu.vector_load %arg6[%get3A_1190, %get3A_1191] {strides = array<i32>} : memref<400x64xf32, #tpu.memory_space<vmem>>, vector<1x16xf32>,
        %get3A_1193 = vector.shape_cast %get3A_1192 : vector<1x16xf32> to vector<16xf32>
        %max3A_1194 = arith.maximumf %max3A_1166, %get3A_1193 : vector<16xf32>
        %add3A_1195 = arith.constant 38 : i32
        %add3A_1196 = arith.addi %mul3A_130, %add3A_1195 : i32
        %get3A_1197 = arith.index_cast %add3A_1196 : i32 to index
        %get3A_1198 = arith.constant 32 : index
        %get3A_1199 = tpu.vector_load %arg6[%get3A_1197, %get3A_1198] {strides = array<i32>} : memref<400x64xf32, #tpu.memory_space<vmem>>, vector<1x16xf32>,
        %get3A_1200 = vector.shape_cast %get3A_1199 : vector<1x16xf32> to vector<16xf32>
        %max3A_1201 = arith.maximumf %max3A_1173, %get3A_1200 : vector<16xf32>
        %add3A_1202 = arith.constant 38 : i32
        %add3A_1203 = arith.addi %mul3A_130, %add3A_1202 : i32
        %get3A_1204 = arith.index_cast %add3A_1203 : i32 to index
        %get3A_1205 = arith.constant 48 : index
        %get3A_1206 = tpu.vector_load %arg6[%get3A_1204, %get3A_1205] {strides = array<i32>} : memref<400x64xf32, #tpu.memory_space<vmem>>, vector<1x16xf32>,
        %get3A_1207 = vector.shape_cast %get3A_1206 : vector<1x16xf32> to vector<16xf32>
        %max3A_1208 = arith.maximumf %max3A_1180, %get3A_1207 : vector<16xf32>
        %add3A_1209 = arith.constant 39 : i32
        %add3A_1210 = arith.addi %mul3A_130, %add3A_1209 : i32
        %get3A_1211 = arith.index_cast %add3A_1210 : i32 to index
        %get3A_1212 = arith.constant 0 : index
        %get3A_1213 = tpu.vector_load %arg6[%get3A_1211, %get3A_1212] {strides = array<i32>} : memref<400x64xf32, #tpu.memory_space<vmem>>, vector<1x16xf32>,
        %get3A_1214 = vector.shape_cast %get3A_1213 : vector<1x16xf32> to vector<16xf32>
        %max3A_1215 = arith.maximumf %max3A_1187, %get3A_1214 : vector<16xf32>
        %add3A_1216 = arith.constant 39 : i32
        %add3A_1217 = arith.addi %mul3A_130, %add3A_1216 : i32
        %get3A_1218 = arith.index_cast %add3A_1217 : i32 to index
        %get3A_1219 = arith.constant 16 : index
        %get3A_1220 = tpu.vector_load %arg6[%get3A_1218, %get3A_1219] {strides = array<i32>} : memref<400x64xf32, #tpu.memory_space<vmem>>, vector<1x16xf32>,
        %get3A_1221 = vector.shape_cast %get3A_1220 : vector<1x16xf32> to vector<16xf32>
        %max3A_1222 = arith.maximumf %max3A_1194, %get3A_1221 : vector<16xf32>
        %add3A_1223 = arith.constant 39 : i32
        %add3A_1224 = arith.addi %mul3A_130, %add3A_1223 : i32
        %get3A_1225 = arith.index_cast %add3A_1224 : i32 to index
        %get3A_1226 = arith.constant 32 : index
        %get3A_1227 = tpu.vector_load %arg6[%get3A_1225, %get3A_1226] {strides = array<i32>} : memref<400x64xf32, #tpu.memory_space<vmem>>, vector<1x16xf32>,
        %get3A_1228 = vector.shape_cast %get3A_1227 : vector<1x16xf32> to vector<16xf32>
        %max3A_1229 = arith.maximumf %max3A_1201, %get3A_1228 : vector<16xf32>
        %add3A_1230 = arith.constant 39 : i32
        %add3A_1231 = arith.addi %mul3A_130, %add3A_1230 : i32
        %get3A_1232 = arith.index_cast %add3A_1231 : i32 to index
        %get3A_1233 = arith.constant 48 : index
        %get3A_1234 = tpu.vector_load %arg6[%get3A_1232, %get3A_1233] {strides = array<i32>} : memref<400x64xf32, #tpu.memory_space<vmem>>, vector<1x16xf32>,
        %get3A_1235 = vector.shape_cast %get3A_1234 : vector<1x16xf32> to vector<16xf32>
        %max3A_1236 = arith.maximumf %max3A_1208, %get3A_1235 : vector<16xf32>
        %add3A_1237 = arith.constant 40 : i32
        %add3A_1238 = arith.addi %mul3A_130, %add3A_1237 : i32
        %get3A_1239 = arith.index_cast %add3A_1238 : i32 to index
        %get3A_1240 = arith.constant 0 : index
        %get3A_1241 = tpu.vector_load %arg6[%get3A_1239, %get3A_1240] {strides = array<i32>} : memref<400x64xf32, #tpu.memory_space<vmem>>, vector<1x16xf32>,
        %get3A_1242 = vector.shape_cast %get3A_1241 : vector<1x16xf32> to vector<16xf32>
        %max3A_1243 = arith.maximumf %max3A_1215, %get3A_1242 : vector<16xf32>
        %add3A_1244 = arith.constant 40 : i32
        %add3A_1245 = arith.addi %mul3A_130, %add3A_1244 : i32
        %get3A_1246 = arith.index_cast %add3A_1245 : i32 to index
        %get3A_1247 = arith.constant 16 : index
        %get3A_1248 = tpu.vector_load %arg6[%get3A_1246, %get3A_1247] {strides = array<i32>} : memref<400x64xf32, #tpu.memory_space<vmem>>, vector<1x16xf32>,
        %get3A_1249 = vector.shape_cast %get3A_1248 : vector<1x16xf32> to vector<16xf32>
        %max3A_1250 = arith.maximumf %max3A_1222, %get3A_1249 : vector<16xf32>
        %add3A_1251 = arith.constant 40 : i32
        %add3A_1252 = arith.addi %mul3A_130, %add3A_1251 : i32
        %get3A_1253 = arith.index_cast %add3A_1252 : i32 to index
        %get3A_1254 = arith.constant 32 : index
        %get3A_1255 = tpu.vector_load %arg6[%get3A_1253, %get3A_1254] {strides = array<i32>} : memref<400x64xf32, #tpu.memory_space<vmem>>, vector<1x16xf32>,
        %get3A_1256 = vector.shape_cast %get3A_1255 : vector<1x16xf32> to vector<16xf32>
        %max3A_1257 = arith.maximumf %max3A_1229, %get3A_1256 : vector<16xf32>
        %add3A_1258 = arith.constant 40 : i32
        %add3A_1259 = arith.addi %mul3A_130, %add3A_1258 : i32
        %get3A_1260 = arith.index_cast %add3A_1259 : i32 to index
        %get3A_1261 = arith.constant 48 : index
        %get3A_1262 = tpu.vector_load %arg6[%get3A_1260, %get3A_1261] {strides = array<i32>} : memref<400x64xf32, #tpu.memory_space<vmem>>, vector<1x16xf32>,
        %get3A_1263 = vector.shape_cast %get3A_1262 : vector<1x16xf32> to vector<16xf32>
        %max3A_1264 = arith.maximumf %max3A_1236, %get3A_1263 : vector<16xf32>
        %add3A_1265 = arith.constant 41 : i32
        %add3A_1266 = arith.addi %mul3A_130, %add3A_1265 : i32
        %get3A_1267 = arith.index_cast %add3A_1266 : i32 to index
        %get3A_1268 = arith.constant 0 : index
        %get3A_1269 = tpu.vector_load %arg6[%get3A_1267, %get3A_1268] {strides = array<i32>} : memref<400x64xf32, #tpu.memory_space<vmem>>, vector<1x16xf32>,
        %get3A_1270 = vector.shape_cast %get3A_1269 : vector<1x16xf32> to vector<16xf32>
        %max3A_1271 = arith.maximumf %max3A_1243, %get3A_1270 : vector<16xf32>
        %add3A_1272 = arith.constant 41 : i32
        %add3A_1273 = arith.addi %mul3A_130, %add3A_1272 : i32
        %get3A_1274 = arith.index_cast %add3A_1273 : i32 to index
        %get3A_1275 = arith.constant 16 : index
        %get3A_1276 = tpu.vector_load %arg6[%get3A_1274, %get3A_1275] {strides = array<i32>} : memref<400x64xf32, #tpu.memory_space<vmem>>, vector<1x16xf32>,
        %get3A_1277 = vector.shape_cast %get3A_1276 : vector<1x16xf32> to vector<16xf32>
        %max3A_1278 = arith.maximumf %max3A_1250, %get3A_1277 : vector<16xf32>
        %add3A_1279 = arith.constant 41 : i32
        %add3A_1280 = arith.addi %mul3A_130, %add3A_1279 : i32
        %get3A_1281 = arith.index_cast %add3A_1280 : i32 to index
        %get3A_1282 = arith.constant 32 : index
        %get3A_1283 = tpu.vector_load %arg6[%get3A_1281, %get3A_1282] {strides = array<i32>} : memref<400x64xf32, #tpu.memory_space<vmem>>, vector<1x16xf32>,
        %get3A_1284 = vector.shape_cast %get3A_1283 : vector<1x16xf32> to vector<16xf32>
        %max3A_1285 = arith.maximumf %max3A_1257, %get3A_1284 : vector<16xf32>
        %add3A_1286 = arith.constant 41 : i32
        %add3A_1287 = arith.addi %mul3A_130, %add3A_1286 : i32
        %get3A_1288 = arith.index_cast %add3A_1287 : i32 to index
        %get3A_1289 = arith.constant 48 : index
        %get3A_1290 = tpu.vector_load %arg6[%get3A_1288, %get3A_1289] {strides = array<i32>} : memref<400x64xf32, #tpu.memory_space<vmem>>, vector<1x16xf32>,
        %get3A_1291 = vector.shape_cast %get3A_1290 : vector<1x16xf32> to vector<16xf32>
        %max3A_1292 = arith.maximumf %max3A_1264, %get3A_1291 : vector<16xf32>
        %add3A_1293 = arith.constant 42 : i32
        %add3A_1294 = arith.addi %mul3A_130, %add3A_1293 : i32
        %get3A_1295 = arith.index_cast %add3A_1294 : i32 to index
        %get3A_1296 = arith.constant 0 : index
        %get3A_1297 = tpu.vector_load %arg6[%get3A_1295, %get3A_1296] {strides = array<i32>} : memref<400x64xf32, #tpu.memory_space<vmem>>, vector<1x16xf32>,
        %get3A_1298 = vector.shape_cast %get3A_1297 : vector<1x16xf32> to vector<16xf32>
        %max3A_1299 = arith.maximumf %max3A_1271, %get3A_1298 : vector<16xf32>
        %add3A_1300 = arith.constant 42 : i32
        %add3A_1301 = arith.addi %mul3A_130, %add3A_1300 : i32
        %get3A_1302 = arith.index_cast %add3A_1301 : i32 to index
        %get3A_1303 = arith.constant 16 : index
        %get3A_1304 = tpu.vector_load %arg6[%get3A_1302, %get3A_1303] {strides = array<i32>} : memref<400x64xf32, #tpu.memory_space<vmem>>, vector<1x16xf32>,
        %get3A_1305 = vector.shape_cast %get3A_1304 : vector<1x16xf32> to vector<16xf32>
        %max3A_1306 = arith.maximumf %max3A_1278, %get3A_1305 : vector<16xf32>
        %add3A_1307 = arith.constant 42 : i32
        %add3A_1308 = arith.addi %mul3A_130, %add3A_1307 : i32
        %get3A_1309 = arith.index_cast %add3A_1308 : i32 to index
        %get3A_1310 = arith.constant 32 : index
        %get3A_1311 = tpu.vector_load %arg6[%get3A_1309, %get3A_1310] {strides = array<i32>} : memref<400x64xf32, #tpu.memory_space<vmem>>, vector<1x16xf32>,
        %get3A_1312 = vector.shape_cast %get3A_1311 : vector<1x16xf32> to vector<16xf32>
        %max3A_1313 = arith.maximumf %max3A_1285, %get3A_1312 : vector<16xf32>
        %add3A_1314 = arith.constant 42 : i32
        %add3A_1315 = arith.addi %mul3A_130, %add3A_1314 : i32
        %get3A_1316 = arith.index_cast %add3A_1315 : i32 to index
        %get3A_1317 = arith.constant 48 : index
        %get3A_1318 = tpu.vector_load %arg6[%get3A_1316, %get3A_1317] {strides = array<i32>} : memref<400x64xf32, #tpu.memory_space<vmem>>, vector<1x16xf32>,
        %get3A_1319 = vector.shape_cast %get3A_1318 : vector<1x16xf32> to vector<16xf32>
        %max3A_1320 = arith.maximumf %max3A_1292, %get3A_1319 : vector<16xf32>
        %add3A_1321 = arith.constant 43 : i32
        %add3A_1322 = arith.addi %mul3A_130, %add3A_1321 : i32
        %get3A_1323 = arith.index_cast %add3A_1322 : i32 to index
        %get3A_1324 = arith.constant 0 : index
        %get3A_1325 = tpu.vector_load %arg6[%get3A_1323, %get3A_1324] {strides = array<i32>} : memref<400x64xf32, #tpu.memory_space<vmem>>, vector<1x16xf32>,
        %get3A_1326 = vector.shape_cast %get3A_1325 : vector<1x16xf32> to vector<16xf32>
        %max3A_1327 = arith.maximumf %max3A_1299, %get3A_1326 : vector<16xf32>
        %add3A_1328 = arith.constant 43 : i32
        %add3A_1329 = arith.addi %mul3A_130, %add3A_1328 : i32
        %get3A_1330 = arith.index_cast %add3A_1329 : i32 to index
        %get3A_1331 = arith.constant 16 : index
        %get3A_1332 = tpu.vector_load %arg6[%get3A_1330, %get3A_1331] {strides = array<i32>} : memref<400x64xf32, #tpu.memory_space<vmem>>, vector<1x16xf32>,
        %get3A_1333 = vector.shape_cast %get3A_1332 : vector<1x16xf32> to vector<16xf32>
        %max3A_1334 = arith.maximumf %max3A_1306, %get3A_1333 : vector<16xf32>
        %add3A_1335 = arith.constant 43 : i32
        %add3A_1336 = arith.addi %mul3A_130, %add3A_1335 : i32
        %get3A_1337 = arith.index_cast %add3A_1336 : i32 to index
        %get3A_1338 = arith.constant 32 : index
        %get3A_1339 = tpu.vector_load %arg6[%get3A_1337, %get3A_1338] {strides = array<i32>} : memref<400x64xf32, #tpu.memory_space<vmem>>, vector<1x16xf32>,
        %get3A_1340 = vector.shape_cast %get3A_1339 : vector<1x16xf32> to vector<16xf32>
        %max3A_1341 = arith.maximumf %max3A_1313, %get3A_1340 : vector<16xf32>
        %add3A_1342 = arith.constant 43 : i32
        %add3A_1343 = arith.addi %mul3A_130, %add3A_1342 : i32
        %get3A_1344 = arith.index_cast %add3A_1343 : i32 to index
        %get3A_1345 = arith.constant 48 : index
        %get3A_1346 = tpu.vector_load %arg6[%get3A_1344, %get3A_1345] {strides = array<i32>} : memref<400x64xf32, #tpu.memory_space<vmem>>, vector<1x16xf32>,
        %get3A_1347 = vector.shape_cast %get3A_1346 : vector<1x16xf32> to vector<16xf32>
        %max3A_1348 = arith.maximumf %max3A_1320, %get3A_1347 : vector<16xf32>
        %add3A_1349 = arith.constant 44 : i32
        %add3A_1350 = arith.addi %mul3A_130, %add3A_1349 : i32
        %get3A_1351 = arith.index_cast %add3A_1350 : i32 to index
        %get3A_1352 = arith.constant 0 : index
        %get3A_1353 = tpu.vector_load %arg6[%get3A_1351, %get3A_1352] {strides = array<i32>} : memref<400x64xf32, #tpu.memory_space<vmem>>, vector<1x16xf32>,
        %get3A_1354 = vector.shape_cast %get3A_1353 : vector<1x16xf32> to vector<16xf32>
        %max3A_1355 = arith.maximumf %max3A_1327, %get3A_1354 : vector<16xf32>
        %add3A_1356 = arith.constant 44 : i32
        %add3A_1357 = arith.addi %mul3A_130, %add3A_1356 : i32
        %get3A_1358 = arith.index_cast %add3A_1357 : i32 to index
        %get3A_1359 = arith.constant 16 : index
        %get3A_1360 = tpu.vector_load %arg6[%get3A_1358, %get3A_1359] {strides = array<i32>} : memref<400x64xf32, #tpu.memory_space<vmem>>, vector<1x16xf32>,
        %get3A_1361 = vector.shape_cast %get3A_1360 : vector<1x16xf32> to vector<16xf32>
        %max3A_1362 = arith.maximumf %max3A_1334, %get3A_1361 : vector<16xf32>
        %add3A_1363 = arith.constant 44 : i32
        %add3A_1364 = arith.addi %mul3A_130, %add3A_1363 : i32
        %get3A_1365 = arith.index_cast %add3A_1364 : i32 to index
        %get3A_1366 = arith.constant 32 : index
        %get3A_1367 = tpu.vector_load %arg6[%get3A_1365, %get3A_1366] {strides = array<i32>} : memref<400x64xf32, #tpu.memory_space<vmem>>, vector<1x16xf32>,
        %get3A_1368 = vector.shape_cast %get3A_1367 : vector<1x16xf32> to vector<16xf32>
        %max3A_1369 = arith.maximumf %max3A_1341, %get3A_1368 : vector<16xf32>
        %add3A_1370 = arith.constant 44 : i32
        %add3A_1371 = arith.addi %mul3A_130, %add3A_1370 : i32
        %get3A_1372 = arith.index_cast %add3A_1371 : i32 to index
        %get3A_1373 = arith.constant 48 : index
        %get3A_1374 = tpu.vector_load %arg6[%get3A_1372, %get3A_1373] {strides = array<i32>} : memref<400x64xf32, #tpu.memory_space<vmem>>, vector<1x16xf32>,
        %get3A_1375 = vector.shape_cast %get3A_1374 : vector<1x16xf32> to vector<16xf32>
        %max3A_1376 = arith.maximumf %max3A_1348, %get3A_1375 : vector<16xf32>
        %add3A_1377 = arith.constant 45 : i32
        %add3A_1378 = arith.addi %mul3A_130, %add3A_1377 : i32
        %get3A_1379 = arith.index_cast %add3A_1378 : i32 to index
        %get3A_1380 = arith.constant 0 : index
        %get3A_1381 = tpu.vector_load %arg6[%get3A_1379, %get3A_1380] {strides = array<i32>} : memref<400x64xf32, #tpu.memory_space<vmem>>, vector<1x16xf32>,
        %get3A_1382 = vector.shape_cast %get3A_1381 : vector<1x16xf32> to vector<16xf32>
        %max3A_1383 = arith.maximumf %max3A_1355, %get3A_1382 : vector<16xf32>
        %add3A_1384 = arith.constant 45 : i32
        %add3A_1385 = arith.addi %mul3A_130, %add3A_1384 : i32
        %get3A_1386 = arith.index_cast %add3A_1385 : i32 to index
        %get3A_1387 = arith.constant 16 : index
        %get3A_1388 = tpu.vector_load %arg6[%get3A_1386, %get3A_1387] {strides = array<i32>} : memref<400x64xf32, #tpu.memory_space<vmem>>, vector<1x16xf32>,
        %get3A_1389 = vector.shape_cast %get3A_1388 : vector<1x16xf32> to vector<16xf32>
        %max3A_1390 = arith.maximumf %max3A_1362, %get3A_1389 : vector<16xf32>
        %add3A_1391 = arith.constant 45 : i32
        %add3A_1392 = arith.addi %mul3A_130, %add3A_1391 : i32
        %get3A_1393 = arith.index_cast %add3A_1392 : i32 to index
        %get3A_1394 = arith.constant 32 : index
        %get3A_1395 = tpu.vector_load %arg6[%get3A_1393, %get3A_1394] {strides = array<i32>} : memref<400x64xf32, #tpu.memory_space<vmem>>, vector<1x16xf32>,
        %get3A_1396 = vector.shape_cast %get3A_1395 : vector<1x16xf32> to vector<16xf32>
        %max3A_1397 = arith.maximumf %max3A_1369, %get3A_1396 : vector<16xf32>
        %add3A_1398 = arith.constant 45 : i32
        %add3A_1399 = arith.addi %mul3A_130, %add3A_1398 : i32
        %get3A_1400 = arith.index_cast %add3A_1399 : i32 to index
        %get3A_1401 = arith.constant 48 : index
        %get3A_1402 = tpu.vector_load %arg6[%get3A_1400, %get3A_1401] {strides = array<i32>} : memref<400x64xf32, #tpu.memory_space<vmem>>, vector<1x16xf32>,
        %get3A_1403 = vector.shape_cast %get3A_1402 : vector<1x16xf32> to vector<16xf32>
        %max3A_1404 = arith.maximumf %max3A_1376, %get3A_1403 : vector<16xf32>
        %add3A_1405 = arith.constant 46 : i32
        %add3A_1406 = arith.addi %mul3A_130, %add3A_1405 : i32
        %get3A_1407 = arith.index_cast %add3A_1406 : i32 to index
        %get3A_1408 = arith.constant 0 : index
        %get3A_1409 = tpu.vector_load %arg6[%get3A_1407, %get3A_1408] {strides = array<i32>} : memref<400x64xf32, #tpu.memory_space<vmem>>, vector<1x16xf32>,
        %get3A_1410 = vector.shape_cast %get3A_1409 : vector<1x16xf32> to vector<16xf32>
        %max3A_1411 = arith.maximumf %max3A_1383, %get3A_1410 : vector<16xf32>
        %add3A_1412 = arith.constant 46 : i32
        %add3A_1413 = arith.addi %mul3A_130, %add3A_1412 : i32
        %get3A_1414 = arith.index_cast %add3A_1413 : i32 to index
        %get3A_1415 = arith.constant 16 : index
        %get3A_1416 = tpu.vector_load %arg6[%get3A_1414, %get3A_1415] {strides = array<i32>} : memref<400x64xf32, #tpu.memory_space<vmem>>, vector<1x16xf32>,
        %get3A_1417 = vector.shape_cast %get3A_1416 : vector<1x16xf32> to vector<16xf32>
        %max3A_1418 = arith.maximumf %max3A_1390, %get3A_1417 : vector<16xf32>
        %add3A_1419 = arith.constant 46 : i32
        %add3A_1420 = arith.addi %mul3A_130, %add3A_1419 : i32
        %get3A_1421 = arith.index_cast %add3A_1420 : i32 to index
        %get3A_1422 = arith.constant 32 : index
        %get3A_1423 = tpu.vector_load %arg6[%get3A_1421, %get3A_1422] {strides = array<i32>} : memref<400x64xf32, #tpu.memory_space<vmem>>, vector<1x16xf32>,
        %get3A_1424 = vector.shape_cast %get3A_1423 : vector<1x16xf32> to vector<16xf32>
        %max3A_1425 = arith.maximumf %max3A_1397, %get3A_1424 : vector<16xf32>
        %add3A_1426 = arith.constant 46 : i32
        %add3A_1427 = arith.addi %mul3A_130, %add3A_1426 : i32
        %get3A_1428 = arith.index_cast %add3A_1427 : i32 to index
        %get3A_1429 = arith.constant 48 : index
        %get3A_1430 = tpu.vector_load %arg6[%get3A_1428, %get3A_1429] {strides = array<i32>} : memref<400x64xf32, #tpu.memory_space<vmem>>, vector<1x16xf32>,
        %get3A_1431 = vector.shape_cast %get3A_1430 : vector<1x16xf32> to vector<16xf32>
        %max3A_1432 = arith.maximumf %max3A_1404, %get3A_1431 : vector<16xf32>
        %add3A_1433 = arith.constant 47 : i32
        %add3A_1434 = arith.addi %mul3A_130, %add3A_1433 : i32
        %get3A_1435 = arith.index_cast %add3A_1434 : i32 to index
        %get3A_1436 = arith.constant 0 : index
        %get3A_1437 = tpu.vector_load %arg6[%get3A_1435, %get3A_1436] {strides = array<i32>} : memref<400x64xf32, #tpu.memory_space<vmem>>, vector<1x16xf32>,
        %get3A_1438 = vector.shape_cast %get3A_1437 : vector<1x16xf32> to vector<16xf32>
        %max3A_1439 = arith.maximumf %max3A_1411, %get3A_1438 : vector<16xf32>
        %add3A_1440 = arith.constant 47 : i32
        %add3A_1441 = arith.addi %mul3A_130, %add3A_1440 : i32
        %get3A_1442 = arith.index_cast %add3A_1441 : i32 to index
        %get3A_1443 = arith.constant 16 : index
        %get3A_1444 = tpu.vector_load %arg6[%get3A_1442, %get3A_1443] {strides = array<i32>} : memref<400x64xf32, #tpu.memory_space<vmem>>, vector<1x16xf32>,
        %get3A_1445 = vector.shape_cast %get3A_1444 : vector<1x16xf32> to vector<16xf32>
        %max3A_1446 = arith.maximumf %max3A_1418, %get3A_1445 : vector<16xf32>
        %add3A_1447 = arith.constant 47 : i32
        %add3A_1448 = arith.addi %mul3A_130, %add3A_1447 : i32
        %get3A_1449 = arith.index_cast %add3A_1448 : i32 to index
        %get3A_1450 = arith.constant 32 : index
        %get3A_1451 = tpu.vector_load %arg6[%get3A_1449, %get3A_1450] {strides = array<i32>} : memref<400x64xf32, #tpu.memory_space<vmem>>, vector<1x16xf32>,
        %get3A_1452 = vector.shape_cast %get3A_1451 : vector<1x16xf32> to vector<16xf32>
        %max3A_1453 = arith.maximumf %max3A_1425, %get3A_1452 : vector<16xf32>
        %add3A_1454 = arith.constant 47 : i32
        %add3A_1455 = arith.addi %mul3A_130, %add3A_1454 : i32
        %get3A_1456 = arith.index_cast %add3A_1455 : i32 to index
        %get3A_1457 = arith.constant 48 : index
        %get3A_1458 = tpu.vector_load %arg6[%get3A_1456, %get3A_1457] {strides = array<i32>} : memref<400x64xf32, #tpu.memory_space<vmem>>, vector<1x16xf32>,
        %get3A_1459 = vector.shape_cast %get3A_1458 : vector<1x16xf32> to vector<16xf32>
        %max3A_1460 = arith.maximumf %max3A_1432, %get3A_1459 : vector<16xf32>
        %add3A_1461 = arith.constant 48 : i32
        %add3A_1462 = arith.addi %mul3A_130, %add3A_1461 : i32
        %get3A_1463 = arith.index_cast %add3A_1462 : i32 to index
        %get3A_1464 = arith.constant 0 : index
        %get3A_1465 = tpu.vector_load %arg6[%get3A_1463, %get3A_1464] {strides = array<i32>} : memref<400x64xf32, #tpu.memory_space<vmem>>, vector<1x16xf32>,
        %get3A_1466 = vector.shape_cast %get3A_1465 : vector<1x16xf32> to vector<16xf32>
        %max3A_1467 = arith.maximumf %max3A_1439, %get3A_1466 : vector<16xf32>
        %add3A_1468 = arith.constant 48 : i32
        %add3A_1469 = arith.addi %mul3A_130, %add3A_1468 : i32
        %get3A_1470 = arith.index_cast %add3A_1469 : i32 to index
        %get3A_1471 = arith.constant 16 : index
        %get3A_1472 = tpu.vector_load %arg6[%get3A_1470, %get3A_1471] {strides = array<i32>} : memref<400x64xf32, #tpu.memory_space<vmem>>, vector<1x16xf32>,
        %get3A_1473 = vector.shape_cast %get3A_1472 : vector<1x16xf32> to vector<16xf32>
        %max3A_1474 = arith.maximumf %max3A_1446, %get3A_1473 : vector<16xf32>
        %add3A_1475 = arith.constant 48 : i32
        %add3A_1476 = arith.addi %mul3A_130, %add3A_1475 : i32
        %get3A_1477 = arith.index_cast %add3A_1476 : i32 to index
        %get3A_1478 = arith.constant 32 : index
        %get3A_1479 = tpu.vector_load %arg6[%get3A_1477, %get3A_1478] {strides = array<i32>} : memref<400x64xf32, #tpu.memory_space<vmem>>, vector<1x16xf32>,
        %get3A_1480 = vector.shape_cast %get3A_1479 : vector<1x16xf32> to vector<16xf32>
        %max3A_1481 = arith.maximumf %max3A_1453, %get3A_1480 : vector<16xf32>
        %add3A_1482 = arith.constant 48 : i32
        %add3A_1483 = arith.addi %mul3A_130, %add3A_1482 : i32
        %get3A_1484 = arith.index_cast %add3A_1483 : i32 to index
        %get3A_1485 = arith.constant 48 : index
        %get3A_1486 = tpu.vector_load %arg6[%get3A_1484, %get3A_1485] {strides = array<i32>} : memref<400x64xf32, #tpu.memory_space<vmem>>, vector<1x16xf32>,
        %get3A_1487 = vector.shape_cast %get3A_1486 : vector<1x16xf32> to vector<16xf32>
        %max3A_1488 = arith.maximumf %max3A_1460, %get3A_1487 : vector<16xf32>
        %add3A_1489 = arith.constant 49 : i32
        %add3A_1490 = arith.addi %mul3A_130, %add3A_1489 : i32
        %get3A_1491 = arith.index_cast %add3A_1490 : i32 to index
        %get3A_1492 = arith.constant 0 : index
        %get3A_1493 = tpu.vector_load %arg6[%get3A_1491, %get3A_1492] {strides = array<i32>} : memref<400x64xf32, #tpu.memory_space<vmem>>, vector<1x16xf32>,
        %get3A_1494 = vector.shape_cast %get3A_1493 : vector<1x16xf32> to vector<16xf32>
        %max3A_1495 = arith.maximumf %max3A_1467, %get3A_1494 : vector<16xf32>
        %add3A_1496 = arith.constant 49 : i32
        %add3A_1497 = arith.addi %mul3A_130, %add3A_1496 : i32
        %get3A_1498 = arith.index_cast %add3A_1497 : i32 to index
        %get3A_1499 = arith.constant 16 : index
        %get3A_1500 = tpu.vector_load %arg6[%get3A_1498, %get3A_1499] {strides = array<i32>} : memref<400x64xf32, #tpu.memory_space<vmem>>, vector<1x16xf32>,
        %get3A_1501 = vector.shape_cast %get3A_1500 : vector<1x16xf32> to vector<16xf32>
        %max3A_1502 = arith.maximumf %max3A_1474, %get3A_1501 : vector<16xf32>
        %add3A_1503 = arith.constant 49 : i32
        %add3A_1504 = arith.addi %mul3A_130, %add3A_1503 : i32
        %get3A_1505 = arith.index_cast %add3A_1504 : i32 to index
        %get3A_1506 = arith.constant 32 : index
        %get3A_1507 = tpu.vector_load %arg6[%get3A_1505, %get3A_1506] {strides = array<i32>} : memref<400x64xf32, #tpu.memory_space<vmem>>, vector<1x16xf32>,
        %get3A_1508 = vector.shape_cast %get3A_1507 : vector<1x16xf32> to vector<16xf32>
        %max3A_1509 = arith.maximumf %max3A_1481, %get3A_1508 : vector<16xf32>
        %add3A_1510 = arith.constant 49 : i32
        %add3A_1511 = arith.addi %mul3A_130, %add3A_1510 : i32
        %get3A_1512 = arith.index_cast %add3A_1511 : i32 to index
        %get3A_1513 = arith.constant 48 : index
        %get3A_1514 = tpu.vector_load %arg6[%get3A_1512, %get3A_1513] {strides = array<i32>} : memref<400x64xf32, #tpu.memory_space<vmem>>, vector<1x16xf32>,
        %get3A_1515 = vector.shape_cast %get3A_1514 : vector<1x16xf32> to vector<16xf32>
        %max3A_1516 = arith.maximumf %max3A_1488, %get3A_1515 : vector<16xf32>
        %mul3A_1517 = arith.constant 8 : i32
        %mul3A_1518 = arith.muli %mul3A_89, %mul3A_1517 : i32
        %add3A_1519 = arith.addi %mul3A_1518, %scan3A_128 : i32
        %swap3A = arith.index_cast %add3A_1519 : i32 to index
        %swap3A_1520 = arith.constant 0 : index
        %swap3A_1521 = tpu.vector_load %arg8[%swap3A, %swap3A_1520] {strides = array<i32>} : memref<512x64xf32, #tpu.memory_space<vmem>>, vector<1x16xf32>,
        %swap3A_1522 = vector.shape_cast %swap3A_1521 : vector<1x16xf32> to vector<16xf32>
        %swap3A_1523 = vector.shape_cast %max3A_1495 : vector<16xf32> to vector<1x16xf32>
        tpu.vector_store %arg8[%swap3A, %swap3A_1520], %swap3A_1523 {strides = array<i32>} : memref<512x64xf32, #tpu.memory_space<vmem>>, vector<1x16xf32>,
        %mul3A_1524 = arith.constant 8 : i32
        %mul3A_1525 = arith.muli %mul3A_89, %mul3A_1524 : i32
        %add3A_1526 = arith.addi %mul3A_1525, %scan3A_128 : i32
        %swap3A_1527 = arith.index_cast %add3A_1526 : i32 to index
        %swap3A_1528 = arith.constant 16 : index
        %swap3A_1529 = tpu.vector_load %arg8[%swap3A_1527, %swap3A_1528] {strides = array<i32>} : memref<512x64xf32, #tpu.memory_space<vmem>>, vector<1x16xf32>,
        %swap3A_1530 = vector.shape_cast %swap3A_1529 : vector<1x16xf32> to vector<16xf32>
        %swap3A_1531 = vector.shape_cast %max3A_1502 : vector<16xf32> to vector<1x16xf32>
        tpu.vector_store %arg8[%swap3A_1527, %swap3A_1528], %swap3A_1531 {strides = array<i32>} : memref<512x64xf32, #tpu.memory_space<vmem>>, vector<1x16xf32>,
        %mul3A_1532 = arith.constant 8 : i32
        %mul3A_1533 = arith.muli %mul3A_89, %mul3A_1532 : i32
        %add3A_1534 = arith.addi %mul3A_1533, %scan3A_128 : i32
        %swap3A_1535 = arith.index_cast %add3A_1534 : i32 to index
        %swap3A_1536 = arith.constant 32 : index
        %swap3A_1537 = tpu.vector_load %arg8[%swap3A_1535, %swap3A_1536] {strides = array<i32>} : memref<512x64xf32, #tpu.memory_space<vmem>>, vector<1x16xf32>,
        %swap3A_1538 = vector.shape_cast %swap3A_1537 : vector<1x16xf32> to vector<16xf32>
        %swap3A_1539 = vector.shape_cast %max3A_1509 : vector<16xf32> to vector<1x16xf32>
        tpu.vector_store %arg8[%swap3A_1535, %swap3A_1536], %swap3A_1539 {strides = array<i32>} : memref<512x64xf32, #tpu.memory_space<vmem>>, vector<1x16xf32>,
        %mul3A_1540 = arith.constant 8 : i32
        %mul3A_1541 = arith.muli %mul3A_89, %mul3A_1540 : i32
        %add3A_1542 = arith.addi %mul3A_1541, %scan3A_128 : i32
        %swap3A_1543 = arith.index_cast %add3A_1542 : i32 to index
        %swap3A_1544 = arith.constant 48 : index
        %swap3A_1545 = tpu.vector_load %arg8[%swap3A_1543, %swap3A_1544] {strides = array<i32>} : memref<512x64xf32, #tpu.memory_space<vmem>>, vector<1x16xf32>,
        %swap3A_1546 = vector.shape_cast %swap3A_1545 : vector<1x16xf32> to vector<16xf32>
        %swap3A_1547 = vector.shape_cast %max3A_1516 : vector<16xf32> to vector<1x16xf32>
        tpu.vector_store %arg8[%swap3A_1543, %swap3A_1544], %swap3A_1547 {strides = array<i32>} : memref<512x64xf32, #tpu.memory_space<vmem>>, vector<1x16xf32>,
      }
      %scan3A_104 = arith.constant 8 : i32
      %mul3A_105 = arith.constant 2 : i32
      %mul3A_106 = arith.muli %mul3A_105, %scan3A_87 : i32
      %add3A_107 = arith.constant 1 : i32
      %add3A_108 = arith.addi %mul3A_106, %add3A_107 : i32
      %add3A_109 = arith.constant 1 : i32
      %add3A_110 = arith.addi %add3A_108, %add3A_109 : i32
      %lt3A_111 = arith.constant 64 : i32
      %lt3A_112 = arith.cmpi slt, %add3A_110, %lt3A_111 : i32
      %convert_element_type3A_113 = arith.extui %lt3A_112 : i1 to i32
      %cond3A_114 = arith.constant 0 : i32
      %cond3A_115 = arith.cmpi ne, %convert_element_type3A_113, %cond3A_114 : i32
      scf.if %cond3A_115 {
        %add3A_128 = arith.constant 1 : i32
        %add3A_129 = arith.addi %add3A_108, %add3A_128 : i32
        %mul3A_130 = arith.constant 8 : i32
        %mul3A_131 = arith.muli %add3A_129, %mul3A_130 : i32
        %add3A_132 = arith.constant 0 : i32
        %add3A_133 = arith.addi %mul3A_131, %add3A_132 : i32
        %dma_start3A_134 = arith.constant 0 : i32
        %dma_start3A_135 = arith.constant 0 : i32
        %dma_start3A_136 = tpu.memref_slice %arg6[%dma_start3A_134, %dma_start3A_135] : memref<400x64xf32, #tpu.memory_space<vmem>> -> memref<50x64xf32, #tpu.memory_space<vmem>>
        %dma_start3A_137 = arith.constant 0 : i32
        %dma_start3A_138 = tpu.memref_slice %arg5[%add3A_133, %dma_start3A_137] : memref<512x50xi32, #tpu.memory_space<vmem>> -> memref<1x50xi32, #tpu.memory_space<vmem>>
        %dma_start3A_139 = tpu.memref_squeeze %dma_start3A_138 : memref<1x50xi32, #tpu.memory_space<vmem>> -> memref<50xi32, #tpu.memory_space<vmem>>
        %dma_start3A_140 = arith.constant 0 : i32
        %dma_start3A_141 = arith.constant 0 : i32
        %dma_start3A_142 = tpu.memref_slice %arg3[%dma_start3A_140, %dma_start3A_141] : memref<1000000x64xf32, #tpu.memory_space<hbm>> -> memref<1000000x64xf32, #tpu.memory_space<hbm>>
        tpu.enqueue_indirect_dma source(%dma_start3A_142 : memref<1000000x64xf32, #tpu.memory_space<hbm>>) target(%dma_start3A_136 : memref<50x64xf32, #tpu.memory_space<vmem>>) offsets(%dma_start3A_139 : memref<50xi32, #tpu.memory_space<vmem>>) semaphore(%arg9 : memref<!tpu.dma_semaphore, #tpu.memory_space<semaphore_mem>>)
        %mul3A_143 = arith.constant 8 : i32
        %mul3A_144 = arith.muli %add3A_129, %mul3A_143 : i32
        %add3A_145 = arith.constant 1 : i32
        %add3A_146 = arith.addi %mul3A_144, %add3A_145 : i32
        %dma_start3A_147 = arith.constant 50 : i32
        %dma_start3A_148 = arith.constant 0 : i32
        %dma_start3A_149 = tpu.memref_slice %arg6[%dma_start3A_147, %dma_start3A_148] : memref<400x64xf32, #tpu.memory_space<vmem>> -> memref<50x64xf32, #tpu.memory_space<vmem>>
        %dma_start3A_150 = arith.constant 0 : i32
        %dma_start3A_151 = tpu.memref_slice %arg5[%add3A_146, %dma_start3A_150] : memref<512x50xi32, #tpu.memory_space<vmem>> -> memref<1x50xi32, #tpu.memory_space<vmem>>
        %dma_start3A_152 = tpu.memref_squeeze %dma_start3A_151 : memref<1x50xi32, #tpu.memory_space<vmem>> -> memref<50xi32, #tpu.memory_space<vmem>>
        %dma_start3A_153 = arith.constant 0 : i32
        %dma_start3A_154 = arith.constant 0 : i32
        %dma_start3A_155 = tpu.memref_slice %arg3[%dma_start3A_153, %dma_start3A_154] : memref<1000000x64xf32, #tpu.memory_space<hbm>> -> memref<1000000x64xf32, #tpu.memory_space<hbm>>
        tpu.enqueue_indirect_dma source(%dma_start3A_155 : memref<1000000x64xf32, #tpu.memory_space<hbm>>) target(%dma_start3A_149 : memref<50x64xf32, #tpu.memory_space<vmem>>) offsets(%dma_start3A_152 : memref<50xi32, #tpu.memory_space<vmem>>) semaphore(%arg9 : memref<!tpu.dma_semaphore, #tpu.memory_space<semaphore_mem>>)
        %mul3A_156 = arith.constant 8 : i32
        %mul3A_157 = arith.muli %add3A_129, %mul3A_156 : i32
        %add3A_158 = arith.constant 2 : i32
        %add3A_159 = arith.addi %mul3A_157, %add3A_158 : i32
        %dma_start3A_160 = arith.constant 100 : i32
        %dma_start3A_161 = arith.constant 0 : i32
        %dma_start3A_162 = tpu.memref_slice %arg6[%dma_start3A_160, %dma_start3A_161] : memref<400x64xf32, #tpu.memory_space<vmem>> -> memref<50x64xf32, #tpu.memory_space<vmem>>
        %dma_start3A_163 = arith.constant 0 : i32
        %dma_start3A_164 = tpu.memref_slice %arg5[%add3A_159, %dma_start3A_163] : memref<512x50xi32, #tpu.memory_space<vmem>> -> memref<1x50xi32, #tpu.memory_space<vmem>>
        %dma_start3A_165 = tpu.memref_squeeze %dma_start3A_164 : memref<1x50xi32, #tpu.memory_space<vmem>> -> memref<50xi32, #tpu.memory_space<vmem>>
        %dma_start3A_166 = arith.constant 0 : i32
        %dma_start3A_167 = arith.constant 0 : i32
        %dma_start3A_168 = tpu.memref_slice %arg3[%dma_start3A_166, %dma_start3A_167] : memref<1000000x64xf32, #tpu.memory_space<hbm>> -> memref<1000000x64xf32, #tpu.memory_space<hbm>>
        tpu.enqueue_indirect_dma source(%dma_start3A_168 : memref<1000000x64xf32, #tpu.memory_space<hbm>>) target(%dma_start3A_162 : memref<50x64xf32, #tpu.memory_space<vmem>>) offsets(%dma_start3A_165 : memref<50xi32, #tpu.memory_space<vmem>>) semaphore(%arg9 : memref<!tpu.dma_semaphore, #tpu.memory_space<semaphore_mem>>)
        %mul3A_169 = arith.constant 8 : i32
        %mul3A_170 = arith.muli %add3A_129, %mul3A_169 : i32
        %add3A_171 = arith.constant 3 : i32
        %add3A_172 = arith.addi %mul3A_170, %add3A_171 : i32
        %dma_start3A_173 = arith.constant 150 : i32
        %dma_start3A_174 = arith.constant 0 : i32
        %dma_start3A_175 = tpu.memref_slice %arg6[%dma_start3A_173, %dma_start3A_174] : memref<400x64xf32, #tpu.memory_space<vmem>> -> memref<50x64xf32, #tpu.memory_space<vmem>>
        %dma_start3A_176 = arith.constant 0 : i32
        %dma_start3A_177 = tpu.memref_slice %arg5[%add3A_172, %dma_start3A_176] : memref<512x50xi32, #tpu.memory_space<vmem>> -> memref<1x50xi32, #tpu.memory_space<vmem>>
        %dma_start3A_178 = tpu.memref_squeeze %dma_start3A_177 : memref<1x50xi32, #tpu.memory_space<vmem>> -> memref<50xi32, #tpu.memory_space<vmem>>
        %dma_start3A_179 = arith.constant 0 : i32
        %dma_start3A_180 = arith.constant 0 : i32
        %dma_start3A_181 = tpu.memref_slice %arg3[%dma_start3A_179, %dma_start3A_180] : memref<1000000x64xf32, #tpu.memory_space<hbm>> -> memref<1000000x64xf32, #tpu.memory_space<hbm>>
        tpu.enqueue_indirect_dma source(%dma_start3A_181 : memref<1000000x64xf32, #tpu.memory_space<hbm>>) target(%dma_start3A_175 : memref<50x64xf32, #tpu.memory_space<vmem>>) offsets(%dma_start3A_178 : memref<50xi32, #tpu.memory_space<vmem>>) semaphore(%arg9 : memref<!tpu.dma_semaphore, #tpu.memory_space<semaphore_mem>>)
        %mul3A_182 = arith.constant 8 : i32
        %mul3A_183 = arith.muli %add3A_129, %mul3A_182 : i32
        %add3A_184 = arith.constant 4 : i32
        %add3A_185 = arith.addi %mul3A_183, %add3A_184 : i32
        %dma_start3A_186 = arith.constant 200 : i32
        %dma_start3A_187 = arith.constant 0 : i32
        %dma_start3A_188 = tpu.memref_slice %arg6[%dma_start3A_186, %dma_start3A_187] : memref<400x64xf32, #tpu.memory_space<vmem>> -> memref<50x64xf32, #tpu.memory_space<vmem>>
        %dma_start3A_189 = arith.constant 0 : i32
        %dma_start3A_190 = tpu.memref_slice %arg5[%add3A_185, %dma_start3A_189] : memref<512x50xi32, #tpu.memory_space<vmem>> -> memref<1x50xi32, #tpu.memory_space<vmem>>
        %dma_start3A_191 = tpu.memref_squeeze %dma_start3A_190 : memref<1x50xi32, #tpu.memory_space<vmem>> -> memref<50xi32, #tpu.memory_space<vmem>>
        %dma_start3A_192 = arith.constant 0 : i32
        %dma_start3A_193 = arith.constant 0 : i32
        %dma_start3A_194 = tpu.memref_slice %arg3[%dma_start3A_192, %dma_start3A_193] : memref<1000000x64xf32, #tpu.memory_space<hbm>> -> memref<1000000x64xf32, #tpu.memory_space<hbm>>
        tpu.enqueue_indirect_dma source(%dma_start3A_194 : memref<1000000x64xf32, #tpu.memory_space<hbm>>) target(%dma_start3A_188 : memref<50x64xf32, #tpu.memory_space<vmem>>) offsets(%dma_start3A_191 : memref<50xi32, #tpu.memory_space<vmem>>) semaphore(%arg9 : memref<!tpu.dma_semaphore, #tpu.memory_space<semaphore_mem>>)
        %mul3A_195 = arith.constant 8 : i32
        %mul3A_196 = arith.muli %add3A_129, %mul3A_195 : i32
        %add3A_197 = arith.constant 5 : i32
        %add3A_198 = arith.addi %mul3A_196, %add3A_197 : i32
        %dma_start3A_199 = arith.constant 250 : i32
        %dma_start3A_200 = arith.constant 0 : i32
        %dma_start3A_201 = tpu.memref_slice %arg6[%dma_start3A_199, %dma_start3A_200] : memref<400x64xf32, #tpu.memory_space<vmem>> -> memref<50x64xf32, #tpu.memory_space<vmem>>
        %dma_start3A_202 = arith.constant 0 : i32
        %dma_start3A_203 = tpu.memref_slice %arg5[%add3A_198, %dma_start3A_202] : memref<512x50xi32, #tpu.memory_space<vmem>> -> memref<1x50xi32, #tpu.memory_space<vmem>>
        %dma_start3A_204 = tpu.memref_squeeze %dma_start3A_203 : memref<1x50xi32, #tpu.memory_space<vmem>> -> memref<50xi32, #tpu.memory_space<vmem>>
        %dma_start3A_205 = arith.constant 0 : i32
        %dma_start3A_206 = arith.constant 0 : i32
        %dma_start3A_207 = tpu.memref_slice %arg3[%dma_start3A_205, %dma_start3A_206] : memref<1000000x64xf32, #tpu.memory_space<hbm>> -> memref<1000000x64xf32, #tpu.memory_space<hbm>>
        tpu.enqueue_indirect_dma source(%dma_start3A_207 : memref<1000000x64xf32, #tpu.memory_space<hbm>>) target(%dma_start3A_201 : memref<50x64xf32, #tpu.memory_space<vmem>>) offsets(%dma_start3A_204 : memref<50xi32, #tpu.memory_space<vmem>>) semaphore(%arg9 : memref<!tpu.dma_semaphore, #tpu.memory_space<semaphore_mem>>)
        %mul3A_208 = arith.constant 8 : i32
        %mul3A_209 = arith.muli %add3A_129, %mul3A_208 : i32
        %add3A_210 = arith.constant 6 : i32
        %add3A_211 = arith.addi %mul3A_209, %add3A_210 : i32
        %dma_start3A_212 = arith.constant 300 : i32
        %dma_start3A_213 = arith.constant 0 : i32
        %dma_start3A_214 = tpu.memref_slice %arg6[%dma_start3A_212, %dma_start3A_213] : memref<400x64xf32, #tpu.memory_space<vmem>> -> memref<50x64xf32, #tpu.memory_space<vmem>>
        %dma_start3A_215 = arith.constant 0 : i32
        %dma_start3A_216 = tpu.memref_slice %arg5[%add3A_211, %dma_start3A_215] : memref<512x50xi32, #tpu.memory_space<vmem>> -> memref<1x50xi32, #tpu.memory_space<vmem>>
        %dma_start3A_217 = tpu.memref_squeeze %dma_start3A_216 : memref<1x50xi32, #tpu.memory_space<vmem>> -> memref<50xi32, #tpu.memory_space<vmem>>
        %dma_start3A_218 = arith.constant 0 : i32
        %dma_start3A_219 = arith.constant 0 : i32
        %dma_start3A_220 = tpu.memref_slice %arg3[%dma_start3A_218, %dma_start3A_219] : memref<1000000x64xf32, #tpu.memory_space<hbm>> -> memref<1000000x64xf32, #tpu.memory_space<hbm>>
        tpu.enqueue_indirect_dma source(%dma_start3A_220 : memref<1000000x64xf32, #tpu.memory_space<hbm>>) target(%dma_start3A_214 : memref<50x64xf32, #tpu.memory_space<vmem>>) offsets(%dma_start3A_217 : memref<50xi32, #tpu.memory_space<vmem>>) semaphore(%arg9 : memref<!tpu.dma_semaphore, #tpu.memory_space<semaphore_mem>>)
        %mul3A_221 = arith.constant 8 : i32
        %mul3A_222 = arith.muli %add3A_129, %mul3A_221 : i32
        %add3A_223 = arith.constant 7 : i32
        %add3A_224 = arith.addi %mul3A_222, %add3A_223 : i32
        %dma_start3A_225 = arith.constant 350 : i32
        %dma_start3A_226 = arith.constant 0 : i32
        %dma_start3A_227 = tpu.memref_slice %arg6[%dma_start3A_225, %dma_start3A_226] : memref<400x64xf32, #tpu.memory_space<vmem>> -> memref<50x64xf32, #tpu.memory_space<vmem>>
        %dma_start3A_228 = arith.constant 0 : i32
        %dma_start3A_229 = tpu.memref_slice %arg5[%add3A_224, %dma_start3A_228] : memref<512x50xi32, #tpu.memory_space<vmem>> -> memref<1x50xi32, #tpu.memory_space<vmem>>
        %dma_start3A_230 = tpu.memref_squeeze %dma_start3A_229 : memref<1x50xi32, #tpu.memory_space<vmem>> -> memref<50xi32, #tpu.memory_space<vmem>>
        %dma_start3A_231 = arith.constant 0 : i32
        %dma_start3A_232 = arith.constant 0 : i32
        %dma_start3A_233 = tpu.memref_slice %arg3[%dma_start3A_231, %dma_start3A_232] : memref<1000000x64xf32, #tpu.memory_space<hbm>> -> memref<1000000x64xf32, #tpu.memory_space<hbm>>
        tpu.enqueue_indirect_dma source(%dma_start3A_233 : memref<1000000x64xf32, #tpu.memory_space<hbm>>) target(%dma_start3A_227 : memref<50x64xf32, #tpu.memory_space<vmem>>) offsets(%dma_start3A_230 : memref<50xi32, #tpu.memory_space<vmem>>) semaphore(%arg9 : memref<!tpu.dma_semaphore, #tpu.memory_space<semaphore_mem>>)
      } else {
      }
      %dma_wait3A_116 = arith.constant 0 : i32
      %dma_wait3A_117 = arith.constant 0 : i32
      %dma_wait3A_118 = tpu.memref_slice %arg3[%dma_wait3A_116, %dma_wait3A_117] : memref<1000000x64xf32, #tpu.memory_space<hbm>> -> memref<400x64xf32, #tpu.memory_space<hbm>>
      %dma_wait3A_119 = arith.constant 0 : i32
      %dma_wait3A_120 = arith.constant 0 : i32
      %dma_wait3A_121 = tpu.memref_slice %arg3[%dma_wait3A_119, %dma_wait3A_120] : memref<1000000x64xf32, #tpu.memory_space<hbm>> -> memref<400x64xf32, #tpu.memory_space<hbm>>
      tpu.wait_dma2 semaphore(%arg10 : memref<!tpu.dma_semaphore, #tpu.memory_space<semaphore_mem>>) src(%dma_wait3A_121 : memref<400x64xf32, #tpu.memory_space<hbm>>) dst(%arg7 : memref<400x64xf32, #tpu.memory_space<vmem>>)
      %scan3A_122 = arith.constant 0 : i32
      %scan3A_123 = arith.constant 0 : i32
      %scan3A_124 = arith.constant 8 : i32
      %scan3A_125 = arith.addi %scan3A_123, %scan3A_124 : i32
      %scan3A_126 = arith.constant 1 : i32
      scf.for %scan3A_128 = %scan3A_123 to %scan3A_125 step %scan3A_126  : i32 {
        %mul3A_129 = arith.constant 50 : i32
        %mul3A_130 = arith.muli %scan3A_128, %mul3A_129 : i32
        %get3A = arith.index_cast %mul3A_130 : i32 to index
        %get3A_131 = arith.constant 0 : index
        %get3A_132 = tpu.vector_load %arg7[%get3A, %get3A_131] {strides = array<i32>} : memref<400x64xf32, #tpu.memory_space<vmem>>, vector<1x16xf32>,
        %get3A_133 = vector.shape_cast %get3A_132 : vector<1x16xf32> to vector<16xf32>
        %get3A_134 = arith.index_cast %mul3A_130 : i32 to index
        %get3A_135 = arith.constant 16 : index
        %get3A_136 = tpu.vector_load %arg7[%get3A_134, %get3A_135] {strides = array<i32>} : memref<400x64xf32, #tpu.memory_space<vmem>>, vector<1x16xf32>,
        %get3A_137 = vector.shape_cast %get3A_136 : vector<1x16xf32> to vector<16xf32>
        %get3A_138 = arith.index_cast %mul3A_130 : i32 to index
        %get3A_139 = arith.constant 32 : index
        %get3A_140 = tpu.vector_load %arg7[%get3A_138, %get3A_139] {strides = array<i32>} : memref<400x64xf32, #tpu.memory_space<vmem>>, vector<1x16xf32>,
        %get3A_141 = vector.shape_cast %get3A_140 : vector<1x16xf32> to vector<16xf32>
        %get3A_142 = arith.index_cast %mul3A_130 : i32 to index
        %get3A_143 = arith.constant 48 : index
        %get3A_144 = tpu.vector_load %arg7[%get3A_142, %get3A_143] {strides = array<i32>} : memref<400x64xf32, #tpu.memory_space<vmem>>, vector<1x16xf32>,
        %get3A_145 = vector.shape_cast %get3A_144 : vector<1x16xf32> to vector<16xf32>
        %add3A_146 = arith.constant 1 : i32
        %add3A_147 = arith.addi %mul3A_130, %add3A_146 : i32
        %get3A_148 = arith.index_cast %add3A_147 : i32 to index
        %get3A_149 = arith.constant 0 : index
        %get3A_150 = tpu.vector_load %arg7[%get3A_148, %get3A_149] {strides = array<i32>} : memref<400x64xf32, #tpu.memory_space<vmem>>, vector<1x16xf32>,
        %get3A_151 = vector.shape_cast %get3A_150 : vector<1x16xf32> to vector<16xf32>
        %max3A = arith.maximumf %get3A_133, %get3A_151 : vector<16xf32>
        %add3A_152 = arith.constant 1 : i32
        %add3A_153 = arith.addi %mul3A_130, %add3A_152 : i32
        %get3A_154 = arith.index_cast %add3A_153 : i32 to index
        %get3A_155 = arith.constant 16 : index
        %get3A_156 = tpu.vector_load %arg7[%get3A_154, %get3A_155] {strides = array<i32>} : memref<400x64xf32, #tpu.memory_space<vmem>>, vector<1x16xf32>,
        %get3A_157 = vector.shape_cast %get3A_156 : vector<1x16xf32> to vector<16xf32>
        %max3A_158 = arith.maximumf %get3A_137, %get3A_157 : vector<16xf32>
        %add3A_159 = arith.constant 1 : i32
        %add3A_160 = arith.addi %mul3A_130, %add3A_159 : i32
        %get3A_161 = arith.index_cast %add3A_160 : i32 to index
        %get3A_162 = arith.constant 32 : index
        %get3A_163 = tpu.vector_load %arg7[%get3A_161, %get3A_162] {strides = array<i32>} : memref<400x64xf32, #tpu.memory_space<vmem>>, vector<1x16xf32>,
        %get3A_164 = vector.shape_cast %get3A_163 : vector<1x16xf32> to vector<16xf32>
        %max3A_165 = arith.maximumf %get3A_141, %get3A_164 : vector<16xf32>
        %add3A_166 = arith.constant 1 : i32
        %add3A_167 = arith.addi %mul3A_130, %add3A_166 : i32
        %get3A_168 = arith.index_cast %add3A_167 : i32 to index
        %get3A_169 = arith.constant 48 : index
        %get3A_170 = tpu.vector_load %arg7[%get3A_168, %get3A_169] {strides = array<i32>} : memref<400x64xf32, #tpu.memory_space<vmem>>, vector<1x16xf32>,
        %get3A_171 = vector.shape_cast %get3A_170 : vector<1x16xf32> to vector<16xf32>
        %max3A_172 = arith.maximumf %get3A_145, %get3A_171 : vector<16xf32>
        %add3A_173 = arith.constant 2 : i32
        %add3A_174 = arith.addi %mul3A_130, %add3A_173 : i32
        %get3A_175 = arith.index_cast %add3A_174 : i32 to index
        %get3A_176 = arith.constant 0 : index
        %get3A_177 = tpu.vector_load %arg7[%get3A_175, %get3A_176] {strides = array<i32>} : memref<400x64xf32, #tpu.memory_space<vmem>>, vector<1x16xf32>,
        %get3A_178 = vector.shape_cast %get3A_177 : vector<1x16xf32> to vector<16xf32>
        %max3A_179 = arith.maximumf %max3A, %get3A_178 : vector<16xf32>
        %add3A_180 = arith.constant 2 : i32
        %add3A_181 = arith.addi %mul3A_130, %add3A_180 : i32
        %get3A_182 = arith.index_cast %add3A_181 : i32 to index
        %get3A_183 = arith.constant 16 : index
        %get3A_184 = tpu.vector_load %arg7[%get3A_182, %get3A_183] {strides = array<i32>} : memref<400x64xf32, #tpu.memory_space<vmem>>, vector<1x16xf32>,
        %get3A_185 = vector.shape_cast %get3A_184 : vector<1x16xf32> to vector<16xf32>
        %max3A_186 = arith.maximumf %max3A_158, %get3A_185 : vector<16xf32>
        %add3A_187 = arith.constant 2 : i32
        %add3A_188 = arith.addi %mul3A_130, %add3A_187 : i32
        %get3A_189 = arith.index_cast %add3A_188 : i32 to index
        %get3A_190 = arith.constant 32 : index
        %get3A_191 = tpu.vector_load %arg7[%get3A_189, %get3A_190] {strides = array<i32>} : memref<400x64xf32, #tpu.memory_space<vmem>>, vector<1x16xf32>,
        %get3A_192 = vector.shape_cast %get3A_191 : vector<1x16xf32> to vector<16xf32>
        %max3A_193 = arith.maximumf %max3A_165, %get3A_192 : vector<16xf32>
        %add3A_194 = arith.constant 2 : i32
        %add3A_195 = arith.addi %mul3A_130, %add3A_194 : i32
        %get3A_196 = arith.index_cast %add3A_195 : i32 to index
        %get3A_197 = arith.constant 48 : index
        %get3A_198 = tpu.vector_load %arg7[%get3A_196, %get3A_197] {strides = array<i32>} : memref<400x64xf32, #tpu.memory_space<vmem>>, vector<1x16xf32>,
        %get3A_199 = vector.shape_cast %get3A_198 : vector<1x16xf32> to vector<16xf32>
        %max3A_200 = arith.maximumf %max3A_172, %get3A_199 : vector<16xf32>
        %add3A_201 = arith.constant 3 : i32
        %add3A_202 = arith.addi %mul3A_130, %add3A_201 : i32
        %get3A_203 = arith.index_cast %add3A_202 : i32 to index
        %get3A_204 = arith.constant 0 : index
        %get3A_205 = tpu.vector_load %arg7[%get3A_203, %get3A_204] {strides = array<i32>} : memref<400x64xf32, #tpu.memory_space<vmem>>, vector<1x16xf32>,
        %get3A_206 = vector.shape_cast %get3A_205 : vector<1x16xf32> to vector<16xf32>
        %max3A_207 = arith.maximumf %max3A_179, %get3A_206 : vector<16xf32>
        %add3A_208 = arith.constant 3 : i32
        %add3A_209 = arith.addi %mul3A_130, %add3A_208 : i32
        %get3A_210 = arith.index_cast %add3A_209 : i32 to index
        %get3A_211 = arith.constant 16 : index
        %get3A_212 = tpu.vector_load %arg7[%get3A_210, %get3A_211] {strides = array<i32>} : memref<400x64xf32, #tpu.memory_space<vmem>>, vector<1x16xf32>,
        %get3A_213 = vector.shape_cast %get3A_212 : vector<1x16xf32> to vector<16xf32>
        %max3A_214 = arith.maximumf %max3A_186, %get3A_213 : vector<16xf32>
        %add3A_215 = arith.constant 3 : i32
        %add3A_216 = arith.addi %mul3A_130, %add3A_215 : i32
        %get3A_217 = arith.index_cast %add3A_216 : i32 to index
        %get3A_218 = arith.constant 32 : index
        %get3A_219 = tpu.vector_load %arg7[%get3A_217, %get3A_218] {strides = array<i32>} : memref<400x64xf32, #tpu.memory_space<vmem>>, vector<1x16xf32>,
        %get3A_220 = vector.shape_cast %get3A_219 : vector<1x16xf32> to vector<16xf32>
        %max3A_221 = arith.maximumf %max3A_193, %get3A_220 : vector<16xf32>
        %add3A_222 = arith.constant 3 : i32
        %add3A_223 = arith.addi %mul3A_130, %add3A_222 : i32
        %get3A_224 = arith.index_cast %add3A_223 : i32 to index
        %get3A_225 = arith.constant 48 : index
        %get3A_226 = tpu.vector_load %arg7[%get3A_224, %get3A_225] {strides = array<i32>} : memref<400x64xf32, #tpu.memory_space<vmem>>, vector<1x16xf32>,
        %get3A_227 = vector.shape_cast %get3A_226 : vector<1x16xf32> to vector<16xf32>
        %max3A_228 = arith.maximumf %max3A_200, %get3A_227 : vector<16xf32>
        %add3A_229 = arith.constant 4 : i32
        %add3A_230 = arith.addi %mul3A_130, %add3A_229 : i32
        %get3A_231 = arith.index_cast %add3A_230 : i32 to index
        %get3A_232 = arith.constant 0 : index
        %get3A_233 = tpu.vector_load %arg7[%get3A_231, %get3A_232] {strides = array<i32>} : memref<400x64xf32, #tpu.memory_space<vmem>>, vector<1x16xf32>,
        %get3A_234 = vector.shape_cast %get3A_233 : vector<1x16xf32> to vector<16xf32>
        %max3A_235 = arith.maximumf %max3A_207, %get3A_234 : vector<16xf32>
        %add3A_236 = arith.constant 4 : i32
        %add3A_237 = arith.addi %mul3A_130, %add3A_236 : i32
        %get3A_238 = arith.index_cast %add3A_237 : i32 to index
        %get3A_239 = arith.constant 16 : index
        %get3A_240 = tpu.vector_load %arg7[%get3A_238, %get3A_239] {strides = array<i32>} : memref<400x64xf32, #tpu.memory_space<vmem>>, vector<1x16xf32>,
        %get3A_241 = vector.shape_cast %get3A_240 : vector<1x16xf32> to vector<16xf32>
        %max3A_242 = arith.maximumf %max3A_214, %get3A_241 : vector<16xf32>
        %add3A_243 = arith.constant 4 : i32
        %add3A_244 = arith.addi %mul3A_130, %add3A_243 : i32
        %get3A_245 = arith.index_cast %add3A_244 : i32 to index
        %get3A_246 = arith.constant 32 : index
        %get3A_247 = tpu.vector_load %arg7[%get3A_245, %get3A_246] {strides = array<i32>} : memref<400x64xf32, #tpu.memory_space<vmem>>, vector<1x16xf32>,
        %get3A_248 = vector.shape_cast %get3A_247 : vector<1x16xf32> to vector<16xf32>
        %max3A_249 = arith.maximumf %max3A_221, %get3A_248 : vector<16xf32>
        %add3A_250 = arith.constant 4 : i32
        %add3A_251 = arith.addi %mul3A_130, %add3A_250 : i32
        %get3A_252 = arith.index_cast %add3A_251 : i32 to index
        %get3A_253 = arith.constant 48 : index
        %get3A_254 = tpu.vector_load %arg7[%get3A_252, %get3A_253] {strides = array<i32>} : memref<400x64xf32, #tpu.memory_space<vmem>>, vector<1x16xf32>,
        %get3A_255 = vector.shape_cast %get3A_254 : vector<1x16xf32> to vector<16xf32>
        %max3A_256 = arith.maximumf %max3A_228, %get3A_255 : vector<16xf32>
        %add3A_257 = arith.constant 5 : i32
        %add3A_258 = arith.addi %mul3A_130, %add3A_257 : i32
        %get3A_259 = arith.index_cast %add3A_258 : i32 to index
        %get3A_260 = arith.constant 0 : index
        %get3A_261 = tpu.vector_load %arg7[%get3A_259, %get3A_260] {strides = array<i32>} : memref<400x64xf32, #tpu.memory_space<vmem>>, vector<1x16xf32>,
        %get3A_262 = vector.shape_cast %get3A_261 : vector<1x16xf32> to vector<16xf32>
        %max3A_263 = arith.maximumf %max3A_235, %get3A_262 : vector<16xf32>
        %add3A_264 = arith.constant 5 : i32
        %add3A_265 = arith.addi %mul3A_130, %add3A_264 : i32
        %get3A_266 = arith.index_cast %add3A_265 : i32 to index
        %get3A_267 = arith.constant 16 : index
        %get3A_268 = tpu.vector_load %arg7[%get3A_266, %get3A_267] {strides = array<i32>} : memref<400x64xf32, #tpu.memory_space<vmem>>, vector<1x16xf32>,
        %get3A_269 = vector.shape_cast %get3A_268 : vector<1x16xf32> to vector<16xf32>
        %max3A_270 = arith.maximumf %max3A_242, %get3A_269 : vector<16xf32>
        %add3A_271 = arith.constant 5 : i32
        %add3A_272 = arith.addi %mul3A_130, %add3A_271 : i32
        %get3A_273 = arith.index_cast %add3A_272 : i32 to index
        %get3A_274 = arith.constant 32 : index
        %get3A_275 = tpu.vector_load %arg7[%get3A_273, %get3A_274] {strides = array<i32>} : memref<400x64xf32, #tpu.memory_space<vmem>>, vector<1x16xf32>,
        %get3A_276 = vector.shape_cast %get3A_275 : vector<1x16xf32> to vector<16xf32>
        %max3A_277 = arith.maximumf %max3A_249, %get3A_276 : vector<16xf32>
        %add3A_278 = arith.constant 5 : i32
        %add3A_279 = arith.addi %mul3A_130, %add3A_278 : i32
        %get3A_280 = arith.index_cast %add3A_279 : i32 to index
        %get3A_281 = arith.constant 48 : index
        %get3A_282 = tpu.vector_load %arg7[%get3A_280, %get3A_281] {strides = array<i32>} : memref<400x64xf32, #tpu.memory_space<vmem>>, vector<1x16xf32>,
        %get3A_283 = vector.shape_cast %get3A_282 : vector<1x16xf32> to vector<16xf32>
        %max3A_284 = arith.maximumf %max3A_256, %get3A_283 : vector<16xf32>
        %add3A_285 = arith.constant 6 : i32
        %add3A_286 = arith.addi %mul3A_130, %add3A_285 : i32
        %get3A_287 = arith.index_cast %add3A_286 : i32 to index
        %get3A_288 = arith.constant 0 : index
        %get3A_289 = tpu.vector_load %arg7[%get3A_287, %get3A_288] {strides = array<i32>} : memref<400x64xf32, #tpu.memory_space<vmem>>, vector<1x16xf32>,
        %get3A_290 = vector.shape_cast %get3A_289 : vector<1x16xf32> to vector<16xf32>
        %max3A_291 = arith.maximumf %max3A_263, %get3A_290 : vector<16xf32>
        %add3A_292 = arith.constant 6 : i32
        %add3A_293 = arith.addi %mul3A_130, %add3A_292 : i32
        %get3A_294 = arith.index_cast %add3A_293 : i32 to index
        %get3A_295 = arith.constant 16 : index
        %get3A_296 = tpu.vector_load %arg7[%get3A_294, %get3A_295] {strides = array<i32>} : memref<400x64xf32, #tpu.memory_space<vmem>>, vector<1x16xf32>,
        %get3A_297 = vector.shape_cast %get3A_296 : vector<1x16xf32> to vector<16xf32>
        %max3A_298 = arith.maximumf %max3A_270, %get3A_297 : vector<16xf32>
        %add3A_299 = arith.constant 6 : i32
        %add3A_300 = arith.addi %mul3A_130, %add3A_299 : i32
        %get3A_301 = arith.index_cast %add3A_300 : i32 to index
        %get3A_302 = arith.constant 32 : index
        %get3A_303 = tpu.vector_load %arg7[%get3A_301, %get3A_302] {strides = array<i32>} : memref<400x64xf32, #tpu.memory_space<vmem>>, vector<1x16xf32>,
        %get3A_304 = vector.shape_cast %get3A_303 : vector<1x16xf32> to vector<16xf32>
        %max3A_305 = arith.maximumf %max3A_277, %get3A_304 : vector<16xf32>
        %add3A_306 = arith.constant 6 : i32
        %add3A_307 = arith.addi %mul3A_130, %add3A_306 : i32
        %get3A_308 = arith.index_cast %add3A_307 : i32 to index
        %get3A_309 = arith.constant 48 : index
        %get3A_310 = tpu.vector_load %arg7[%get3A_308, %get3A_309] {strides = array<i32>} : memref<400x64xf32, #tpu.memory_space<vmem>>, vector<1x16xf32>,
        %get3A_311 = vector.shape_cast %get3A_310 : vector<1x16xf32> to vector<16xf32>
        %max3A_312 = arith.maximumf %max3A_284, %get3A_311 : vector<16xf32>
        %add3A_313 = arith.constant 7 : i32
        %add3A_314 = arith.addi %mul3A_130, %add3A_313 : i32
        %get3A_315 = arith.index_cast %add3A_314 : i32 to index
        %get3A_316 = arith.constant 0 : index
        %get3A_317 = tpu.vector_load %arg7[%get3A_315, %get3A_316] {strides = array<i32>} : memref<400x64xf32, #tpu.memory_space<vmem>>, vector<1x16xf32>,
        %get3A_318 = vector.shape_cast %get3A_317 : vector<1x16xf32> to vector<16xf32>
        %max3A_319 = arith.maximumf %max3A_291, %get3A_318 : vector<16xf32>
        %add3A_320 = arith.constant 7 : i32
        %add3A_321 = arith.addi %mul3A_130, %add3A_320 : i32
        %get3A_322 = arith.index_cast %add3A_321 : i32 to index
        %get3A_323 = arith.constant 16 : index
        %get3A_324 = tpu.vector_load %arg7[%get3A_322, %get3A_323] {strides = array<i32>} : memref<400x64xf32, #tpu.memory_space<vmem>>, vector<1x16xf32>,
        %get3A_325 = vector.shape_cast %get3A_324 : vector<1x16xf32> to vector<16xf32>
        %max3A_326 = arith.maximumf %max3A_298, %get3A_325 : vector<16xf32>
        %add3A_327 = arith.constant 7 : i32
        %add3A_328 = arith.addi %mul3A_130, %add3A_327 : i32
        %get3A_329 = arith.index_cast %add3A_328 : i32 to index
        %get3A_330 = arith.constant 32 : index
        %get3A_331 = tpu.vector_load %arg7[%get3A_329, %get3A_330] {strides = array<i32>} : memref<400x64xf32, #tpu.memory_space<vmem>>, vector<1x16xf32>,
        %get3A_332 = vector.shape_cast %get3A_331 : vector<1x16xf32> to vector<16xf32>
        %max3A_333 = arith.maximumf %max3A_305, %get3A_332 : vector<16xf32>
        %add3A_334 = arith.constant 7 : i32
        %add3A_335 = arith.addi %mul3A_130, %add3A_334 : i32
        %get3A_336 = arith.index_cast %add3A_335 : i32 to index
        %get3A_337 = arith.constant 48 : index
        %get3A_338 = tpu.vector_load %arg7[%get3A_336, %get3A_337] {strides = array<i32>} : memref<400x64xf32, #tpu.memory_space<vmem>>, vector<1x16xf32>,
        %get3A_339 = vector.shape_cast %get3A_338 : vector<1x16xf32> to vector<16xf32>
        %max3A_340 = arith.maximumf %max3A_312, %get3A_339 : vector<16xf32>
        %add3A_341 = arith.constant 8 : i32
        %add3A_342 = arith.addi %mul3A_130, %add3A_341 : i32
        %get3A_343 = arith.index_cast %add3A_342 : i32 to index
        %get3A_344 = arith.constant 0 : index
        %get3A_345 = tpu.vector_load %arg7[%get3A_343, %get3A_344] {strides = array<i32>} : memref<400x64xf32, #tpu.memory_space<vmem>>, vector<1x16xf32>,
        %get3A_346 = vector.shape_cast %get3A_345 : vector<1x16xf32> to vector<16xf32>
        %max3A_347 = arith.maximumf %max3A_319, %get3A_346 : vector<16xf32>
        %add3A_348 = arith.constant 8 : i32
        %add3A_349 = arith.addi %mul3A_130, %add3A_348 : i32
        %get3A_350 = arith.index_cast %add3A_349 : i32 to index
        %get3A_351 = arith.constant 16 : index
        %get3A_352 = tpu.vector_load %arg7[%get3A_350, %get3A_351] {strides = array<i32>} : memref<400x64xf32, #tpu.memory_space<vmem>>, vector<1x16xf32>,
        %get3A_353 = vector.shape_cast %get3A_352 : vector<1x16xf32> to vector<16xf32>
        %max3A_354 = arith.maximumf %max3A_326, %get3A_353 : vector<16xf32>
        %add3A_355 = arith.constant 8 : i32
        %add3A_356 = arith.addi %mul3A_130, %add3A_355 : i32
        %get3A_357 = arith.index_cast %add3A_356 : i32 to index
        %get3A_358 = arith.constant 32 : index
        %get3A_359 = tpu.vector_load %arg7[%get3A_357, %get3A_358] {strides = array<i32>} : memref<400x64xf32, #tpu.memory_space<vmem>>, vector<1x16xf32>,
        %get3A_360 = vector.shape_cast %get3A_359 : vector<1x16xf32> to vector<16xf32>
        %max3A_361 = arith.maximumf %max3A_333, %get3A_360 : vector<16xf32>
        %add3A_362 = arith.constant 8 : i32
        %add3A_363 = arith.addi %mul3A_130, %add3A_362 : i32
        %get3A_364 = arith.index_cast %add3A_363 : i32 to index
        %get3A_365 = arith.constant 48 : index
        %get3A_366 = tpu.vector_load %arg7[%get3A_364, %get3A_365] {strides = array<i32>} : memref<400x64xf32, #tpu.memory_space<vmem>>, vector<1x16xf32>,
        %get3A_367 = vector.shape_cast %get3A_366 : vector<1x16xf32> to vector<16xf32>
        %max3A_368 = arith.maximumf %max3A_340, %get3A_367 : vector<16xf32>
        %add3A_369 = arith.constant 9 : i32
        %add3A_370 = arith.addi %mul3A_130, %add3A_369 : i32
        %get3A_371 = arith.index_cast %add3A_370 : i32 to index
        %get3A_372 = arith.constant 0 : index
        %get3A_373 = tpu.vector_load %arg7[%get3A_371, %get3A_372] {strides = array<i32>} : memref<400x64xf32, #tpu.memory_space<vmem>>, vector<1x16xf32>,
        %get3A_374 = vector.shape_cast %get3A_373 : vector<1x16xf32> to vector<16xf32>
        %max3A_375 = arith.maximumf %max3A_347, %get3A_374 : vector<16xf32>
        %add3A_376 = arith.constant 9 : i32
        %add3A_377 = arith.addi %mul3A_130, %add3A_376 : i32
        %get3A_378 = arith.index_cast %add3A_377 : i32 to index
        %get3A_379 = arith.constant 16 : index
        %get3A_380 = tpu.vector_load %arg7[%get3A_378, %get3A_379] {strides = array<i32>} : memref<400x64xf32, #tpu.memory_space<vmem>>, vector<1x16xf32>,
        %get3A_381 = vector.shape_cast %get3A_380 : vector<1x16xf32> to vector<16xf32>
        %max3A_382 = arith.maximumf %max3A_354, %get3A_381 : vector<16xf32>
        %add3A_383 = arith.constant 9 : i32
        %add3A_384 = arith.addi %mul3A_130, %add3A_383 : i32
        %get3A_385 = arith.index_cast %add3A_384 : i32 to index
        %get3A_386 = arith.constant 32 : index
        %get3A_387 = tpu.vector_load %arg7[%get3A_385, %get3A_386] {strides = array<i32>} : memref<400x64xf32, #tpu.memory_space<vmem>>, vector<1x16xf32>,
        %get3A_388 = vector.shape_cast %get3A_387 : vector<1x16xf32> to vector<16xf32>
        %max3A_389 = arith.maximumf %max3A_361, %get3A_388 : vector<16xf32>
        %add3A_390 = arith.constant 9 : i32
        %add3A_391 = arith.addi %mul3A_130, %add3A_390 : i32
        %get3A_392 = arith.index_cast %add3A_391 : i32 to index
        %get3A_393 = arith.constant 48 : index
        %get3A_394 = tpu.vector_load %arg7[%get3A_392, %get3A_393] {strides = array<i32>} : memref<400x64xf32, #tpu.memory_space<vmem>>, vector<1x16xf32>,
        %get3A_395 = vector.shape_cast %get3A_394 : vector<1x16xf32> to vector<16xf32>
        %max3A_396 = arith.maximumf %max3A_368, %get3A_395 : vector<16xf32>
        %add3A_397 = arith.constant 10 : i32
        %add3A_398 = arith.addi %mul3A_130, %add3A_397 : i32
        %get3A_399 = arith.index_cast %add3A_398 : i32 to index
        %get3A_400 = arith.constant 0 : index
        %get3A_401 = tpu.vector_load %arg7[%get3A_399, %get3A_400] {strides = array<i32>} : memref<400x64xf32, #tpu.memory_space<vmem>>, vector<1x16xf32>,
        %get3A_402 = vector.shape_cast %get3A_401 : vector<1x16xf32> to vector<16xf32>
        %max3A_403 = arith.maximumf %max3A_375, %get3A_402 : vector<16xf32>
        %add3A_404 = arith.constant 10 : i32
        %add3A_405 = arith.addi %mul3A_130, %add3A_404 : i32
        %get3A_406 = arith.index_cast %add3A_405 : i32 to index
        %get3A_407 = arith.constant 16 : index
        %get3A_408 = tpu.vector_load %arg7[%get3A_406, %get3A_407] {strides = array<i32>} : memref<400x64xf32, #tpu.memory_space<vmem>>, vector<1x16xf32>,
        %get3A_409 = vector.shape_cast %get3A_408 : vector<1x16xf32> to vector<16xf32>
        %max3A_410 = arith.maximumf %max3A_382, %get3A_409 : vector<16xf32>
        %add3A_411 = arith.constant 10 : i32
        %add3A_412 = arith.addi %mul3A_130, %add3A_411 : i32
        %get3A_413 = arith.index_cast %add3A_412 : i32 to index
        %get3A_414 = arith.constant 32 : index
        %get3A_415 = tpu.vector_load %arg7[%get3A_413, %get3A_414] {strides = array<i32>} : memref<400x64xf32, #tpu.memory_space<vmem>>, vector<1x16xf32>,
        %get3A_416 = vector.shape_cast %get3A_415 : vector<1x16xf32> to vector<16xf32>
        %max3A_417 = arith.maximumf %max3A_389, %get3A_416 : vector<16xf32>
        %add3A_418 = arith.constant 10 : i32
        %add3A_419 = arith.addi %mul3A_130, %add3A_418 : i32
        %get3A_420 = arith.index_cast %add3A_419 : i32 to index
        %get3A_421 = arith.constant 48 : index
        %get3A_422 = tpu.vector_load %arg7[%get3A_420, %get3A_421] {strides = array<i32>} : memref<400x64xf32, #tpu.memory_space<vmem>>, vector<1x16xf32>,
        %get3A_423 = vector.shape_cast %get3A_422 : vector<1x16xf32> to vector<16xf32>
        %max3A_424 = arith.maximumf %max3A_396, %get3A_423 : vector<16xf32>
        %add3A_425 = arith.constant 11 : i32
        %add3A_426 = arith.addi %mul3A_130, %add3A_425 : i32
        %get3A_427 = arith.index_cast %add3A_426 : i32 to index
        %get3A_428 = arith.constant 0 : index
        %get3A_429 = tpu.vector_load %arg7[%get3A_427, %get3A_428] {strides = array<i32>} : memref<400x64xf32, #tpu.memory_space<vmem>>, vector<1x16xf32>,
        %get3A_430 = vector.shape_cast %get3A_429 : vector<1x16xf32> to vector<16xf32>
        %max3A_431 = arith.maximumf %max3A_403, %get3A_430 : vector<16xf32>
        %add3A_432 = arith.constant 11 : i32
        %add3A_433 = arith.addi %mul3A_130, %add3A_432 : i32
        %get3A_434 = arith.index_cast %add3A_433 : i32 to index
        %get3A_435 = arith.constant 16 : index
        %get3A_436 = tpu.vector_load %arg7[%get3A_434, %get3A_435] {strides = array<i32>} : memref<400x64xf32, #tpu.memory_space<vmem>>, vector<1x16xf32>,
        %get3A_437 = vector.shape_cast %get3A_436 : vector<1x16xf32> to vector<16xf32>
        %max3A_438 = arith.maximumf %max3A_410, %get3A_437 : vector<16xf32>
        %add3A_439 = arith.constant 11 : i32
        %add3A_440 = arith.addi %mul3A_130, %add3A_439 : i32
        %get3A_441 = arith.index_cast %add3A_440 : i32 to index
        %get3A_442 = arith.constant 32 : index
        %get3A_443 = tpu.vector_load %arg7[%get3A_441, %get3A_442] {strides = array<i32>} : memref<400x64xf32, #tpu.memory_space<vmem>>, vector<1x16xf32>,
        %get3A_444 = vector.shape_cast %get3A_443 : vector<1x16xf32> to vector<16xf32>
        %max3A_445 = arith.maximumf %max3A_417, %get3A_444 : vector<16xf32>
        %add3A_446 = arith.constant 11 : i32
        %add3A_447 = arith.addi %mul3A_130, %add3A_446 : i32
        %get3A_448 = arith.index_cast %add3A_447 : i32 to index
        %get3A_449 = arith.constant 48 : index
        %get3A_450 = tpu.vector_load %arg7[%get3A_448, %get3A_449] {strides = array<i32>} : memref<400x64xf32, #tpu.memory_space<vmem>>, vector<1x16xf32>,
        %get3A_451 = vector.shape_cast %get3A_450 : vector<1x16xf32> to vector<16xf32>
        %max3A_452 = arith.maximumf %max3A_424, %get3A_451 : vector<16xf32>
        %add3A_453 = arith.constant 12 : i32
        %add3A_454 = arith.addi %mul3A_130, %add3A_453 : i32
        %get3A_455 = arith.index_cast %add3A_454 : i32 to index
        %get3A_456 = arith.constant 0 : index
        %get3A_457 = tpu.vector_load %arg7[%get3A_455, %get3A_456] {strides = array<i32>} : memref<400x64xf32, #tpu.memory_space<vmem>>, vector<1x16xf32>,
        %get3A_458 = vector.shape_cast %get3A_457 : vector<1x16xf32> to vector<16xf32>
        %max3A_459 = arith.maximumf %max3A_431, %get3A_458 : vector<16xf32>
        %add3A_460 = arith.constant 12 : i32
        %add3A_461 = arith.addi %mul3A_130, %add3A_460 : i32
        %get3A_462 = arith.index_cast %add3A_461 : i32 to index
        %get3A_463 = arith.constant 16 : index
        %get3A_464 = tpu.vector_load %arg7[%get3A_462, %get3A_463] {strides = array<i32>} : memref<400x64xf32, #tpu.memory_space<vmem>>, vector<1x16xf32>,
        %get3A_465 = vector.shape_cast %get3A_464 : vector<1x16xf32> to vector<16xf32>
        %max3A_466 = arith.maximumf %max3A_438, %get3A_465 : vector<16xf32>
        %add3A_467 = arith.constant 12 : i32
        %add3A_468 = arith.addi %mul3A_130, %add3A_467 : i32
        %get3A_469 = arith.index_cast %add3A_468 : i32 to index
        %get3A_470 = arith.constant 32 : index
        %get3A_471 = tpu.vector_load %arg7[%get3A_469, %get3A_470] {strides = array<i32>} : memref<400x64xf32, #tpu.memory_space<vmem>>, vector<1x16xf32>,
        %get3A_472 = vector.shape_cast %get3A_471 : vector<1x16xf32> to vector<16xf32>
        %max3A_473 = arith.maximumf %max3A_445, %get3A_472 : vector<16xf32>
        %add3A_474 = arith.constant 12 : i32
        %add3A_475 = arith.addi %mul3A_130, %add3A_474 : i32
        %get3A_476 = arith.index_cast %add3A_475 : i32 to index
        %get3A_477 = arith.constant 48 : index
        %get3A_478 = tpu.vector_load %arg7[%get3A_476, %get3A_477] {strides = array<i32>} : memref<400x64xf32, #tpu.memory_space<vmem>>, vector<1x16xf32>,
        %get3A_479 = vector.shape_cast %get3A_478 : vector<1x16xf32> to vector<16xf32>
        %max3A_480 = arith.maximumf %max3A_452, %get3A_479 : vector<16xf32>
        %add3A_481 = arith.constant 13 : i32
        %add3A_482 = arith.addi %mul3A_130, %add3A_481 : i32
        %get3A_483 = arith.index_cast %add3A_482 : i32 to index
        %get3A_484 = arith.constant 0 : index
        %get3A_485 = tpu.vector_load %arg7[%get3A_483, %get3A_484] {strides = array<i32>} : memref<400x64xf32, #tpu.memory_space<vmem>>, vector<1x16xf32>,
        %get3A_486 = vector.shape_cast %get3A_485 : vector<1x16xf32> to vector<16xf32>
        %max3A_487 = arith.maximumf %max3A_459, %get3A_486 : vector<16xf32>
        %add3A_488 = arith.constant 13 : i32
        %add3A_489 = arith.addi %mul3A_130, %add3A_488 : i32
        %get3A_490 = arith.index_cast %add3A_489 : i32 to index
        %get3A_491 = arith.constant 16 : index
        %get3A_492 = tpu.vector_load %arg7[%get3A_490, %get3A_491] {strides = array<i32>} : memref<400x64xf32, #tpu.memory_space<vmem>>, vector<1x16xf32>,
        %get3A_493 = vector.shape_cast %get3A_492 : vector<1x16xf32> to vector<16xf32>
        %max3A_494 = arith.maximumf %max3A_466, %get3A_493 : vector<16xf32>
        %add3A_495 = arith.constant 13 : i32
        %add3A_496 = arith.addi %mul3A_130, %add3A_495 : i32
        %get3A_497 = arith.index_cast %add3A_496 : i32 to index
        %get3A_498 = arith.constant 32 : index
        %get3A_499 = tpu.vector_load %arg7[%get3A_497, %get3A_498] {strides = array<i32>} : memref<400x64xf32, #tpu.memory_space<vmem>>, vector<1x16xf32>,
        %get3A_500 = vector.shape_cast %get3A_499 : vector<1x16xf32> to vector<16xf32>
        %max3A_501 = arith.maximumf %max3A_473, %get3A_500 : vector<16xf32>
        %add3A_502 = arith.constant 13 : i32
        %add3A_503 = arith.addi %mul3A_130, %add3A_502 : i32
        %get3A_504 = arith.index_cast %add3A_503 : i32 to index
        %get3A_505 = arith.constant 48 : index
        %get3A_506 = tpu.vector_load %arg7[%get3A_504, %get3A_505] {strides = array<i32>} : memref<400x64xf32, #tpu.memory_space<vmem>>, vector<1x16xf32>,
        %get3A_507 = vector.shape_cast %get3A_506 : vector<1x16xf32> to vector<16xf32>
        %max3A_508 = arith.maximumf %max3A_480, %get3A_507 : vector<16xf32>
        %add3A_509 = arith.constant 14 : i32
        %add3A_510 = arith.addi %mul3A_130, %add3A_509 : i32
        %get3A_511 = arith.index_cast %add3A_510 : i32 to index
        %get3A_512 = arith.constant 0 : index
        %get3A_513 = tpu.vector_load %arg7[%get3A_511, %get3A_512] {strides = array<i32>} : memref<400x64xf32, #tpu.memory_space<vmem>>, vector<1x16xf32>,
        %get3A_514 = vector.shape_cast %get3A_513 : vector<1x16xf32> to vector<16xf32>
        %max3A_515 = arith.maximumf %max3A_487, %get3A_514 : vector<16xf32>
        %add3A_516 = arith.constant 14 : i32
        %add3A_517 = arith.addi %mul3A_130, %add3A_516 : i32
        %get3A_518 = arith.index_cast %add3A_517 : i32 to index
        %get3A_519 = arith.constant 16 : index
        %get3A_520 = tpu.vector_load %arg7[%get3A_518, %get3A_519] {strides = array<i32>} : memref<400x64xf32, #tpu.memory_space<vmem>>, vector<1x16xf32>,
        %get3A_521 = vector.shape_cast %get3A_520 : vector<1x16xf32> to vector<16xf32>
        %max3A_522 = arith.maximumf %max3A_494, %get3A_521 : vector<16xf32>
        %add3A_523 = arith.constant 14 : i32
        %add3A_524 = arith.addi %mul3A_130, %add3A_523 : i32
        %get3A_525 = arith.index_cast %add3A_524 : i32 to index
        %get3A_526 = arith.constant 32 : index
        %get3A_527 = tpu.vector_load %arg7[%get3A_525, %get3A_526] {strides = array<i32>} : memref<400x64xf32, #tpu.memory_space<vmem>>, vector<1x16xf32>,
        %get3A_528 = vector.shape_cast %get3A_527 : vector<1x16xf32> to vector<16xf32>
        %max3A_529 = arith.maximumf %max3A_501, %get3A_528 : vector<16xf32>
        %add3A_530 = arith.constant 14 : i32
        %add3A_531 = arith.addi %mul3A_130, %add3A_530 : i32
        %get3A_532 = arith.index_cast %add3A_531 : i32 to index
        %get3A_533 = arith.constant 48 : index
        %get3A_534 = tpu.vector_load %arg7[%get3A_532, %get3A_533] {strides = array<i32>} : memref<400x64xf32, #tpu.memory_space<vmem>>, vector<1x16xf32>,
        %get3A_535 = vector.shape_cast %get3A_534 : vector<1x16xf32> to vector<16xf32>
        %max3A_536 = arith.maximumf %max3A_508, %get3A_535 : vector<16xf32>
        %add3A_537 = arith.constant 15 : i32
        %add3A_538 = arith.addi %mul3A_130, %add3A_537 : i32
        %get3A_539 = arith.index_cast %add3A_538 : i32 to index
        %get3A_540 = arith.constant 0 : index
        %get3A_541 = tpu.vector_load %arg7[%get3A_539, %get3A_540] {strides = array<i32>} : memref<400x64xf32, #tpu.memory_space<vmem>>, vector<1x16xf32>,
        %get3A_542 = vector.shape_cast %get3A_541 : vector<1x16xf32> to vector<16xf32>
        %max3A_543 = arith.maximumf %max3A_515, %get3A_542 : vector<16xf32>
        %add3A_544 = arith.constant 15 : i32
        %add3A_545 = arith.addi %mul3A_130, %add3A_544 : i32
        %get3A_546 = arith.index_cast %add3A_545 : i32 to index
        %get3A_547 = arith.constant 16 : index
        %get3A_548 = tpu.vector_load %arg7[%get3A_546, %get3A_547] {strides = array<i32>} : memref<400x64xf32, #tpu.memory_space<vmem>>, vector<1x16xf32>,
        %get3A_549 = vector.shape_cast %get3A_548 : vector<1x16xf32> to vector<16xf32>
        %max3A_550 = arith.maximumf %max3A_522, %get3A_549 : vector<16xf32>
        %add3A_551 = arith.constant 15 : i32
        %add3A_552 = arith.addi %mul3A_130, %add3A_551 : i32
        %get3A_553 = arith.index_cast %add3A_552 : i32 to index
        %get3A_554 = arith.constant 32 : index
        %get3A_555 = tpu.vector_load %arg7[%get3A_553, %get3A_554] {strides = array<i32>} : memref<400x64xf32, #tpu.memory_space<vmem>>, vector<1x16xf32>,
        %get3A_556 = vector.shape_cast %get3A_555 : vector<1x16xf32> to vector<16xf32>
        %max3A_557 = arith.maximumf %max3A_529, %get3A_556 : vector<16xf32>
        %add3A_558 = arith.constant 15 : i32
        %add3A_559 = arith.addi %mul3A_130, %add3A_558 : i32
        %get3A_560 = arith.index_cast %add3A_559 : i32 to index
        %get3A_561 = arith.constant 48 : index
        %get3A_562 = tpu.vector_load %arg7[%get3A_560, %get3A_561] {strides = array<i32>} : memref<400x64xf32, #tpu.memory_space<vmem>>, vector<1x16xf32>,
        %get3A_563 = vector.shape_cast %get3A_562 : vector<1x16xf32> to vector<16xf32>
        %max3A_564 = arith.maximumf %max3A_536, %get3A_563 : vector<16xf32>
        %add3A_565 = arith.constant 16 : i32
        %add3A_566 = arith.addi %mul3A_130, %add3A_565 : i32
        %get3A_567 = arith.index_cast %add3A_566 : i32 to index
        %get3A_568 = arith.constant 0 : index
        %get3A_569 = tpu.vector_load %arg7[%get3A_567, %get3A_568] {strides = array<i32>} : memref<400x64xf32, #tpu.memory_space<vmem>>, vector<1x16xf32>,
        %get3A_570 = vector.shape_cast %get3A_569 : vector<1x16xf32> to vector<16xf32>
        %max3A_571 = arith.maximumf %max3A_543, %get3A_570 : vector<16xf32>
        %add3A_572 = arith.constant 16 : i32
        %add3A_573 = arith.addi %mul3A_130, %add3A_572 : i32
        %get3A_574 = arith.index_cast %add3A_573 : i32 to index
        %get3A_575 = arith.constant 16 : index
        %get3A_576 = tpu.vector_load %arg7[%get3A_574, %get3A_575] {strides = array<i32>} : memref<400x64xf32, #tpu.memory_space<vmem>>, vector<1x16xf32>,
        %get3A_577 = vector.shape_cast %get3A_576 : vector<1x16xf32> to vector<16xf32>
        %max3A_578 = arith.maximumf %max3A_550, %get3A_577 : vector<16xf32>
        %add3A_579 = arith.constant 16 : i32
        %add3A_580 = arith.addi %mul3A_130, %add3A_579 : i32
        %get3A_581 = arith.index_cast %add3A_580 : i32 to index
        %get3A_582 = arith.constant 32 : index
        %get3A_583 = tpu.vector_load %arg7[%get3A_581, %get3A_582] {strides = array<i32>} : memref<400x64xf32, #tpu.memory_space<vmem>>, vector<1x16xf32>,
        %get3A_584 = vector.shape_cast %get3A_583 : vector<1x16xf32> to vector<16xf32>
        %max3A_585 = arith.maximumf %max3A_557, %get3A_584 : vector<16xf32>
        %add3A_586 = arith.constant 16 : i32
        %add3A_587 = arith.addi %mul3A_130, %add3A_586 : i32
        %get3A_588 = arith.index_cast %add3A_587 : i32 to index
        %get3A_589 = arith.constant 48 : index
        %get3A_590 = tpu.vector_load %arg7[%get3A_588, %get3A_589] {strides = array<i32>} : memref<400x64xf32, #tpu.memory_space<vmem>>, vector<1x16xf32>,
        %get3A_591 = vector.shape_cast %get3A_590 : vector<1x16xf32> to vector<16xf32>
        %max3A_592 = arith.maximumf %max3A_564, %get3A_591 : vector<16xf32>
        %add3A_593 = arith.constant 17 : i32
        %add3A_594 = arith.addi %mul3A_130, %add3A_593 : i32
        %get3A_595 = arith.index_cast %add3A_594 : i32 to index
        %get3A_596 = arith.constant 0 : index
        %get3A_597 = tpu.vector_load %arg7[%get3A_595, %get3A_596] {strides = array<i32>} : memref<400x64xf32, #tpu.memory_space<vmem>>, vector<1x16xf32>,
        %get3A_598 = vector.shape_cast %get3A_597 : vector<1x16xf32> to vector<16xf32>
        %max3A_599 = arith.maximumf %max3A_571, %get3A_598 : vector<16xf32>
        %add3A_600 = arith.constant 17 : i32
        %add3A_601 = arith.addi %mul3A_130, %add3A_600 : i32
        %get3A_602 = arith.index_cast %add3A_601 : i32 to index
        %get3A_603 = arith.constant 16 : index
        %get3A_604 = tpu.vector_load %arg7[%get3A_602, %get3A_603] {strides = array<i32>} : memref<400x64xf32, #tpu.memory_space<vmem>>, vector<1x16xf32>,
        %get3A_605 = vector.shape_cast %get3A_604 : vector<1x16xf32> to vector<16xf32>
        %max3A_606 = arith.maximumf %max3A_578, %get3A_605 : vector<16xf32>
        %add3A_607 = arith.constant 17 : i32
        %add3A_608 = arith.addi %mul3A_130, %add3A_607 : i32
        %get3A_609 = arith.index_cast %add3A_608 : i32 to index
        %get3A_610 = arith.constant 32 : index
        %get3A_611 = tpu.vector_load %arg7[%get3A_609, %get3A_610] {strides = array<i32>} : memref<400x64xf32, #tpu.memory_space<vmem>>, vector<1x16xf32>,
        %get3A_612 = vector.shape_cast %get3A_611 : vector<1x16xf32> to vector<16xf32>
        %max3A_613 = arith.maximumf %max3A_585, %get3A_612 : vector<16xf32>
        %add3A_614 = arith.constant 17 : i32
        %add3A_615 = arith.addi %mul3A_130, %add3A_614 : i32
        %get3A_616 = arith.index_cast %add3A_615 : i32 to index
        %get3A_617 = arith.constant 48 : index
        %get3A_618 = tpu.vector_load %arg7[%get3A_616, %get3A_617] {strides = array<i32>} : memref<400x64xf32, #tpu.memory_space<vmem>>, vector<1x16xf32>,
        %get3A_619 = vector.shape_cast %get3A_618 : vector<1x16xf32> to vector<16xf32>
        %max3A_620 = arith.maximumf %max3A_592, %get3A_619 : vector<16xf32>
        %add3A_621 = arith.constant 18 : i32
        %add3A_622 = arith.addi %mul3A_130, %add3A_621 : i32
        %get3A_623 = arith.index_cast %add3A_622 : i32 to index
        %get3A_624 = arith.constant 0 : index
        %get3A_625 = tpu.vector_load %arg7[%get3A_623, %get3A_624] {strides = array<i32>} : memref<400x64xf32, #tpu.memory_space<vmem>>, vector<1x16xf32>,
        %get3A_626 = vector.shape_cast %get3A_625 : vector<1x16xf32> to vector<16xf32>
        %max3A_627 = arith.maximumf %max3A_599, %get3A_626 : vector<16xf32>
        %add3A_628 = arith.constant 18 : i32
        %add3A_629 = arith.addi %mul3A_130, %add3A_628 : i32
        %get3A_630 = arith.index_cast %add3A_629 : i32 to index
        %get3A_631 = arith.constant 16 : index
        %get3A_632 = tpu.vector_load %arg7[%get3A_630, %get3A_631] {strides = array<i32>} : memref<400x64xf32, #tpu.memory_space<vmem>>, vector<1x16xf32>,
        %get3A_633 = vector.shape_cast %get3A_632 : vector<1x16xf32> to vector<16xf32>
        %max3A_634 = arith.maximumf %max3A_606, %get3A_633 : vector<16xf32>
        %add3A_635 = arith.constant 18 : i32
        %add3A_636 = arith.addi %mul3A_130, %add3A_635 : i32
        %get3A_637 = arith.index_cast %add3A_636 : i32 to index
        %get3A_638 = arith.constant 32 : index
        %get3A_639 = tpu.vector_load %arg7[%get3A_637, %get3A_638] {strides = array<i32>} : memref<400x64xf32, #tpu.memory_space<vmem>>, vector<1x16xf32>,
        %get3A_640 = vector.shape_cast %get3A_639 : vector<1x16xf32> to vector<16xf32>
        %max3A_641 = arith.maximumf %max3A_613, %get3A_640 : vector<16xf32>
        %add3A_642 = arith.constant 18 : i32
        %add3A_643 = arith.addi %mul3A_130, %add3A_642 : i32
        %get3A_644 = arith.index_cast %add3A_643 : i32 to index
        %get3A_645 = arith.constant 48 : index
        %get3A_646 = tpu.vector_load %arg7[%get3A_644, %get3A_645] {strides = array<i32>} : memref<400x64xf32, #tpu.memory_space<vmem>>, vector<1x16xf32>,
        %get3A_647 = vector.shape_cast %get3A_646 : vector<1x16xf32> to vector<16xf32>
        %max3A_648 = arith.maximumf %max3A_620, %get3A_647 : vector<16xf32>
        %add3A_649 = arith.constant 19 : i32
        %add3A_650 = arith.addi %mul3A_130, %add3A_649 : i32
        %get3A_651 = arith.index_cast %add3A_650 : i32 to index
        %get3A_652 = arith.constant 0 : index
        %get3A_653 = tpu.vector_load %arg7[%get3A_651, %get3A_652] {strides = array<i32>} : memref<400x64xf32, #tpu.memory_space<vmem>>, vector<1x16xf32>,
        %get3A_654 = vector.shape_cast %get3A_653 : vector<1x16xf32> to vector<16xf32>
        %max3A_655 = arith.maximumf %max3A_627, %get3A_654 : vector<16xf32>
        %add3A_656 = arith.constant 19 : i32
        %add3A_657 = arith.addi %mul3A_130, %add3A_656 : i32
        %get3A_658 = arith.index_cast %add3A_657 : i32 to index
        %get3A_659 = arith.constant 16 : index
        %get3A_660 = tpu.vector_load %arg7[%get3A_658, %get3A_659] {strides = array<i32>} : memref<400x64xf32, #tpu.memory_space<vmem>>, vector<1x16xf32>,
        %get3A_661 = vector.shape_cast %get3A_660 : vector<1x16xf32> to vector<16xf32>
        %max3A_662 = arith.maximumf %max3A_634, %get3A_661 : vector<16xf32>
        %add3A_663 = arith.constant 19 : i32
        %add3A_664 = arith.addi %mul3A_130, %add3A_663 : i32
        %get3A_665 = arith.index_cast %add3A_664 : i32 to index
        %get3A_666 = arith.constant 32 : index
        %get3A_667 = tpu.vector_load %arg7[%get3A_665, %get3A_666] {strides = array<i32>} : memref<400x64xf32, #tpu.memory_space<vmem>>, vector<1x16xf32>,
        %get3A_668 = vector.shape_cast %get3A_667 : vector<1x16xf32> to vector<16xf32>
        %max3A_669 = arith.maximumf %max3A_641, %get3A_668 : vector<16xf32>
        %add3A_670 = arith.constant 19 : i32
        %add3A_671 = arith.addi %mul3A_130, %add3A_670 : i32
        %get3A_672 = arith.index_cast %add3A_671 : i32 to index
        %get3A_673 = arith.constant 48 : index
        %get3A_674 = tpu.vector_load %arg7[%get3A_672, %get3A_673] {strides = array<i32>} : memref<400x64xf32, #tpu.memory_space<vmem>>, vector<1x16xf32>,
        %get3A_675 = vector.shape_cast %get3A_674 : vector<1x16xf32> to vector<16xf32>
        %max3A_676 = arith.maximumf %max3A_648, %get3A_675 : vector<16xf32>
        %add3A_677 = arith.constant 20 : i32
        %add3A_678 = arith.addi %mul3A_130, %add3A_677 : i32
        %get3A_679 = arith.index_cast %add3A_678 : i32 to index
        %get3A_680 = arith.constant 0 : index
        %get3A_681 = tpu.vector_load %arg7[%get3A_679, %get3A_680] {strides = array<i32>} : memref<400x64xf32, #tpu.memory_space<vmem>>, vector<1x16xf32>,
        %get3A_682 = vector.shape_cast %get3A_681 : vector<1x16xf32> to vector<16xf32>
        %max3A_683 = arith.maximumf %max3A_655, %get3A_682 : vector<16xf32>
        %add3A_684 = arith.constant 20 : i32
        %add3A_685 = arith.addi %mul3A_130, %add3A_684 : i32
        %get3A_686 = arith.index_cast %add3A_685 : i32 to index
        %get3A_687 = arith.constant 16 : index
        %get3A_688 = tpu.vector_load %arg7[%get3A_686, %get3A_687] {strides = array<i32>} : memref<400x64xf32, #tpu.memory_space<vmem>>, vector<1x16xf32>,
        %get3A_689 = vector.shape_cast %get3A_688 : vector<1x16xf32> to vector<16xf32>
        %max3A_690 = arith.maximumf %max3A_662, %get3A_689 : vector<16xf32>
        %add3A_691 = arith.constant 20 : i32
        %add3A_692 = arith.addi %mul3A_130, %add3A_691 : i32
        %get3A_693 = arith.index_cast %add3A_692 : i32 to index
        %get3A_694 = arith.constant 32 : index
        %get3A_695 = tpu.vector_load %arg7[%get3A_693, %get3A_694] {strides = array<i32>} : memref<400x64xf32, #tpu.memory_space<vmem>>, vector<1x16xf32>,
        %get3A_696 = vector.shape_cast %get3A_695 : vector<1x16xf32> to vector<16xf32>
        %max3A_697 = arith.maximumf %max3A_669, %get3A_696 : vector<16xf32>
        %add3A_698 = arith.constant 20 : i32
        %add3A_699 = arith.addi %mul3A_130, %add3A_698 : i32
        %get3A_700 = arith.index_cast %add3A_699 : i32 to index
        %get3A_701 = arith.constant 48 : index
        %get3A_702 = tpu.vector_load %arg7[%get3A_700, %get3A_701] {strides = array<i32>} : memref<400x64xf32, #tpu.memory_space<vmem>>, vector<1x16xf32>,
        %get3A_703 = vector.shape_cast %get3A_702 : vector<1x16xf32> to vector<16xf32>
        %max3A_704 = arith.maximumf %max3A_676, %get3A_703 : vector<16xf32>
        %add3A_705 = arith.constant 21 : i32
        %add3A_706 = arith.addi %mul3A_130, %add3A_705 : i32
        %get3A_707 = arith.index_cast %add3A_706 : i32 to index
        %get3A_708 = arith.constant 0 : index
        %get3A_709 = tpu.vector_load %arg7[%get3A_707, %get3A_708] {strides = array<i32>} : memref<400x64xf32, #tpu.memory_space<vmem>>, vector<1x16xf32>,
        %get3A_710 = vector.shape_cast %get3A_709 : vector<1x16xf32> to vector<16xf32>
        %max3A_711 = arith.maximumf %max3A_683, %get3A_710 : vector<16xf32>
        %add3A_712 = arith.constant 21 : i32
        %add3A_713 = arith.addi %mul3A_130, %add3A_712 : i32
        %get3A_714 = arith.index_cast %add3A_713 : i32 to index
        %get3A_715 = arith.constant 16 : index
        %get3A_716 = tpu.vector_load %arg7[%get3A_714, %get3A_715] {strides = array<i32>} : memref<400x64xf32, #tpu.memory_space<vmem>>, vector<1x16xf32>,
        %get3A_717 = vector.shape_cast %get3A_716 : vector<1x16xf32> to vector<16xf32>
        %max3A_718 = arith.maximumf %max3A_690, %get3A_717 : vector<16xf32>
        %add3A_719 = arith.constant 21 : i32
        %add3A_720 = arith.addi %mul3A_130, %add3A_719 : i32
        %get3A_721 = arith.index_cast %add3A_720 : i32 to index
        %get3A_722 = arith.constant 32 : index
        %get3A_723 = tpu.vector_load %arg7[%get3A_721, %get3A_722] {strides = array<i32>} : memref<400x64xf32, #tpu.memory_space<vmem>>, vector<1x16xf32>,
        %get3A_724 = vector.shape_cast %get3A_723 : vector<1x16xf32> to vector<16xf32>
        %max3A_725 = arith.maximumf %max3A_697, %get3A_724 : vector<16xf32>
        %add3A_726 = arith.constant 21 : i32
        %add3A_727 = arith.addi %mul3A_130, %add3A_726 : i32
        %get3A_728 = arith.index_cast %add3A_727 : i32 to index
        %get3A_729 = arith.constant 48 : index
        %get3A_730 = tpu.vector_load %arg7[%get3A_728, %get3A_729] {strides = array<i32>} : memref<400x64xf32, #tpu.memory_space<vmem>>, vector<1x16xf32>,
        %get3A_731 = vector.shape_cast %get3A_730 : vector<1x16xf32> to vector<16xf32>
        %max3A_732 = arith.maximumf %max3A_704, %get3A_731 : vector<16xf32>
        %add3A_733 = arith.constant 22 : i32
        %add3A_734 = arith.addi %mul3A_130, %add3A_733 : i32
        %get3A_735 = arith.index_cast %add3A_734 : i32 to index
        %get3A_736 = arith.constant 0 : index
        %get3A_737 = tpu.vector_load %arg7[%get3A_735, %get3A_736] {strides = array<i32>} : memref<400x64xf32, #tpu.memory_space<vmem>>, vector<1x16xf32>,
        %get3A_738 = vector.shape_cast %get3A_737 : vector<1x16xf32> to vector<16xf32>
        %max3A_739 = arith.maximumf %max3A_711, %get3A_738 : vector<16xf32>
        %add3A_740 = arith.constant 22 : i32
        %add3A_741 = arith.addi %mul3A_130, %add3A_740 : i32
        %get3A_742 = arith.index_cast %add3A_741 : i32 to index
        %get3A_743 = arith.constant 16 : index
        %get3A_744 = tpu.vector_load %arg7[%get3A_742, %get3A_743] {strides = array<i32>} : memref<400x64xf32, #tpu.memory_space<vmem>>, vector<1x16xf32>,
        %get3A_745 = vector.shape_cast %get3A_744 : vector<1x16xf32> to vector<16xf32>
        %max3A_746 = arith.maximumf %max3A_718, %get3A_745 : vector<16xf32>
        %add3A_747 = arith.constant 22 : i32
        %add3A_748 = arith.addi %mul3A_130, %add3A_747 : i32
        %get3A_749 = arith.index_cast %add3A_748 : i32 to index
        %get3A_750 = arith.constant 32 : index
        %get3A_751 = tpu.vector_load %arg7[%get3A_749, %get3A_750] {strides = array<i32>} : memref<400x64xf32, #tpu.memory_space<vmem>>, vector<1x16xf32>,
        %get3A_752 = vector.shape_cast %get3A_751 : vector<1x16xf32> to vector<16xf32>
        %max3A_753 = arith.maximumf %max3A_725, %get3A_752 : vector<16xf32>
        %add3A_754 = arith.constant 22 : i32
        %add3A_755 = arith.addi %mul3A_130, %add3A_754 : i32
        %get3A_756 = arith.index_cast %add3A_755 : i32 to index
        %get3A_757 = arith.constant 48 : index
        %get3A_758 = tpu.vector_load %arg7[%get3A_756, %get3A_757] {strides = array<i32>} : memref<400x64xf32, #tpu.memory_space<vmem>>, vector<1x16xf32>,
        %get3A_759 = vector.shape_cast %get3A_758 : vector<1x16xf32> to vector<16xf32>
        %max3A_760 = arith.maximumf %max3A_732, %get3A_759 : vector<16xf32>
        %add3A_761 = arith.constant 23 : i32
        %add3A_762 = arith.addi %mul3A_130, %add3A_761 : i32
        %get3A_763 = arith.index_cast %add3A_762 : i32 to index
        %get3A_764 = arith.constant 0 : index
        %get3A_765 = tpu.vector_load %arg7[%get3A_763, %get3A_764] {strides = array<i32>} : memref<400x64xf32, #tpu.memory_space<vmem>>, vector<1x16xf32>,
        %get3A_766 = vector.shape_cast %get3A_765 : vector<1x16xf32> to vector<16xf32>
        %max3A_767 = arith.maximumf %max3A_739, %get3A_766 : vector<16xf32>
        %add3A_768 = arith.constant 23 : i32
        %add3A_769 = arith.addi %mul3A_130, %add3A_768 : i32
        %get3A_770 = arith.index_cast %add3A_769 : i32 to index
        %get3A_771 = arith.constant 16 : index
        %get3A_772 = tpu.vector_load %arg7[%get3A_770, %get3A_771] {strides = array<i32>} : memref<400x64xf32, #tpu.memory_space<vmem>>, vector<1x16xf32>,
        %get3A_773 = vector.shape_cast %get3A_772 : vector<1x16xf32> to vector<16xf32>
        %max3A_774 = arith.maximumf %max3A_746, %get3A_773 : vector<16xf32>
        %add3A_775 = arith.constant 23 : i32
        %add3A_776 = arith.addi %mul3A_130, %add3A_775 : i32
        %get3A_777 = arith.index_cast %add3A_776 : i32 to index
        %get3A_778 = arith.constant 32 : index
        %get3A_779 = tpu.vector_load %arg7[%get3A_777, %get3A_778] {strides = array<i32>} : memref<400x64xf32, #tpu.memory_space<vmem>>, vector<1x16xf32>,
        %get3A_780 = vector.shape_cast %get3A_779 : vector<1x16xf32> to vector<16xf32>
        %max3A_781 = arith.maximumf %max3A_753, %get3A_780 : vector<16xf32>
        %add3A_782 = arith.constant 23 : i32
        %add3A_783 = arith.addi %mul3A_130, %add3A_782 : i32
        %get3A_784 = arith.index_cast %add3A_783 : i32 to index
        %get3A_785 = arith.constant 48 : index
        %get3A_786 = tpu.vector_load %arg7[%get3A_784, %get3A_785] {strides = array<i32>} : memref<400x64xf32, #tpu.memory_space<vmem>>, vector<1x16xf32>,
        %get3A_787 = vector.shape_cast %get3A_786 : vector<1x16xf32> to vector<16xf32>
        %max3A_788 = arith.maximumf %max3A_760, %get3A_787 : vector<16xf32>
        %add3A_789 = arith.constant 24 : i32
        %add3A_790 = arith.addi %mul3A_130, %add3A_789 : i32
        %get3A_791 = arith.index_cast %add3A_790 : i32 to index
        %get3A_792 = arith.constant 0 : index
        %get3A_793 = tpu.vector_load %arg7[%get3A_791, %get3A_792] {strides = array<i32>} : memref<400x64xf32, #tpu.memory_space<vmem>>, vector<1x16xf32>,
        %get3A_794 = vector.shape_cast %get3A_793 : vector<1x16xf32> to vector<16xf32>
        %max3A_795 = arith.maximumf %max3A_767, %get3A_794 : vector<16xf32>
        %add3A_796 = arith.constant 24 : i32
        %add3A_797 = arith.addi %mul3A_130, %add3A_796 : i32
        %get3A_798 = arith.index_cast %add3A_797 : i32 to index
        %get3A_799 = arith.constant 16 : index
        %get3A_800 = tpu.vector_load %arg7[%get3A_798, %get3A_799] {strides = array<i32>} : memref<400x64xf32, #tpu.memory_space<vmem>>, vector<1x16xf32>,
        %get3A_801 = vector.shape_cast %get3A_800 : vector<1x16xf32> to vector<16xf32>
        %max3A_802 = arith.maximumf %max3A_774, %get3A_801 : vector<16xf32>
        %add3A_803 = arith.constant 24 : i32
        %add3A_804 = arith.addi %mul3A_130, %add3A_803 : i32
        %get3A_805 = arith.index_cast %add3A_804 : i32 to index
        %get3A_806 = arith.constant 32 : index
        %get3A_807 = tpu.vector_load %arg7[%get3A_805, %get3A_806] {strides = array<i32>} : memref<400x64xf32, #tpu.memory_space<vmem>>, vector<1x16xf32>,
        %get3A_808 = vector.shape_cast %get3A_807 : vector<1x16xf32> to vector<16xf32>
        %max3A_809 = arith.maximumf %max3A_781, %get3A_808 : vector<16xf32>
        %add3A_810 = arith.constant 24 : i32
        %add3A_811 = arith.addi %mul3A_130, %add3A_810 : i32
        %get3A_812 = arith.index_cast %add3A_811 : i32 to index
        %get3A_813 = arith.constant 48 : index
        %get3A_814 = tpu.vector_load %arg7[%get3A_812, %get3A_813] {strides = array<i32>} : memref<400x64xf32, #tpu.memory_space<vmem>>, vector<1x16xf32>,
        %get3A_815 = vector.shape_cast %get3A_814 : vector<1x16xf32> to vector<16xf32>
        %max3A_816 = arith.maximumf %max3A_788, %get3A_815 : vector<16xf32>
        %add3A_817 = arith.constant 25 : i32
        %add3A_818 = arith.addi %mul3A_130, %add3A_817 : i32
        %get3A_819 = arith.index_cast %add3A_818 : i32 to index
        %get3A_820 = arith.constant 0 : index
        %get3A_821 = tpu.vector_load %arg7[%get3A_819, %get3A_820] {strides = array<i32>} : memref<400x64xf32, #tpu.memory_space<vmem>>, vector<1x16xf32>,
        %get3A_822 = vector.shape_cast %get3A_821 : vector<1x16xf32> to vector<16xf32>
        %max3A_823 = arith.maximumf %max3A_795, %get3A_822 : vector<16xf32>
        %add3A_824 = arith.constant 25 : i32
        %add3A_825 = arith.addi %mul3A_130, %add3A_824 : i32
        %get3A_826 = arith.index_cast %add3A_825 : i32 to index
        %get3A_827 = arith.constant 16 : index
        %get3A_828 = tpu.vector_load %arg7[%get3A_826, %get3A_827] {strides = array<i32>} : memref<400x64xf32, #tpu.memory_space<vmem>>, vector<1x16xf32>,
        %get3A_829 = vector.shape_cast %get3A_828 : vector<1x16xf32> to vector<16xf32>
        %max3A_830 = arith.maximumf %max3A_802, %get3A_829 : vector<16xf32>
        %add3A_831 = arith.constant 25 : i32
        %add3A_832 = arith.addi %mul3A_130, %add3A_831 : i32
        %get3A_833 = arith.index_cast %add3A_832 : i32 to index
        %get3A_834 = arith.constant 32 : index
        %get3A_835 = tpu.vector_load %arg7[%get3A_833, %get3A_834] {strides = array<i32>} : memref<400x64xf32, #tpu.memory_space<vmem>>, vector<1x16xf32>,
        %get3A_836 = vector.shape_cast %get3A_835 : vector<1x16xf32> to vector<16xf32>
        %max3A_837 = arith.maximumf %max3A_809, %get3A_836 : vector<16xf32>
        %add3A_838 = arith.constant 25 : i32
        %add3A_839 = arith.addi %mul3A_130, %add3A_838 : i32
        %get3A_840 = arith.index_cast %add3A_839 : i32 to index
        %get3A_841 = arith.constant 48 : index
        %get3A_842 = tpu.vector_load %arg7[%get3A_840, %get3A_841] {strides = array<i32>} : memref<400x64xf32, #tpu.memory_space<vmem>>, vector<1x16xf32>,
        %get3A_843 = vector.shape_cast %get3A_842 : vector<1x16xf32> to vector<16xf32>
        %max3A_844 = arith.maximumf %max3A_816, %get3A_843 : vector<16xf32>
        %add3A_845 = arith.constant 26 : i32
        %add3A_846 = arith.addi %mul3A_130, %add3A_845 : i32
        %get3A_847 = arith.index_cast %add3A_846 : i32 to index
        %get3A_848 = arith.constant 0 : index
        %get3A_849 = tpu.vector_load %arg7[%get3A_847, %get3A_848] {strides = array<i32>} : memref<400x64xf32, #tpu.memory_space<vmem>>, vector<1x16xf32>,
        %get3A_850 = vector.shape_cast %get3A_849 : vector<1x16xf32> to vector<16xf32>
        %max3A_851 = arith.maximumf %max3A_823, %get3A_850 : vector<16xf32>
        %add3A_852 = arith.constant 26 : i32
        %add3A_853 = arith.addi %mul3A_130, %add3A_852 : i32
        %get3A_854 = arith.index_cast %add3A_853 : i32 to index
        %get3A_855 = arith.constant 16 : index
        %get3A_856 = tpu.vector_load %arg7[%get3A_854, %get3A_855] {strides = array<i32>} : memref<400x64xf32, #tpu.memory_space<vmem>>, vector<1x16xf32>,
        %get3A_857 = vector.shape_cast %get3A_856 : vector<1x16xf32> to vector<16xf32>
        %max3A_858 = arith.maximumf %max3A_830, %get3A_857 : vector<16xf32>
        %add3A_859 = arith.constant 26 : i32
        %add3A_860 = arith.addi %mul3A_130, %add3A_859 : i32
        %get3A_861 = arith.index_cast %add3A_860 : i32 to index
        %get3A_862 = arith.constant 32 : index
        %get3A_863 = tpu.vector_load %arg7[%get3A_861, %get3A_862] {strides = array<i32>} : memref<400x64xf32, #tpu.memory_space<vmem>>, vector<1x16xf32>,
        %get3A_864 = vector.shape_cast %get3A_863 : vector<1x16xf32> to vector<16xf32>
        %max3A_865 = arith.maximumf %max3A_837, %get3A_864 : vector<16xf32>
        %add3A_866 = arith.constant 26 : i32
        %add3A_867 = arith.addi %mul3A_130, %add3A_866 : i32
        %get3A_868 = arith.index_cast %add3A_867 : i32 to index
        %get3A_869 = arith.constant 48 : index
        %get3A_870 = tpu.vector_load %arg7[%get3A_868, %get3A_869] {strides = array<i32>} : memref<400x64xf32, #tpu.memory_space<vmem>>, vector<1x16xf32>,
        %get3A_871 = vector.shape_cast %get3A_870 : vector<1x16xf32> to vector<16xf32>
        %max3A_872 = arith.maximumf %max3A_844, %get3A_871 : vector<16xf32>
        %add3A_873 = arith.constant 27 : i32
        %add3A_874 = arith.addi %mul3A_130, %add3A_873 : i32
        %get3A_875 = arith.index_cast %add3A_874 : i32 to index
        %get3A_876 = arith.constant 0 : index
        %get3A_877 = tpu.vector_load %arg7[%get3A_875, %get3A_876] {strides = array<i32>} : memref<400x64xf32, #tpu.memory_space<vmem>>, vector<1x16xf32>,
        %get3A_878 = vector.shape_cast %get3A_877 : vector<1x16xf32> to vector<16xf32>
        %max3A_879 = arith.maximumf %max3A_851, %get3A_878 : vector<16xf32>
        %add3A_880 = arith.constant 27 : i32
        %add3A_881 = arith.addi %mul3A_130, %add3A_880 : i32
        %get3A_882 = arith.index_cast %add3A_881 : i32 to index
        %get3A_883 = arith.constant 16 : index
        %get3A_884 = tpu.vector_load %arg7[%get3A_882, %get3A_883] {strides = array<i32>} : memref<400x64xf32, #tpu.memory_space<vmem>>, vector<1x16xf32>,
        %get3A_885 = vector.shape_cast %get3A_884 : vector<1x16xf32> to vector<16xf32>
        %max3A_886 = arith.maximumf %max3A_858, %get3A_885 : vector<16xf32>
        %add3A_887 = arith.constant 27 : i32
        %add3A_888 = arith.addi %mul3A_130, %add3A_887 : i32
        %get3A_889 = arith.index_cast %add3A_888 : i32 to index
        %get3A_890 = arith.constant 32 : index
        %get3A_891 = tpu.vector_load %arg7[%get3A_889, %get3A_890] {strides = array<i32>} : memref<400x64xf32, #tpu.memory_space<vmem>>, vector<1x16xf32>,
        %get3A_892 = vector.shape_cast %get3A_891 : vector<1x16xf32> to vector<16xf32>
        %max3A_893 = arith.maximumf %max3A_865, %get3A_892 : vector<16xf32>
        %add3A_894 = arith.constant 27 : i32
        %add3A_895 = arith.addi %mul3A_130, %add3A_894 : i32
        %get3A_896 = arith.index_cast %add3A_895 : i32 to index
        %get3A_897 = arith.constant 48 : index
        %get3A_898 = tpu.vector_load %arg7[%get3A_896, %get3A_897] {strides = array<i32>} : memref<400x64xf32, #tpu.memory_space<vmem>>, vector<1x16xf32>,
        %get3A_899 = vector.shape_cast %get3A_898 : vector<1x16xf32> to vector<16xf32>
        %max3A_900 = arith.maximumf %max3A_872, %get3A_899 : vector<16xf32>
        %add3A_901 = arith.constant 28 : i32
        %add3A_902 = arith.addi %mul3A_130, %add3A_901 : i32
        %get3A_903 = arith.index_cast %add3A_902 : i32 to index
        %get3A_904 = arith.constant 0 : index
        %get3A_905 = tpu.vector_load %arg7[%get3A_903, %get3A_904] {strides = array<i32>} : memref<400x64xf32, #tpu.memory_space<vmem>>, vector<1x16xf32>,
        %get3A_906 = vector.shape_cast %get3A_905 : vector<1x16xf32> to vector<16xf32>
        %max3A_907 = arith.maximumf %max3A_879, %get3A_906 : vector<16xf32>
        %add3A_908 = arith.constant 28 : i32
        %add3A_909 = arith.addi %mul3A_130, %add3A_908 : i32
        %get3A_910 = arith.index_cast %add3A_909 : i32 to index
        %get3A_911 = arith.constant 16 : index
        %get3A_912 = tpu.vector_load %arg7[%get3A_910, %get3A_911] {strides = array<i32>} : memref<400x64xf32, #tpu.memory_space<vmem>>, vector<1x16xf32>,
        %get3A_913 = vector.shape_cast %get3A_912 : vector<1x16xf32> to vector<16xf32>
        %max3A_914 = arith.maximumf %max3A_886, %get3A_913 : vector<16xf32>
        %add3A_915 = arith.constant 28 : i32
        %add3A_916 = arith.addi %mul3A_130, %add3A_915 : i32
        %get3A_917 = arith.index_cast %add3A_916 : i32 to index
        %get3A_918 = arith.constant 32 : index
        %get3A_919 = tpu.vector_load %arg7[%get3A_917, %get3A_918] {strides = array<i32>} : memref<400x64xf32, #tpu.memory_space<vmem>>, vector<1x16xf32>,
        %get3A_920 = vector.shape_cast %get3A_919 : vector<1x16xf32> to vector<16xf32>
        %max3A_921 = arith.maximumf %max3A_893, %get3A_920 : vector<16xf32>
        %add3A_922 = arith.constant 28 : i32
        %add3A_923 = arith.addi %mul3A_130, %add3A_922 : i32
        %get3A_924 = arith.index_cast %add3A_923 : i32 to index
        %get3A_925 = arith.constant 48 : index
        %get3A_926 = tpu.vector_load %arg7[%get3A_924, %get3A_925] {strides = array<i32>} : memref<400x64xf32, #tpu.memory_space<vmem>>, vector<1x16xf32>,
        %get3A_927 = vector.shape_cast %get3A_926 : vector<1x16xf32> to vector<16xf32>
        %max3A_928 = arith.maximumf %max3A_900, %get3A_927 : vector<16xf32>
        %add3A_929 = arith.constant 29 : i32
        %add3A_930 = arith.addi %mul3A_130, %add3A_929 : i32
        %get3A_931 = arith.index_cast %add3A_930 : i32 to index
        %get3A_932 = arith.constant 0 : index
        %get3A_933 = tpu.vector_load %arg7[%get3A_931, %get3A_932] {strides = array<i32>} : memref<400x64xf32, #tpu.memory_space<vmem>>, vector<1x16xf32>,
        %get3A_934 = vector.shape_cast %get3A_933 : vector<1x16xf32> to vector<16xf32>
        %max3A_935 = arith.maximumf %max3A_907, %get3A_934 : vector<16xf32>
        %add3A_936 = arith.constant 29 : i32
        %add3A_937 = arith.addi %mul3A_130, %add3A_936 : i32
        %get3A_938 = arith.index_cast %add3A_937 : i32 to index
        %get3A_939 = arith.constant 16 : index
        %get3A_940 = tpu.vector_load %arg7[%get3A_938, %get3A_939] {strides = array<i32>} : memref<400x64xf32, #tpu.memory_space<vmem>>, vector<1x16xf32>,
        %get3A_941 = vector.shape_cast %get3A_940 : vector<1x16xf32> to vector<16xf32>
        %max3A_942 = arith.maximumf %max3A_914, %get3A_941 : vector<16xf32>
        %add3A_943 = arith.constant 29 : i32
        %add3A_944 = arith.addi %mul3A_130, %add3A_943 : i32
        %get3A_945 = arith.index_cast %add3A_944 : i32 to index
        %get3A_946 = arith.constant 32 : index
        %get3A_947 = tpu.vector_load %arg7[%get3A_945, %get3A_946] {strides = array<i32>} : memref<400x64xf32, #tpu.memory_space<vmem>>, vector<1x16xf32>,
        %get3A_948 = vector.shape_cast %get3A_947 : vector<1x16xf32> to vector<16xf32>
        %max3A_949 = arith.maximumf %max3A_921, %get3A_948 : vector<16xf32>
        %add3A_950 = arith.constant 29 : i32
        %add3A_951 = arith.addi %mul3A_130, %add3A_950 : i32
        %get3A_952 = arith.index_cast %add3A_951 : i32 to index
        %get3A_953 = arith.constant 48 : index
        %get3A_954 = tpu.vector_load %arg7[%get3A_952, %get3A_953] {strides = array<i32>} : memref<400x64xf32, #tpu.memory_space<vmem>>, vector<1x16xf32>,
        %get3A_955 = vector.shape_cast %get3A_954 : vector<1x16xf32> to vector<16xf32>
        %max3A_956 = arith.maximumf %max3A_928, %get3A_955 : vector<16xf32>
        %add3A_957 = arith.constant 30 : i32
        %add3A_958 = arith.addi %mul3A_130, %add3A_957 : i32
        %get3A_959 = arith.index_cast %add3A_958 : i32 to index
        %get3A_960 = arith.constant 0 : index
        %get3A_961 = tpu.vector_load %arg7[%get3A_959, %get3A_960] {strides = array<i32>} : memref<400x64xf32, #tpu.memory_space<vmem>>, vector<1x16xf32>,
        %get3A_962 = vector.shape_cast %get3A_961 : vector<1x16xf32> to vector<16xf32>
        %max3A_963 = arith.maximumf %max3A_935, %get3A_962 : vector<16xf32>
        %add3A_964 = arith.constant 30 : i32
        %add3A_965 = arith.addi %mul3A_130, %add3A_964 : i32
        %get3A_966 = arith.index_cast %add3A_965 : i32 to index
        %get3A_967 = arith.constant 16 : index
        %get3A_968 = tpu.vector_load %arg7[%get3A_966, %get3A_967] {strides = array<i32>} : memref<400x64xf32, #tpu.memory_space<vmem>>, vector<1x16xf32>,
        %get3A_969 = vector.shape_cast %get3A_968 : vector<1x16xf32> to vector<16xf32>
        %max3A_970 = arith.maximumf %max3A_942, %get3A_969 : vector<16xf32>
        %add3A_971 = arith.constant 30 : i32
        %add3A_972 = arith.addi %mul3A_130, %add3A_971 : i32
        %get3A_973 = arith.index_cast %add3A_972 : i32 to index
        %get3A_974 = arith.constant 32 : index
        %get3A_975 = tpu.vector_load %arg7[%get3A_973, %get3A_974] {strides = array<i32>} : memref<400x64xf32, #tpu.memory_space<vmem>>, vector<1x16xf32>,
        %get3A_976 = vector.shape_cast %get3A_975 : vector<1x16xf32> to vector<16xf32>
        %max3A_977 = arith.maximumf %max3A_949, %get3A_976 : vector<16xf32>
        %add3A_978 = arith.constant 30 : i32
        %add3A_979 = arith.addi %mul3A_130, %add3A_978 : i32
        %get3A_980 = arith.index_cast %add3A_979 : i32 to index
        %get3A_981 = arith.constant 48 : index
        %get3A_982 = tpu.vector_load %arg7[%get3A_980, %get3A_981] {strides = array<i32>} : memref<400x64xf32, #tpu.memory_space<vmem>>, vector<1x16xf32>,
        %get3A_983 = vector.shape_cast %get3A_982 : vector<1x16xf32> to vector<16xf32>
        %max3A_984 = arith.maximumf %max3A_956, %get3A_983 : vector<16xf32>
        %add3A_985 = arith.constant 31 : i32
        %add3A_986 = arith.addi %mul3A_130, %add3A_985 : i32
        %get3A_987 = arith.index_cast %add3A_986 : i32 to index
        %get3A_988 = arith.constant 0 : index
        %get3A_989 = tpu.vector_load %arg7[%get3A_987, %get3A_988] {strides = array<i32>} : memref<400x64xf32, #tpu.memory_space<vmem>>, vector<1x16xf32>,
        %get3A_990 = vector.shape_cast %get3A_989 : vector<1x16xf32> to vector<16xf32>
        %max3A_991 = arith.maximumf %max3A_963, %get3A_990 : vector<16xf32>
        %add3A_992 = arith.constant 31 : i32
        %add3A_993 = arith.addi %mul3A_130, %add3A_992 : i32
        %get3A_994 = arith.index_cast %add3A_993 : i32 to index
        %get3A_995 = arith.constant 16 : index
        %get3A_996 = tpu.vector_load %arg7[%get3A_994, %get3A_995] {strides = array<i32>} : memref<400x64xf32, #tpu.memory_space<vmem>>, vector<1x16xf32>,
        %get3A_997 = vector.shape_cast %get3A_996 : vector<1x16xf32> to vector<16xf32>
        %max3A_998 = arith.maximumf %max3A_970, %get3A_997 : vector<16xf32>
        %add3A_999 = arith.constant 31 : i32
        %add3A_1000 = arith.addi %mul3A_130, %add3A_999 : i32
        %get3A_1001 = arith.index_cast %add3A_1000 : i32 to index
        %get3A_1002 = arith.constant 32 : index
        %get3A_1003 = tpu.vector_load %arg7[%get3A_1001, %get3A_1002] {strides = array<i32>} : memref<400x64xf32, #tpu.memory_space<vmem>>, vector<1x16xf32>,
        %get3A_1004 = vector.shape_cast %get3A_1003 : vector<1x16xf32> to vector<16xf32>
        %max3A_1005 = arith.maximumf %max3A_977, %get3A_1004 : vector<16xf32>
        %add3A_1006 = arith.constant 31 : i32
        %add3A_1007 = arith.addi %mul3A_130, %add3A_1006 : i32
        %get3A_1008 = arith.index_cast %add3A_1007 : i32 to index
        %get3A_1009 = arith.constant 48 : index
        %get3A_1010 = tpu.vector_load %arg7[%get3A_1008, %get3A_1009] {strides = array<i32>} : memref<400x64xf32, #tpu.memory_space<vmem>>, vector<1x16xf32>,
        %get3A_1011 = vector.shape_cast %get3A_1010 : vector<1x16xf32> to vector<16xf32>
        %max3A_1012 = arith.maximumf %max3A_984, %get3A_1011 : vector<16xf32>
        %add3A_1013 = arith.constant 32 : i32
        %add3A_1014 = arith.addi %mul3A_130, %add3A_1013 : i32
        %get3A_1015 = arith.index_cast %add3A_1014 : i32 to index
        %get3A_1016 = arith.constant 0 : index
        %get3A_1017 = tpu.vector_load %arg7[%get3A_1015, %get3A_1016] {strides = array<i32>} : memref<400x64xf32, #tpu.memory_space<vmem>>, vector<1x16xf32>,
        %get3A_1018 = vector.shape_cast %get3A_1017 : vector<1x16xf32> to vector<16xf32>
        %max3A_1019 = arith.maximumf %max3A_991, %get3A_1018 : vector<16xf32>
        %add3A_1020 = arith.constant 32 : i32
        %add3A_1021 = arith.addi %mul3A_130, %add3A_1020 : i32
        %get3A_1022 = arith.index_cast %add3A_1021 : i32 to index
        %get3A_1023 = arith.constant 16 : index
        %get3A_1024 = tpu.vector_load %arg7[%get3A_1022, %get3A_1023] {strides = array<i32>} : memref<400x64xf32, #tpu.memory_space<vmem>>, vector<1x16xf32>,
        %get3A_1025 = vector.shape_cast %get3A_1024 : vector<1x16xf32> to vector<16xf32>
        %max3A_1026 = arith.maximumf %max3A_998, %get3A_1025 : vector<16xf32>
        %add3A_1027 = arith.constant 32 : i32
        %add3A_1028 = arith.addi %mul3A_130, %add3A_1027 : i32
        %get3A_1029 = arith.index_cast %add3A_1028 : i32 to index
        %get3A_1030 = arith.constant 32 : index
        %get3A_1031 = tpu.vector_load %arg7[%get3A_1029, %get3A_1030] {strides = array<i32>} : memref<400x64xf32, #tpu.memory_space<vmem>>, vector<1x16xf32>,
        %get3A_1032 = vector.shape_cast %get3A_1031 : vector<1x16xf32> to vector<16xf32>
        %max3A_1033 = arith.maximumf %max3A_1005, %get3A_1032 : vector<16xf32>
        %add3A_1034 = arith.constant 32 : i32
        %add3A_1035 = arith.addi %mul3A_130, %add3A_1034 : i32
        %get3A_1036 = arith.index_cast %add3A_1035 : i32 to index
        %get3A_1037 = arith.constant 48 : index
        %get3A_1038 = tpu.vector_load %arg7[%get3A_1036, %get3A_1037] {strides = array<i32>} : memref<400x64xf32, #tpu.memory_space<vmem>>, vector<1x16xf32>,
        %get3A_1039 = vector.shape_cast %get3A_1038 : vector<1x16xf32> to vector<16xf32>
        %max3A_1040 = arith.maximumf %max3A_1012, %get3A_1039 : vector<16xf32>
        %add3A_1041 = arith.constant 33 : i32
        %add3A_1042 = arith.addi %mul3A_130, %add3A_1041 : i32
        %get3A_1043 = arith.index_cast %add3A_1042 : i32 to index
        %get3A_1044 = arith.constant 0 : index
        %get3A_1045 = tpu.vector_load %arg7[%get3A_1043, %get3A_1044] {strides = array<i32>} : memref<400x64xf32, #tpu.memory_space<vmem>>, vector<1x16xf32>,
        %get3A_1046 = vector.shape_cast %get3A_1045 : vector<1x16xf32> to vector<16xf32>
        %max3A_1047 = arith.maximumf %max3A_1019, %get3A_1046 : vector<16xf32>
        %add3A_1048 = arith.constant 33 : i32
        %add3A_1049 = arith.addi %mul3A_130, %add3A_1048 : i32
        %get3A_1050 = arith.index_cast %add3A_1049 : i32 to index
        %get3A_1051 = arith.constant 16 : index
        %get3A_1052 = tpu.vector_load %arg7[%get3A_1050, %get3A_1051] {strides = array<i32>} : memref<400x64xf32, #tpu.memory_space<vmem>>, vector<1x16xf32>,
        %get3A_1053 = vector.shape_cast %get3A_1052 : vector<1x16xf32> to vector<16xf32>
        %max3A_1054 = arith.maximumf %max3A_1026, %get3A_1053 : vector<16xf32>
        %add3A_1055 = arith.constant 33 : i32
        %add3A_1056 = arith.addi %mul3A_130, %add3A_1055 : i32
        %get3A_1057 = arith.index_cast %add3A_1056 : i32 to index
        %get3A_1058 = arith.constant 32 : index
        %get3A_1059 = tpu.vector_load %arg7[%get3A_1057, %get3A_1058] {strides = array<i32>} : memref<400x64xf32, #tpu.memory_space<vmem>>, vector<1x16xf32>,
        %get3A_1060 = vector.shape_cast %get3A_1059 : vector<1x16xf32> to vector<16xf32>
        %max3A_1061 = arith.maximumf %max3A_1033, %get3A_1060 : vector<16xf32>
        %add3A_1062 = arith.constant 33 : i32
        %add3A_1063 = arith.addi %mul3A_130, %add3A_1062 : i32
        %get3A_1064 = arith.index_cast %add3A_1063 : i32 to index
        %get3A_1065 = arith.constant 48 : index
        %get3A_1066 = tpu.vector_load %arg7[%get3A_1064, %get3A_1065] {strides = array<i32>} : memref<400x64xf32, #tpu.memory_space<vmem>>, vector<1x16xf32>,
        %get3A_1067 = vector.shape_cast %get3A_1066 : vector<1x16xf32> to vector<16xf32>
        %max3A_1068 = arith.maximumf %max3A_1040, %get3A_1067 : vector<16xf32>
        %add3A_1069 = arith.constant 34 : i32
        %add3A_1070 = arith.addi %mul3A_130, %add3A_1069 : i32
        %get3A_1071 = arith.index_cast %add3A_1070 : i32 to index
        %get3A_1072 = arith.constant 0 : index
        %get3A_1073 = tpu.vector_load %arg7[%get3A_1071, %get3A_1072] {strides = array<i32>} : memref<400x64xf32, #tpu.memory_space<vmem>>, vector<1x16xf32>,
        %get3A_1074 = vector.shape_cast %get3A_1073 : vector<1x16xf32> to vector<16xf32>
        %max3A_1075 = arith.maximumf %max3A_1047, %get3A_1074 : vector<16xf32>
        %add3A_1076 = arith.constant 34 : i32
        %add3A_1077 = arith.addi %mul3A_130, %add3A_1076 : i32
        %get3A_1078 = arith.index_cast %add3A_1077 : i32 to index
        %get3A_1079 = arith.constant 16 : index
        %get3A_1080 = tpu.vector_load %arg7[%get3A_1078, %get3A_1079] {strides = array<i32>} : memref<400x64xf32, #tpu.memory_space<vmem>>, vector<1x16xf32>,
        %get3A_1081 = vector.shape_cast %get3A_1080 : vector<1x16xf32> to vector<16xf32>
        %max3A_1082 = arith.maximumf %max3A_1054, %get3A_1081 : vector<16xf32>
        %add3A_1083 = arith.constant 34 : i32
        %add3A_1084 = arith.addi %mul3A_130, %add3A_1083 : i32
        %get3A_1085 = arith.index_cast %add3A_1084 : i32 to index
        %get3A_1086 = arith.constant 32 : index
        %get3A_1087 = tpu.vector_load %arg7[%get3A_1085, %get3A_1086] {strides = array<i32>} : memref<400x64xf32, #tpu.memory_space<vmem>>, vector<1x16xf32>,
        %get3A_1088 = vector.shape_cast %get3A_1087 : vector<1x16xf32> to vector<16xf32>
        %max3A_1089 = arith.maximumf %max3A_1061, %get3A_1088 : vector<16xf32>
        %add3A_1090 = arith.constant 34 : i32
        %add3A_1091 = arith.addi %mul3A_130, %add3A_1090 : i32
        %get3A_1092 = arith.index_cast %add3A_1091 : i32 to index
        %get3A_1093 = arith.constant 48 : index
        %get3A_1094 = tpu.vector_load %arg7[%get3A_1092, %get3A_1093] {strides = array<i32>} : memref<400x64xf32, #tpu.memory_space<vmem>>, vector<1x16xf32>,
        %get3A_1095 = vector.shape_cast %get3A_1094 : vector<1x16xf32> to vector<16xf32>
        %max3A_1096 = arith.maximumf %max3A_1068, %get3A_1095 : vector<16xf32>
        %add3A_1097 = arith.constant 35 : i32
        %add3A_1098 = arith.addi %mul3A_130, %add3A_1097 : i32
        %get3A_1099 = arith.index_cast %add3A_1098 : i32 to index
        %get3A_1100 = arith.constant 0 : index
        %get3A_1101 = tpu.vector_load %arg7[%get3A_1099, %get3A_1100] {strides = array<i32>} : memref<400x64xf32, #tpu.memory_space<vmem>>, vector<1x16xf32>,
        %get3A_1102 = vector.shape_cast %get3A_1101 : vector<1x16xf32> to vector<16xf32>
        %max3A_1103 = arith.maximumf %max3A_1075, %get3A_1102 : vector<16xf32>
        %add3A_1104 = arith.constant 35 : i32
        %add3A_1105 = arith.addi %mul3A_130, %add3A_1104 : i32
        %get3A_1106 = arith.index_cast %add3A_1105 : i32 to index
        %get3A_1107 = arith.constant 16 : index
        %get3A_1108 = tpu.vector_load %arg7[%get3A_1106, %get3A_1107] {strides = array<i32>} : memref<400x64xf32, #tpu.memory_space<vmem>>, vector<1x16xf32>,
        %get3A_1109 = vector.shape_cast %get3A_1108 : vector<1x16xf32> to vector<16xf32>
        %max3A_1110 = arith.maximumf %max3A_1082, %get3A_1109 : vector<16xf32>
        %add3A_1111 = arith.constant 35 : i32
        %add3A_1112 = arith.addi %mul3A_130, %add3A_1111 : i32
        %get3A_1113 = arith.index_cast %add3A_1112 : i32 to index
        %get3A_1114 = arith.constant 32 : index
        %get3A_1115 = tpu.vector_load %arg7[%get3A_1113, %get3A_1114] {strides = array<i32>} : memref<400x64xf32, #tpu.memory_space<vmem>>, vector<1x16xf32>,
        %get3A_1116 = vector.shape_cast %get3A_1115 : vector<1x16xf32> to vector<16xf32>
        %max3A_1117 = arith.maximumf %max3A_1089, %get3A_1116 : vector<16xf32>
        %add3A_1118 = arith.constant 35 : i32
        %add3A_1119 = arith.addi %mul3A_130, %add3A_1118 : i32
        %get3A_1120 = arith.index_cast %add3A_1119 : i32 to index
        %get3A_1121 = arith.constant 48 : index
        %get3A_1122 = tpu.vector_load %arg7[%get3A_1120, %get3A_1121] {strides = array<i32>} : memref<400x64xf32, #tpu.memory_space<vmem>>, vector<1x16xf32>,
        %get3A_1123 = vector.shape_cast %get3A_1122 : vector<1x16xf32> to vector<16xf32>
        %max3A_1124 = arith.maximumf %max3A_1096, %get3A_1123 : vector<16xf32>
        %add3A_1125 = arith.constant 36 : i32
        %add3A_1126 = arith.addi %mul3A_130, %add3A_1125 : i32
        %get3A_1127 = arith.index_cast %add3A_1126 : i32 to index
        %get3A_1128 = arith.constant 0 : index
        %get3A_1129 = tpu.vector_load %arg7[%get3A_1127, %get3A_1128] {strides = array<i32>} : memref<400x64xf32, #tpu.memory_space<vmem>>, vector<1x16xf32>,
        %get3A_1130 = vector.shape_cast %get3A_1129 : vector<1x16xf32> to vector<16xf32>
        %max3A_1131 = arith.maximumf %max3A_1103, %get3A_1130 : vector<16xf32>
        %add3A_1132 = arith.constant 36 : i32
        %add3A_1133 = arith.addi %mul3A_130, %add3A_1132 : i32
        %get3A_1134 = arith.index_cast %add3A_1133 : i32 to index
        %get3A_1135 = arith.constant 16 : index
        %get3A_1136 = tpu.vector_load %arg7[%get3A_1134, %get3A_1135] {strides = array<i32>} : memref<400x64xf32, #tpu.memory_space<vmem>>, vector<1x16xf32>,
        %get3A_1137 = vector.shape_cast %get3A_1136 : vector<1x16xf32> to vector<16xf32>
        %max3A_1138 = arith.maximumf %max3A_1110, %get3A_1137 : vector<16xf32>
        %add3A_1139 = arith.constant 36 : i32
        %add3A_1140 = arith.addi %mul3A_130, %add3A_1139 : i32
        %get3A_1141 = arith.index_cast %add3A_1140 : i32 to index
        %get3A_1142 = arith.constant 32 : index
        %get3A_1143 = tpu.vector_load %arg7[%get3A_1141, %get3A_1142] {strides = array<i32>} : memref<400x64xf32, #tpu.memory_space<vmem>>, vector<1x16xf32>,
        %get3A_1144 = vector.shape_cast %get3A_1143 : vector<1x16xf32> to vector<16xf32>
        %max3A_1145 = arith.maximumf %max3A_1117, %get3A_1144 : vector<16xf32>
        %add3A_1146 = arith.constant 36 : i32
        %add3A_1147 = arith.addi %mul3A_130, %add3A_1146 : i32
        %get3A_1148 = arith.index_cast %add3A_1147 : i32 to index
        %get3A_1149 = arith.constant 48 : index
        %get3A_1150 = tpu.vector_load %arg7[%get3A_1148, %get3A_1149] {strides = array<i32>} : memref<400x64xf32, #tpu.memory_space<vmem>>, vector<1x16xf32>,
        %get3A_1151 = vector.shape_cast %get3A_1150 : vector<1x16xf32> to vector<16xf32>
        %max3A_1152 = arith.maximumf %max3A_1124, %get3A_1151 : vector<16xf32>
        %add3A_1153 = arith.constant 37 : i32
        %add3A_1154 = arith.addi %mul3A_130, %add3A_1153 : i32
        %get3A_1155 = arith.index_cast %add3A_1154 : i32 to index
        %get3A_1156 = arith.constant 0 : index
        %get3A_1157 = tpu.vector_load %arg7[%get3A_1155, %get3A_1156] {strides = array<i32>} : memref<400x64xf32, #tpu.memory_space<vmem>>, vector<1x16xf32>,
        %get3A_1158 = vector.shape_cast %get3A_1157 : vector<1x16xf32> to vector<16xf32>
        %max3A_1159 = arith.maximumf %max3A_1131, %get3A_1158 : vector<16xf32>
        %add3A_1160 = arith.constant 37 : i32
        %add3A_1161 = arith.addi %mul3A_130, %add3A_1160 : i32
        %get3A_1162 = arith.index_cast %add3A_1161 : i32 to index
        %get3A_1163 = arith.constant 16 : index
        %get3A_1164 = tpu.vector_load %arg7[%get3A_1162, %get3A_1163] {strides = array<i32>} : memref<400x64xf32, #tpu.memory_space<vmem>>, vector<1x16xf32>,
        %get3A_1165 = vector.shape_cast %get3A_1164 : vector<1x16xf32> to vector<16xf32>
        %max3A_1166 = arith.maximumf %max3A_1138, %get3A_1165 : vector<16xf32>
        %add3A_1167 = arith.constant 37 : i32
        %add3A_1168 = arith.addi %mul3A_130, %add3A_1167 : i32
        %get3A_1169 = arith.index_cast %add3A_1168 : i32 to index
        %get3A_1170 = arith.constant 32 : index
        %get3A_1171 = tpu.vector_load %arg7[%get3A_1169, %get3A_1170] {strides = array<i32>} : memref<400x64xf32, #tpu.memory_space<vmem>>, vector<1x16xf32>,
        %get3A_1172 = vector.shape_cast %get3A_1171 : vector<1x16xf32> to vector<16xf32>
        %max3A_1173 = arith.maximumf %max3A_1145, %get3A_1172 : vector<16xf32>
        %add3A_1174 = arith.constant 37 : i32
        %add3A_1175 = arith.addi %mul3A_130, %add3A_1174 : i32
        %get3A_1176 = arith.index_cast %add3A_1175 : i32 to index
        %get3A_1177 = arith.constant 48 : index
        %get3A_1178 = tpu.vector_load %arg7[%get3A_1176, %get3A_1177] {strides = array<i32>} : memref<400x64xf32, #tpu.memory_space<vmem>>, vector<1x16xf32>,
        %get3A_1179 = vector.shape_cast %get3A_1178 : vector<1x16xf32> to vector<16xf32>
        %max3A_1180 = arith.maximumf %max3A_1152, %get3A_1179 : vector<16xf32>
        %add3A_1181 = arith.constant 38 : i32
        %add3A_1182 = arith.addi %mul3A_130, %add3A_1181 : i32
        %get3A_1183 = arith.index_cast %add3A_1182 : i32 to index
        %get3A_1184 = arith.constant 0 : index
        %get3A_1185 = tpu.vector_load %arg7[%get3A_1183, %get3A_1184] {strides = array<i32>} : memref<400x64xf32, #tpu.memory_space<vmem>>, vector<1x16xf32>,
        %get3A_1186 = vector.shape_cast %get3A_1185 : vector<1x16xf32> to vector<16xf32>
        %max3A_1187 = arith.maximumf %max3A_1159, %get3A_1186 : vector<16xf32>
        %add3A_1188 = arith.constant 38 : i32
        %add3A_1189 = arith.addi %mul3A_130, %add3A_1188 : i32
        %get3A_1190 = arith.index_cast %add3A_1189 : i32 to index
        %get3A_1191 = arith.constant 16 : index
        %get3A_1192 = tpu.vector_load %arg7[%get3A_1190, %get3A_1191] {strides = array<i32>} : memref<400x64xf32, #tpu.memory_space<vmem>>, vector<1x16xf32>,
        %get3A_1193 = vector.shape_cast %get3A_1192 : vector<1x16xf32> to vector<16xf32>
        %max3A_1194 = arith.maximumf %max3A_1166, %get3A_1193 : vector<16xf32>
        %add3A_1195 = arith.constant 38 : i32
        %add3A_1196 = arith.addi %mul3A_130, %add3A_1195 : i32
        %get3A_1197 = arith.index_cast %add3A_1196 : i32 to index
        %get3A_1198 = arith.constant 32 : index
        %get3A_1199 = tpu.vector_load %arg7[%get3A_1197, %get3A_1198] {strides = array<i32>} : memref<400x64xf32, #tpu.memory_space<vmem>>, vector<1x16xf32>,
        %get3A_1200 = vector.shape_cast %get3A_1199 : vector<1x16xf32> to vector<16xf32>
        %max3A_1201 = arith.maximumf %max3A_1173, %get3A_1200 : vector<16xf32>
        %add3A_1202 = arith.constant 38 : i32
        %add3A_1203 = arith.addi %mul3A_130, %add3A_1202 : i32
        %get3A_1204 = arith.index_cast %add3A_1203 : i32 to index
        %get3A_1205 = arith.constant 48 : index
        %get3A_1206 = tpu.vector_load %arg7[%get3A_1204, %get3A_1205] {strides = array<i32>} : memref<400x64xf32, #tpu.memory_space<vmem>>, vector<1x16xf32>,
        %get3A_1207 = vector.shape_cast %get3A_1206 : vector<1x16xf32> to vector<16xf32>
        %max3A_1208 = arith.maximumf %max3A_1180, %get3A_1207 : vector<16xf32>
        %add3A_1209 = arith.constant 39 : i32
        %add3A_1210 = arith.addi %mul3A_130, %add3A_1209 : i32
        %get3A_1211 = arith.index_cast %add3A_1210 : i32 to index
        %get3A_1212 = arith.constant 0 : index
        %get3A_1213 = tpu.vector_load %arg7[%get3A_1211, %get3A_1212] {strides = array<i32>} : memref<400x64xf32, #tpu.memory_space<vmem>>, vector<1x16xf32>,
        %get3A_1214 = vector.shape_cast %get3A_1213 : vector<1x16xf32> to vector<16xf32>
        %max3A_1215 = arith.maximumf %max3A_1187, %get3A_1214 : vector<16xf32>
        %add3A_1216 = arith.constant 39 : i32
        %add3A_1217 = arith.addi %mul3A_130, %add3A_1216 : i32
        %get3A_1218 = arith.index_cast %add3A_1217 : i32 to index
        %get3A_1219 = arith.constant 16 : index
        %get3A_1220 = tpu.vector_load %arg7[%get3A_1218, %get3A_1219] {strides = array<i32>} : memref<400x64xf32, #tpu.memory_space<vmem>>, vector<1x16xf32>,
        %get3A_1221 = vector.shape_cast %get3A_1220 : vector<1x16xf32> to vector<16xf32>
        %max3A_1222 = arith.maximumf %max3A_1194, %get3A_1221 : vector<16xf32>
        %add3A_1223 = arith.constant 39 : i32
        %add3A_1224 = arith.addi %mul3A_130, %add3A_1223 : i32
        %get3A_1225 = arith.index_cast %add3A_1224 : i32 to index
        %get3A_1226 = arith.constant 32 : index
        %get3A_1227 = tpu.vector_load %arg7[%get3A_1225, %get3A_1226] {strides = array<i32>} : memref<400x64xf32, #tpu.memory_space<vmem>>, vector<1x16xf32>,
        %get3A_1228 = vector.shape_cast %get3A_1227 : vector<1x16xf32> to vector<16xf32>
        %max3A_1229 = arith.maximumf %max3A_1201, %get3A_1228 : vector<16xf32>
        %add3A_1230 = arith.constant 39 : i32
        %add3A_1231 = arith.addi %mul3A_130, %add3A_1230 : i32
        %get3A_1232 = arith.index_cast %add3A_1231 : i32 to index
        %get3A_1233 = arith.constant 48 : index
        %get3A_1234 = tpu.vector_load %arg7[%get3A_1232, %get3A_1233] {strides = array<i32>} : memref<400x64xf32, #tpu.memory_space<vmem>>, vector<1x16xf32>,
        %get3A_1235 = vector.shape_cast %get3A_1234 : vector<1x16xf32> to vector<16xf32>
        %max3A_1236 = arith.maximumf %max3A_1208, %get3A_1235 : vector<16xf32>
        %add3A_1237 = arith.constant 40 : i32
        %add3A_1238 = arith.addi %mul3A_130, %add3A_1237 : i32
        %get3A_1239 = arith.index_cast %add3A_1238 : i32 to index
        %get3A_1240 = arith.constant 0 : index
        %get3A_1241 = tpu.vector_load %arg7[%get3A_1239, %get3A_1240] {strides = array<i32>} : memref<400x64xf32, #tpu.memory_space<vmem>>, vector<1x16xf32>,
        %get3A_1242 = vector.shape_cast %get3A_1241 : vector<1x16xf32> to vector<16xf32>
        %max3A_1243 = arith.maximumf %max3A_1215, %get3A_1242 : vector<16xf32>
        %add3A_1244 = arith.constant 40 : i32
        %add3A_1245 = arith.addi %mul3A_130, %add3A_1244 : i32
        %get3A_1246 = arith.index_cast %add3A_1245 : i32 to index
        %get3A_1247 = arith.constant 16 : index
        %get3A_1248 = tpu.vector_load %arg7[%get3A_1246, %get3A_1247] {strides = array<i32>} : memref<400x64xf32, #tpu.memory_space<vmem>>, vector<1x16xf32>,
        %get3A_1249 = vector.shape_cast %get3A_1248 : vector<1x16xf32> to vector<16xf32>
        %max3A_1250 = arith.maximumf %max3A_1222, %get3A_1249 : vector<16xf32>
        %add3A_1251 = arith.constant 40 : i32
        %add3A_1252 = arith.addi %mul3A_130, %add3A_1251 : i32
        %get3A_1253 = arith.index_cast %add3A_1252 : i32 to index
        %get3A_1254 = arith.constant 32 : index
        %get3A_1255 = tpu.vector_load %arg7[%get3A_1253, %get3A_1254] {strides = array<i32>} : memref<400x64xf32, #tpu.memory_space<vmem>>, vector<1x16xf32>,
        %get3A_1256 = vector.shape_cast %get3A_1255 : vector<1x16xf32> to vector<16xf32>
        %max3A_1257 = arith.maximumf %max3A_1229, %get3A_1256 : vector<16xf32>
        %add3A_1258 = arith.constant 40 : i32
        %add3A_1259 = arith.addi %mul3A_130, %add3A_1258 : i32
        %get3A_1260 = arith.index_cast %add3A_1259 : i32 to index
        %get3A_1261 = arith.constant 48 : index
        %get3A_1262 = tpu.vector_load %arg7[%get3A_1260, %get3A_1261] {strides = array<i32>} : memref<400x64xf32, #tpu.memory_space<vmem>>, vector<1x16xf32>,
        %get3A_1263 = vector.shape_cast %get3A_1262 : vector<1x16xf32> to vector<16xf32>
        %max3A_1264 = arith.maximumf %max3A_1236, %get3A_1263 : vector<16xf32>
        %add3A_1265 = arith.constant 41 : i32
        %add3A_1266 = arith.addi %mul3A_130, %add3A_1265 : i32
        %get3A_1267 = arith.index_cast %add3A_1266 : i32 to index
        %get3A_1268 = arith.constant 0 : index
        %get3A_1269 = tpu.vector_load %arg7[%get3A_1267, %get3A_1268] {strides = array<i32>} : memref<400x64xf32, #tpu.memory_space<vmem>>, vector<1x16xf32>,
        %get3A_1270 = vector.shape_cast %get3A_1269 : vector<1x16xf32> to vector<16xf32>
        %max3A_1271 = arith.maximumf %max3A_1243, %get3A_1270 : vector<16xf32>
        %add3A_1272 = arith.constant 41 : i32
        %add3A_1273 = arith.addi %mul3A_130, %add3A_1272 : i32
        %get3A_1274 = arith.index_cast %add3A_1273 : i32 to index
        %get3A_1275 = arith.constant 16 : index
        %get3A_1276 = tpu.vector_load %arg7[%get3A_1274, %get3A_1275] {strides = array<i32>} : memref<400x64xf32, #tpu.memory_space<vmem>>, vector<1x16xf32>,
        %get3A_1277 = vector.shape_cast %get3A_1276 : vector<1x16xf32> to vector<16xf32>
        %max3A_1278 = arith.maximumf %max3A_1250, %get3A_1277 : vector<16xf32>
        %add3A_1279 = arith.constant 41 : i32
        %add3A_1280 = arith.addi %mul3A_130, %add3A_1279 : i32
        %get3A_1281 = arith.index_cast %add3A_1280 : i32 to index
        %get3A_1282 = arith.constant 32 : index
        %get3A_1283 = tpu.vector_load %arg7[%get3A_1281, %get3A_1282] {strides = array<i32>} : memref<400x64xf32, #tpu.memory_space<vmem>>, vector<1x16xf32>,
        %get3A_1284 = vector.shape_cast %get3A_1283 : vector<1x16xf32> to vector<16xf32>
        %max3A_1285 = arith.maximumf %max3A_1257, %get3A_1284 : vector<16xf32>
        %add3A_1286 = arith.constant 41 : i32
        %add3A_1287 = arith.addi %mul3A_130, %add3A_1286 : i32
        %get3A_1288 = arith.index_cast %add3A_1287 : i32 to index
        %get3A_1289 = arith.constant 48 : index
        %get3A_1290 = tpu.vector_load %arg7[%get3A_1288, %get3A_1289] {strides = array<i32>} : memref<400x64xf32, #tpu.memory_space<vmem>>, vector<1x16xf32>,
        %get3A_1291 = vector.shape_cast %get3A_1290 : vector<1x16xf32> to vector<16xf32>
        %max3A_1292 = arith.maximumf %max3A_1264, %get3A_1291 : vector<16xf32>
        %add3A_1293 = arith.constant 42 : i32
        %add3A_1294 = arith.addi %mul3A_130, %add3A_1293 : i32
        %get3A_1295 = arith.index_cast %add3A_1294 : i32 to index
        %get3A_1296 = arith.constant 0 : index
        %get3A_1297 = tpu.vector_load %arg7[%get3A_1295, %get3A_1296] {strides = array<i32>} : memref<400x64xf32, #tpu.memory_space<vmem>>, vector<1x16xf32>,
        %get3A_1298 = vector.shape_cast %get3A_1297 : vector<1x16xf32> to vector<16xf32>
        %max3A_1299 = arith.maximumf %max3A_1271, %get3A_1298 : vector<16xf32>
        %add3A_1300 = arith.constant 42 : i32
        %add3A_1301 = arith.addi %mul3A_130, %add3A_1300 : i32
        %get3A_1302 = arith.index_cast %add3A_1301 : i32 to index
        %get3A_1303 = arith.constant 16 : index
        %get3A_1304 = tpu.vector_load %arg7[%get3A_1302, %get3A_1303] {strides = array<i32>} : memref<400x64xf32, #tpu.memory_space<vmem>>, vector<1x16xf32>,
        %get3A_1305 = vector.shape_cast %get3A_1304 : vector<1x16xf32> to vector<16xf32>
        %max3A_1306 = arith.maximumf %max3A_1278, %get3A_1305 : vector<16xf32>
        %add3A_1307 = arith.constant 42 : i32
        %add3A_1308 = arith.addi %mul3A_130, %add3A_1307 : i32
        %get3A_1309 = arith.index_cast %add3A_1308 : i32 to index
        %get3A_1310 = arith.constant 32 : index
        %get3A_1311 = tpu.vector_load %arg7[%get3A_1309, %get3A_1310] {strides = array<i32>} : memref<400x64xf32, #tpu.memory_space<vmem>>, vector<1x16xf32>,
        %get3A_1312 = vector.shape_cast %get3A_1311 : vector<1x16xf32> to vector<16xf32>
        %max3A_1313 = arith.maximumf %max3A_1285, %get3A_1312 : vector<16xf32>
        %add3A_1314 = arith.constant 42 : i32
        %add3A_1315 = arith.addi %mul3A_130, %add3A_1314 : i32
        %get3A_1316 = arith.index_cast %add3A_1315 : i32 to index
        %get3A_1317 = arith.constant 48 : index
        %get3A_1318 = tpu.vector_load %arg7[%get3A_1316, %get3A_1317] {strides = array<i32>} : memref<400x64xf32, #tpu.memory_space<vmem>>, vector<1x16xf32>,
        %get3A_1319 = vector.shape_cast %get3A_1318 : vector<1x16xf32> to vector<16xf32>
        %max3A_1320 = arith.maximumf %max3A_1292, %get3A_1319 : vector<16xf32>
        %add3A_1321 = arith.constant 43 : i32
        %add3A_1322 = arith.addi %mul3A_130, %add3A_1321 : i32
        %get3A_1323 = arith.index_cast %add3A_1322 : i32 to index
        %get3A_1324 = arith.constant 0 : index
        %get3A_1325 = tpu.vector_load %arg7[%get3A_1323, %get3A_1324] {strides = array<i32>} : memref<400x64xf32, #tpu.memory_space<vmem>>, vector<1x16xf32>,
        %get3A_1326 = vector.shape_cast %get3A_1325 : vector<1x16xf32> to vector<16xf32>
        %max3A_1327 = arith.maximumf %max3A_1299, %get3A_1326 : vector<16xf32>
        %add3A_1328 = arith.constant 43 : i32
        %add3A_1329 = arith.addi %mul3A_130, %add3A_1328 : i32
        %get3A_1330 = arith.index_cast %add3A_1329 : i32 to index
        %get3A_1331 = arith.constant 16 : index
        %get3A_1332 = tpu.vector_load %arg7[%get3A_1330, %get3A_1331] {strides = array<i32>} : memref<400x64xf32, #tpu.memory_space<vmem>>, vector<1x16xf32>,
        %get3A_1333 = vector.shape_cast %get3A_1332 : vector<1x16xf32> to vector<16xf32>
        %max3A_1334 = arith.maximumf %max3A_1306, %get3A_1333 : vector<16xf32>
        %add3A_1335 = arith.constant 43 : i32
        %add3A_1336 = arith.addi %mul3A_130, %add3A_1335 : i32
        %get3A_1337 = arith.index_cast %add3A_1336 : i32 to index
        %get3A_1338 = arith.constant 32 : index
        %get3A_1339 = tpu.vector_load %arg7[%get3A_1337, %get3A_1338] {strides = array<i32>} : memref<400x64xf32, #tpu.memory_space<vmem>>, vector<1x16xf32>,
        %get3A_1340 = vector.shape_cast %get3A_1339 : vector<1x16xf32> to vector<16xf32>
        %max3A_1341 = arith.maximumf %max3A_1313, %get3A_1340 : vector<16xf32>
        %add3A_1342 = arith.constant 43 : i32
        %add3A_1343 = arith.addi %mul3A_130, %add3A_1342 : i32
        %get3A_1344 = arith.index_cast %add3A_1343 : i32 to index
        %get3A_1345 = arith.constant 48 : index
        %get3A_1346 = tpu.vector_load %arg7[%get3A_1344, %get3A_1345] {strides = array<i32>} : memref<400x64xf32, #tpu.memory_space<vmem>>, vector<1x16xf32>,
        %get3A_1347 = vector.shape_cast %get3A_1346 : vector<1x16xf32> to vector<16xf32>
        %max3A_1348 = arith.maximumf %max3A_1320, %get3A_1347 : vector<16xf32>
        %add3A_1349 = arith.constant 44 : i32
        %add3A_1350 = arith.addi %mul3A_130, %add3A_1349 : i32
        %get3A_1351 = arith.index_cast %add3A_1350 : i32 to index
        %get3A_1352 = arith.constant 0 : index
        %get3A_1353 = tpu.vector_load %arg7[%get3A_1351, %get3A_1352] {strides = array<i32>} : memref<400x64xf32, #tpu.memory_space<vmem>>, vector<1x16xf32>,
        %get3A_1354 = vector.shape_cast %get3A_1353 : vector<1x16xf32> to vector<16xf32>
        %max3A_1355 = arith.maximumf %max3A_1327, %get3A_1354 : vector<16xf32>
        %add3A_1356 = arith.constant 44 : i32
        %add3A_1357 = arith.addi %mul3A_130, %add3A_1356 : i32
        %get3A_1358 = arith.index_cast %add3A_1357 : i32 to index
        %get3A_1359 = arith.constant 16 : index
        %get3A_1360 = tpu.vector_load %arg7[%get3A_1358, %get3A_1359] {strides = array<i32>} : memref<400x64xf32, #tpu.memory_space<vmem>>, vector<1x16xf32>,
        %get3A_1361 = vector.shape_cast %get3A_1360 : vector<1x16xf32> to vector<16xf32>
        %max3A_1362 = arith.maximumf %max3A_1334, %get3A_1361 : vector<16xf32>
        %add3A_1363 = arith.constant 44 : i32
        %add3A_1364 = arith.addi %mul3A_130, %add3A_1363 : i32
        %get3A_1365 = arith.index_cast %add3A_1364 : i32 to index
        %get3A_1366 = arith.constant 32 : index
        %get3A_1367 = tpu.vector_load %arg7[%get3A_1365, %get3A_1366] {strides = array<i32>} : memref<400x64xf32, #tpu.memory_space<vmem>>, vector<1x16xf32>,
        %get3A_1368 = vector.shape_cast %get3A_1367 : vector<1x16xf32> to vector<16xf32>
        %max3A_1369 = arith.maximumf %max3A_1341, %get3A_1368 : vector<16xf32>
        %add3A_1370 = arith.constant 44 : i32
        %add3A_1371 = arith.addi %mul3A_130, %add3A_1370 : i32
        %get3A_1372 = arith.index_cast %add3A_1371 : i32 to index
        %get3A_1373 = arith.constant 48 : index
        %get3A_1374 = tpu.vector_load %arg7[%get3A_1372, %get3A_1373] {strides = array<i32>} : memref<400x64xf32, #tpu.memory_space<vmem>>, vector<1x16xf32>,
        %get3A_1375 = vector.shape_cast %get3A_1374 : vector<1x16xf32> to vector<16xf32>
        %max3A_1376 = arith.maximumf %max3A_1348, %get3A_1375 : vector<16xf32>
        %add3A_1377 = arith.constant 45 : i32
        %add3A_1378 = arith.addi %mul3A_130, %add3A_1377 : i32
        %get3A_1379 = arith.index_cast %add3A_1378 : i32 to index
        %get3A_1380 = arith.constant 0 : index
        %get3A_1381 = tpu.vector_load %arg7[%get3A_1379, %get3A_1380] {strides = array<i32>} : memref<400x64xf32, #tpu.memory_space<vmem>>, vector<1x16xf32>,
        %get3A_1382 = vector.shape_cast %get3A_1381 : vector<1x16xf32> to vector<16xf32>
        %max3A_1383 = arith.maximumf %max3A_1355, %get3A_1382 : vector<16xf32>
        %add3A_1384 = arith.constant 45 : i32
        %add3A_1385 = arith.addi %mul3A_130, %add3A_1384 : i32
        %get3A_1386 = arith.index_cast %add3A_1385 : i32 to index
        %get3A_1387 = arith.constant 16 : index
        %get3A_1388 = tpu.vector_load %arg7[%get3A_1386, %get3A_1387] {strides = array<i32>} : memref<400x64xf32, #tpu.memory_space<vmem>>, vector<1x16xf32>,
        %get3A_1389 = vector.shape_cast %get3A_1388 : vector<1x16xf32> to vector<16xf32>
        %max3A_1390 = arith.maximumf %max3A_1362, %get3A_1389 : vector<16xf32>
        %add3A_1391 = arith.constant 45 : i32
        %add3A_1392 = arith.addi %mul3A_130, %add3A_1391 : i32
        %get3A_1393 = arith.index_cast %add3A_1392 : i32 to index
        %get3A_1394 = arith.constant 32 : index
        %get3A_1395 = tpu.vector_load %arg7[%get3A_1393, %get3A_1394] {strides = array<i32>} : memref<400x64xf32, #tpu.memory_space<vmem>>, vector<1x16xf32>,
        %get3A_1396 = vector.shape_cast %get3A_1395 : vector<1x16xf32> to vector<16xf32>
        %max3A_1397 = arith.maximumf %max3A_1369, %get3A_1396 : vector<16xf32>
        %add3A_1398 = arith.constant 45 : i32
        %add3A_1399 = arith.addi %mul3A_130, %add3A_1398 : i32
        %get3A_1400 = arith.index_cast %add3A_1399 : i32 to index
        %get3A_1401 = arith.constant 48 : index
        %get3A_1402 = tpu.vector_load %arg7[%get3A_1400, %get3A_1401] {strides = array<i32>} : memref<400x64xf32, #tpu.memory_space<vmem>>, vector<1x16xf32>,
        %get3A_1403 = vector.shape_cast %get3A_1402 : vector<1x16xf32> to vector<16xf32>
        %max3A_1404 = arith.maximumf %max3A_1376, %get3A_1403 : vector<16xf32>
        %add3A_1405 = arith.constant 46 : i32
        %add3A_1406 = arith.addi %mul3A_130, %add3A_1405 : i32
        %get3A_1407 = arith.index_cast %add3A_1406 : i32 to index
        %get3A_1408 = arith.constant 0 : index
        %get3A_1409 = tpu.vector_load %arg7[%get3A_1407, %get3A_1408] {strides = array<i32>} : memref<400x64xf32, #tpu.memory_space<vmem>>, vector<1x16xf32>,
        %get3A_1410 = vector.shape_cast %get3A_1409 : vector<1x16xf32> to vector<16xf32>
        %max3A_1411 = arith.maximumf %max3A_1383, %get3A_1410 : vector<16xf32>
        %add3A_1412 = arith.constant 46 : i32
        %add3A_1413 = arith.addi %mul3A_130, %add3A_1412 : i32
        %get3A_1414 = arith.index_cast %add3A_1413 : i32 to index
        %get3A_1415 = arith.constant 16 : index
        %get3A_1416 = tpu.vector_load %arg7[%get3A_1414, %get3A_1415] {strides = array<i32>} : memref<400x64xf32, #tpu.memory_space<vmem>>, vector<1x16xf32>,
        %get3A_1417 = vector.shape_cast %get3A_1416 : vector<1x16xf32> to vector<16xf32>
        %max3A_1418 = arith.maximumf %max3A_1390, %get3A_1417 : vector<16xf32>
        %add3A_1419 = arith.constant 46 : i32
        %add3A_1420 = arith.addi %mul3A_130, %add3A_1419 : i32
        %get3A_1421 = arith.index_cast %add3A_1420 : i32 to index
        %get3A_1422 = arith.constant 32 : index
        %get3A_1423 = tpu.vector_load %arg7[%get3A_1421, %get3A_1422] {strides = array<i32>} : memref<400x64xf32, #tpu.memory_space<vmem>>, vector<1x16xf32>,
        %get3A_1424 = vector.shape_cast %get3A_1423 : vector<1x16xf32> to vector<16xf32>
        %max3A_1425 = arith.maximumf %max3A_1397, %get3A_1424 : vector<16xf32>
        %add3A_1426 = arith.constant 46 : i32
        %add3A_1427 = arith.addi %mul3A_130, %add3A_1426 : i32
        %get3A_1428 = arith.index_cast %add3A_1427 : i32 to index
        %get3A_1429 = arith.constant 48 : index
        %get3A_1430 = tpu.vector_load %arg7[%get3A_1428, %get3A_1429] {strides = array<i32>} : memref<400x64xf32, #tpu.memory_space<vmem>>, vector<1x16xf32>,
        %get3A_1431 = vector.shape_cast %get3A_1430 : vector<1x16xf32> to vector<16xf32>
        %max3A_1432 = arith.maximumf %max3A_1404, %get3A_1431 : vector<16xf32>
        %add3A_1433 = arith.constant 47 : i32
        %add3A_1434 = arith.addi %mul3A_130, %add3A_1433 : i32
        %get3A_1435 = arith.index_cast %add3A_1434 : i32 to index
        %get3A_1436 = arith.constant 0 : index
        %get3A_1437 = tpu.vector_load %arg7[%get3A_1435, %get3A_1436] {strides = array<i32>} : memref<400x64xf32, #tpu.memory_space<vmem>>, vector<1x16xf32>,
        %get3A_1438 = vector.shape_cast %get3A_1437 : vector<1x16xf32> to vector<16xf32>
        %max3A_1439 = arith.maximumf %max3A_1411, %get3A_1438 : vector<16xf32>
        %add3A_1440 = arith.constant 47 : i32
        %add3A_1441 = arith.addi %mul3A_130, %add3A_1440 : i32
        %get3A_1442 = arith.index_cast %add3A_1441 : i32 to index
        %get3A_1443 = arith.constant 16 : index
        %get3A_1444 = tpu.vector_load %arg7[%get3A_1442, %get3A_1443] {strides = array<i32>} : memref<400x64xf32, #tpu.memory_space<vmem>>, vector<1x16xf32>,
        %get3A_1445 = vector.shape_cast %get3A_1444 : vector<1x16xf32> to vector<16xf32>
        %max3A_1446 = arith.maximumf %max3A_1418, %get3A_1445 : vector<16xf32>
        %add3A_1447 = arith.constant 47 : i32
        %add3A_1448 = arith.addi %mul3A_130, %add3A_1447 : i32
        %get3A_1449 = arith.index_cast %add3A_1448 : i32 to index
        %get3A_1450 = arith.constant 32 : index
        %get3A_1451 = tpu.vector_load %arg7[%get3A_1449, %get3A_1450] {strides = array<i32>} : memref<400x64xf32, #tpu.memory_space<vmem>>, vector<1x16xf32>,
        %get3A_1452 = vector.shape_cast %get3A_1451 : vector<1x16xf32> to vector<16xf32>
        %max3A_1453 = arith.maximumf %max3A_1425, %get3A_1452 : vector<16xf32>
        %add3A_1454 = arith.constant 47 : i32
        %add3A_1455 = arith.addi %mul3A_130, %add3A_1454 : i32
        %get3A_1456 = arith.index_cast %add3A_1455 : i32 to index
        %get3A_1457 = arith.constant 48 : index
        %get3A_1458 = tpu.vector_load %arg7[%get3A_1456, %get3A_1457] {strides = array<i32>} : memref<400x64xf32, #tpu.memory_space<vmem>>, vector<1x16xf32>,
        %get3A_1459 = vector.shape_cast %get3A_1458 : vector<1x16xf32> to vector<16xf32>
        %max3A_1460 = arith.maximumf %max3A_1432, %get3A_1459 : vector<16xf32>
        %add3A_1461 = arith.constant 48 : i32
        %add3A_1462 = arith.addi %mul3A_130, %add3A_1461 : i32
        %get3A_1463 = arith.index_cast %add3A_1462 : i32 to index
        %get3A_1464 = arith.constant 0 : index
        %get3A_1465 = tpu.vector_load %arg7[%get3A_1463, %get3A_1464] {strides = array<i32>} : memref<400x64xf32, #tpu.memory_space<vmem>>, vector<1x16xf32>,
        %get3A_1466 = vector.shape_cast %get3A_1465 : vector<1x16xf32> to vector<16xf32>
        %max3A_1467 = arith.maximumf %max3A_1439, %get3A_1466 : vector<16xf32>
        %add3A_1468 = arith.constant 48 : i32
        %add3A_1469 = arith.addi %mul3A_130, %add3A_1468 : i32
        %get3A_1470 = arith.index_cast %add3A_1469 : i32 to index
        %get3A_1471 = arith.constant 16 : index
        %get3A_1472 = tpu.vector_load %arg7[%get3A_1470, %get3A_1471] {strides = array<i32>} : memref<400x64xf32, #tpu.memory_space<vmem>>, vector<1x16xf32>,
        %get3A_1473 = vector.shape_cast %get3A_1472 : vector<1x16xf32> to vector<16xf32>
        %max3A_1474 = arith.maximumf %max3A_1446, %get3A_1473 : vector<16xf32>
        %add3A_1475 = arith.constant 48 : i32
        %add3A_1476 = arith.addi %mul3A_130, %add3A_1475 : i32
        %get3A_1477 = arith.index_cast %add3A_1476 : i32 to index
        %get3A_1478 = arith.constant 32 : index
        %get3A_1479 = tpu.vector_load %arg7[%get3A_1477, %get3A_1478] {strides = array<i32>} : memref<400x64xf32, #tpu.memory_space<vmem>>, vector<1x16xf32>,
        %get3A_1480 = vector.shape_cast %get3A_1479 : vector<1x16xf32> to vector<16xf32>
        %max3A_1481 = arith.maximumf %max3A_1453, %get3A_1480 : vector<16xf32>
        %add3A_1482 = arith.constant 48 : i32
        %add3A_1483 = arith.addi %mul3A_130, %add3A_1482 : i32
        %get3A_1484 = arith.index_cast %add3A_1483 : i32 to index
        %get3A_1485 = arith.constant 48 : index
        %get3A_1486 = tpu.vector_load %arg7[%get3A_1484, %get3A_1485] {strides = array<i32>} : memref<400x64xf32, #tpu.memory_space<vmem>>, vector<1x16xf32>,
        %get3A_1487 = vector.shape_cast %get3A_1486 : vector<1x16xf32> to vector<16xf32>
        %max3A_1488 = arith.maximumf %max3A_1460, %get3A_1487 : vector<16xf32>
        %add3A_1489 = arith.constant 49 : i32
        %add3A_1490 = arith.addi %mul3A_130, %add3A_1489 : i32
        %get3A_1491 = arith.index_cast %add3A_1490 : i32 to index
        %get3A_1492 = arith.constant 0 : index
        %get3A_1493 = tpu.vector_load %arg7[%get3A_1491, %get3A_1492] {strides = array<i32>} : memref<400x64xf32, #tpu.memory_space<vmem>>, vector<1x16xf32>,
        %get3A_1494 = vector.shape_cast %get3A_1493 : vector<1x16xf32> to vector<16xf32>
        %max3A_1495 = arith.maximumf %max3A_1467, %get3A_1494 : vector<16xf32>
        %add3A_1496 = arith.constant 49 : i32
        %add3A_1497 = arith.addi %mul3A_130, %add3A_1496 : i32
        %get3A_1498 = arith.index_cast %add3A_1497 : i32 to index
        %get3A_1499 = arith.constant 16 : index
        %get3A_1500 = tpu.vector_load %arg7[%get3A_1498, %get3A_1499] {strides = array<i32>} : memref<400x64xf32, #tpu.memory_space<vmem>>, vector<1x16xf32>,
        %get3A_1501 = vector.shape_cast %get3A_1500 : vector<1x16xf32> to vector<16xf32>
        %max3A_1502 = arith.maximumf %max3A_1474, %get3A_1501 : vector<16xf32>
        %add3A_1503 = arith.constant 49 : i32
        %add3A_1504 = arith.addi %mul3A_130, %add3A_1503 : i32
        %get3A_1505 = arith.index_cast %add3A_1504 : i32 to index
        %get3A_1506 = arith.constant 32 : index
        %get3A_1507 = tpu.vector_load %arg7[%get3A_1505, %get3A_1506] {strides = array<i32>} : memref<400x64xf32, #tpu.memory_space<vmem>>, vector<1x16xf32>,
        %get3A_1508 = vector.shape_cast %get3A_1507 : vector<1x16xf32> to vector<16xf32>
        %max3A_1509 = arith.maximumf %max3A_1481, %get3A_1508 : vector<16xf32>
        %add3A_1510 = arith.constant 49 : i32
        %add3A_1511 = arith.addi %mul3A_130, %add3A_1510 : i32
        %get3A_1512 = arith.index_cast %add3A_1511 : i32 to index
        %get3A_1513 = arith.constant 48 : index
        %get3A_1514 = tpu.vector_load %arg7[%get3A_1512, %get3A_1513] {strides = array<i32>} : memref<400x64xf32, #tpu.memory_space<vmem>>, vector<1x16xf32>,
        %get3A_1515 = vector.shape_cast %get3A_1514 : vector<1x16xf32> to vector<16xf32>
        %max3A_1516 = arith.maximumf %max3A_1488, %get3A_1515 : vector<16xf32>
        %mul3A_1517 = arith.constant 8 : i32
        %mul3A_1518 = arith.muli %add3A_108, %mul3A_1517 : i32
        %add3A_1519 = arith.addi %mul3A_1518, %scan3A_128 : i32
        %swap3A = arith.index_cast %add3A_1519 : i32 to index
        %swap3A_1520 = arith.constant 0 : index
        %swap3A_1521 = tpu.vector_load %arg8[%swap3A, %swap3A_1520] {strides = array<i32>} : memref<512x64xf32, #tpu.memory_space<vmem>>, vector<1x16xf32>,
        %swap3A_1522 = vector.shape_cast %swap3A_1521 : vector<1x16xf32> to vector<16xf32>
        %swap3A_1523 = vector.shape_cast %max3A_1495 : vector<16xf32> to vector<1x16xf32>
        tpu.vector_store %arg8[%swap3A, %swap3A_1520], %swap3A_1523 {strides = array<i32>} : memref<512x64xf32, #tpu.memory_space<vmem>>, vector<1x16xf32>,
        %mul3A_1524 = arith.constant 8 : i32
        %mul3A_1525 = arith.muli %add3A_108, %mul3A_1524 : i32
        %add3A_1526 = arith.addi %mul3A_1525, %scan3A_128 : i32
        %swap3A_1527 = arith.index_cast %add3A_1526 : i32 to index
        %swap3A_1528 = arith.constant 16 : index
        %swap3A_1529 = tpu.vector_load %arg8[%swap3A_1527, %swap3A_1528] {strides = array<i32>} : memref<512x64xf32, #tpu.memory_space<vmem>>, vector<1x16xf32>,
        %swap3A_1530 = vector.shape_cast %swap3A_1529 : vector<1x16xf32> to vector<16xf32>
        %swap3A_1531 = vector.shape_cast %max3A_1502 : vector<16xf32> to vector<1x16xf32>
        tpu.vector_store %arg8[%swap3A_1527, %swap3A_1528], %swap3A_1531 {strides = array<i32>} : memref<512x64xf32, #tpu.memory_space<vmem>>, vector<1x16xf32>,
        %mul3A_1532 = arith.constant 8 : i32
        %mul3A_1533 = arith.muli %add3A_108, %mul3A_1532 : i32
        %add3A_1534 = arith.addi %mul3A_1533, %scan3A_128 : i32
        %swap3A_1535 = arith.index_cast %add3A_1534 : i32 to index
        %swap3A_1536 = arith.constant 32 : index
        %swap3A_1537 = tpu.vector_load %arg8[%swap3A_1535, %swap3A_1536] {strides = array<i32>} : memref<512x64xf32, #tpu.memory_space<vmem>>, vector<1x16xf32>,
        %swap3A_1538 = vector.shape_cast %swap3A_1537 : vector<1x16xf32> to vector<16xf32>
        %swap3A_1539 = vector.shape_cast %max3A_1509 : vector<16xf32> to vector<1x16xf32>
        tpu.vector_store %arg8[%swap3A_1535, %swap3A_1536], %swap3A_1539 {strides = array<i32>} : memref<512x64xf32, #tpu.memory_space<vmem>>, vector<1x16xf32>,
        %mul3A_1540 = arith.constant 8 : i32
        %mul3A_1541 = arith.muli %add3A_108, %mul3A_1540 : i32
        %add3A_1542 = arith.addi %mul3A_1541, %scan3A_128 : i32
        %swap3A_1543 = arith.index_cast %add3A_1542 : i32 to index
        %swap3A_1544 = arith.constant 48 : index
        %swap3A_1545 = tpu.vector_load %arg8[%swap3A_1543, %swap3A_1544] {strides = array<i32>} : memref<512x64xf32, #tpu.memory_space<vmem>>, vector<1x16xf32>,
        %swap3A_1546 = vector.shape_cast %swap3A_1545 : vector<1x16xf32> to vector<16xf32>
        %swap3A_1547 = vector.shape_cast %max3A_1516 : vector<16xf32> to vector<1x16xf32>
        tpu.vector_store %arg8[%swap3A_1543, %swap3A_1544], %swap3A_1547 {strides = array<i32>} : memref<512x64xf32, #tpu.memory_space<vmem>>, vector<1x16xf32>,
      }
      %scan3A_127 = arith.constant 8 : i32
    }
    %scan3A_86 = arith.constant 32 : i32
    "tpu.region"() ({
      %run_scoped3A = tpu.sem_alloc : memref<!tpu.dma_semaphore, #tpu.memory_space<semaphore_mem>>
      %dma_start3A_87 = arith.constant 0 : i32
      %dma_start3A_88 = tpu.memref_slice %arg4[%mul3A_2, %dma_start3A_87] : memref<16384x64xf32, #tpu.memory_space<hbm>> -> memref<512x64xf32, #tpu.memory_space<hbm>>
      %dma_start3A_89 = arith.constant 0 : i32
      %dma_start3A_90 = tpu.memref_slice %arg4[%mul3A_2, %dma_start3A_89] : memref<16384x64xf32, #tpu.memory_space<hbm>> -> memref<512x64xf32, #tpu.memory_space<hbm>>
      tpu.enqueue_dma source(%arg8 : memref<512x64xf32, #tpu.memory_space<vmem>>) target(%dma_start3A_90 : memref<512x64xf32, #tpu.memory_space<hbm>>) target_semaphore(%run_scoped3A : memref<!tpu.dma_semaphore, #tpu.memory_space<semaphore_mem>>)
      %dma_wait3A = arith.constant 0 : i32
      %dma_wait3A_91 = tpu.memref_slice %arg4[%mul3A_2, %dma_wait3A] : memref<16384x64xf32, #tpu.memory_space<hbm>> -> memref<512x64xf32, #tpu.memory_space<hbm>>
      %dma_wait3A_92 = arith.constant 0 : i32
      %dma_wait3A_93 = tpu.memref_slice %arg4[%mul3A_2, %dma_wait3A_92] : memref<16384x64xf32, #tpu.memory_space<hbm>> -> memref<512x64xf32, #tpu.memory_space<hbm>>
      tpu.wait_dma2 semaphore(%run_scoped3A : memref<!tpu.dma_semaphore, #tpu.memory_space<semaphore_mem>>) src(%arg8 : memref<512x64xf32, #tpu.memory_space<vmem>>) dst(%dma_wait3A_93 : memref<512x64xf32, #tpu.memory_space<hbm>>)
      tpu.yield
    }) : () -> ()
    return
  }
}

</mosaic_0001>

<sc_bundles>
// kernel: _gather_max.3.cloned.1.call-start
scs
__scs_entry_jumppad:
0x0: {  	(pc) =	sbr.rel $0x88, $3  }
0x1: {  	(tag) =	ssettag $0x0;
	lr =	simm.s32 $0x1  }
0x2: {  	[smem:$0x3F9F] =	sst lr;
	_ =	strace $0xD0000000  }
0x3: {  	_ = 	snop  }
0x4: {  	_ = 	snop  }
0x5: {  	_ = 	snop  }
0x6: {  	_ = 	snop  }
0x7: {  	_ = 	snop  }
__scs_overlays_trampoline_lowered:
0x8: {  	[smem:$0x3FAE] =	sst s0  }
0x9: {  	[smem:$0x3FAF] =	sst s1  }
0xa: {  	[smem:$0x3FB0] =	sst s2  }
0xb: {  	[smem:$0x3FB1] =	sst s3  }
0xc: {  	[smem:$0x3FB2] =	sst s4  }
0xd: {  	[smem:$0x3FB3] =	sst s5  }
0xe: {  	[smem:$0x3FB4] =	sst s6  }
0xf: {  	[smem:$0x3FB5] =	sst s7  }
0x10: {  	[smem:$0x3FB6] =	sst s8  }
0x11: {  	[smem:$0x3FB7] =	sst s9;
	s0 =	simm.s32 @!p0 $0x0  }
0x12: {  	s1 =	sld [smem:$0x3F9D];
	s0 =	simm.s32 @p0 $0x1  }
0x13: {  	[smem:$0x3FB8] =	sst s0;
	s0 =	simm.s32 @!p1 $0x0  }
0x14: {  	s2 =	sld [smem:$0x3F9C];
	s0 =	simm.s32 @p1 $0x1  }
0x15: {  	[smem:$0x3FB9] =	sst s0;
	s0 =	simm.s32 @!p2 $0x0  }
0x16: {  	s3 =	sld [smem:$0x3FDB];
	s0 =	simm.s32 @p2 $0x1  }
0x17: {  	s4 =	simm.s32 $0x1BF5;
	[smem:$0x3FBB] =	sst s0  }
0x18: {  	s0 =	sld [smem:$0x3F9E];
	_ =	swait.ge [sflag:s4], $0x0  }
0x19: {  	s7 =	sld [smem:$0x3F9F]  }
0x1a: {  	s8 =	sadd.s32 $0xFFFFE003, lr  }
0x1b: {  	s9 =	sadd.s32 $0xFFFFFEF7, lr;
	s5 =	simm.s32 $0xFFFFFFFF;
	p2 =	slt.u32 s8, $0xFFFFF086  }
0x1c: {  	p1 =	slt.u32 s9, $0xF7A;
	s5 =	simm.s32 @!p2 $0x0  }
0x1d: {  	s5 =	simm.s32 @p1 $0x1;
	p0 =	seq.s32 s7, s2  }
0x1e: {  	s7 =	smul.u32 @!p0 $0xF7A, s2;
	p2 =	seq.s32 @!p0 s5, $0x0  }
0x1f: {  	s9 =	smul.u32 $0xF7A, s1;
	s8 =	simm.s32 @!p0 $0x1BF5;
	p2 =	por !p2, p0  }
0x20: {  	[sflag:s8] =	ssyncset.s32 @!p0 $0xFFFFF086;
	s6 =	sadd.s32 @!p0 s3, s7;
	s7 =	simm.s32 @!p0 $0x108  }
0x21: {  	s3 =	sadd.s32 s3, s9;
	s6 =	sadd.s32 @!p0 $0x88, s6;
	s7 =	simm.s32 @p2 $0x1082  }
0x22: {  	[simem:s7], [sflag:s8] =	dma.local @!p0 [hbm:s6], $0xF7A  }
0x23: {  	s9 =	sor.u32 $0xD0000000, s2;
	s6 =	simm.s32 $0x108;
	_ =	swait.ge @!p0 [sflag:s8], $0x0  }
0x24: {  	s3 =	sadd.s32 $0x88, s3;
	s6 =	simm.s32 @!p1 $0x1082;
	[sflag:s4] =	ssyncset.s32 $0xFFFFF086  }
0x25: {  	[simem:s6], [sflag:s4] =	dma.local [hbm:s3], $0xF7A  }
0x26: {  	[smem:$0x3F9F] =	sst s1;
	(tag) =	ssettag s2;
	_ =	strace s9  }
0x27: {  	s1 =	sld [smem:$0x3FAF]  }
0x28: {  	s2 =	sld [smem:$0x3FB0]  }
0x29: {  	s4 =	sld [smem:$0x3FB2]  }
0x2a: {  	p0 =	seq.s32 s5, $0x0;
	s5 =	sld [smem:$0x3FB3]  }
0x2b: {  	s6 =	sld [smem:$0x3FB4]  }
0x2c: {  	s7 =	sld [smem:$0x3FB5]  }
0x2d: {  	s3 =	simm.s32 $0x108;
	s8 =	sld [smem:$0x3FB6]  }
0x2e: {  	s3 =	simm.s32 @!p0 $0x1082;
	s9 =	sld [smem:$0x3FB7]  }
0x2f: {  	lr =	sadd.s32 s0, s3;
	s0 =	sld [smem:$0x3FAE]  }
0x30: {  	s3 =	sld [smem:$0x3FB1]  }
0x31: {  	[smem:$0x3FBA] =	sst s10  }
0x32: {  	s10 =	sld [smem:$0x3FB8];
	_ =	sdelay $0x3  }
0x33: {  	p0 =	seq.s32 s10, $0x1;
	s10 =	sld [smem:$0x3FBA];
	_ =	sdelay $0x3  }
0x34: {  	[smem:$0x3FBA] =	sst s10  }
0x35: {  	s10 =	sld [smem:$0x3FB9];
	_ =	sdelay $0x3  }
0x36: {  	p1 =	seq.s32 s10, $0x1;
	s10 =	sld [smem:$0x3FBA];
	_ =	sdelay $0x3  }
0x37: {  	[smem:$0x3FBA] =	sst s10  }
0x38: {  	s10 =	sld [smem:$0x3FBB]  }
0x39: {  	_ = 	snop;
	(pc) =	sbr.ind lr, $3  }
0x3a: {  	_ = 	snop  }
0x3b: {  	_ = 	snop  }
0x3c: {  	p2 =	seq.s32 s10, $0x1;
	s10 =	sld [smem:$0x3FBA]  }
0x3d: {  	_ =	shalt  }
0x3e: {  	_ =	shalt  }
0x3f: {  	_ =	shalt  }
0x40: {  	_ =	shalt  }
0x41: {  	_ =	shalt  }
0x42: {  	_ =	shalt  }
0x43: {  	_ =	shalt  }
0x44: {  	_ =	shalt  }
0x45: {  	_ =	shalt  }
0x46: {  	_ =	shalt  }
0x47: {  	_ =	shalt  }
0x48: {  	_ =	shalt  }
0x49: {  	_ =	shalt  }
0x4a: {  	_ =	shalt  }
0x4b: {  	_ =	shalt  }
0x4c: {  	_ =	shalt  }
0x4d: {  	_ =	shalt  }
0x4e: {  	_ =	shalt  }
0x4f: {  	_ =	shalt  }
0x50: {  	_ =	shalt  }
0x51: {  	_ =	shalt  }
0x52: {  	_ =	shalt  }
0x53: {  	_ =	shalt  }
0x54: {  	_ =	shalt  }
0x55: {  	_ =	shalt  }
0x56: {  	_ =	shalt  }
0x57: {  	_ =	shalt  }
0x58: {  	_ =	shalt  }
0x59: {  	_ =	shalt  }
0x5a: {  	_ =	shalt  }
0x5b: {  	_ =	shalt  }
0x5c: {  	_ =	shalt  }
0x5d: {  	_ =	shalt  }
0x5e: {  	_ =	shalt  }
0x5f: {  	_ =	shalt  }
0x60: {  	_ =	shalt  }
0x61: {  	_ =	shalt  }
0x62: {  	_ =	shalt  }
0x63: {  	_ =	shalt  }
0x64: {  	_ =	shalt  }
0x65: {  	_ =	shalt  }
0x66: {  	_ =	shalt  }
0x67: {  	_ =	shalt  }
0x68: {  	_ =	shalt  }
0x69: {  	_ =	shalt  }
0x6a: {  	_ =	shalt  }
0x6b: {  	_ =	shalt  }
0x6c: {  	_ =	shalt  }
0x6d: {  	_ =	shalt  }
0x6e: {  	_ =	shalt  }
0x6f: {  	_ =	shalt  }
0x70: {  	_ =	shalt  }
0x71: {  	_ =	shalt  }
0x72: {  	_ =	shalt  }
0x73: {  	_ =	shalt  }
0x74: {  	_ =	shalt  }
0x75: {  	_ =	shalt  }
0x76: {  	_ =	shalt  }
0x77: {  	_ =	shalt  }
0x78: {  	_ =	shalt  }
0x79: {  	_ =	shalt  }
0x7a: {  	_ =	shalt  }
0x7b: {  	_ =	shalt  }
0x7c: {  	_ =	shalt  }
0x7d: {  	_ =	shalt  }
0x7e: {  	_ =	shalt  }
0x7f: {  	_ =	shalt  }
0x80: {  	_ =	shalt  }
0x81: {  	_ =	shalt  }
0x82: {  	_ =	shalt  }
0x83: {  	_ =	shalt  }
0x84: {  	_ =	shalt  }
0x85: {  	_ =	shalt  }
0x86: {  	_ =	shalt  }
0x87: {  	_ =	shalt  }
.Lfunc_end0:
.L_simem_size_0:
called_computation_lowered:
.L_overlay_start_0:
0x88: {  	s2 =	sld [smem:$0x3FD9]  }
0x89: {  	s3 =	sld [smem:$0x3FFE];
	_ =	sdelay $0x1  }
0x8a: {  	s1 =	srdreg.scid  }
0x8b: {  	s0 =	sand.u32 $0x1, s1  }
0x8c: {  	s17 =	sshll.u32 s0, $0xA;
	s2 =	sadd.s32 s3, s2  }
0x8d: {  	s2 =	sadd.s32 s2, s17  }
0x8e: {  	[smem:$0x3FC6] =	sst s2  }
0x8f: {  	_ = 	snop  }
0x90: {  	s2 =	sld [smem:$0x3FD0];
	(tm) =	ssettm $0x1  }
0x91: {  	s18 =	sld [smem:$0x3FFB];
	_ =	sdelay $0x3  }
0x92: {  	_ =	strace s18  }
0x93: {  	s3 =	sld [smem:$0x3FFC];
	_ =	sdelay $0x3  }
0x94: {  	_ =	strace s3  }
0x95: {  	s3 =	sld [smem:$0x3FFD];
	_ =	sdelay $0x3  }
0x96: {  	_ =	strace s3  }
0x97: {  	_ =	strace $0x8FFFFFFF  }
0x98: {  	s19 =	sld [smem:$0x3FDB];
	_ =	sdelay $0x1  }
0x99: {  	s4 =	simm.s32 $_scs_section_size  }
0x9a: {  	s5 =	simm.s32 $_size__tile_overlayer_lowered;
	s6 =	simm.s32 $_tile_overlayer_lowered  }
0x9b: {  	s22 =	simm.s32 $0x1BFF;
	s21 =	sshll.u32 s6, $0x1;
	s3 =	sadd.s32 s4, s19  }
0x9c: {  	s7 =	simm.s32 $0x0;
	s20 =	sshll.u32 s5, $0x1;
	s5 =	sadd.s32 s21, s3  }
0x9d: {  	[timem:s7], [sflag:s22] =	dma.local [hbm:s5], s20  }
0x9e: {  	_ =	swait.ge [sflag:s22], s20  }
0x9f: {  	s4 =	ssub.s32 $0x0, s20;
	[sflag:s22] =	ssyncset.done $0x0  }
0xa0: {  	[sflag:s22] =	ssyncadd.s32 s4;
	_ =	sdelay $0x1  }
0xa1: {  	s23 =	simm.s32 $0x1B8B  }
0xa2: {  	_ =	swait.ge [sflag:s23], $0x1  }
0xa3: {  	[sflag:s23] =	ssyncset.done $0x0  }
0xa4: {  	s25 =	simm.s32 $0x1B8E;
	s24 =	sld [smem:$0x3FFE];
	[sflag:s23] =	ssyncadd.s32 $0xFFFFFFFF  }
0xa5: {  	s26 =	simm.s32 $execute0_lowered;
	[smem:$0x3FD2] =	sst s25  }
0xa6: {  	s5 =	sshll.u32 s26, $0x1;
	_ =	strace $0x80000046;
	[dreg:$0x1] =	wrdreg $0xFFFFFFFF  }
0xa7: {  	s28 =	simm.s32 $_size_execute0_lowered;
	s3 =	sadd.s32 s3, s5;
	[dreg:$0x0] =	wrdreg $0x0  }
0xa8: {  	s5 =	sshll.u32 s28, $0x1;
	[dreg:$0x2] =	wrdreg s3  }
0xa9: {  	[dreg:$0x3] =	wrdreg s5  }
0xaa: {  	[dreg:$0x4] =	wrdreg $0xC0  }
0xab: {  	_ =	task [dreg:s7], $0x5FFFF  }
0xac: {  	[dreg:$0x1] =	wrdreg $0xFFFFFFFF  }
0xad: {  	[dreg:$0x0] =	wrdreg $0x60  }
0xae: {  	[dreg:$0x2] =	wrdreg s24  }
0xaf: {  	[dreg:$0x3] =	wrdreg s2  }
0xb0: {  	[dreg:$0x4] =	wrdreg $0x9  }
0xb1: {  	_ =	task.clear_ibuf [dreg:s7], $0x5FFFF;
	_ =	strace $0x90000046  }
0xb2: {  	s29 =	simm.s32 $0x9;
	_ =	strace $0x80000048  }
0xb3: {  	_ =	swait.ge [sflag:s29], $0x1  }
0xb4: {  	[sflag:s29] =	ssyncadd.s32 $0xFFFFFFFF  }
0xb5: {  	_ =	strace $0x90000048  }
0xb6: {  	_ =	sfence  }
0xb7: {  	s30 =	sld [smem:$0x0];
	_ =	sdelay $0x2  }
0xb8: {  	s31 =	sshll.u32 s1, $0xD;
	s1 =	sshrl.u32 s1, $0x2  }
0xb9: {  	s3 =	sand.u32 $0x4000, s31;
	s1 =	sadd.s32 s1, s30  }
0xba: {  	s0 =	sor.u32 s3, s0;
	s1 =	sshll.u32 s1, $0x11  }
0xbb: {  	s0 =	sor.u32 s1, s0  }
0xbc: {  	s0 =	sadd.s32 $0x8F2B, s0  }
0xbd: {  	[sflag:s0] =	ssyncadd.remote.s32 $0x1  }
0xbe: {  	_ =	sfence.sel $0xFFFF  }
0xbf: {  	[dreg:$0x0] =	wrdreg $0xFFFFFFFF;
	(pc) =	sbr.abs _section_cstart, $3  }
0xc0: {  	[dreg:$0x1] =	wrdreg $0xFFFFFFFF  }
0xc1: {  	_ =	task.clear_ibuf [dreg:s7], $0x2FFFF;
	_ =	strace $0x9FFFFFFF  }
0xc2: {  	(tm) =	ssettm $0x7FFFFFFF  }
0xc3: {  	_ =	shalt  }
tec
execute0_lowered:
.L_overlay_start_1:
0x0: {  	(tag) =	ssettag $0x1  }
0x1: {  	s0 =	srdreg.scid;
	s1 =	rddreg [dreg:$0x0]  }
0x2: {  	s2 =	stileid.u32;
	s5 =	rddreg [dreg:$0x1];
	s8 =	simm.s32 $0x32  }
0x3: {  	s18 =	simm.s32 $0x118;
	s19 =	simm.s32 $0xAE80;
	s20 =	simm.s32 $0x150  }
0x4: {  	s21 =	simm.s32 $0xBB00;
	s22 =	simm.s32 $0x188;
	s23 =	simm.s32 $0xC780  }
0x5: {  	s24 =	simm.s32 $0xD400;
	s25 =	simm.s32 $0xE080;
	s28 =	simm.s32 $0xF980  }
0x6: {  	s29 =	simm.s32 $0x10600;
	s30 =	simm.s32 $0x11280;
	s31 =	simm.s32 $0x11F00  }
0x7: {  	s9 =	simm.s32 $0x2;
	s10 =	simm.s32 $0x13800;
	s0 =	sand.u32 $0x1, s0  }
0x8: {  	s11 =	simm.s32 $0x0;
	s2 =	sshll.u32 s2, $0xA;
	s3 =	sshll.u32 s0, $0x9  }
0x9: {  	s0 =	ssub.s32 $0x2, s0;
	s4 =	sor.u32 s3, s2;
	s2 =	simm.s32 $0x0  }
0xa: {  	s26 =	sshrl.u32 s0, $0x1;
	s3 =	smul.u32 $0x7, s4;
	[smem:$0x7FF] =	sst s2  }
0xb: {  	s7 =	sshll.u32 s4, $0x3;
	s0 =	ssub.s32 s0, s26;
	s26 =	simm.s32 $0xED00  }
0xc: {  	_ =	strace $0x80000047;
	s5 =	sadd.s32 s5, s7;
	s7 =	simm.s32 $0x3  }
0xd: {  	s6 =	sadd.s32 s3, s1;
	s3 =	sadd.s32 $0xF42A00, s1;
	s1 =	simm.s32 $0x12B80  }
0xe: {  	s4 =	sadd.s32 $0x600, s6;
	s6 =	smax.u32 s0, $0x1;
	s0 =	simm.s32 $0x1  }
.LBB2_1:
0xf: {  	[tilespmem:s2], [sflag:$0x3] =	stream.linear.gather [hbm4b:s4+s2], $0x7000, $0x38;
	[tilespmem:$0x1B800] =	vst v63  }
0x10: {  	_ =	swait.ge [sflag:s7], $0x7000  }
0x11: {  	[sflag:s7] =	ssyncset.done $0x0  }
0x12: {  	s12 =	simm.s32 $0x7000;
	[sflag:s7] =	ssyncadd.s32 $0xFFFF9000  }
0x13: {  	[tilespmem:s12], [sflag:$0x1] =	stream.indirect.gather [hbm4b:s3+s8], $0x40, s2, s8, $0xb8;
	[tilespmem:$0x1B800] =	vst v63  }
0x14: {  	s15 =	simm.s32 $0x38;
	s13 =	simm.s32 $0x7C80  }
0x15: {  	[tilespmem:s13], [sflag:$0x1] =	stream.indirect.gather [hbm4b:s3+s8], $0x40, s15, s8, $0xb8;
	[tilespmem:$0x1B800] =	vst v63  }
0x16: {  	s16 =	simm.s32 $0x70;
	s17 =	simm.s32 $0x8900  }
0x17: {  	[tilespmem:s17], [sflag:$0x1] =	stream.indirect.gather [hbm4b:s3+s8], $0x40, s16, s8, $0xb8;
	[tilespmem:$0x1B800] =	vst v63  }
0x18: {  	s14 =	simm.s32 $0xA8;
	s15 =	simm.s32 $0x9580  }
0x19: {  	[tilespmem:s15], [sflag:$0x1] =	stream.indirect.gather [hbm4b:s3+s8], $0x40, s14, s8, $0xb8;
	[tilespmem:$0x1B800] =	vst v63  }
0x1a: {  	s16 =	simm.s32 $0xE0;
	s17 =	simm.s32 $0xA200  }
0x1b: {  	[tilespmem:s17], [sflag:$0x1] =	stream.indirect.gather [hbm4b:s3+s8], $0x40, s16, s8, $0xb8;
	[tilespmem:$0x1B800] =	vst v63  }
0x1c: {  	_ = 	snop  }
0x1d: {  	[tilespmem:s19], [sflag:$0x1] =	stream.indirect.gather [hbm4b:s3+s8], $0x40, s18, s8, $0xb8;
	[tilespmem:$0x1B800] =	vst v63  }
0x1e: {  	_ = 	snop  }
0x1f: {  	[tilespmem:s21], [sflag:$0x1] =	stream.indirect.gather [hbm4b:s3+s8], $0x40, s20, s8, $0xb8;
	[tilespmem:$0x1B800] =	vst v63  }
0x20: {  	s12 =	simm.s32 $0x0  }
0x21: {  	[tilespmem:s23], [sflag:$0x1] =	stream.indirect.gather [hbm4b:s3+s8], $0x40, s22, s8, $0xb8;
	[tilespmem:$0x1B800] =	vst v63  }
.LBB2_2:
0x22: {  	s13 =	sshllo.u32 s12, $0x1  }
0x23: {  	s14 =	smul.u32 $0x700, s13;
	_ =	sdelay $0x1  }
0x24: {  	s14 =	sshra.s32 s14, $0x2  }
0x25: {  	[tilespmem:s24], [sflag:$0x2] =	stream.indirect.gather [hbm4b:s3+s8], $0x40, s14, s8, $0xb8;
	[tilespmem:$0x1B800] =	vst v63  }
0x26: {  	s15 =	sor.u32 $0x38, s14  }
0x27: {  	[tilespmem:s25], [sflag:$0x2] =	stream.indirect.gather [hbm4b:s3+s8], $0x40, s15, s8, $0xb8;
	[tilespmem:$0x1B800] =	vst v63  }
0x28: {  	s17 =	sadd.s32 $0x70, s14  }
0x29: {  	[tilespmem:s26], [sflag:$0x2] =	stream.indirect.gather [hbm4b:s3+s8], $0x40, s17, s8, $0xb8;
	[tilespmem:$0x1B800] =	vst v63  }
0x2a: {  	s16 =	sadd.s32 $0xA8, s14  }
0x2b: {  	[tilespmem:s28], [sflag:$0x2] =	stream.indirect.gather [hbm4b:s3+s8], $0x40, s16, s8, $0xb8;
	[tilespmem:$0x1B800] =	vst v63  }
0x2c: {  	s17 =	sadd.s32 $0xE0, s14  }
0x2d: {  	[tilespmem:s29], [sflag:$0x2] =	stream.indirect.gather [hbm4b:s3+s8], $0x40, s17, s8, $0xb8;
	[tilespmem:$0x1B800] =	vst v63  }
0x2e: {  	s16 =	sadd.s32 $0x118, s14  }
0x2f: {  	[tilespmem:s30], [sflag:$0x2] =	stream.indirect.gather [hbm4b:s3+s8], $0x40, s16, s8, $0xb8;
	[tilespmem:$0x1B800] =	vst v63  }
0x30: {  	s17 =	sadd.s32 $0x150, s14  }
0x31: {  	[tilespmem:s31], [sflag:$0x2] =	stream.indirect.gather [hbm4b:s3+s8], $0x40, s17, s8, $0xb8;
	[tilespmem:$0x1B800] =	vst v63  }
0x32: {  	s14 =	sadd.s32 $0x188, s14;
	s16 =	sshll.u32 s12, $0xA  }
0x33: {  	[tilespmem:s1], [sflag:$0x2] =	stream.indirect.gather [hbm4b:s3+s8], $0x40, s14, s8, $0xb8;
	[tilespmem:$0x1B800] =	vst v63  }
0x34: {  	s14 =	sand.u32 $0x3FFFFC00, s16  }
0x35: {  	_ =	swait.ge [sflag:s0], $0x6400;
	s17 =	sadd.s32 $0x13800, s14  }
0x36: {  	[sflag:s0] =	ssyncset.done $0x0;
	v0 =	vmov s17  }
0x37: {  	s14 =	simm.s32 $0x0;
	[sflag:s0] =	ssyncadd.s32 $0xFFFF9C00;
	[tilespmem:$0x1FFF0] =	vst v0  }
.LBB2_3:
0x38: {  	s15 =	smul.u32 $0x3200, s14;
	_ =	sdelay $0x1  }
0x39: {  	s15 =	sshra.s32 s15, $0x2  }
0x3a: {  	v63 =	vld [tilespmem:s15+$0x73F0];
	_ =	sdelay $0x4  }
0x3b: {  	[tilespmem:$0x1FAF0] =	vst v63;
	v63 =	vld [tilespmem:s15+$0x7400];
	_ =	sdelay $0x4  }
0x3c: {  	[tilespmem:$0x1FB00] =	vst v63;
	v63 =	vld [tilespmem:s15+$0x7410];
	_ =	sdelay $0x4  }
0x3d: {  	[tilespmem:$0x1FB10] =	vst v63;
	v63 =	vld [tilespmem:s15+$0x7420];
	_ =	sdelay $0x4  }
0x3e: {  	[tilespmem:$0x1FB20] =	vst v63;
	v63 =	vld [tilespmem:s15+$0x7430];
	_ =	sdelay $0x4  }
0x3f: {  	[tilespmem:$0x1FB30] =	vst v63;
	v63 =	vld [tilespmem:s15+$0x7440];
	_ =	sdelay $0x4  }
0x40: {  	[tilespmem:$0x1FB40] =	vst v63;
	v63 =	vld [tilespmem:s15+$0x7450];
	_ =	sdelay $0x4  }
0x41: {  	[tilespmem:$0x1FB50] =	vst v63;
	v63 =	vld [tilespmem:s15+$0x7460];
	_ =	sdelay $0x4  }
0x42: {  	[tilespmem:$0x1FB60] =	vst v63;
	v63 =	vld [tilespmem:s15+$0x7470];
	_ =	sdelay $0x4  }
0x43: {  	[tilespmem:$0x1FB70] =	vst v63;
	v63 =	vld [tilespmem:s15+$0x7480];
	_ =	sdelay $0x4  }
0x44: {  	[tilespmem:$0x1FB80] =	vst v63;
	v63 =	vld [tilespmem:s15+$0x7490];
	_ =	sdelay $0x4  }
0x45: {  	[tilespmem:$0x1FB90] =	vst v63;
	v63 =	vld [tilespmem:s15+$0x74A0];
	_ =	sdelay $0x4  }
0x46: {  	[tilespmem:$0x1FBA0] =	vst v63;
	v63 =	vld [tilespmem:s15+$0x74B0];
	_ =	sdelay $0x4  }
0x47: {  	[tilespmem:$0x1FBB0] =	vst v63;
	v63 =	vld [tilespmem:s15+$0x74C0];
	_ =	sdelay $0x4  }
0x48: {  	[tilespmem:$0x1FBC0] =	vst v63;
	v63 =	vld [tilespmem:s15+$0x74D0];
	_ =	sdelay $0x4  }
0x49: {  	[tilespmem:$0x1FBD0] =	vst v63;
	v63 =	vld [tilespmem:s15+$0x74E0];
	_ =	sdelay $0x4  }
0x4a: {  	[tilespmem:$0x1FBE0] =	vst v63;
	v63 =	vld [tilespmem:s15+$0x74F0];
	_ =	sdelay $0x4  }
0x4b: {  	[tilespmem:$0x1FBF0] =	vst v63;
	v63 =	vld [tilespmem:s15+$0x7500];
	_ =	sdelay $0x4  }
0x4c: {  	[tilespmem:$0x1FC00] =	vst v63;
	v63 =	vld [tilespmem:s15+$0x7510];
	_ =	sdelay $0x4  }
0x4d: {  	[tilespmem:$0x1FC10] =	vst v63;
	v63 =	vld [tilespmem:s15+$0x7520];
	_ =	sdelay $0x4  }
0x4e: {  	[tilespmem:$0x1FC20] =	vst v63;
	v63 =	vld [tilespmem:s15+$0x7530];
	_ =	sdelay $0x4  }
0x4f: {  	[tilespmem:$0x1FC30] =	vst v63;
	v63 =	vld [tilespmem:s15+$0x7540];
	_ =	sdelay $0x4  }
0x50: {  	[tilespmem:$0x1FC40] =	vst v63;
	v63 =	vld [tilespmem:s15+$0x7550];
	_ =	sdelay $0x4  }
0x51: {  	[tilespmem:$0x1FC50] =	vst v63;
	v63 =	vld [tilespmem:s15+$0x7560];
	_ =	sdelay $0x4  }
0x52: {  	[tilespmem:$0x1FC60] =	vst v63;
	v63 =	vld [tilespmem:s15+$0x7570];
	_ =	sdelay $0x4  }
0x53: {  	[tilespmem:$0x1FC70] =	vst v63;
	v63 =	vld [tilespmem:s15+$0x7580];
	_ =	sdelay $0x4  }
0x54: {  	[tilespmem:$0x1FC80] =	vst v63;
	v63 =	vld [tilespmem:s15+$0x7590];
	_ =	sdelay $0x4  }
0x55: {  	[tilespmem:$0x1FC90] =	vst v63;
	v63 =	vld [tilespmem:s15+$0x75A0];
	_ =	sdelay $0x4  }
0x56: {  	[tilespmem:$0x1FCA0] =	vst v63;
	v63 =	vld [tilespmem:s15+$0x75B0];
	_ =	sdelay $0x4  }
0x57: {  	[tilespmem:$0x1FCB0] =	vst v63;
	v63 =	vld [tilespmem:s15+$0x75C0]  }
0x58: {  	v15 =	vld [tilespmem:s15+$0x7000]  }
0x59: {  	v11 =	vld [tilespmem:s15+$0x7010]  }
0x5a: {  	v20 =	vld [tilespmem:s15+$0x7020]  }
0x5b: {  	v16 =	vld [tilespmem:s15+$0x7030]  }
0x5c: {  	[tilespmem:$0x1FCC0] =	vst v63;
	v63 =	vld [tilespmem:s15+$0x75D0]  }
0x5d: {  	v0 =	vld [tilespmem:s15+$0x7040]  }
0x5e: {  	v1 =	vld [tilespmem:s15+$0x7050]  }
0x5f: {  	v3 =	vld [tilespmem:s15+$0x7060]  }
0x60: {  	v4 =	vld [tilespmem:s15+$0x7070]  }
0x61: {  	[tilespmem:$0x1FCD0] =	vst v63;
	v63 =	vld [tilespmem:s15+$0x75E0]  }
0x62: {  	v2 =	vld [tilespmem:s15+$0x7080]  }
0x63: {  	v6 =	vld [tilespmem:s15+$0x7090]  }
0x64: {  	v7 =	vld [tilespmem:s15+$0x70A0]  }
0x65: {  	v5 =	vld [tilespmem:s15+$0x70B0]  }
0x66: {  	[tilespmem:$0x1FCE0] =	vst v63;
	v63 =	vld [tilespmem:s15+$0x75F0]  }
0x67: {  	v9 =	vld [tilespmem:s15+$0x70C0]  }
0x68: {  	v10 =	vld [tilespmem:s15+$0x70D0]  }
0x69: {  	v8 =	vld [tilespmem:s15+$0x70E0]  }
0x6a: {  	v12 =	vld [tilespmem:s15+$0x70F0]  }
0x6b: {  	[tilespmem:$0x1FCF0] =	vst v63;
	v63 =	vld [tilespmem:s15+$0x7600]  }
0x6c: {  	v13 =	vld [tilespmem:s15+$0x7100]  }
0x6d: {  	v14 =	vld [tilespmem:s15+$0x7110]  }
0x6e: {  	v17 =	vld [tilespmem:s15+$0x7120]  }
0x6f: {  	v18 =	vld [tilespmem:s15+$0x7130]  }
0x70: {  	[tilespmem:$0x1FD00] =	vst v63;
	v63 =	vld [tilespmem:s15+$0x7610]  }
0x71: {  	v19 =	vld [tilespmem:s15+$0x7140]  }
0x72: {  	v61 =	vld [tilespmem:s15+$0x7150]  }
0x73: {  	v22 =	vld [tilespmem:s15+$0x7160]  }
0x74: {  	v21 =	vld [tilespmem:s15+$0x7170]  }
0x75: {  	[tilespmem:$0x1FD10] =	vst v63;
	v63 =	vld [tilespmem:s15+$0x7620]  }
0x76: {  	v51 =	vld [tilespmem:s15+$0x7180]  }
0x77: {  	v24 =	vld [tilespmem:s15+$0x7190]  }
0x78: {  	v23 =	vld [tilespmem:s15+$0x71A0]  }
0x79: {  	v39 =	vld [tilespmem:s15+$0x71B0]  }
0x7a: {  	[tilespmem:$0x1FD20] =	vst v63;
	v63 =	vld [tilespmem:s15+$0x7630]  }
0x7b: {  	v26 =	vld [tilespmem:s15+$0x71C0]  }
0x7c: {  	v25 =	vld [tilespmem:s15+$0x71D0]  }
0x7d: {  	v27 =	vld [tilespmem:s15+$0x71E0]  }
0x7e: {  	v29 =	vld [tilespmem:s15+$0x71F0]  }
0x7f: {  	[tilespmem:$0x1FD30] =	vst v63;
	v63 =	vld [tilespmem:s15+$0x7640]  }
0x80: {  	v28 =	vld [tilespmem:s15+$0x7200]  }
0x81: {  	v31 =	vld [tilespmem:s15+$0x7210]  }
0x82: {  	v30 =	vld [tilespmem:s15+$0x7220]  }
0x83: {  	v32 =	vld [tilespmem:s15+$0x7230]  }
0x84: {  	[tilespmem:$0x1FD40] =	vst v63;
	v63 =	vld [tilespmem:s15+$0x7650]  }
0x85: {  	v35 =	vld [tilespmem:s15+$0x7240]  }
0x86: {  	v34 =	vld [tilespmem:s15+$0x7250]  }
0x87: {  	v33 =	vld [tilespmem:s15+$0x7260]  }
0x88: {  	v36 =	vld [tilespmem:s15+$0x7270]  }
0x89: {  	[tilespmem:$0x1FD50] =	vst v63;
	v63 =	vld [tilespmem:s15+$0x7660]  }
0x8a: {  	v37 =	vld [tilespmem:s15+$0x7280]  }
0x8b: {  	v38 =	vld [tilespmem:s15+$0x7290]  }
0x8c: {  	v40 =	vld [tilespmem:s15+$0x72A0]  }
0x8d: {  	v41 =	vld [tilespmem:s15+$0x72B0]  }
0x8e: {  	[tilespmem:$0x1FD60] =	vst v63;
	v63 =	vld [tilespmem:s15+$0x7670]  }
0x8f: {  	v42 =	vld [tilespmem:s15+$0x72C0]  }
0x90: {  	v45 =	vld [tilespmem:s15+$0x72D0]  }
0x91: {  	v43 =	vld [tilespmem:s15+$0x72E0]  }
0x92: {  	v44 =	vld [tilespmem:s15+$0x72F0]  }
0x93: {  	[tilespmem:$0x1FD70] =	vst v63;
	v63 =	vld [tilespmem:s15+$0x7680]  }
0x94: {  	v48 =	vld [tilespmem:s15+$0x7300]  }
0x95: {  	v46 =	vld [tilespmem:s15+$0x7310]  }
0x96: {  	v47 =	vld [tilespmem:s15+$0x7320]  }
0x97: {  	v52 =	vld [tilespmem:s15+$0x7330]  }
0x98: {  	[tilespmem:$0x1FD80] =	vst v63;
	v63 =	vld [tilespmem:s15+$0x7690]  }
0x99: {  	v49 =	vld [tilespmem:s15+$0x7340]  }
0x9a: {  	v50 =	vld [tilespmem:s15+$0x7350]  }
0x9b: {  	v54 =	vld [tilespmem:s15+$0x7360]  }
0x9c: {  	v55 =	vld [tilespmem:s15+$0x7370]  }
0x9d: {  	[tilespmem:$0x1FD90] =	vst v63;
	v63 =	vld [tilespmem:s15+$0x76A0]  }
0x9e: {  	v53 =	vld [tilespmem:s15+$0x7380]  }
0x9f: {  	v57 =	vld [tilespmem:s15+$0x7390]  }
0xa0: {  	v58 =	vld [tilespmem:s15+$0x73A0]  }
0xa1: {  	v56 =	vld [tilespmem:s15+$0x73B0]  }
0xa2: {  	[tilespmem:$0x1FDA0] =	vst v63;
	v63 =	vld [tilespmem:s15+$0x76B0]  }
0xa3: {  	v60 =	vld [tilespmem:s15+$0x73C0]  }
0xa4: {  	v62 =	vld [tilespmem:s15+$0x73D0]  }
0xa5: {  	v59 =	vld [tilespmem:s15+$0x73E0]  }
0xa6: {  	v0 =	vmax.f32 v15, v0;
	v15 =	vld [tilespmem:s15+$0x78B0]  }
0xa7: {  	v3 =	vmax.f32 v20, v3;
	[tilespmem:$0x1FDB0] =	vst v63;
	v63 =	vld [tilespmem:s15+$0x76C0]  }
0xa8: {  	v1 =	vmax.f32 v11, v1;
	v4 =	vmax.f32 v16, v4;
	v11 =	vld [tilespmem:s15+$0x78C0];
	v16 =	vmax.f32 v3, v7  }
0xa9: {  	v0 =	vmax.f32 v0, v2;
	v20 =	vmax.f32 v4, v5;
	v2 =	vmax.f32 v16, v8;
	v16 =	vld [tilespmem:s15+$0x78E0]  }
0xaa: {  	v3 =	vmax.f32 v20, v12;
	v20 =	vld [tilespmem:s15+$0x78F0]  }
0xab: {  	v12 =	vld [tilespmem:s15+$0x79D0]  }
0xac: {  	v1 =	vmax.f32 v1, v6;
	v0 =	vmax.f32 v0, v9;
	[tilespmem:$0x1FDC0] =	vst v63;
	v63 =	vld [tilespmem:s15+$0x76D0]  }
0xad: {  	v1 =	vmax.f32 v1, v10;
	v0 =	vmax.f32 v0, v13;
	v13 =	vld [tilespmem:s15+$0x79E0]  }
0xae: {  	v1 =	vmax.f32 v1, v14;
	v14 =	vld [tilespmem:s15+$0x79F0]  }
0xaf: {  	v2 =	vmax.f32 v2, v17;
	v17 =	vld [tilespmem:s15+$0x7A10]  }
0xb0: {  	v3 =	vmax.f32 v3, v18;
	v18 =	vld [tilespmem:s15+$0x7A20]  }
0xb1: {  	[tilespmem:$0x1FDD0] =	vst v63;
	v63 =	vld [tilespmem:s15+$0x76E0]  }
0xb2: {  	v1 =	vmax.f32 v1, v61;
	v61 =	vld [tilespmem:s15+$0x7900]  }
0xb3: {  	v0 =	vmax.f32 v0, v19;
	v19 =	vld [tilespmem:s15+$0x7A30]  }
0xb4: {  	v3 =	vmax.f32 v3, v21;
	v21 =	vld [tilespmem:s15+$0x7A50]  }
0xb5: {  	v2 =	vmax.f32 v2, v22;
	v22 =	vld [tilespmem:s15+$0x7A60]  }
0xb6: {  	[tilespmem:$0x1FDE0] =	vst v63;
	v63 =	vld [tilespmem:s15+$0x76F0]  }
0xb7: {  	[tilespmem:$0x1FFA0] =	vst v15;
	v15 =	vld [tilespmem:s15+$0x78D0]  }
0xb8: {  	v0 =	vmax.f32 v0, v51;
	v51 =	vld [tilespmem:s15+$0x7910]  }
0xb9: {  	v3 =	vmax.f32 v3, v39;
	v39 =	vld [tilespmem:s15+$0x7920]  }
0xba: {  	v2 =	vmax.f32 v2, v23;
	v23 =	vld [tilespmem:s15+$0x7A70]  }
0xbb: {  	[tilespmem:$0x1FDF0] =	vst v63;
	v63 =	vld [tilespmem:s15+$0x7700]  }
0xbc: {  	v2 =	vmax.f32 v2, v27;
	v3 =	vmax.f32 v3, v29;
	v27 =	vld [tilespmem:s15+$0x7930]  }
0xbd: {  	v32 =	vmax.f32 v3, v32;
	v3 =	vld [tilespmem:s15+$0x7950]  }
0xbe: {  	v1 =	vmax.f32 v1, v24;
	v0 =	vmax.f32 v0, v26;
	[tilespmem:$0x1FFD0] =	vst v16;
	v16 =	vld [tilespmem:s15+$0x7A00]  }
0xbf: {  	v1 =	vmax.f32 v1, v25;
	[tilespmem:$0x1FFE0] =	vst v20;
	v0 =	vmax.f32 v0, v28;
	v20 =	vld [tilespmem:s15+$0x7A40]  }
0xc0: {  	v1 =	vmax.f32 v1, v31;
	v0 =	vmax.f32 v0, v35;
	[tilespmem:$0x1FE00] =	vst v63;
	v63 =	vld [tilespmem:s15+$0x7710]  }
0xc1: {  	v2 =	vmax.f32 v2, v30;
	v1 =	vmax.f32 v1, v34;
	v34 =	vmax.f32 v0, v37;
	v0 =	vld [tilespmem:s15+$0x7960]  }
0xc2: {  	v2 =	vmax.f32 v2, v33;
	v35 =	vmax.f32 v1, v38;
	v1 =	vld [tilespmem:s15+$0x7970]  }
0xc3: {  	v2 =	vmax.f32 v2, v40;
	[tilespmem:$0x1FFC0] =	vst v15;
	v15 =	vld [tilespmem:s15+$0x7940]  }
0xc4: {  	v4 =	vmax.f32 v32, v36;
	v36 =	vmax.f32 v2, v43;
	v2 =	vld [tilespmem:s15+$0x7980]  }
0xc5: {  	v4 =	vmax.f32 v4, v41;
	[tilespmem:$0x1FE10] =	vst v63;
	v63 =	vld [tilespmem:s15+$0x7720]  }
0xc6: {  	v37 =	vmax.f32 v4, v44;
	v4 =	vld [tilespmem:s15+$0x7990]  }
0xc7: {  	v5 =	vmax.f32 v34, v42;
	v42 =	vld [tilespmem:$0x1FAF0]  }
0xc8: {  	v43 =	vld [tilespmem:$0x1FB00]  }
0xc9: {  	v44 =	vld [tilespmem:$0x1FB10]  }
0xca: {  	v6 =	vmax.f32 v35, v45;
	v5 =	vmax.f32 v5, v48;
	[tilespmem:$0x1FE20] =	vst v63;
	v63 =	vld [tilespmem:s15+$0x7730]  }
0xcb: {  	v6 =	vmax.f32 v6, v46;
	v7 =	vmax.f32 v36, v47;
	v38 =	vmax.f32 v5, v49;
	v5 =	vld [tilespmem:s15+$0x79A0]  }
0xcc: {  	v40 =	vmax.f32 v6, v50;
	v7 =	vmax.f32 v7, v54;
	v6 =	vld [tilespmem:s15+$0x79B0]  }
0xcd: {  	v41 =	vmax.f32 v7, v58;
	v7 =	vld [tilespmem:s15+$0x79C0]  }
0xce: {  	v45 =	vld [tilespmem:$0x1FB20]  }
0xcf: {  	[tilespmem:$0x1FE30] =	vst v63;
	v63 =	vld [tilespmem:s15+$0x7740]  }
0xd0: {  	v46 =	vld [tilespmem:$0x1FB30]  }
0xd1: {  	v47 =	vld [tilespmem:$0x1FB40]  }
0xd2: {  	v48 =	vld [tilespmem:$0x1FB50]  }
0xd3: {  	v49 =	vld [tilespmem:$0x1FB60]  }
0xd4: {  	[tilespmem:$0x1FE40] =	vst v63;
	v63 =	vld [tilespmem:s15+$0x7750]  }
0xd5: {  	v50 =	vld [tilespmem:$0x1FB70]  }
0xd6: {  	v8 =	vmax.f32 v37, v52;
	v52 =	vld [tilespmem:$0x1FB80]  }
0xd7: {  	v9 =	vmax.f32 v38, v53;
	v53 =	vld [tilespmem:$0x1FB90]  }
0xd8: {  	v54 =	vld [tilespmem:$0x1FBA0]  }
0xd9: {  	[tilespmem:$0x1FE50] =	vst v63;
	v63 =	vld [tilespmem:s15+$0x7760]  }
0xda: {  	v8 =	vmax.f32 v8, v55;
	v55 =	vld [tilespmem:$0x1FBB0]  }
0xdb: {  	v8 =	vmax.f32 v8, v56;
	v56 =	vld [tilespmem:$0x1FBC0]  }
0xdc: {  	v10 =	vmax.f32 v40, v57;
	v57 =	vld [tilespmem:$0x1FBD0]  }
0xdd: {  	v58 =	vld [tilespmem:$0x1FBE0]  }
0xde: {  	[tilespmem:$0x1FE60] =	vst v63;
	v63 =	vld [tilespmem:s15+$0x7770]  }
0xdf: {  	[tilespmem:$0x1FFB0] =	vst v11;
	v11 =	vmax.f32 v41, v59;
	v59 =	vld [tilespmem:$0x1FBF0]  }
0xe0: {  	v9 =	vmax.f32 v9, v60;
	v60 =	vld [tilespmem:$0x1FC00]  }
0xe1: {  	v24 =	vld [tilespmem:$0x1FC20]  }
0xe2: {  	v8 =	vmax.f32 v8, v42;
	v11 =	vmax.f32 v11, v45;
	v25 =	vld [tilespmem:$0x1FC30]  }
0xe3: {  	v8 =	vmax.f32 v8, v46;
	v11 =	vmax.f32 v11, v49;
	[tilespmem:$0x1FE70] =	vst v63;
	v63 =	vld [tilespmem:s15+$0x7780]  }
0xe4: {  	v10 =	vmax.f32 v10, v62;
	v8 =	vmax.f32 v8, v50;
	v11 =	vmax.f32 v11, v54;
	v62 =	vld [tilespmem:$0x1FC10]  }
0xe5: {  	v9 =	vmax.f32 v9, v43;
	v8 =	vmax.f32 v8, v55;
	v11 =	vmax.f32 v11, v58;
	v26 =	vld [tilespmem:$0x1FC40]  }
0xe6: {  	v9 =	vmax.f32 v9, v47;
	v8 =	vmax.f32 v8, v59;
	v11 =	vmax.f32 v11, v24;
	v24 =	vld [tilespmem:s15+$0x7A80]  }
0xe7: {  	v9 =	vmax.f32 v9, v52;
	v8 =	vmax.f32 v8, v25;
	v25 =	vld [tilespmem:s15+$0x7A90]  }
0xe8: {  	v9 =	vmax.f32 v9, v56;
	[tilespmem:$0x1FE80] =	vst v63;
	v63 =	vld [tilespmem:s15+$0x7790]  }
0xe9: {  	v10 =	vmax.f32 v10, v44;
	v9 =	vmax.f32 v9, v60;
	v28 =	vld [tilespmem:$0x1FC50]  }
0xea: {  	v10 =	vmax.f32 v10, v48;
	v9 =	vmax.f32 v9, v26;
	v26 =	vld [tilespmem:s15+$0x7AA0]  }
0xeb: {  	v10 =	vmax.f32 v10, v53;
	v29 =	vld [tilespmem:$0x1FC60]  }
0xec: {  	v10 =	vmax.f32 v10, v57;
	v30 =	vld [tilespmem:$0x1FC70]  }
0xed: {  	v10 =	vmax.f32 v10, v62;
	[tilespmem:$0x1FE90] =	vst v63;
	v63 =	vld [tilespmem:s15+$0x77A0]  }
0xee: {  	v10 =	vmax.f32 v10, v28;
	v28 =	vld [tilespmem:s15+$0x7AB0]  }
0xef: {  	v31 =	vld [tilespmem:$0x1FC80]  }
0xf0: {  	v11 =	vmax.f32 v11, v29;
	v29 =	vld [tilespmem:s15+$0x7AC0]  }
0xf1: {  	v8 =	vmax.f32 v8, v30;
	v30 =	vld [tilespmem:s15+$0x7AD0]  }
0xf2: {  	[tilespmem:$0x1FEA0] =	vst v63;
	v63 =	vld [tilespmem:s15+$0x77B0]  }
0xf3: {  	v32 =	vld [tilespmem:$0x1FC90]  }
0xf4: {  	v9 =	vmax.f32 v9, v31;
	v31 =	vld [tilespmem:s15+$0x7AE0]  }
0xf5: {  	v33 =	vld [tilespmem:$0x1FCA0]  }
0xf6: {  	v34 =	vld [tilespmem:$0x1FCB0]  }
0xf7: {  	[tilespmem:$0x1FEB0] =	vst v63;
	v63 =	vld [tilespmem:s15+$0x77C0]  }
0xf8: {  	v10 =	vmax.f32 v10, v32;
	v32 =	vld [tilespmem:s15+$0x7AF0]  }
0xf9: {  	v35 =	vld [tilespmem:$0x1FCC0]  }
0xfa: {  	v11 =	vmax.f32 v11, v33;
	v33 =	vld [tilespmem:s15+$0x7B00]  }
0xfb: {  	v8 =	vmax.f32 v8, v34;
	v34 =	vld [tilespmem:s15+$0x7B10]  }
0xfc: {  	[tilespmem:$0x1FEC0] =	vst v63;
	v63 =	vld [tilespmem:s15+$0x77D0]  }
0xfd: {  	v36 =	vld [tilespmem:$0x1FCD0]  }
0xfe: {  	v9 =	vmax.f32 v9, v35;
	v35 =	vld [tilespmem:s15+$0x7B20]  }
0xff: {  	v37 =	vld [tilespmem:$0x1FCE0]  }
0x100: {  	v38 =	vld [tilespmem:$0x1FCF0]  }
0x101: {  	[tilespmem:$0x1FED0] =	vst v63;
	v63 =	vld [tilespmem:s15+$0x77E0]  }
0x102: {  	v40 =	vld [tilespmem:$0x1FD00]  }
0x103: {  	v41 =	vld [tilespmem:$0x1FD10]  }
0x104: {  	v42 =	vld [tilespmem:$0x1FD20]  }
0x105: {  	v43 =	vld [tilespmem:$0x1FD30]  }
0x106: {  	[tilespmem:$0x1FEE0] =	vst v63;
	v63 =	vld [tilespmem:s15+$0x77F0]  }
0x107: {  	v44 =	vld [tilespmem:$0x1FD40]  }
0x108: {  	v45 =	vld [tilespmem:$0x1FD50]  }
0x109: {  	v46 =	vld [tilespmem:$0x1FD60]  }
0x10a: {  	v47 =	vld [tilespmem:$0x1FD70]  }
0x10b: {  	[tilespmem:$0x1FEF0] =	vst v63;
	v63 =	vld [tilespmem:s15+$0x7800]  }
0x10c: {  	v48 =	vld [tilespmem:$0x1FD80]  }
0x10d: {  	v49 =	vld [tilespmem:$0x1FD90]  }
0x10e: {  	v50 =	vld [tilespmem:$0x1FDA0]  }
0x10f: {  	v52 =	vld [tilespmem:$0x1FDB0]  }
0x110: {  	[tilespmem:$0x1FF00] =	vst v63;
	v63 =	vld [tilespmem:s15+$0x7810]  }
0x111: {  	v53 =	vld [tilespmem:$0x1FDC0]  }
0x112: {  	v54 =	vld [tilespmem:$0x1FDD0]  }
0x113: {  	v55 =	vld [tilespmem:$0x1FDE0]  }
0x114: {  	v56 =	vld [tilespmem:$0x1FDF0]  }
0x115: {  	[tilespmem:$0x1FF10] =	vst v63;
	v63 =	vld [tilespmem:s15+$0x7820]  }
0x116: {  	v57 =	vld [tilespmem:$0x1FE00]  }
0x117: {  	v11 =	vmax.f32 v11, v37;
	v59 =	vld [tilespmem:$0x1FE20]  }
0x118: {  	v8 =	vmax.f32 v8, v38;
	v11 =	vmax.f32 v11, v42;
	v60 =	vld [tilespmem:$0x1FE30]  }
0x119: {  	v8 =	vmax.f32 v8, v43;
	v11 =	vmax.f32 v11, v46;
	v58 =	vld [tilespmem:$0x1FE10]  }
0x11a: {  	v8 =	vmax.f32 v8, v47;
	v11 =	vmax.f32 v11, v50;
	[tilespmem:$0x1FF20] =	vst v63;
	v63 =	vld [tilespmem:s15+$0x7830]  }
0x11b: {  	v9 =	vmax.f32 v9, v40;
	v8 =	vmax.f32 v8, v52;
	v11 =	vmax.f32 v11, v55;
	v62 =	vld [tilespmem:$0x1FE40]  }
0x11c: {  	v9 =	vmax.f32 v9, v44;
	v8 =	vmax.f32 v8, v56;
	v11 =	vmax.f32 v11, v59;
	v59 =	vld [tilespmem:$0x1FFA0]  }
0x11d: {  	v10 =	vmax.f32 v10, v36;
	v9 =	vmax.f32 v9, v48;
	v8 =	vmax.f32 v8, v60;
	v60 =	vld [tilespmem:$0x1FFB0]  }
0x11e: {  	v10 =	vmax.f32 v10, v41;
	v9 =	vmax.f32 v9, v53;
	v36 =	vld [tilespmem:$0x1FE50]  }
0x11f: {  	v10 =	vmax.f32 v10, v45;
	v9 =	vmax.f32 v9, v57;
	[tilespmem:$0x1FF30] =	vst v63;
	v63 =	vld [tilespmem:s15+$0x7840]  }
0x120: {  	v10 =	vmax.f32 v10, v49;
	v9 =	vmax.f32 v9, v62;
	v62 =	vld [tilespmem:s15+$0x7B70]  }
0x121: {  	v10 =	vmax.f32 v10, v54;
	v37 =	vld [tilespmem:$0x1FE60]  }
0x122: {  	v10 =	vmax.f32 v10, v58;
	v38 =	vld [tilespmem:$0x1FE70]  }
0x123: {  	v10 =	vmax.f32 v10, v36;
	v36 =	vld [tilespmem:s15+$0x7B30]  }
0x124: {  	[tilespmem:$0x1FF40] =	vst v63;
	v63 =	vld [tilespmem:s15+$0x7850]  }
0x125: {  	v40 =	vld [tilespmem:$0x1FE80]  }
0x126: {  	v11 =	vmax.f32 v11, v37;
	v37 =	vld [tilespmem:s15+$0x7B40]  }
0x127: {  	v8 =	vmax.f32 v8, v38;
	v38 =	vld [tilespmem:s15+$0x7B50]  }
0x128: {  	v41 =	vld [tilespmem:$0x1FE90]  }
0x129: {  	[tilespmem:$0x1FF50] =	vst v63;
	v63 =	vld [tilespmem:s15+$0x7860]  }
0x12a: {  	v9 =	vmax.f32 v9, v40;
	v40 =	vld [tilespmem:s15+$0x7B60]  }
0x12b: {  	v42 =	vld [tilespmem:$0x1FEA0]  }
0x12c: {  	v45 =	vld [tilespmem:$0x1FED0]  }
0x12d: {  	v43 =	vld [tilespmem:$0x1FEB0]  }
0x12e: {  	[tilespmem:$0x1FF60] =	vst v63;
	v63 =	vld [tilespmem:s15+$0x7870]  }
0x12f: {  	v46 =	vld [tilespmem:$0x1FEE0]  }
0x130: {  	v10 =	vmax.f32 v10, v41;
	v44 =	vld [tilespmem:$0x1FEC0]  }
0x131: {  	v10 =	vmax.f32 v10, v45;
	v45 =	vld [tilespmem:$0x1FFD0]  }
0x132: {  	v47 =	vld [tilespmem:$0x1FEF0]  }
0x133: {  	v11 =	vmax.f32 v11, v42;
	[tilespmem:$0x1FF70] =	vst v63;
	v63 =	vld [tilespmem:s15+$0x7880]  }
0x134: {  	v11 =	vmax.f32 v11, v46;
	v46 =	vld [tilespmem:$0x1FFE0]  }
0x135: {  	v48 =	vld [tilespmem:$0x1FF00]  }
0x136: {  	v52 =	vld [tilespmem:$0x1FF30]  }
0x137: {  	v56 =	vld [tilespmem:$0x1FF70]  }
0x138: {  	[tilespmem:$0x1FF80] =	vst v63;
	v63 =	vld [tilespmem:s15+$0x7890]  }
0x139: {  	v50 =	vld [tilespmem:$0x1FF20]  }
0x13a: {  	v8 =	vmax.f32 v8, v43;
	v53 =	vld [tilespmem:$0x1FF40]  }
0x13b: {  	v8 =	vmax.f32 v8, v47;
	v55 =	vld [tilespmem:$0x1FF60]  }
0x13c: {  	v8 =	vmax.f32 v8, v52;
	v57 =	vld [tilespmem:$0x1FF80]  }
0x13d: {  	v8 =	vmax.f32 v8, v56;
	[tilespmem:$0x1FF90] =	vst v63;
	v63 =	vld [tilespmem:s15+$0x78A0]  }
0x13e: {  	v9 =	vmax.f32 v9, v44;
	v47 =	vld [tilespmem:s15+$0x7B80];
	v8 =	vmax.f32 v8, v59  }
0x13f: {  	v9 =	vmax.f32 v9, v48;
	v49 =	vld [tilespmem:$0x1FF10];
	v8 =	vmax.f32 v8, v46  }
0x140: {  	v11 =	vmax.f32 v11, v50;
	v9 =	vmax.f32 v9, v53;
	v54 =	vld [tilespmem:$0x1FF50];
	v8 =	vmax.f32 v8, v27  }
0x141: {  	v11 =	vmax.f32 v11, v55;
	v1 =	vmax.f32 v8, v1;
	v9 =	vmax.f32 v9, v57;
	v58 =	vld [tilespmem:$0x1FF90]  }
0x142: {  	v1 =	vmax.f32 v1, v6;
	v9 =	vmax.f32 v9, v60;
	v11 =	vmax.f32 v11, v63;
	v63 =	vld [tilespmem:$0x1FFC0]  }
0x143: {  	v48 =	vld [tilespmem:s15+$0x7B90];
	v1 =	vmax.f32 v1, v14;
	v9 =	vmax.f32 v9, v61  }
0x144: {  	v10 =	vmax.f32 v10, v49;
	v49 =	vld [tilespmem:s15+$0x7BA0];
	v1 =	vmax.f32 v1, v19;
	v9 =	vmax.f32 v9, v15  }
0x145: {  	v50 =	vld [tilespmem:s15+$0x7BB0];
	v10 =	vmax.f32 v10, v54;
	v1 =	vmax.f32 v1, v23;
	v2 =	vmax.f32 v9, v2  }
0x146: {  	v52 =	vld [tilespmem:s15+$0x7BD0];
	v1 =	vmax.f32 v1, v28;
	v10 =	vmax.f32 v10, v58;
	v11 =	vmax.f32 v11, v45  }
0x147: {  	v53 =	vld [tilespmem:s15+$0x7BE0];
	v2 =	vmax.f32 v2, v7;
	v1 =	vmax.f32 v1, v32;
	v10 =	vmax.f32 v10, v63  }
0x148: {  	v54 =	vld [tilespmem:s15+$0x7BF0];
	v11 =	vmax.f32 v11, v39;
	v2 =	vmax.f32 v2, v16;
	v10 =	vmax.f32 v10, v51  }
0x149: {  	v55 =	vld [tilespmem:s15+$0x7C00];
	v1 =	vmax.f32 v1, v36;
	v0 =	vmax.f32 v11, v0;
	v3 =	vmax.f32 v10, v3  }
0x14a: {  	v56 =	vld [tilespmem:s15+$0x7C10];
	v2 =	vmax.f32 v2, v20;
	v1 =	vmax.f32 v1, v62;
	v3 =	vmax.f32 v3, v4  }
0x14b: {  	v59 =	vld [tilespmem:s15+$0x7C40];
	v0 =	vmax.f32 v0, v5;
	v2 =	vmax.f32 v2, v24;
	v3 =	vmax.f32 v3, v12  }
0x14c: {  	v1 =	vmax.f32 v1, v50;
	v0 =	vmax.f32 v0, v13;
	v63 =	vld [tilespmem:$0x1FFF0];
	v3 =	vmax.f32 v3, v17  }
0x14d: {  	v2 =	vmax.f32 v2, v29;
	v51 =	vld [tilespmem:s15+$0x7BC0];
	v0 =	vmax.f32 v0, v18;
	v3 =	vmax.f32 v3, v21  }
0x14e: {  	v57 =	vld [tilespmem:s15+$0x7C20];
	v1 =	vmax.f32 v1, v54;
	v0 =	vmax.f32 v0, v22;
	v3 =	vmax.f32 v3, v25  }
0x14f: {  	v60 =	vld [tilespmem:s15+$0x7C50];
	v2 =	vmax.f32 v2, v33;
	v0 =	vmax.f32 v0, v26;
	v3 =	vmax.f32 v3, v30  }
0x150: {  	v61 =	vld [tilespmem:s15+$0x7C60];
	v2 =	vmax.f32 v2, v37;
	v0 =	vmax.f32 v0, v31;
	v3 =	vmax.f32 v3, v34  }
0x151: {  	v58 =	vld [tilespmem:s15+$0x7C30];
	v2 =	vmax.f32 v2, v47;
	v0 =	vmax.f32 v0, v35;
	v3 =	vmax.f32 v3, v38  }
0x152: {  	v62 =	vld [tilespmem:s15+$0x7C70];
	v0 =	vmax.f32 v0, v40;
	v2 =	vmax.f32 v2, v51;
	v3 =	vmax.f32 v3, v48  }
0x153: {  	s17 =	sshll.u32 s14, $0x6;
	p0 =	sne.s32 s14, $0x7;
	v0 =	vmax.f32 v0, v49;
	v2 =	vmax.f32 v2, v55;
	v3 =	vmax.f32 v3, v52  }
.Ltmp0:
0x154: {  	s15 =	sand.u32 $0x3FFFFFC0, s17;
	v0 =	vmax.f32 v0, v53;
	v2 =	vmax.f32 v2, v59;
	v3 =	vmax.f32 v3, v56;
	(pc) =	sbr.rel @p0 .LBB2_3-.Ltmp0, $4  }
0x155: {  	v0 =	vmax.f32 v0, v57;
	[tilespmem:v63+s15+$0x0 ss:$0x1] =	vst.idx.msk $0xffff, v2;
	v3 =	vmax.f32 v3, v60  }
0x156: {  	v1 =	vmax.f32 v1, v58;
	v0 =	vmax.f32 v0, v61;
	[tilespmem:v63+s15+$0x10 ss:$0x1] =	vst.idx.msk $0xffff, v3  }
0x157: {  	v1 =	vmax.f32 v1, v62;
	[tilespmem:v63+s15+$0x20 ss:$0x1] =	vst.idx.msk $0xffff, v0  }
0x158: {  	s14 =	sadd.s32 $0x1, s14;
	[tilespmem:v63+s15+$0x30 ss:$0x1] =	vst.idx.msk $0xffff, v1  }
0x159: {  	p0 =	seq.s32 s12, $0x1F  }
0x15a: {  	s14 =	smul.u32 @!p0 $0xE00, s12;
	_ =	sdelay $0x1  }
0x15b: {  	s14 =	sshra.s32 @!p0 s14, $0x2  }
0x15c: {  	s16 =	simm.s32 @!p0 $0x32;
	s17 =	simm.s32 @!p0 $0x7000;
	s15 =	sadd.s32 @!p0 $0x380, s14  }
0x15d: {  	[tilespmem:s17], [sflag:$0x1] =	stream.indirect.gather @!p0 [hbm4b:s3+s16], $0x40, s15, s16, $0xb8;
	[tilespmem:$0x1B800] =	vst v63  }
0x15e: {  	s15 =	sadd.s32 @!p0 $0x3B8, s14;
	s17 =	simm.s32 @!p0 $0x7C80  }
0x15f: {  	[tilespmem:s17], [sflag:$0x1] =	stream.indirect.gather @!p0 [hbm4b:s3+s16], $0x40, s15, s16, $0xb8;
	[tilespmem:$0x1B800] =	vst v63  }
0x160: {  	s15 =	sadd.s32 @!p0 $0x3F0, s14;
	s17 =	simm.s32 @!p0 $0x8900  }
0x161: {  	[tilespmem:s17], [sflag:$0x1] =	stream.indirect.gather @!p0 [hbm4b:s3+s16], $0x40, s15, s16, $0xb8;
	[tilespmem:$0x1B800] =	vst v63  }
0x162: {  	s15 =	sadd.s32 @!p0 $0x428, s14;
	s17 =	simm.s32 @!p0 $0x9580  }
0x163: {  	[tilespmem:s17], [sflag:$0x1] =	stream.indirect.gather @!p0 [hbm4b:s3+s16], $0x40, s15, s16, $0xb8;
	[tilespmem:$0x1B800] =	vst v63  }
0x164: {  	s15 =	sadd.s32 @!p0 $0x460, s14;
	s17 =	simm.s32 @!p0 $0xA200  }
0x165: {  	[tilespmem:s17], [sflag:$0x1] =	stream.indirect.gather @!p0 [hbm4b:s3+s16], $0x40, s15, s16, $0xb8;
	[tilespmem:$0x1B800] =	vst v63  }
0x166: {  	s15 =	sadd.s32 @!p0 $0x498, s14;
	s17 =	simm.s32 @!p0 $0xAE80  }
0x167: {  	[tilespmem:s17], [sflag:$0x1] =	stream.indirect.gather @!p0 [hbm4b:s3+s16], $0x40, s15, s16, $0xb8;
	[tilespmem:$0x1B800] =	vst v63  }
0x168: {  	s13 =	sshll.u32 s13, $0x9;
	s15 =	sadd.s32 @!p0 $0x4D0, s14;
	s17 =	simm.s32 @!p0 $0xBB00  }
0x169: {  	[tilespmem:s17], [sflag:$0x1] =	stream.indirect.gather @!p0 [hbm4b:s3+s16], $0x40, s15, s16, $0xb8;
	[tilespmem:$0x1B800] =	vst v63  }
0x16a: {  	s13 =	sand.u32 $0x3FFFFE00, s13;
	s14 =	sadd.s32 @!p0 $0x508, s14;
	s15 =	simm.s32 @!p0 $0xC780  }
0x16b: {  	[tilespmem:s15], [sflag:$0x1] =	stream.indirect.gather @!p0 [hbm4b:s3+s16], $0x40, s14, s16, $0xb8;
	[tilespmem:$0x1B800] =	vst v63  }
0x16c: {  	s17 =	sadd.s32 $0x13800, s13;
	_ =	swait.ge [sflag:s9], $0x6400  }
0x16d: {  	v0 =	vmov s17;
	[sflag:s9] =	ssyncset.done $0x0  }
0x16e: {  	s13 =	simm.s32 $0x0;
	[tilespmem:$0x1FAE0] =	vst v0;
	[sflag:s9] =	ssyncadd.s32 $0xFFFF9C00  }
.LBB2_5:
0x16f: {  	s14 =	smul.u32 $0x3200, s13;
	_ =	sdelay $0x1  }
0x170: {  	s14 =	sshra.s32 s14, $0x2  }
0x171: {  	v63 =	vld [tilespmem:s14+$0xD7F0];
	_ =	sdelay $0x4  }
0x172: {  	[tilespmem:$0x1F5E0] =	vst v63;
	v63 =	vld [tilespmem:s14+$0xD800];
	_ =	sdelay $0x4  }
0x173: {  	[tilespmem:$0x1F5F0] =	vst v63;
	v63 =	vld [tilespmem:s14+$0xD810];
	_ =	sdelay $0x4  }
0x174: {  	[tilespmem:$0x1F600] =	vst v63;
	v63 =	vld [tilespmem:s14+$0xD820];
	_ =	sdelay $0x4  }
0x175: {  	[tilespmem:$0x1F610] =	vst v63;
	v63 =	vld [tilespmem:s14+$0xD830];
	_ =	sdelay $0x4  }
0x176: {  	[tilespmem:$0x1F620] =	vst v63;
	v63 =	vld [tilespmem:s14+$0xD840];
	_ =	sdelay $0x4  }
0x177: {  	[tilespmem:$0x1F630] =	vst v63;
	v63 =	vld [tilespmem:s14+$0xD850];
	_ =	sdelay $0x4  }
0x178: {  	[tilespmem:$0x1F640] =	vst v63;
	v63 =	vld [tilespmem:s14+$0xD860];
	_ =	sdelay $0x4  }
0x179: {  	[tilespmem:$0x1F650] =	vst v63;
	v63 =	vld [tilespmem:s14+$0xD870];
	_ =	sdelay $0x4  }
0x17a: {  	[tilespmem:$0x1F660] =	vst v63;
	v63 =	vld [tilespmem:s14+$0xD880];
	_ =	sdelay $0x4  }
0x17b: {  	[tilespmem:$0x1F670] =	vst v63;
	v63 =	vld [tilespmem:s14+$0xD890];
	_ =	sdelay $0x4  }
0x17c: {  	[tilespmem:$0x1F680] =	vst v63;
	v63 =	vld [tilespmem:s14+$0xD8A0];
	_ =	sdelay $0x4  }
0x17d: {  	[tilespmem:$0x1F690] =	vst v63;
	v63 =	vld [tilespmem:s14+$0xD8B0];
	_ =	sdelay $0x4  }
0x17e: {  	[tilespmem:$0x1F6A0] =	vst v63;
	v63 =	vld [tilespmem:s14+$0xD8C0];
	_ =	sdelay $0x4  }
0x17f: {  	[tilespmem:$0x1F6B0] =	vst v63;
	v63 =	vld [tilespmem:s14+$0xD8D0];
	_ =	sdelay $0x4  }
0x180: {  	[tilespmem:$0x1F6C0] =	vst v63;
	v63 =	vld [tilespmem:s14+$0xD8E0];
	_ =	sdelay $0x4  }
0x181: {  	[tilespmem:$0x1F6D0] =	vst v63;
	v63 =	vld [tilespmem:s14+$0xD8F0];
	_ =	sdelay $0x4  }
0x182: {  	[tilespmem:$0x1F6E0] =	vst v63;
	v63 =	vld [tilespmem:s14+$0xD900];
	_ =	sdelay $0x4  }
0x183: {  	[tilespmem:$0x1F6F0] =	vst v63;
	v63 =	vld [tilespmem:s14+$0xD910];
	_ =	sdelay $0x4  }
0x184: {  	[tilespmem:$0x1F700] =	vst v63;
	v63 =	vld [tilespmem:s14+$0xD920];
	_ =	sdelay $0x4  }
0x185: {  	[tilespmem:$0x1F710] =	vst v63;
	v63 =	vld [tilespmem:s14+$0xD930];
	_ =	sdelay $0x4  }
0x186: {  	[tilespmem:$0x1F720] =	vst v63;
	v63 =	vld [tilespmem:s14+$0xD940];
	_ =	sdelay $0x4  }
0x187: {  	[tilespmem:$0x1F730] =	vst v63;
	v63 =	vld [tilespmem:s14+$0xD950];
	_ =	sdelay $0x4  }
0x188: {  	[tilespmem:$0x1F740] =	vst v63;
	v63 =	vld [tilespmem:s14+$0xD960];
	_ =	sdelay $0x4  }
0x189: {  	[tilespmem:$0x1F750] =	vst v63;
	v63 =	vld [tilespmem:s14+$0xD970];
	_ =	sdelay $0x4  }
0x18a: {  	[tilespmem:$0x1F760] =	vst v63;
	v63 =	vld [tilespmem:s14+$0xD980];
	_ =	sdelay $0x4  }
0x18b: {  	[tilespmem:$0x1F770] =	vst v63;
	v63 =	vld [tilespmem:s14+$0xD990];
	_ =	sdelay $0x4  }
0x18c: {  	[tilespmem:$0x1F780] =	vst v63;
	v63 =	vld [tilespmem:s14+$0xD9A0];
	_ =	sdelay $0x4  }
0x18d: {  	[tilespmem:$0x1F790] =	vst v63;
	v63 =	vld [tilespmem:s14+$0xD9B0];
	_ =	sdelay $0x4  }
0x18e: {  	[tilespmem:$0x1F7A0] =	vst v63;
	v63 =	vld [tilespmem:s14+$0xD9C0]  }
0x18f: {  	v15 =	vld [tilespmem:s14+$0xD400]  }
0x190: {  	v11 =	vld [tilespmem:s14+$0xD410]  }
0x191: {  	v20 =	vld [tilespmem:s14+$0xD420]  }
0x192: {  	v16 =	vld [tilespmem:s14+$0xD430]  }
0x193: {  	[tilespmem:$0x1F7B0] =	vst v63;
	v63 =	vld [tilespmem:s14+$0xD9D0]  }
0x194: {  	v0 =	vld [tilespmem:s14+$0xD440]  }
0x195: {  	v1 =	vld [tilespmem:s14+$0xD450]  }
0x196: {  	v3 =	vld [tilespmem:s14+$0xD460]  }
0x197: {  	v4 =	vld [tilespmem:s14+$0xD470]  }
0x198: {  	[tilespmem:$0x1F7C0] =	vst v63;
	v63 =	vld [tilespmem:s14+$0xD9E0]  }
0x199: {  	v2 =	vld [tilespmem:s14+$0xD480]  }
0x19a: {  	v6 =	vld [tilespmem:s14+$0xD490]  }
0x19b: {  	v7 =	vld [tilespmem:s14+$0xD4A0]  }
0x19c: {  	v5 =	vld [tilespmem:s14+$0xD4B0]  }
0x19d: {  	[tilespmem:$0x1F7D0] =	vst v63;
	v63 =	vld [tilespmem:s14+$0xD9F0]  }
0x19e: {  	v9 =	vld [tilespmem:s14+$0xD4C0]  }
0x19f: {  	v10 =	vld [tilespmem:s14+$0xD4D0]  }
0x1a0: {  	v8 =	vld [tilespmem:s14+$0xD4E0]  }
0x1a1: {  	v12 =	vld [tilespmem:s14+$0xD4F0]  }
0x1a2: {  	[tilespmem:$0x1F7E0] =	vst v63;
	v63 =	vld [tilespmem:s14+$0xDA00]  }
0x1a3: {  	v13 =	vld [tilespmem:s14+$0xD500]  }
0x1a4: {  	v14 =	vld [tilespmem:s14+$0xD510]  }
0x1a5: {  	v17 =	vld [tilespmem:s14+$0xD520]  }
0x1a6: {  	v18 =	vld [tilespmem:s14+$0xD530]  }
0x1a7: {  	[tilespmem:$0x1F7F0] =	vst v63;
	v63 =	vld [tilespmem:s14+$0xDA10]  }
0x1a8: {  	v19 =	vld [tilespmem:s14+$0xD540]  }
0x1a9: {  	v61 =	vld [tilespmem:s14+$0xD550]  }
0x1aa: {  	v22 =	vld [tilespmem:s14+$0xD560]  }
0x1ab: {  	v21 =	vld [tilespmem:s14+$0xD570]  }
0x1ac: {  	[tilespmem:$0x1F800] =	vst v63;
	v63 =	vld [tilespmem:s14+$0xDA20]  }
0x1ad: {  	v51 =	vld [tilespmem:s14+$0xD580]  }
0x1ae: {  	v24 =	vld [tilespmem:s14+$0xD590]  }
0x1af: {  	v23 =	vld [tilespmem:s14+$0xD5A0]  }
0x1b0: {  	v39 =	vld [tilespmem:s14+$0xD5B0]  }
0x1b1: {  	[tilespmem:$0x1F810] =	vst v63;
	v63 =	vld [tilespmem:s14+$0xDA30]  }
0x1b2: {  	v26 =	vld [tilespmem:s14+$0xD5C0]  }
0x1b3: {  	v25 =	vld [tilespmem:s14+$0xD5D0]  }
0x1b4: {  	v27 =	vld [tilespmem:s14+$0xD5E0]  }
0x1b5: {  	v29 =	vld [tilespmem:s14+$0xD5F0]  }
0x1b6: {  	[tilespmem:$0x1F820] =	vst v63;
	v63 =	vld [tilespmem:s14+$0xDA40]  }
0x1b7: {  	v28 =	vld [tilespmem:s14+$0xD600]  }
0x1b8: {  	v31 =	vld [tilespmem:s14+$0xD610]  }
0x1b9: {  	v30 =	vld [tilespmem:s14+$0xD620]  }
0x1ba: {  	v32 =	vld [tilespmem:s14+$0xD630]  }
0x1bb: {  	[tilespmem:$0x1F830] =	vst v63;
	v63 =	vld [tilespmem:s14+$0xDA50]  }
0x1bc: {  	v35 =	vld [tilespmem:s14+$0xD640]  }
0x1bd: {  	v34 =	vld [tilespmem:s14+$0xD650]  }
0x1be: {  	v33 =	vld [tilespmem:s14+$0xD660]  }
0x1bf: {  	v36 =	vld [tilespmem:s14+$0xD670]  }
0x1c0: {  	[tilespmem:$0x1F840] =	vst v63;
	v63 =	vld [tilespmem:s14+$0xDA60]  }
0x1c1: {  	v37 =	vld [tilespmem:s14+$0xD680]  }
0x1c2: {  	v38 =	vld [tilespmem:s14+$0xD690]  }
0x1c3: {  	v40 =	vld [tilespmem:s14+$0xD6A0]  }
0x1c4: {  	v41 =	vld [tilespmem:s14+$0xD6B0]  }
0x1c5: {  	[tilespmem:$0x1F850] =	vst v63;
	v63 =	vld [tilespmem:s14+$0xDA70]  }
0x1c6: {  	v42 =	vld [tilespmem:s14+$0xD6C0]  }
0x1c7: {  	v45 =	vld [tilespmem:s14+$0xD6D0]  }
0x1c8: {  	v43 =	vld [tilespmem:s14+$0xD6E0]  }
0x1c9: {  	v44 =	vld [tilespmem:s14+$0xD6F0]  }
0x1ca: {  	[tilespmem:$0x1F860] =	vst v63;
	v63 =	vld [tilespmem:s14+$0xDA80]  }
0x1cb: {  	v48 =	vld [tilespmem:s14+$0xD700]  }
0x1cc: {  	v46 =	vld [tilespmem:s14+$0xD710]  }
0x1cd: {  	v47 =	vld [tilespmem:s14+$0xD720]  }
0x1ce: {  	v52 =	vld [tilespmem:s14+$0xD730]  }
0x1cf: {  	[tilespmem:$0x1F870] =	vst v63;
	v63 =	vld [tilespmem:s14+$0xDA90]  }
0x1d0: {  	v49 =	vld [tilespmem:s14+$0xD740]  }
0x1d1: {  	v50 =	vld [tilespmem:s14+$0xD750]  }
0x1d2: {  	v54 =	vld [tilespmem:s14+$0xD760]  }
0x1d3: {  	v55 =	vld [tilespmem:s14+$0xD770]  }
0x1d4: {  	[tilespmem:$0x1F880] =	vst v63;
	v63 =	vld [tilespmem:s14+$0xDAA0]  }
0x1d5: {  	v53 =	vld [tilespmem:s14+$0xD780]  }
0x1d6: {  	v57 =	vld [tilespmem:s14+$0xD790]  }
0x1d7: {  	v58 =	vld [tilespmem:s14+$0xD7A0]  }
0x1d8: {  	v56 =	vld [tilespmem:s14+$0xD7B0]  }
0x1d9: {  	[tilespmem:$0x1F890] =	vst v63;
	v63 =	vld [tilespmem:s14+$0xDAB0]  }
0x1da: {  	v60 =	vld [tilespmem:s14+$0xD7C0]  }
0x1db: {  	v62 =	vld [tilespmem:s14+$0xD7D0]  }
0x1dc: {  	v59 =	vld [tilespmem:s14+$0xD7E0]  }
0x1dd: {  	v0 =	vmax.f32 v15, v0;
	v15 =	vld [tilespmem:s14+$0xDCB0]  }
0x1de: {  	v3 =	vmax.f32 v20, v3;
	[tilespmem:$0x1F8A0] =	vst v63;
	v63 =	vld [tilespmem:s14+$0xDAC0]  }
0x1df: {  	v1 =	vmax.f32 v11, v1;
	v4 =	vmax.f32 v16, v4;
	v11 =	vld [tilespmem:s14+$0xDCC0];
	v16 =	vmax.f32 v3, v7  }
0x1e0: {  	v0 =	vmax.f32 v0, v2;
	v20 =	vmax.f32 v4, v5;
	v2 =	vmax.f32 v16, v8;
	v16 =	vld [tilespmem:s14+$0xDCE0]  }
0x1e1: {  	v3 =	vmax.f32 v20, v12;
	v20 =	vld [tilespmem:s14+$0xDCF0]  }
0x1e2: {  	v12 =	vld [tilespmem:s14+$0xDDD0]  }
0x1e3: {  	v1 =	vmax.f32 v1, v6;
	v0 =	vmax.f32 v0, v9;
	[tilespmem:$0x1F8B0] =	vst v63;
	v63 =	vld [tilespmem:s14+$0xDAD0]  }
0x1e4: {  	v1 =	vmax.f32 v1, v10;
	v0 =	vmax.f32 v0, v13;
	v13 =	vld [tilespmem:s14+$0xDDE0]  }
0x1e5: {  	v1 =	vmax.f32 v1, v14;
	v14 =	vld [tilespmem:s14+$0xDDF0]  }
0x1e6: {  	v2 =	vmax.f32 v2, v17;
	v17 =	vld [tilespmem:s14+$0xDE10]  }
0x1e7: {  	v3 =	vmax.f32 v3, v18;
	v18 =	vld [tilespmem:s14+$0xDE20]  }
0x1e8: {  	[tilespmem:$0x1F8C0] =	vst v63;
	v63 =	vld [tilespmem:s14+$0xDAE0]  }
0x1e9: {  	v1 =	vmax.f32 v1, v61;
	v61 =	vld [tilespmem:s14+$0xDD00]  }
0x1ea: {  	v0 =	vmax.f32 v0, v19;
	v19 =	vld [tilespmem:s14+$0xDE30]  }
0x1eb: {  	v3 =	vmax.f32 v3, v21;
	v21 =	vld [tilespmem:s14+$0xDE50]  }
0x1ec: {  	v2 =	vmax.f32 v2, v22;
	v22 =	vld [tilespmem:s14+$0xDE60]  }
0x1ed: {  	[tilespmem:$0x1F8D0] =	vst v63;
	v63 =	vld [tilespmem:s14+$0xDAF0]  }
0x1ee: {  	[tilespmem:$0x1FA90] =	vst v15;
	v15 =	vld [tilespmem:s14+$0xDCD0]  }
0x1ef: {  	v0 =	vmax.f32 v0, v51;
	v51 =	vld [tilespmem:s14+$0xDD10]  }
0x1f0: {  	v3 =	vmax.f32 v3, v39;
	v39 =	vld [tilespmem:s14+$0xDD20]  }
0x1f1: {  	v2 =	vmax.f32 v2, v23;
	v23 =	vld [tilespmem:s14+$0xDE70]  }
0x1f2: {  	[tilespmem:$0x1F8E0] =	vst v63;
	v63 =	vld [tilespmem:s14+$0xDB00]  }
0x1f3: {  	v2 =	vmax.f32 v2, v27;
	v3 =	vmax.f32 v3, v29;
	v27 =	vld [tilespmem:s14+$0xDD30]  }
0x1f4: {  	v32 =	vmax.f32 v3, v32;
	v3 =	vld [tilespmem:s14+$0xDD50]  }
0x1f5: {  	v1 =	vmax.f32 v1, v24;
	v0 =	vmax.f32 v0, v26;
	[tilespmem:$0x1FAC0] =	vst v16;
	v16 =	vld [tilespmem:s14+$0xDE00]  }
0x1f6: {  	v1 =	vmax.f32 v1, v25;
	[tilespmem:$0x1FAD0] =	vst v20;
	v0 =	vmax.f32 v0, v28;
	v20 =	vld [tilespmem:s14+$0xDE40]  }
0x1f7: {  	v1 =	vmax.f32 v1, v31;
	v0 =	vmax.f32 v0, v35;
	[tilespmem:$0x1F8F0] =	vst v63;
	v63 =	vld [tilespmem:s14+$0xDB10]  }
0x1f8: {  	v2 =	vmax.f32 v2, v30;
	v1 =	vmax.f32 v1, v34;
	v34 =	vmax.f32 v0, v37;
	v0 =	vld [tilespmem:s14+$0xDD60]  }
0x1f9: {  	v2 =	vmax.f32 v2, v33;
	v35 =	vmax.f32 v1, v38;
	v1 =	vld [tilespmem:s14+$0xDD70]  }
0x1fa: {  	v2 =	vmax.f32 v2, v40;
	[tilespmem:$0x1FAB0] =	vst v15;
	v15 =	vld [tilespmem:s14+$0xDD40]  }
0x1fb: {  	v4 =	vmax.f32 v32, v36;
	v36 =	vmax.f32 v2, v43;
	v2 =	vld [tilespmem:s14+$0xDD80]  }
0x1fc: {  	v4 =	vmax.f32 v4, v41;
	[tilespmem:$0x1F900] =	vst v63;
	v63 =	vld [tilespmem:s14+$0xDB20]  }
0x1fd: {  	v37 =	vmax.f32 v4, v44;
	v4 =	vld [tilespmem:s14+$0xDD90]  }
0x1fe: {  	v5 =	vmax.f32 v34, v42;
	v42 =	vld [tilespmem:$0x1F5E0]  }
0x1ff: {  	v43 =	vld [tilespmem:$0x1F5F0]  }
0x200: {  	v44 =	vld [tilespmem:$0x1F600]  }
0x201: {  	v6 =	vmax.f32 v35, v45;
	v5 =	vmax.f32 v5, v48;
	[tilespmem:$0x1F910] =	vst v63;
	v63 =	vld [tilespmem:s14+$0xDB30]  }
0x202: {  	v6 =	vmax.f32 v6, v46;
	v7 =	vmax.f32 v36, v47;
	v38 =	vmax.f32 v5, v49;
	v5 =	vld [tilespmem:s14+$0xDDA0]  }
0x203: {  	v40 =	vmax.f32 v6, v50;
	v7 =	vmax.f32 v7, v54;
	v6 =	vld [tilespmem:s14+$0xDDB0]  }
0x204: {  	v41 =	vmax.f32 v7, v58;
	v7 =	vld [tilespmem:s14+$0xDDC0]  }
0x205: {  	v45 =	vld [tilespmem:$0x1F610]  }
0x206: {  	[tilespmem:$0x1F920] =	vst v63;
	v63 =	vld [tilespmem:s14+$0xDB40]  }
0x207: {  	v46 =	vld [tilespmem:$0x1F620]  }
0x208: {  	v47 =	vld [tilespmem:$0x1F630]  }
0x209: {  	v48 =	vld [tilespmem:$0x1F640]  }
0x20a: {  	v49 =	vld [tilespmem:$0x1F650]  }
0x20b: {  	[tilespmem:$0x1F930] =	vst v63;
	v63 =	vld [tilespmem:s14+$0xDB50]  }
0x20c: {  	v50 =	vld [tilespmem:$0x1F660]  }
0x20d: {  	v8 =	vmax.f32 v37, v52;
	v52 =	vld [tilespmem:$0x1F670]  }
0x20e: {  	v9 =	vmax.f32 v38, v53;
	v53 =	vld [tilespmem:$0x1F680]  }
0x20f: {  	v54 =	vld [tilespmem:$0x1F690]  }
0x210: {  	[tilespmem:$0x1F940] =	vst v63;
	v63 =	vld [tilespmem:s14+$0xDB60]  }
0x211: {  	v8 =	vmax.f32 v8, v55;
	v55 =	vld [tilespmem:$0x1F6A0]  }
0x212: {  	v8 =	vmax.f32 v8, v56;
	v56 =	vld [tilespmem:$0x1F6B0]  }
0x213: {  	v10 =	vmax.f32 v40, v57;
	v57 =	vld [tilespmem:$0x1F6C0]  }
0x214: {  	v58 =	vld [tilespmem:$0x1F6D0]  }
0x215: {  	[tilespmem:$0x1F950] =	vst v63;
	v63 =	vld [tilespmem:s14+$0xDB70]  }
0x216: {  	[tilespmem:$0x1FAA0] =	vst v11;
	v11 =	vmax.f32 v41, v59;
	v59 =	vld [tilespmem:$0x1F6E0]  }
0x217: {  	v9 =	vmax.f32 v9, v60;
	v60 =	vld [tilespmem:$0x1F6F0]  }
0x218: {  	v24 =	vld [tilespmem:$0x1F710]  }
0x219: {  	v8 =	vmax.f32 v8, v42;
	v11 =	vmax.f32 v11, v45;
	v25 =	vld [tilespmem:$0x1F720]  }
0x21a: {  	v8 =	vmax.f32 v8, v46;
	v11 =	vmax.f32 v11, v49;
	[tilespmem:$0x1F960] =	vst v63;
	v63 =	vld [tilespmem:s14+$0xDB80]  }
0x21b: {  	v10 =	vmax.f32 v10, v62;
	v8 =	vmax.f32 v8, v50;
	v11 =	vmax.f32 v11, v54;
	v62 =	vld [tilespmem:$0x1F700]  }
0x21c: {  	v9 =	vmax.f32 v9, v43;
	v8 =	vmax.f32 v8, v55;
	v11 =	vmax.f32 v11, v58;
	v26 =	vld [tilespmem:$0x1F730]  }
0x21d: {  	v9 =	vmax.f32 v9, v47;
	v8 =	vmax.f32 v8, v59;
	v11 =	vmax.f32 v11, v24;
	v24 =	vld [tilespmem:s14+$0xDE80]  }
0x21e: {  	v9 =	vmax.f32 v9, v52;
	v8 =	vmax.f32 v8, v25;
	v25 =	vld [tilespmem:s14+$0xDE90]  }
0x21f: {  	v9 =	vmax.f32 v9, v56;
	[tilespmem:$0x1F970] =	vst v63;
	v63 =	vld [tilespmem:s14+$0xDB90]  }
0x220: {  	v10 =	vmax.f32 v10, v44;
	v9 =	vmax.f32 v9, v60;
	v28 =	vld [tilespmem:$0x1F740]  }
0x221: {  	v10 =	vmax.f32 v10, v48;
	v9 =	vmax.f32 v9, v26;
	v26 =	vld [tilespmem:s14+$0xDEA0]  }
0x222: {  	v10 =	vmax.f32 v10, v53;
	v29 =	vld [tilespmem:$0x1F750]  }
0x223: {  	v10 =	vmax.f32 v10, v57;
	v30 =	vld [tilespmem:$0x1F760]  }
0x224: {  	v10 =	vmax.f32 v10, v62;
	[tilespmem:$0x1F980] =	vst v63;
	v63 =	vld [tilespmem:s14+$0xDBA0]  }
0x225: {  	v10 =	vmax.f32 v10, v28;
	v28 =	vld [tilespmem:s14+$0xDEB0]  }
0x226: {  	v31 =	vld [tilespmem:$0x1F770]  }
0x227: {  	v11 =	vmax.f32 v11, v29;
	v29 =	vld [tilespmem:s14+$0xDEC0]  }
0x228: {  	v8 =	vmax.f32 v8, v30;
	v30 =	vld [tilespmem:s14+$0xDED0]  }
0x229: {  	[tilespmem:$0x1F990] =	vst v63;
	v63 =	vld [tilespmem:s14+$0xDBB0]  }
0x22a: {  	v32 =	vld [tilespmem:$0x1F780]  }
0x22b: {  	v9 =	vmax.f32 v9, v31;
	v31 =	vld [tilespmem:s14+$0xDEE0]  }
0x22c: {  	v33 =	vld [tilespmem:$0x1F790]  }
0x22d: {  	v34 =	vld [tilespmem:$0x1F7A0]  }
0x22e: {  	[tilespmem:$0x1F9A0] =	vst v63;
	v63 =	vld [tilespmem:s14+$0xDBC0]  }
0x22f: {  	v10 =	vmax.f32 v10, v32;
	v32 =	vld [tilespmem:s14+$0xDEF0]  }
0x230: {  	v35 =	vld [tilespmem:$0x1F7B0]  }
0x231: {  	v11 =	vmax.f32 v11, v33;
	v33 =	vld [tilespmem:s14+$0xDF00]  }
0x232: {  	v8 =	vmax.f32 v8, v34;
	v34 =	vld [tilespmem:s14+$0xDF10]  }
0x233: {  	[tilespmem:$0x1F9B0] =	vst v63;
	v63 =	vld [tilespmem:s14+$0xDBD0]  }
0x234: {  	v36 =	vld [tilespmem:$0x1F7C0]  }
0x235: {  	v9 =	vmax.f32 v9, v35;
	v35 =	vld [tilespmem:s14+$0xDF20]  }
0x236: {  	v37 =	vld [tilespmem:$0x1F7D0]  }
0x237: {  	v38 =	vld [tilespmem:$0x1F7E0]  }
0x238: {  	[tilespmem:$0x1F9C0] =	vst v63;
	v63 =	vld [tilespmem:s14+$0xDBE0]  }
0x239: {  	v40 =	vld [tilespmem:$0x1F7F0]  }
0x23a: {  	v41 =	vld [tilespmem:$0x1F800]  }
0x23b: {  	v42 =	vld [tilespmem:$0x1F810]  }
0x23c: {  	v43 =	vld [tilespmem:$0x1F820]  }
0x23d: {  	[tilespmem:$0x1F9D0] =	vst v63;
	v63 =	vld [tilespmem:s14+$0xDBF0]  }
0x23e: {  	v44 =	vld [tilespmem:$0x1F830]  }
0x23f: {  	v45 =	vld [tilespmem:$0x1F840]  }
0x240: {  	v46 =	vld [tilespmem:$0x1F850]  }
0x241: {  	v47 =	vld [tilespmem:$0x1F860]  }
0x242: {  	[tilespmem:$0x1F9E0] =	vst v63;
	v63 =	vld [tilespmem:s14+$0xDC00]  }
0x243: {  	v48 =	vld [tilespmem:$0x1F870]  }
0x244: {  	v49 =	vld [tilespmem:$0x1F880]  }
0x245: {  	v50 =	vld [tilespmem:$0x1F890]  }
0x246: {  	v52 =	vld [tilespmem:$0x1F8A0]  }
0x247: {  	[tilespmem:$0x1F9F0] =	vst v63;
	v63 =	vld [tilespmem:s14+$0xDC10]  }
0x248: {  	v53 =	vld [tilespmem:$0x1F8B0]  }
0x249: {  	v54 =	vld [tilespmem:$0x1F8C0]  }
0x24a: {  	v55 =	vld [tilespmem:$0x1F8D0]  }
0x24b: {  	v56 =	vld [tilespmem:$0x1F8E0]  }
0x24c: {  	[tilespmem:$0x1FA00] =	vst v63;
	v63 =	vld [tilespmem:s14+$0xDC20]  }
0x24d: {  	v57 =	vld [tilespmem:$0x1F8F0]  }
0x24e: {  	v11 =	vmax.f32 v11, v37;
	v59 =	vld [tilespmem:$0x1F910]  }
0x24f: {  	v8 =	vmax.f32 v8, v38;
	v11 =	vmax.f32 v11, v42;
	v60 =	vld [tilespmem:$0x1F920]  }
0x250: {  	v8 =	vmax.f32 v8, v43;
	v11 =	vmax.f32 v11, v46;
	v58 =	vld [tilespmem:$0x1F900]  }
0x251: {  	v8 =	vmax.f32 v8, v47;
	v11 =	vmax.f32 v11, v50;
	[tilespmem:$0x1FA10] =	vst v63;
	v63 =	vld [tilespmem:s14+$0xDC30]  }
0x252: {  	v9 =	vmax.f32 v9, v40;
	v8 =	vmax.f32 v8, v52;
	v11 =	vmax.f32 v11, v55;
	v62 =	vld [tilespmem:$0x1F930]  }
0x253: {  	v9 =	vmax.f32 v9, v44;
	v8 =	vmax.f32 v8, v56;
	v11 =	vmax.f32 v11, v59;
	v59 =	vld [tilespmem:$0x1FA90]  }
0x254: {  	v10 =	vmax.f32 v10, v36;
	v9 =	vmax.f32 v9, v48;
	v8 =	vmax.f32 v8, v60;
	v60 =	vld [tilespmem:$0x1FAA0]  }
0x255: {  	v10 =	vmax.f32 v10, v41;
	v9 =	vmax.f32 v9, v53;
	v36 =	vld [tilespmem:$0x1F940]  }
0x256: {  	v10 =	vmax.f32 v10, v45;
	v9 =	vmax.f32 v9, v57;
	[tilespmem:$0x1FA20] =	vst v63;
	v63 =	vld [tilespmem:s14+$0xDC40]  }
0x257: {  	v10 =	vmax.f32 v10, v49;
	v9 =	vmax.f32 v9, v62;
	v62 =	vld [tilespmem:s14+$0xDF70]  }
0x258: {  	v10 =	vmax.f32 v10, v54;
	v37 =	vld [tilespmem:$0x1F950]  }
0x259: {  	v10 =	vmax.f32 v10, v58;
	v38 =	vld [tilespmem:$0x1F960]  }
0x25a: {  	v10 =	vmax.f32 v10, v36;
	v36 =	vld [tilespmem:s14+$0xDF30]  }
0x25b: {  	[tilespmem:$0x1FA30] =	vst v63;
	v63 =	vld [tilespmem:s14+$0xDC50]  }
0x25c: {  	v40 =	vld [tilespmem:$0x1F970]  }
0x25d: {  	v11 =	vmax.f32 v11, v37;
	v37 =	vld [tilespmem:s14+$0xDF40]  }
0x25e: {  	v8 =	vmax.f32 v8, v38;
	v38 =	vld [tilespmem:s14+$0xDF50]  }
0x25f: {  	v41 =	vld [tilespmem:$0x1F980]  }
0x260: {  	[tilespmem:$0x1FA40] =	vst v63;
	v63 =	vld [tilespmem:s14+$0xDC60]  }
0x261: {  	v9 =	vmax.f32 v9, v40;
	v40 =	vld [tilespmem:s14+$0xDF60]  }
0x262: {  	v42 =	vld [tilespmem:$0x1F990]  }
0x263: {  	v45 =	vld [tilespmem:$0x1F9C0]  }
0x264: {  	v43 =	vld [tilespmem:$0x1F9A0]  }
0x265: {  	[tilespmem:$0x1FA50] =	vst v63;
	v63 =	vld [tilespmem:s14+$0xDC70]  }
0x266: {  	v46 =	vld [tilespmem:$0x1F9D0]  }
0x267: {  	v10 =	vmax.f32 v10, v41;
	v44 =	vld [tilespmem:$0x1F9B0]  }
0x268: {  	v10 =	vmax.f32 v10, v45;
	v45 =	vld [tilespmem:$0x1FAC0]  }
0x269: {  	v47 =	vld [tilespmem:$0x1F9E0]  }
0x26a: {  	v11 =	vmax.f32 v11, v42;
	[tilespmem:$0x1FA60] =	vst v63;
	v63 =	vld [tilespmem:s14+$0xDC80]  }
0x26b: {  	v11 =	vmax.f32 v11, v46;
	v46 =	vld [tilespmem:$0x1FAD0]  }
0x26c: {  	v48 =	vld [tilespmem:$0x1F9F0]  }
0x26d: {  	v52 =	vld [tilespmem:$0x1FA20]  }
0x26e: {  	v56 =	vld [tilespmem:$0x1FA60]  }
0x26f: {  	[tilespmem:$0x1FA70] =	vst v63;
	v63 =	vld [tilespmem:s14+$0xDC90]  }
0x270: {  	v50 =	vld [tilespmem:$0x1FA10]  }
0x271: {  	v8 =	vmax.f32 v8, v43;
	v53 =	vld [tilespmem:$0x1FA30]  }
0x272: {  	v8 =	vmax.f32 v8, v47;
	v55 =	vld [tilespmem:$0x1FA50]  }
0x273: {  	v8 =	vmax.f32 v8, v52;
	v57 =	vld [tilespmem:$0x1FA70]  }
0x274: {  	v8 =	vmax.f32 v8, v56;
	[tilespmem:$0x1FA80] =	vst v63;
	v63 =	vld [tilespmem:s14+$0xDCA0]  }
0x275: {  	v9 =	vmax.f32 v9, v44;
	v47 =	vld [tilespmem:s14+$0xDF80];
	v8 =	vmax.f32 v8, v59  }
0x276: {  	v9 =	vmax.f32 v9, v48;
	v49 =	vld [tilespmem:$0x1FA00];
	v8 =	vmax.f32 v8, v46  }
0x277: {  	v11 =	vmax.f32 v11, v50;
	v9 =	vmax.f32 v9, v53;
	v54 =	vld [tilespmem:$0x1FA40];
	v8 =	vmax.f32 v8, v27  }
0x278: {  	v11 =	vmax.f32 v11, v55;
	v1 =	vmax.f32 v8, v1;
	v9 =	vmax.f32 v9, v57;
	v58 =	vld [tilespmem:$0x1FA80]  }
0x279: {  	v1 =	vmax.f32 v1, v6;
	v9 =	vmax.f32 v9, v60;
	v11 =	vmax.f32 v11, v63;
	v63 =	vld [tilespmem:$0x1FAB0]  }
0x27a: {  	v48 =	vld [tilespmem:s14+$0xDF90];
	v1 =	vmax.f32 v1, v14;
	v9 =	vmax.f32 v9, v61  }
0x27b: {  	v10 =	vmax.f32 v10, v49;
	v49 =	vld [tilespmem:s14+$0xDFA0];
	v1 =	vmax.f32 v1, v19;
	v9 =	vmax.f32 v9, v15  }
0x27c: {  	v50 =	vld [tilespmem:s14+$0xDFB0];
	v10 =	vmax.f32 v10, v54;
	v1 =	vmax.f32 v1, v23;
	v2 =	vmax.f32 v9, v2  }
0x27d: {  	v52 =	vld [tilespmem:s14+$0xDFD0];
	v1 =	vmax.f32 v1, v28;
	v10 =	vmax.f32 v10, v58;
	v11 =	vmax.f32 v11, v45  }
0x27e: {  	v53 =	vld [tilespmem:s14+$0xDFE0];
	v2 =	vmax.f32 v2, v7;
	v1 =	vmax.f32 v1, v32;
	v10 =	vmax.f32 v10, v63  }
0x27f: {  	v54 =	vld [tilespmem:s14+$0xDFF0];
	v11 =	vmax.f32 v11, v39;
	v2 =	vmax.f32 v2, v16;
	v10 =	vmax.f32 v10, v51  }
0x280: {  	v55 =	vld [tilespmem:s14+$0xE000];
	v1 =	vmax.f32 v1, v36;
	v0 =	vmax.f32 v11, v0;
	v3 =	vmax.f32 v10, v3  }
0x281: {  	v56 =	vld [tilespmem:s14+$0xE010];
	v2 =	vmax.f32 v2, v20;
	v1 =	vmax.f32 v1, v62;
	v3 =	vmax.f32 v3, v4  }
0x282: {  	v59 =	vld [tilespmem:s14+$0xE040];
	v0 =	vmax.f32 v0, v5;
	v2 =	vmax.f32 v2, v24;
	v3 =	vmax.f32 v3, v12  }
0x283: {  	v1 =	vmax.f32 v1, v50;
	v0 =	vmax.f32 v0, v13;
	v63 =	vld [tilespmem:$0x1FAE0];
	v3 =	vmax.f32 v3, v17  }
0x284: {  	v2 =	vmax.f32 v2, v29;
	v51 =	vld [tilespmem:s14+$0xDFC0];
	v0 =	vmax.f32 v0, v18;
	v3 =	vmax.f32 v3, v21  }
0x285: {  	v57 =	vld [tilespmem:s14+$0xE020];
	v1 =	vmax.f32 v1, v54;
	v0 =	vmax.f32 v0, v22;
	v3 =	vmax.f32 v3, v25  }
0x286: {  	v60 =	vld [tilespmem:s14+$0xE050];
	v2 =	vmax.f32 v2, v33;
	v0 =	vmax.f32 v0, v26;
	v3 =	vmax.f32 v3, v30  }
0x287: {  	v61 =	vld [tilespmem:s14+$0xE060];
	v2 =	vmax.f32 v2, v37;
	v0 =	vmax.f32 v0, v31;
	v3 =	vmax.f32 v3, v34  }
0x288: {  	v58 =	vld [tilespmem:s14+$0xE030];
	v2 =	vmax.f32 v2, v47;
	v0 =	vmax.f32 v0, v35;
	v3 =	vmax.f32 v3, v38  }
0x289: {  	v62 =	vld [tilespmem:s14+$0xE070];
	v0 =	vmax.f32 v0, v40;
	v2 =	vmax.f32 v2, v51;
	v3 =	vmax.f32 v3, v48  }
0x28a: {  	s17 =	sshll.u32 s13, $0x6;
	p0 =	sne.s32 s13, $0x7;
	v0 =	vmax.f32 v0, v49;
	v2 =	vmax.f32 v2, v55;
	v3 =	vmax.f32 v3, v52  }
.Ltmp1:
0x28b: {  	s14 =	sand.u32 $0x3FFFFFC0, s17;
	v0 =	vmax.f32 v0, v53;
	v2 =	vmax.f32 v2, v59;
	v3 =	vmax.f32 v3, v56;
	(pc) =	sbr.rel @p0 .LBB2_5-.Ltmp1, $4  }
0x28c: {  	v0 =	vmax.f32 v0, v57;
	[tilespmem:v63+s14+$0x0 ss:$0x1] =	vst.idx.msk $0xffff, v2;
	v3 =	vmax.f32 v3, v60  }
0x28d: {  	v1 =	vmax.f32 v1, v58;
	v0 =	vmax.f32 v0, v61;
	[tilespmem:v63+s14+$0x10 ss:$0x1] =	vst.idx.msk $0xffff, v3  }
0x28e: {  	v1 =	vmax.f32 v1, v62;
	[tilespmem:v63+s14+$0x20 ss:$0x1] =	vst.idx.msk $0xffff, v0  }
0x28f: {  	s13 =	sadd.s32 $0x1, s13;
	[tilespmem:v63+s14+$0x30 ss:$0x1] =	vst.idx.msk $0xffff, v1  }
0x290: {  	s12 =	sadd.s32 $0x1, s12  }
0x291: {  	p0 =	sne.s32 s12, $0x20  }
.Ltmp2:
0x292: {  	_ = 	snop;
	(pc) =	sbr.rel @p0 .LBB2_2-.Ltmp2, $1  }
0x293: {  	_ =	sdelay $0x3  }
0x294: {  	s11 =	sadd.s32 $0x1, s11  }
0x295: {  	p0 =	sne.s32 s11, s6  }
.Ltmp3:
0x296: {  	_ = 	snop;
	(pc) =	sbr.rel @p0 .LBB2_1-.Ltmp3, $4  }
0x297: {  	[hbm4b:s5+s2] =	stream.linear.scatter [tilespmem:s10], [sflag:$0x3], $0x8000, $0x38;
	[tilespmem:$0x1B800] =	vst v63  }
0x298: {  	_ =	swait.ge [sflag:s7], $0x8000  }
0x299: {  	[sflag:s7] =	ssyncset.done $0x0  }
0x29a: {  	[sflag:s7] =	ssyncadd.s32 $0xFFFF8000  }
0x29b: {  	_ =	sfence.sel $0x180000  }
0x29c: {  	[bflag:$0x0] =	sbarrier.arrive $0xFFFF  }
0x29d: {  	_ =	strace $0x90000047  }
0x29e: {  	s0 =	stileid.u32;
	[bflag:$0x2] =	sbarrier.arrive $0xFFFF  }
0x29f: {  	p0 =	sne.s32 s0, $0x0;
	s0 =	rddreg [dreg:$0x2]  }
0x2a0: {  	s0 =	sadd.s32 @!p0 $0x100000, s0  }
0x2a1: {  	[sflag:s0] =	ssyncadd.tile.s32 @!p0 $0x1;
	_ =	shalt  }
.Lfunc_end2:
_tile_overlayer_lowered:
.L_overlay_start_2:
0x2a2: {  	(tag) =	ssettag $0x2  }
0x2a3: {  	s0 =	rddreg [dreg:$0x0];
	s2 =	stileid.u32  }
0x2a4: {  	s1 =	rddreg [dreg:$0x1];
	p0 =	sne.s32 s2, $0x0  }
0x2a5: {  	s3 =	rddreg [dreg:$0x2];
	[bflag:$0x3] =	sbarrier.arrive $0xFFFF;
	s2 =	simm.s32 @!p0 $0x1C03  }
0x2a6: {  	[timem:s3], [sflag:s2] =	dma.local @!p0 [hbm:s0], s1  }
0x2a7: {  	s0 =	simm.s32 @!p0 $0x3  }
0x2a8: {  	_ =	swait.ge @!p0 [sflag:s0], s1  }
0x2a9: {  	s1 =	ssub.s32 @!p0 $0x0, s1;
	[sflag:s0] =	ssyncset.done @!p0 $0x0  }
0x2aa: {  	[sflag:s0] =	ssyncadd.s32 @!p0 s1  }
0x2ab: {  	[bflag:$0x3] =	sbarrier.arrive $0xFFFF  }
0x2ac: {  	_ =	shalt  }

</sc_bundles>
